<compile_context>
chip_gen: v7x
topology: tpu7x:2x2x1
jax: 0.10.2.dev20260603
libtpu: 0.0.44.dev20260713+nightly
codegen_flags: <defaults>
</compile_context>

<pallas_src>
import functools

import jax
import jax.numpy as jnp
import numpy as np
from jax import lax
from jax.experimental import pallas as pl
from jax.experimental.pallas import tpu as pltpu
from jax.experimental.pallas import tpu_sc as plsc

_EPS = 1e-5
_NC = 2
_NS = 16
_NW = _NC * _NS
_CH = 128


def _worker_mesh():
    return plsc.VectorSubcoreMesh(core_axis_name="c", subcore_axis_name="s",
                                  num_cores=_NC, num_subcores=_NS)


def _sc_gather(table, idx3, ep):
    nw, c, ch = idx3.shape
    d = table.shape[1]
    epw = ep // _NW

    @functools.partial(
        pl.kernel,
        out_type=jax.ShapeDtypeStruct((ep, d), jnp.float32),
        mesh=_worker_mesh(),
        compiler_params=pltpu.CompilerParams(use_tc_tiling_on_sc=False),
        scratch_types=[
            pltpu.VMEM((c, ch), jnp.int32),
            pltpu.VMEM((ch, d), jnp.float32),
            pltpu.VMEM((ch, d), jnp.float32),
            pltpu.VMEM((ch, d), jnp.float32),
            pltpu.VMEM((ch, d), jnp.float32),
            pltpu.SemaphoreType.DMA,
            pltpu.SemaphoreType.DMA,
            pltpu.SemaphoreType.DMA,
            pltpu.SemaphoreType.DMA,
        ],
    )
    def k(table_hbm, idx_hbm, out_hbm, idx_v, u0, u1, u2, u3,
          sg0, sg1, sg2, sg3):
        cid = lax.axis_index("c")
        sid = lax.axis_index("s")
        wid = sid * _NC + cid
        base = wid * epw
        pltpu.sync_copy(idx_hbm.at[wid], idx_v)
        us = (u0, u1, u2, u3)
        sgs = (sg0, sg1, sg2, sg3)

        for t in range(4):
            pltpu.async_copy(table_hbm.at[idx_v.at[t]], us[t], sgs[t])

        @pl.loop(0, (c - 5) // 4)
        def _(j):
            for t in range(4):
                k_ = 4 * j + t
                pltpu.make_async_copy(table_hbm.at[idx_v.at[k_]],
                                      us[t], sgs[t]).wait()
                pltpu.sync_copy(us[t], out_hbm.at[pl.ds(base + k_ * ch, ch)])
                pltpu.async_copy(table_hbm.at[idx_v.at[k_ + 4]],
                                 us[t], sgs[t])

        for k_ in range(c - 5, c):
            t = k_ % 4
            pltpu.make_async_copy(table_hbm.at[idx_v.at[k_]],
                                  us[t], sgs[t]).wait()
            pltpu.sync_copy(us[t], out_hbm.at[pl.ds(base + k_ * ch, ch)])
            if k_ + 4 < c:
                pltpu.async_copy(table_hbm.at[idx_v.at[k_ + 4]],
                                 us[t], sgs[t])

    return k(table, idx3)


def _sc_scatter(msg, dst3, zeros, n_acc, ep):
    nw, c, ch = dst3.shape
    epw = ep // _NW
    rpt = n_acc // _NS

    @functools.partial(
        pl.kernel,
        out_type=jax.ShapeDtypeStruct((_NC, n_acc, 16), jnp.float32),
        mesh=_worker_mesh(),
        compiler_params=pltpu.CompilerParams(use_tc_tiling_on_sc=False),
        scratch_types=[
            pltpu.VMEM((c, ch), jnp.int32),
            pltpu.VMEM((ch, 16), jnp.float32),
            pltpu.VMEM((ch, 16), jnp.float32),
            pltpu.VMEM_SHARED((n_acc, 16), jnp.float32),
            pltpu.SemaphoreType.DMA,
            pltpu.SemaphoreType.DMA,
        ],
    )
    def k(msg_hbm, dst_hbm, zero_hbm, out_hbm, idx_v, buf0, buf1, acc_sh,
          sem0, sem1):
        cid = lax.axis_index("c")
        sid = lax.axis_index("s")
        wid = sid * _NC + cid
        base = wid * epw
        pltpu.sync_copy(dst_hbm.at[wid], idx_v)
        pltpu.sync_copy(zero_hbm.at[pl.ds(sid * rpt, rpt)],
                        acc_sh.at[pl.ds(sid * rpt, rpt)])
        plsc.subcore_barrier()

        pltpu.async_copy(msg_hbm.at[pl.ds(base, ch)], buf0, sem0)

        @pl.loop(0, (c - 1) // 2)
        def _(j):
            k0 = 2 * j
            pltpu.async_copy(msg_hbm.at[pl.ds(base + (k0 + 1) * ch, ch)],
                             buf1, sem1)
            pltpu.make_async_copy(msg_hbm.at[pl.ds(base + k0 * ch, ch)],
                                  buf0, sem0).wait()
            pltpu.sync_copy(buf0, acc_sh.at[idx_v.at[k0]], add=True)
            pltpu.async_copy(msg_hbm.at[pl.ds(base + (k0 + 2) * ch, ch)],
                             buf0, sem0)
            pltpu.make_async_copy(msg_hbm.at[pl.ds(base + (k0 + 1) * ch, ch)],
                                  buf1, sem1).wait()
            pltpu.sync_copy(buf1, acc_sh.at[idx_v.at[k0 + 1]], add=True)

        pltpu.make_async_copy(msg_hbm.at[pl.ds(base + (c - 1) * ch, ch)],
                              buf0, sem0).wait()
        pltpu.sync_copy(buf0, acc_sh.at[idx_v.at[c - 1]], add=True)

        plsc.subcore_barrier()
        pltpu.sync_copy(acc_sh.at[pl.ds(sid * rpt, rpt)],
                        out_hbm.at[cid, pl.ds(sid * rpt, rpt)])

    return k(msg, dst3, zeros)


def _edge_msgs(hsrc_p, attr_t, w1, b1, w2, b2, in_dim, blk, ep):
    kdim = w2.shape[1]
    h_out = kdim // in_dim
    slots = 128 // in_dim
    grid = ep // blk
    pr = blk // slots

    ii = np.arange(kdim) // h_out
    exps = np.zeros((slots, 128, kdim), np.float32)
    for p in range(slots):
        exps[p, p * in_dim + ii, np.arange(kdim)] = 1.0
    exps = jnp.asarray(exps, jnp.bfloat16)
    oo = np.arange(kdim) % h_out
    select = jnp.asarray(oo[:, None] == np.arange(h_out)[None, :],
                         jnp.float32)

    def body(hsrc_ref, attr_ref, exp_ref, w1_ref, b1_ref, w2_ref, b2_ref,
             sel_ref, msg_ref):
        hb = hsrc_ref[...].astype(jnp.bfloat16)
        parts = [jnp.dot(hb, exp_ref[p], preferred_element_type=jnp.float32)
                 for p in range(slots)]
        hexp = jnp.concatenate(parts, axis=0)
        a = attr_ref[...].T.astype(jnp.bfloat16)
        z = jnp.dot(a, w1_ref[...],
                    preferred_element_type=jnp.float32) + b1_ref[...]
        u = jnp.maximum(z, 0.0).astype(jnp.bfloat16)
        wmat = jnp.dot(u, w2_ref[...],
                       preferred_element_type=jnp.float32) + b2_ref[...]
        prod = hexp * wmat
        msg = jnp.dot(prod, sel_ref[...], preferred_element_type=jnp.float32)
        s8 = blk // 8
        msg_ref[...] = jnp.concatenate(
            [msg[j * s8:(j + 1) * s8, :] for j in range(8)], axis=1)

    full = lambda shape: pl.BlockSpec(shape, lambda i: (0,) * len(shape))
    return pl.pallas_call(
        body,
        grid=(grid,),
        in_specs=[
            pl.BlockSpec((pr, 128), lambda i: (i, 0)),
            pl.BlockSpec((4, blk), lambda i: (0, i)),
            full(exps.shape),
            full(w1.shape),
            full((1, kdim)),
            full(w2.shape),
            full((1, kdim)),
            full(select.shape),
        ],
        out_specs=pl.BlockSpec((blk // 8, 128), lambda i: (i, 0)),
        out_shape=jax.ShapeDtypeStruct((ep * h_out // 128, 128), jnp.float32),
    )(hsrc_p, attr_t, exps, w1.astype(jnp.bfloat16), b1.reshape(1, -1),
      w2.astype(jnp.bfloat16), b2.reshape(1, -1), select)


def _bn_layer(aggp, h, root, bias, gamma, beta, n):
    h_dim = root.shape[1]

    def body(agg_ref, h_ref, root_ref, bias_ref, gamma_ref, beta_ref,
             hout_ref, colsum_ref):
        agg = agg_ref[0, :n, :] + agg_ref[1, :n, :]
        hpre = agg + jnp.dot(h_ref[...], root_ref[...],
                             preferred_element_type=jnp.float32) + bias_ref[...]
        mean = jnp.mean(hpre, axis=0, keepdims=True)
        var = jnp.mean((hpre - mean) ** 2, axis=0, keepdims=True)
        hn = (hpre - mean) * lax.rsqrt(var + _EPS) * gamma_ref[...] + beta_ref[...]
        hout = jnp.maximum(hn, 0.0)
        hout_ref[...] = hout
        colsum_ref[...] = jnp.sum(hout, axis=0, keepdims=True)

    return pl.pallas_call(
        body,
        out_shape=(jax.ShapeDtypeStruct((n, h_dim), jnp.float32),
                   jax.ShapeDtypeStruct((1, h_dim), jnp.float32)),
    )(aggp, h, root, bias.reshape(1, -1), gamma.reshape(1, -1),
      beta.reshape(1, -1))


def _head(colsum_cat, jump_w, jump_b, reg_w1, reg_b1, reg_w2, reg_b2, n):
    def body(cs_ref, jw_ref, jb_ref, w1_ref, b1_ref, w2_ref, b2_ref, out_ref):
        pooled = jnp.dot(cs_ref[...], jw_ref[...],
                         preferred_element_type=jnp.float32) + n * jb_ref[...]
        r = jnp.maximum(jnp.dot(pooled, w1_ref[...],
                                preferred_element_type=jnp.float32)
                        + b1_ref[...], 0.0)
        out_ref[...] = jnp.dot(r, w2_ref[...],
                               preferred_element_type=jnp.float32) + b2_ref[...]

    return pl.pallas_call(
        body,
        out_shape=jax.ShapeDtypeStruct((1, 1), jnp.float32),
    )(colsum_cat, jump_w, jump_b.reshape(1, -1), reg_w1, reg_b1.reshape(1, -1),
      reg_w2, reg_b2.reshape(1, -1))


def kernel(x, edge_index, edge_attr, params):
    n = x.shape[0]
    e = edge_attr.shape[0]
    src = edge_index[0]
    dst = edge_index[1]

    ep = -(-e // 4096) * 4096
    epw = ep // _NW
    c = epw // _CH
    n_acc = ((n + 1 + _NS - 1) // _NS) * _NS

    src_pad = jnp.pad(src, (0, ep - e))
    dst_pad = jnp.pad(dst, (0, ep - e), constant_values=n)
    zeros_acc = jnp.zeros((n_acc, 16), jnp.float32)
    attr_t = jnp.pad(edge_attr.T, ((0, 0), (0, ep - e)))

    h = x
    colsums = []
    for li, lp in enumerate(params["layers"]):
        in_dim = h.shape[1]
        slots = 128 // in_dim
        blk = 1024 if li == 0 else 4096
        pr = blk // slots
        src3 = src_pad.reshape(ep // blk, slots, pr) \
                      .swapaxes(1, 2).reshape(_NW, c, _CH)
        hsrc = _sc_gather(h, src3, ep)
        hsrc_p = hsrc.reshape(ep * in_dim // 128, 128)
        msg_p = _edge_msgs(hsrc_p, attr_t, lp["w1"], lp["b1"], lp["w2"],
                           lp["b2"], in_dim, blk, ep)
        dst3 = dst_pad.reshape(ep // blk, 8, blk // 8)                       .swapaxes(1, 2).reshape(_NW, c, _CH)
        aggp = _sc_scatter(msg_p.reshape(ep, 16), dst3, zeros_acc, n_acc, ep)
        h, cs = _bn_layer(aggp, h, lp["root"], lp["bias"], lp["gamma"],
                          lp["beta"], n)
        colsums.append(cs)

    cs_cat = jnp.concatenate(colsums, axis=1)
    return _head(cs_cat, params["jump_w"], params["jump_b"],
                 params["reg_w1"], params["reg_b1"],
                 params["reg_w2"], params["reg_b2"], float(n))

# --- scband reference (transcript-rebuilt; emitter-appended) ---
"""Pipeline reference for scband-ginnet-multi-edge-54674933678907 (READ-ONLY COPY).

The authoritative reference and input builder live on the scoring server;
editing this copy changes nothing except your own understanding.
"""

import jax, jax.numpy as jnp
import numpy as np

N = 10000
E = 100000
F_IN = 64
D_EDGE = 4
H = 16
L = 3
EPS = 1e-5


def _lin(key, fan_in, fan_out):
    w = jax.random.normal(key, (fan_in, fan_out), jnp.float32) / np.sqrt(fan_in)
    b = jnp.zeros((fan_out,), jnp.float32)
    return w, b


def setup_inputs(seed: int = 0) -> dict:
    key = jax.random.key(seed)
    ks = jax.random.split(key, 32)
    x = jax.random.normal(ks[0], (N, F_IN), jnp.float32)
    edge_index = jax.random.randint(ks[1], (2, E), 0, N, dtype=jnp.int32)
    edge_attr = jax.random.uniform(ks[2], (E, D_EDGE), jnp.float32)

    layers = []
    kidx = 3
    for i in range(L):
        in_dim = F_IN if i == 0 else H
        w1, b1 = _lin(ks[kidx], D_EDGE, H * in_dim); kidx += 1
        w2, b2 = _lin(ks[kidx], H * in_dim, H * in_dim); kidx += 1
        root, _ = _lin(ks[kidx], in_dim, H); kidx += 1
        layers.append(dict(w1=w1, b1=b1, w2=w2, b2=b2, root=root,
                           bias=jnp.zeros((H,), jnp.float32),
                           gamma=jnp.ones((H,), jnp.float32),
                           beta=jnp.zeros((H,), jnp.float32)))
    jump_w, jump_b = _lin(ks[kidx], L * H, H); kidx += 1
    reg_w1, reg_b1 = _lin(ks[kidx], H, H // 2); kidx += 1
    reg_w2, reg_b2 = _lin(ks[kidx], H // 2, 1); kidx += 1
    params = dict(layers=layers, jump_w=jump_w, jump_b=jump_b,
                  reg_w1=reg_w1, reg_b1=reg_b1, reg_w2=reg_w2, reg_b2=reg_b2)
    return {"x": x, "edge_index": edge_index, "edge_attr": edge_attr, "params": params}


def reference(x, edge_index, edge_attr, params):
    src = edge_index[0]
    dst = edge_index[1]
    h = x
    reps = []
    for lp in params["layers"]:
        in_dim = h.shape[1]
        # NNConv: edge MLP produces per-edge weight matrix [E, in_dim, H]
        w = jax.nn.relu(edge_attr @ lp["w1"] + lp["b1"]) @ lp["w2"] + lp["b2"]
        w = w.reshape(-1, in_dim, H)
        msg = jnp.einsum('ei,eio->eo', jnp.take(h, src, axis=0), w)
        agg = jnp.zeros((h.shape[0], H), h.dtype).at[dst].add(msg)
        h = agg + h @ lp["root"] + lp["bias"]
        # BatchNorm1d (training-mode batch statistics, biased variance)
        mean = jnp.mean(h, axis=0)
        var = jnp.var(h, axis=0)
        h = (h - mean) / jnp.sqrt(var + EPS) * lp["gamma"] + lp["beta"]
        h = jax.nn.relu(h)
        # dropout is identity in deterministic reference
        reps.append(h)
    hcat = jnp.concatenate(reps, axis=-1)
    hj = hcat @ params["jump_w"] + params["jump_b"]
    # batch=None -> single graph: global_add_pool is a sum over all nodes
    pooled = jnp.sum(hj, axis=0, keepdims=True)
    r = jax.nn.relu(pooled @ params["reg_w1"] + params["reg_b1"])
    out = r @ params["reg_w2"] + params["reg_b2"]
    return out

if __name__ == "__main__":
    import jax
    _d = setup_inputs()
    print(jax.jit(kernel)(*tuple(_d.values())))

</pallas_src>

<mosaic_0001>
#map = affine_map<(d0, d1) -> (0, 0)>
#map1 = affine_map<(d0, d1) -> (0, 0, 0)>
module attributes {stable_mosaic.version = 14 : i64} {
  func.func @k(%arg0: i32, %arg1: i32, %arg2: memref<102400x16xf32, #tpu.memory_space<hbm>>, %arg3: memref<32x25x128xi32, #tpu.memory_space<hbm>>, %arg4: memref<10016x16xf32, #tpu.memory_space<hbm>>, %arg5: memref<2x10016x16xf32, #tpu.memory_space<hbm>>, %arg6: memref<25x128xi32, #tpu.memory_space<vmem>>, %arg7: memref<128x16xf32, #tpu.memory_space<vmem>>, %arg8: memref<128x16xf32, #tpu.memory_space<vmem>>, %arg9: memref<10016x16xf32, #tpu.memory_space<vmem_shared>>, %arg10: memref<!tpu.dma_semaphore, #tpu.memory_space<semaphore_mem>>, %arg11: memref<!tpu.dma_semaphore, #tpu.memory_space<semaphore_mem>>) attributes {dimension_semantics = [#tpu.dimension_semantics<core_parallel>, #tpu.dimension_semantics<subcore_parallel>], iteration_bounds = array<i64: 2, 16>, scalar_prefetch = 0 : i64, scratch_operands = 6 : i64, tpu.core_type = #tpu.core_type<sc_vector_subcore>, window_params = [{transform_indices = #map}, {transform_indices = #map1}, {transform_indices = #map}, {transform_indices = #map1}]} {
    %mul3A = arith.constant 2 : i32
    %mul3A_0 = arith.muli %arg1, %mul3A : i32
    %add3A = arith.addi %mul3A_0, %arg0 : i32
    %mul3A_1 = arith.constant 3200 : i32
    %mul3A_2 = arith.muli %add3A, %mul3A_1 : i32
    "tpu.region"() ({
      %run_scoped3A_24 = tpu.sem_alloc : memref<!tpu.dma_semaphore, #tpu.memory_space<semaphore_mem>>
      %dma_start3A_25 = arith.constant 0 : i32
      %dma_start3A_26 = arith.constant 0 : i32
      %dma_start3A_27 = tpu.memref_slice %arg3[%add3A, %dma_start3A_25, %dma_start3A_26] : memref<32x25x128xi32, #tpu.memory_space<hbm>> -> memref<1x25x128xi32, #tpu.memory_space<hbm>>
      %dma_start3A_28 = tpu.memref_squeeze %dma_start3A_27 : memref<1x25x128xi32, #tpu.memory_space<hbm>> -> memref<25x128xi32, #tpu.memory_space<hbm>>
      %dma_start3A_29 = arith.constant 0 : i32
      %dma_start3A_30 = arith.constant 0 : i32
      %dma_start3A_31 = tpu.memref_slice %arg3[%add3A, %dma_start3A_29, %dma_start3A_30] : memref<32x25x128xi32, #tpu.memory_space<hbm>> -> memref<1x25x128xi32, #tpu.memory_space<hbm>>
      %dma_start3A_32 = tpu.memref_squeeze %dma_start3A_31 : memref<1x25x128xi32, #tpu.memory_space<hbm>> -> memref<25x128xi32, #tpu.memory_space<hbm>>
      tpu.enqueue_dma source(%dma_start3A_32 : memref<25x128xi32, #tpu.memory_space<hbm>>) target(%arg6 : memref<25x128xi32, #tpu.memory_space<vmem>>) target_semaphore(%run_scoped3A_24 : memref<!tpu.dma_semaphore, #tpu.memory_space<semaphore_mem>>)
      %dma_wait3A_33 = arith.constant 0 : i32
      %dma_wait3A_34 = arith.constant 0 : i32
      %dma_wait3A_35 = tpu.memref_slice %arg3[%add3A, %dma_wait3A_33, %dma_wait3A_34] : memref<32x25x128xi32, #tpu.memory_space<hbm>> -> memref<1x25x128xi32, #tpu.memory_space<hbm>>
      %dma_wait3A_36 = tpu.memref_squeeze %dma_wait3A_35 : memref<1x25x128xi32, #tpu.memory_space<hbm>> -> memref<25x128xi32, #tpu.memory_space<hbm>>
      %dma_wait3A_37 = arith.constant 0 : i32
      %dma_wait3A_38 = arith.constant 0 : i32
      %dma_wait3A_39 = tpu.memref_slice %arg3[%add3A, %dma_wait3A_37, %dma_wait3A_38] : memref<32x25x128xi32, #tpu.memory_space<hbm>> -> memref<1x25x128xi32, #tpu.memory_space<hbm>>
      %dma_wait3A_40 = tpu.memref_squeeze %dma_wait3A_39 : memref<1x25x128xi32, #tpu.memory_space<hbm>> -> memref<25x128xi32, #tpu.memory_space<hbm>>
      tpu.wait_dma2 semaphore(%run_scoped3A_24 : memref<!tpu.dma_semaphore, #tpu.memory_space<semaphore_mem>>) src(%dma_wait3A_40 : memref<25x128xi32, #tpu.memory_space<hbm>>) dst(%arg6 : memref<25x128xi32, #tpu.memory_space<vmem>>)
      tpu.yield
    }) : () -> ()
    %mul3A_3 = arith.constant 626 : i32
    %mul3A_4 = arith.muli %arg1, %mul3A_3 : i32
    %mul3A_5 = arith.constant 626 : i32
    %mul3A_6 = arith.muli %arg1, %mul3A_5 : i32
    "tpu.region"() ({
      %run_scoped3A_24 = tpu.sem_alloc : memref<!tpu.dma_semaphore, #tpu.memory_space<semaphore_mem>>
      %dma_start3A_25 = arith.constant 0 : i32
      %dma_start3A_26 = tpu.memref_slice %arg9[%mul3A_6, %dma_start3A_25] : memref<10016x16xf32, #tpu.memory_space<vmem_shared>> -> memref<626x16xf32, #tpu.memory_space<vmem_shared>>
      %dma_start3A_27 = arith.constant 0 : i32
      %dma_start3A_28 = tpu.memref_slice %arg4[%mul3A_4, %dma_start3A_27] : memref<10016x16xf32, #tpu.memory_space<hbm>> -> memref<626x16xf32, #tpu.memory_space<hbm>>
      tpu.enqueue_dma source(%dma_start3A_28 : memref<626x16xf32, #tpu.memory_space<hbm>>) target(%dma_start3A_26 : memref<626x16xf32, #tpu.memory_space<vmem_shared>>) target_semaphore(%run_scoped3A_24 : memref<!tpu.dma_semaphore, #tpu.memory_space<semaphore_mem>>)
      %dma_wait3A_29 = arith.constant 0 : i32
      %dma_wait3A_30 = tpu.memref_slice %arg9[%mul3A_6, %dma_wait3A_29] : memref<10016x16xf32, #tpu.memory_space<vmem_shared>> -> memref<626x16xf32, #tpu.memory_space<vmem_shared>>
      %dma_wait3A_31 = arith.constant 0 : i32
      %dma_wait3A_32 = tpu.memref_slice %arg4[%mul3A_4, %dma_wait3A_31] : memref<10016x16xf32, #tpu.memory_space<hbm>> -> memref<626x16xf32, #tpu.memory_space<hbm>>
      tpu.wait_dma2 semaphore(%run_scoped3A_24 : memref<!tpu.dma_semaphore, #tpu.memory_space<semaphore_mem>>) src(%dma_wait3A_32 : memref<626x16xf32, #tpu.memory_space<hbm>>) dst(%dma_wait3A_30 : memref<626x16xf32, #tpu.memory_space<vmem_shared>>)
      tpu.yield
    }) : () -> ()
    %barrier3A = arith.constant 0 : index
    tpu.barrier barrier_id(%barrier3A)
    %dma_start3A = arith.constant 0 : i32
    %dma_start3A_7 = tpu.memref_slice %arg2[%mul3A_2, %dma_start3A] : memref<102400x16xf32, #tpu.memory_space<hbm>> -> memref<128x16xf32, #tpu.memory_space<hbm>>
    %dma_start3A_8 = arith.constant 0 : i32
    %dma_start3A_9 = tpu.memref_slice %arg2[%mul3A_2, %dma_start3A_8] : memref<102400x16xf32, #tpu.memory_space<hbm>> -> memref<128x16xf32, #tpu.memory_space<hbm>>
    tpu.enqueue_dma source(%dma_start3A_9 : memref<128x16xf32, #tpu.memory_space<hbm>>) target(%arg7 : memref<128x16xf32, #tpu.memory_space<vmem>>) target_semaphore(%arg10 : memref<!tpu.dma_semaphore, #tpu.memory_space<semaphore_mem>>)
    %scan3A = arith.constant 0 : i32
    %scan3A_10 = arith.constant 12 : i32
    %scan3A_11 = arith.addi %scan3A, %scan3A_10 : i32
    %scan3A_12 = arith.constant 1 : i32
    scf.for %scan3A_24 = %scan3A to %scan3A_11 step %scan3A_12  : i32 {
      %mul3A_25 = arith.constant 1 : i32
      %mul3A_26 = arith.muli %scan3A_24, %mul3A_25 : i32
      %add3A_27 = arith.constant 0 : i32
      %add3A_28 = arith.addi %add3A_27, %mul3A_26 : i32
      %mul3A_29 = arith.constant 2 : i32
      %mul3A_30 = arith.muli %mul3A_29, %add3A_28 : i32
      %add3A_31 = arith.constant 1 : i32
      %add3A_32 = arith.addi %mul3A_30, %add3A_31 : i32
      %mul3A_33 = arith.constant 128 : i32
      %mul3A_34 = arith.muli %add3A_32, %mul3A_33 : i32
      %add3A_35 = arith.addi %mul3A_2, %mul3A_34 : i32
      %dma_start3A_36 = arith.constant 0 : i32
      %dma_start3A_37 = tpu.memref_slice %arg2[%add3A_35, %dma_start3A_36] : memref<102400x16xf32, #tpu.memory_space<hbm>> -> memref<128x16xf32, #tpu.memory_space<hbm>>
      %dma_start3A_38 = arith.constant 0 : i32
      %dma_start3A_39 = tpu.memref_slice %arg2[%add3A_35, %dma_start3A_38] : memref<102400x16xf32, #tpu.memory_space<hbm>> -> memref<128x16xf32, #tpu.memory_space<hbm>>
      tpu.enqueue_dma source(%dma_start3A_39 : memref<128x16xf32, #tpu.memory_space<hbm>>) target(%arg8 : memref<128x16xf32, #tpu.memory_space<vmem>>) target_semaphore(%arg11 : memref<!tpu.dma_semaphore, #tpu.memory_space<semaphore_mem>>)
      %mul3A_40 = arith.constant 128 : i32
      %mul3A_41 = arith.muli %mul3A_30, %mul3A_40 : i32
      %add3A_42 = arith.addi %mul3A_2, %mul3A_41 : i32
      %dma_wait3A_43 = arith.constant 0 : i32
      %dma_wait3A_44 = tpu.memref_slice %arg2[%add3A_42, %dma_wait3A_43] : memref<102400x16xf32, #tpu.memory_space<hbm>> -> memref<128x16xf32, #tpu.memory_space<hbm>>
      %dma_wait3A_45 = arith.constant 0 : i32
      %dma_wait3A_46 = tpu.memref_slice %arg2[%add3A_42, %dma_wait3A_45] : memref<102400x16xf32, #tpu.memory_space<hbm>> -> memref<128x16xf32, #tpu.memory_space<hbm>>
      tpu.wait_dma2 semaphore(%arg10 : memref<!tpu.dma_semaphore, #tpu.memory_space<semaphore_mem>>) src(%dma_wait3A_46 : memref<128x16xf32, #tpu.memory_space<hbm>>) dst(%arg7 : memref<128x16xf32, #tpu.memory_space<vmem>>)
      "tpu.region"() ({
        %run_scoped3A_67 = tpu.sem_alloc : memref<!tpu.dma_semaphore, #tpu.memory_space<semaphore_mem>>
        %dma_start3A_68 = arith.constant 0 : i32
        %dma_start3A_69 = tpu.memref_slice %arg6[%mul3A_30, %dma_start3A_68] : memref<25x128xi32, #tpu.memory_space<vmem>> -> memref<1x128xi32, #tpu.memory_space<vmem>>
        %dma_start3A_70 = tpu.memref_squeeze %dma_start3A_69 : memref<1x128xi32, #tpu.memory_space<vmem>> -> memref<128xi32, #tpu.memory_space<vmem>>
        %dma_start3A_71 = arith.constant 0 : i32
        %dma_start3A_72 = arith.constant 0 : i32
        %dma_start3A_73 = tpu.memref_slice %arg9[%dma_start3A_71, %dma_start3A_72] : memref<10016x16xf32, #tpu.memory_space<vmem_shared>> -> memref<10016x16xf32, #tpu.memory_space<vmem_shared>>
        tpu.enqueue_indirect_dma source(%arg7 : memref<128x16xf32, #tpu.memory_space<vmem>>) target(%dma_start3A_73 : memref<10016x16xf32, #tpu.memory_space<vmem_shared>>) offsets(%dma_start3A_70 : memref<128xi32, #tpu.memory_space<vmem>>) semaphore(%run_scoped3A_67 : memref<!tpu.dma_semaphore, #tpu.memory_space<semaphore_mem>>) {add = true}
        %dma_wait3A_74 = arith.constant 0 : i32
        %dma_wait3A_75 = tpu.memref_slice %arg6[%mul3A_30, %dma_wait3A_74] : memref<25x128xi32, #tpu.memory_space<vmem>> -> memref<1x128xi32, #tpu.memory_space<vmem>>
        %dma_wait3A_76 = tpu.memref_squeeze %dma_wait3A_75 : memref<1x128xi32, #tpu.memory_space<vmem>> -> memref<128xi32, #tpu.memory_space<vmem>>
        %dma_wait3A_77 = arith.constant 0 : i32
        %dma_wait3A_78 = arith.constant 0 : i32
        %dma_wait3A_79 = tpu.memref_slice %arg9[%dma_wait3A_77, %dma_wait3A_78] : memref<10016x16xf32, #tpu.memory_space<vmem_shared>> -> memref<10016x16xf32, #tpu.memory_space<vmem_shared>>
        tpu.wait_indirect_dma semaphore(%run_scoped3A_67 : memref<!tpu.dma_semaphore, #tpu.memory_space<semaphore_mem>>) src(%arg7 : memref<128x16xf32, #tpu.memory_space<vmem>>) dst(%dma_wait3A_79 : memref<10016x16xf32, #tpu.memory_space<vmem_shared>>)
        tpu.yield
      }) : () -> ()
      %add3A_47 = arith.constant 2 : i32
      %add3A_48 = arith.addi %mul3A_30, %add3A_47 : i32
      %mul3A_49 = arith.constant 128 : i32
      %mul3A_50 = arith.muli %add3A_48, %mul3A_49 : i32
      %add3A_51 = arith.addi %mul3A_2, %mul3A_50 : i32
      %dma_start3A_52 = arith.constant 0 : i32
      %dma_start3A_53 = tpu.memref_slice %arg2[%add3A_51, %dma_start3A_52] : memref<102400x16xf32, #tpu.memory_space<hbm>> -> memref<128x16xf32, #tpu.memory_space<hbm>>
      %dma_start3A_54 = arith.constant 0 : i32
      %dma_start3A_55 = tpu.memref_slice %arg2[%add3A_51, %dma_start3A_54] : memref<102400x16xf32, #tpu.memory_space<hbm>> -> memref<128x16xf32, #tpu.memory_space<hbm>>
      tpu.enqueue_dma source(%dma_start3A_55 : memref<128x16xf32, #tpu.memory_space<hbm>>) target(%arg7 : memref<128x16xf32, #tpu.memory_space<vmem>>) target_semaphore(%arg10 : memref<!tpu.dma_semaphore, #tpu.memory_space<semaphore_mem>>)
      %add3A_56 = arith.constant 1 : i32
      %add3A_57 = arith.addi %mul3A_30, %add3A_56 : i32
      %mul3A_58 = arith.constant 128 : i32
      %mul3A_59 = arith.muli %add3A_57, %mul3A_58 : i32
      %add3A_60 = arith.addi %mul3A_2, %mul3A_59 : i32
      %dma_wait3A_61 = arith.constant 0 : i32
      %dma_wait3A_62 = tpu.memref_slice %arg2[%add3A_60, %dma_wait3A_61] : memref<102400x16xf32, #tpu.memory_space<hbm>> -> memref<128x16xf32, #tpu.memory_space<hbm>>
      %dma_wait3A_63 = arith.constant 0 : i32
      %dma_wait3A_64 = tpu.memref_slice %arg2[%add3A_60, %dma_wait3A_63] : memref<102400x16xf32, #tpu.memory_space<hbm>> -> memref<128x16xf32, #tpu.memory_space<hbm>>
      tpu.wait_dma2 semaphore(%arg11 : memref<!tpu.dma_semaphore, #tpu.memory_space<semaphore_mem>>) src(%dma_wait3A_64 : memref<128x16xf32, #tpu.memory_space<hbm>>) dst(%arg8 : memref<128x16xf32, #tpu.memory_space<vmem>>)
      %add3A_65 = arith.constant 1 : i32
      %add3A_66 = arith.addi %mul3A_30, %add3A_65 : i32
      "tpu.region"() ({
        %run_scoped3A_67 = tpu.sem_alloc : memref<!tpu.dma_semaphore, #tpu.memory_space<semaphore_mem>>
        %dma_start3A_68 = arith.constant 0 : i32
        %dma_start3A_69 = tpu.memref_slice %arg6[%add3A_66, %dma_start3A_68] : memref<25x128xi32, #tpu.memory_space<vmem>> -> memref<1x128xi32, #tpu.memory_space<vmem>>
        %dma_start3A_70 = tpu.memref_squeeze %dma_start3A_69 : memref<1x128xi32, #tpu.memory_space<vmem>> -> memref<128xi32, #tpu.memory_space<vmem>>
        %dma_start3A_71 = arith.constant 0 : i32
        %dma_start3A_72 = arith.constant 0 : i32
        %dma_start3A_73 = tpu.memref_slice %arg9[%dma_start3A_71, %dma_start3A_72] : memref<10016x16xf32, #tpu.memory_space<vmem_shared>> -> memref<10016x16xf32, #tpu.memory_space<vmem_shared>>
        tpu.enqueue_indirect_dma source(%arg8 : memref<128x16xf32, #tpu.memory_space<vmem>>) target(%dma_start3A_73 : memref<10016x16xf32, #tpu.memory_space<vmem_shared>>) offsets(%dma_start3A_70 : memref<128xi32, #tpu.memory_space<vmem>>) semaphore(%run_scoped3A_67 : memref<!tpu.dma_semaphore, #tpu.memory_space<semaphore_mem>>) {add = true}
        %dma_wait3A_74 = arith.constant 0 : i32
        %dma_wait3A_75 = tpu.memref_slice %arg6[%add3A_66, %dma_wait3A_74] : memref<25x128xi32, #tpu.memory_space<vmem>> -> memref<1x128xi32, #tpu.memory_space<vmem>>
        %dma_wait3A_76 = tpu.memref_squeeze %dma_wait3A_75 : memref<1x128xi32, #tpu.memory_space<vmem>> -> memref<128xi32, #tpu.memory_space<vmem>>
        %dma_wait3A_77 = arith.constant 0 : i32
        %dma_wait3A_78 = arith.constant 0 : i32
        %dma_wait3A_79 = tpu.memref_slice %arg9[%dma_wait3A_77, %dma_wait3A_78] : memref<10016x16xf32, #tpu.memory_space<vmem_shared>> -> memref<10016x16xf32, #tpu.memory_space<vmem_shared>>
        tpu.wait_indirect_dma semaphore(%run_scoped3A_67 : memref<!tpu.dma_semaphore, #tpu.memory_space<semaphore_mem>>) src(%arg8 : memref<128x16xf32, #tpu.memory_space<vmem>>) dst(%dma_wait3A_79 : memref<10016x16xf32, #tpu.memory_space<vmem_shared>>)
        tpu.yield
      }) : () -> ()
    }
    %scan3A_13 = arith.constant 12 : i32
    %add3A_14 = arith.constant 3072 : i32
    %add3A_15 = arith.addi %mul3A_2, %add3A_14 : i32
    %dma_wait3A = arith.constant 0 : i32
    %dma_wait3A_16 = tpu.memref_slice %arg2[%add3A_15, %dma_wait3A] : memref<102400x16xf32, #tpu.memory_space<hbm>> -> memref<128x16xf32, #tpu.memory_space<hbm>>
    %dma_wait3A_17 = arith.constant 0 : i32
    %dma_wait3A_18 = tpu.memref_slice %arg2[%add3A_15, %dma_wait3A_17] : memref<102400x16xf32, #tpu.memory_space<hbm>> -> memref<128x16xf32, #tpu.memory_space<hbm>>
    tpu.wait_dma2 semaphore(%arg10 : memref<!tpu.dma_semaphore, #tpu.memory_space<semaphore_mem>>) src(%dma_wait3A_18 : memref<128x16xf32, #tpu.memory_space<hbm>>) dst(%arg7 : memref<128x16xf32, #tpu.memory_space<vmem>>)
    %run_scoped3A = arith.constant 24 : i32
    "tpu.region"() ({
      %run_scoped3A_24 = tpu.sem_alloc : memref<!tpu.dma_semaphore, #tpu.memory_space<semaphore_mem>>
      %dma_start3A_25 = arith.constant 0 : i32
      %dma_start3A_26 = tpu.memref_slice %arg6[%run_scoped3A, %dma_start3A_25] : memref<25x128xi32, #tpu.memory_space<vmem>> -> memref<1x128xi32, #tpu.memory_space<vmem>>
      %dma_start3A_27 = tpu.memref_squeeze %dma_start3A_26 : memref<1x128xi32, #tpu.memory_space<vmem>> -> memref<128xi32, #tpu.memory_space<vmem>>
      %dma_start3A_28 = arith.constant 0 : i32
      %dma_start3A_29 = arith.constant 0 : i32
      %dma_start3A_30 = tpu.memref_slice %arg9[%dma_start3A_28, %dma_start3A_29] : memref<10016x16xf32, #tpu.memory_space<vmem_shared>> -> memref<10016x16xf32, #tpu.memory_space<vmem_shared>>
      tpu.enqueue_indirect_dma source(%arg7 : memref<128x16xf32, #tpu.memory_space<vmem>>) target(%dma_start3A_30 : memref<10016x16xf32, #tpu.memory_space<vmem_shared>>) offsets(%dma_start3A_27 : memref<128xi32, #tpu.memory_space<vmem>>) semaphore(%run_scoped3A_24 : memref<!tpu.dma_semaphore, #tpu.memory_space<semaphore_mem>>) {add = true}
      %dma_wait3A_31 = arith.constant 0 : i32
      %dma_wait3A_32 = tpu.memref_slice %arg6[%run_scoped3A, %dma_wait3A_31] : memref<25x128xi32, #tpu.memory_space<vmem>> -> memref<1x128xi32, #tpu.memory_space<vmem>>
      %dma_wait3A_33 = tpu.memref_squeeze %dma_wait3A_32 : memref<1x128xi32, #tpu.memory_space<vmem>> -> memref<128xi32, #tpu.memory_space<vmem>>
      %dma_wait3A_34 = arith.constant 0 : i32
      %dma_wait3A_35 = arith.constant 0 : i32
      %dma_wait3A_36 = tpu.memref_slice %arg9[%dma_wait3A_34, %dma_wait3A_35] : memref<10016x16xf32, #tpu.memory_space<vmem_shared>> -> memref<10016x16xf32, #tpu.memory_space<vmem_shared>>
      tpu.wait_indirect_dma semaphore(%run_scoped3A_24 : memref<!tpu.dma_semaphore, #tpu.memory_space<semaphore_mem>>) src(%arg7 : memref<128x16xf32, #tpu.memory_space<vmem>>) dst(%dma_wait3A_36 : memref<10016x16xf32, #tpu.memory_space<vmem_shared>>)
      tpu.yield
    }) : () -> ()
    %barrier3A_19 = arith.constant 0 : index
    tpu.barrier barrier_id(%barrier3A_19)
    %mul3A_20 = arith.constant 626 : i32
    %mul3A_21 = arith.muli %arg1, %mul3A_20 : i32
    %mul3A_22 = arith.constant 626 : i32
    %mul3A_23 = arith.muli %arg1, %mul3A_22 : i32
    "tpu.region"() ({
      %run_scoped3A_24 = tpu.sem_alloc : memref<!tpu.dma_semaphore, #tpu.memory_space<semaphore_mem>>
      %dma_start3A_25 = arith.constant 0 : i32
      %dma_start3A_26 = tpu.memref_slice %arg5[%arg0, %mul3A_23, %dma_start3A_25] : memref<2x10016x16xf32, #tpu.memory_space<hbm>> -> memref<1x626x16xf32, #tpu.memory_space<hbm>>
      %dma_start3A_27 = tpu.memref_squeeze %dma_start3A_26 : memref<1x626x16xf32, #tpu.memory_space<hbm>> -> memref<626x16xf32, #tpu.memory_space<hbm>>
      %dma_start3A_28 = arith.constant 0 : i32
      %dma_start3A_29 = tpu.memref_slice %arg9[%mul3A_21, %dma_start3A_28] : memref<10016x16xf32, #tpu.memory_space<vmem_shared>> -> memref<626x16xf32, #tpu.memory_space<vmem_shared>>
      tpu.enqueue_dma source(%dma_start3A_29 : memref<626x16xf32, #tpu.memory_space<vmem_shared>>) target(%dma_start3A_27 : memref<626x16xf32, #tpu.memory_space<hbm>>) target_semaphore(%run_scoped3A_24 : memref<!tpu.dma_semaphore, #tpu.memory_space<semaphore_mem>>)
      %dma_wait3A_30 = arith.constant 0 : i32
      %dma_wait3A_31 = tpu.memref_slice %arg5[%arg0, %mul3A_23, %dma_wait3A_30] : memref<2x10016x16xf32, #tpu.memory_space<hbm>> -> memref<1x626x16xf32, #tpu.memory_space<hbm>>
      %dma_wait3A_32 = tpu.memref_squeeze %dma_wait3A_31 : memref<1x626x16xf32, #tpu.memory_space<hbm>> -> memref<626x16xf32, #tpu.memory_space<hbm>>
      %dma_wait3A_33 = arith.constant 0 : i32
      %dma_wait3A_34 = tpu.memref_slice %arg9[%mul3A_21, %dma_wait3A_33] : memref<10016x16xf32, #tpu.memory_space<vmem_shared>> -> memref<626x16xf32, #tpu.memory_space<vmem_shared>>
      tpu.wait_dma2 semaphore(%run_scoped3A_24 : memref<!tpu.dma_semaphore, #tpu.memory_space<semaphore_mem>>) src(%dma_wait3A_34 : memref<626x16xf32, #tpu.memory_space<vmem_shared>>) dst(%dma_wait3A_32 : memref<626x16xf32, #tpu.memory_space<hbm>>)
      tpu.yield
    }) : () -> ()
    return
  }
}

#map = affine_map<(d0, d1) -> (0, 0)>
#map1 = affine_map<(d0, d1) -> (0, 0, 0)>
module attributes {stable_mosaic.version = 14 : i64} {
  func.func @k(%arg0: i32, %arg1: i32, %arg2: memref<10000x16xf32, #tpu.memory_space<hbm>>, %arg3: memref<32x25x128xi32, #tpu.memory_space<hbm>>, %arg4: memref<102400x16xf32, #tpu.memory_space<hbm>>, %arg5: memref<25x128xi32, #tpu.memory_space<vmem>>, %arg6: memref<128x16xf32, #tpu.memory_space<vmem>>, %arg7: memref<128x16xf32, #tpu.memory_space<vmem>>, %arg8: memref<128x16xf32, #tpu.memory_space<vmem>>, %arg9: memref<128x16xf32, #tpu.memory_space<vmem>>, %arg10: memref<!tpu.dma_semaphore, #tpu.memory_space<semaphore_mem>>, %arg11: memref<!tpu.dma_semaphore, #tpu.memory_space<semaphore_mem>>, %arg12: memref<!tpu.dma_semaphore, #tpu.memory_space<semaphore_mem>>, %arg13: memref<!tpu.dma_semaphore, #tpu.memory_space<semaphore_mem>>) attributes {dimension_semantics = [#tpu.dimension_semantics<core_parallel>, #tpu.dimension_semantics<subcore_parallel>], iteration_bounds = array<i64: 2, 16>, scalar_prefetch = 0 : i64, scratch_operands = 9 : i64, tpu.core_type = #tpu.core_type<sc_vector_subcore>, window_params = [{transform_indices = #map}, {transform_indices = #map1}, {transform_indices = #map}]} {
    %mul3A = arith.constant 2 : i32
    %mul3A_0 = arith.muli %arg1, %mul3A : i32
    %add3A = arith.addi %mul3A_0, %arg0 : i32
    %mul3A_1 = arith.constant 3200 : i32
    %mul3A_2 = arith.muli %add3A, %mul3A_1 : i32
    "tpu.region"() ({
      %run_scoped3A = tpu.sem_alloc : memref<!tpu.dma_semaphore, #tpu.memory_space<semaphore_mem>>
      %dma_start3A_85 = arith.constant 0 : i32
      %dma_start3A_86 = arith.constant 0 : i32
      %dma_start3A_87 = tpu.memref_slice %arg3[%add3A, %dma_start3A_85, %dma_start3A_86] : memref<32x25x128xi32, #tpu.memory_space<hbm>> -> memref<1x25x128xi32, #tpu.memory_space<hbm>>
      %dma_start3A_88 = tpu.memref_squeeze %dma_start3A_87 : memref<1x25x128xi32, #tpu.memory_space<hbm>> -> memref<25x128xi32, #tpu.memory_space<hbm>>
      %dma_start3A_89 = arith.constant 0 : i32
      %dma_start3A_90 = arith.constant 0 : i32
      %dma_start3A_91 = tpu.memref_slice %arg3[%add3A, %dma_start3A_89, %dma_start3A_90] : memref<32x25x128xi32, #tpu.memory_space<hbm>> -> memref<1x25x128xi32, #tpu.memory_space<hbm>>
      %dma_start3A_92 = tpu.memref_squeeze %dma_start3A_91 : memref<1x25x128xi32, #tpu.memory_space<hbm>> -> memref<25x128xi32, #tpu.memory_space<hbm>>
      tpu.enqueue_dma source(%dma_start3A_92 : memref<25x128xi32, #tpu.memory_space<hbm>>) target(%arg5 : memref<25x128xi32, #tpu.memory_space<vmem>>) target_semaphore(%run_scoped3A : memref<!tpu.dma_semaphore, #tpu.memory_space<semaphore_mem>>)
      %dma_wait3A_93 = arith.constant 0 : i32
      %dma_wait3A_94 = arith.constant 0 : i32
      %dma_wait3A_95 = tpu.memref_slice %arg3[%add3A, %dma_wait3A_93, %dma_wait3A_94] : memref<32x25x128xi32, #tpu.memory_space<hbm>> -> memref<1x25x128xi32, #tpu.memory_space<hbm>>
      %dma_wait3A_96 = tpu.memref_squeeze %dma_wait3A_95 : memref<1x25x128xi32, #tpu.memory_space<hbm>> -> memref<25x128xi32, #tpu.memory_space<hbm>>
      %dma_wait3A_97 = arith.constant 0 : i32
      %dma_wait3A_98 = arith.constant 0 : i32
      %dma_wait3A_99 = tpu.memref_slice %arg3[%add3A, %dma_wait3A_97, %dma_wait3A_98] : memref<32x25x128xi32, #tpu.memory_space<hbm>> -> memref<1x25x128xi32, #tpu.memory_space<hbm>>
      %dma_wait3A_100 = tpu.memref_squeeze %dma_wait3A_99 : memref<1x25x128xi32, #tpu.memory_space<hbm>> -> memref<25x128xi32, #tpu.memory_space<hbm>>
      tpu.wait_dma2 semaphore(%run_scoped3A : memref<!tpu.dma_semaphore, #tpu.memory_space<semaphore_mem>>) src(%dma_wait3A_100 : memref<25x128xi32, #tpu.memory_space<hbm>>) dst(%arg5 : memref<25x128xi32, #tpu.memory_space<vmem>>)
      tpu.yield
    }) : () -> ()
    %dma_start3A = arith.constant 0 : i32
    %dma_start3A_3 = arith.constant 0 : i32
    %dma_start3A_4 = tpu.memref_slice %arg5[%dma_start3A, %dma_start3A_3] : memref<25x128xi32, #tpu.memory_space<vmem>> -> memref<1x128xi32, #tpu.memory_space<vmem>>
    %dma_start3A_5 = tpu.memref_squeeze %dma_start3A_4 : memref<1x128xi32, #tpu.memory_space<vmem>> -> memref<128xi32, #tpu.memory_space<vmem>>
    %dma_start3A_6 = arith.constant 0 : i32
    %dma_start3A_7 = arith.constant 0 : i32
    %dma_start3A_8 = tpu.memref_slice %arg2[%dma_start3A_6, %dma_start3A_7] : memref<10000x16xf32, #tpu.memory_space<hbm>> -> memref<10000x16xf32, #tpu.memory_space<hbm>>
    tpu.enqueue_indirect_dma source(%dma_start3A_8 : memref<10000x16xf32, #tpu.memory_space<hbm>>) target(%arg6 : memref<128x16xf32, #tpu.memory_space<vmem>>) offsets(%dma_start3A_5 : memref<128xi32, #tpu.memory_space<vmem>>) semaphore(%arg10 : memref<!tpu.dma_semaphore, #tpu.memory_space<semaphore_mem>>)
    %dma_start3A_9 = arith.constant 1 : i32
    %dma_start3A_10 = arith.constant 0 : i32
    %dma_start3A_11 = tpu.memref_slice %arg5[%dma_start3A_9, %dma_start3A_10] : memref<25x128xi32, #tpu.memory_space<vmem>> -> memref<1x128xi32, #tpu.memory_space<vmem>>
    %dma_start3A_12 = tpu.memref_squeeze %dma_start3A_11 : memref<1x128xi32, #tpu.memory_space<vmem>> -> memref<128xi32, #tpu.memory_space<vmem>>
    %dma_start3A_13 = arith.constant 0 : i32
    %dma_start3A_14 = arith.constant 0 : i32
    %dma_start3A_15 = tpu.memref_slice %arg2[%dma_start3A_13, %dma_start3A_14] : memref<10000x16xf32, #tpu.memory_space<hbm>> -> memref<10000x16xf32, #tpu.memory_space<hbm>>
    tpu.enqueue_indirect_dma source(%dma_start3A_15 : memref<10000x16xf32, #tpu.memory_space<hbm>>) target(%arg7 : memref<128x16xf32, #tpu.memory_space<vmem>>) offsets(%dma_start3A_12 : memref<128xi32, #tpu.memory_space<vmem>>) semaphore(%arg11 : memref<!tpu.dma_semaphore, #tpu.memory_space<semaphore_mem>>)
    %dma_start3A_16 = arith.constant 2 : i32
    %dma_start3A_17 = arith.constant 0 : i32
    %dma_start3A_18 = tpu.memref_slice %arg5[%dma_start3A_16, %dma_start3A_17] : memref<25x128xi32, #tpu.memory_space<vmem>> -> memref<1x128xi32, #tpu.memory_space<vmem>>
    %dma_start3A_19 = tpu.memref_squeeze %dma_start3A_18 : memref<1x128xi32, #tpu.memory_space<vmem>> -> memref<128xi32, #tpu.memory_space<vmem>>
    %dma_start3A_20 = arith.constant 0 : i32
    %dma_start3A_21 = arith.constant 0 : i32
    %dma_start3A_22 = tpu.memref_slice %arg2[%dma_start3A_20, %dma_start3A_21] : memref<10000x16xf32, #tpu.memory_space<hbm>> -> memref<10000x16xf32, #tpu.memory_space<hbm>>
    tpu.enqueue_indirect_dma source(%dma_start3A_22 : memref<10000x16xf32, #tpu.memory_space<hbm>>) target(%arg8 : memref<128x16xf32, #tpu.memory_space<vmem>>) offsets(%dma_start3A_19 : memref<128xi32, #tpu.memory_space<vmem>>) semaphore(%arg12 : memref<!tpu.dma_semaphore, #tpu.memory_space<semaphore_mem>>)
    %dma_start3A_23 = arith.constant 3 : i32
    %dma_start3A_24 = arith.constant 0 : i32
    %dma_start3A_25 = tpu.memref_slice %arg5[%dma_start3A_23, %dma_start3A_24] : memref<25x128xi32, #tpu.memory_space<vmem>> -> memref<1x128xi32, #tpu.memory_space<vmem>>
    %dma_start3A_26 = tpu.memref_squeeze %dma_start3A_25 : memref<1x128xi32, #tpu.memory_space<vmem>> -> memref<128xi32, #tpu.memory_space<vmem>>
    %dma_start3A_27 = arith.constant 0 : i32
    %dma_start3A_28 = arith.constant 0 : i32
    %dma_start3A_29 = tpu.memref_slice %arg2[%dma_start3A_27, %dma_start3A_28] : memref<10000x16xf32, #tpu.memory_space<hbm>> -> memref<10000x16xf32, #tpu.memory_space<hbm>>
    tpu.enqueue_indirect_dma source(%dma_start3A_29 : memref<10000x16xf32, #tpu.memory_space<hbm>>) target(%arg9 : memref<128x16xf32, #tpu.memory_space<vmem>>) offsets(%dma_start3A_26 : memref<128xi32, #tpu.memory_space<vmem>>) semaphore(%arg13 : memref<!tpu.dma_semaphore, #tpu.memory_space<semaphore_mem>>)
    %scan3A = arith.constant 0 : i32
    %scan3A_30 = arith.constant 5 : i32
    %scan3A_31 = arith.addi %scan3A, %scan3A_30 : i32
    %scan3A_32 = arith.constant 1 : i32
    scf.for %scan3A_85 = %scan3A to %scan3A_31 step %scan3A_32  : i32 {
      %mul3A_86 = arith.constant 1 : i32
      %mul3A_87 = arith.muli %scan3A_85, %mul3A_86 : i32
      %add3A_88 = arith.constant 0 : i32
      %add3A_89 = arith.addi %add3A_88, %mul3A_87 : i32
      %mul3A_90 = arith.constant 4 : i32
      %mul3A_91 = arith.muli %mul3A_90, %add3A_89 : i32
      %add3A_92 = arith.constant 0 : i32
      %add3A_93 = arith.addi %mul3A_91, %add3A_92 : i32
      %dma_wait3A_94 = arith.constant 0 : i32
      %dma_wait3A_95 = tpu.memref_slice %arg5[%add3A_93, %dma_wait3A_94] : memref<25x128xi32, #tpu.memory_space<vmem>> -> memref<1x128xi32, #tpu.memory_space<vmem>>
      %dma_wait3A_96 = tpu.memref_squeeze %dma_wait3A_95 : memref<1x128xi32, #tpu.memory_space<vmem>> -> memref<128xi32, #tpu.memory_space<vmem>>
      %dma_wait3A_97 = arith.constant 0 : i32
      %dma_wait3A_98 = arith.constant 0 : i32
      %dma_wait3A_99 = tpu.memref_slice %arg2[%dma_wait3A_97, %dma_wait3A_98] : memref<10000x16xf32, #tpu.memory_space<hbm>> -> memref<10000x16xf32, #tpu.memory_space<hbm>>
      tpu.wait_indirect_dma semaphore(%arg10 : memref<!tpu.dma_semaphore, #tpu.memory_space<semaphore_mem>>) src(%dma_wait3A_99 : memref<10000x16xf32, #tpu.memory_space<hbm>>) dst(%arg6 : memref<128x16xf32, #tpu.memory_space<vmem>>)
      %mul3A_100 = arith.constant 128 : i32
      %mul3A_101 = arith.muli %add3A_93, %mul3A_100 : i32
      %add3A_102 = arith.addi %mul3A_2, %mul3A_101 : i32
      "tpu.region"() ({
        %run_scoped3A = tpu.sem_alloc : memref<!tpu.dma_semaphore, #tpu.memory_space<semaphore_mem>>
        %dma_start3A_174 = arith.constant 0 : i32
        %dma_start3A_175 = tpu.memref_slice %arg4[%add3A_102, %dma_start3A_174] : memref<102400x16xf32, #tpu.memory_space<hbm>> -> memref<128x16xf32, #tpu.memory_space<hbm>>
        %dma_start3A_176 = arith.constant 0 : i32
        %dma_start3A_177 = tpu.memref_slice %arg4[%add3A_102, %dma_start3A_176] : memref<102400x16xf32, #tpu.memory_space<hbm>> -> memref<128x16xf32, #tpu.memory_space<hbm>>
        tpu.enqueue_dma source(%arg6 : memref<128x16xf32, #tpu.memory_space<vmem>>) target(%dma_start3A_177 : memref<128x16xf32, #tpu.memory_space<hbm>>) target_semaphore(%run_scoped3A : memref<!tpu.dma_semaphore, #tpu.memory_space<semaphore_mem>>)
        %dma_wait3A_178 = arith.constant 0 : i32
        %dma_wait3A_179 = tpu.memref_slice %arg4[%add3A_102, %dma_wait3A_178] : memref<102400x16xf32, #tpu.memory_space<hbm>> -> memref<128x16xf32, #tpu.memory_space<hbm>>
        %dma_wait3A_180 = arith.constant 0 : i32
        %dma_wait3A_181 = tpu.memref_slice %arg4[%add3A_102, %dma_wait3A_180] : memref<102400x16xf32, #tpu.memory_space<hbm>> -> memref<128x16xf32, #tpu.memory_space<hbm>>
        tpu.wait_dma2 semaphore(%run_scoped3A : memref<!tpu.dma_semaphore, #tpu.memory_space<semaphore_mem>>) src(%arg6 : memref<128x16xf32, #tpu.memory_space<vmem>>) dst(%dma_wait3A_181 : memref<128x16xf32, #tpu.memory_space<hbm>>)
        tpu.yield
      }) : () -> ()
      %add3A_103 = arith.constant 4 : i32
      %add3A_104 = arith.addi %add3A_93, %add3A_103 : i32
      %dma_start3A_105 = arith.constant 0 : i32
      %dma_start3A_106 = tpu.memref_slice %arg5[%add3A_104, %dma_start3A_105] : memref<25x128xi32, #tpu.memory_space<vmem>> -> memref<1x128xi32, #tpu.memory_space<vmem>>
      %dma_start3A_107 = tpu.memref_squeeze %dma_start3A_106 : memref<1x128xi32, #tpu.memory_space<vmem>> -> memref<128xi32, #tpu.memory_space<vmem>>
      %dma_start3A_108 = arith.constant 0 : i32
      %dma_start3A_109 = arith.constant 0 : i32
      %dma_start3A_110 = tpu.memref_slice %arg2[%dma_start3A_108, %dma_start3A_109] : memref<10000x16xf32, #tpu.memory_space<hbm>> -> memref<10000x16xf32, #tpu.memory_space<hbm>>
      tpu.enqueue_indirect_dma source(%dma_start3A_110 : memref<10000x16xf32, #tpu.memory_space<hbm>>) target(%arg6 : memref<128x16xf32, #tpu.memory_space<vmem>>) offsets(%dma_start3A_107 : memref<128xi32, #tpu.memory_space<vmem>>) semaphore(%arg10 : memref<!tpu.dma_semaphore, #tpu.memory_space<semaphore_mem>>)
      %mul3A_111 = arith.constant 4 : i32
      %mul3A_112 = arith.muli %mul3A_111, %add3A_89 : i32
      %add3A_113 = arith.constant 1 : i32
      %add3A_114 = arith.addi %mul3A_112, %add3A_113 : i32
      %dma_wait3A_115 = arith.constant 0 : i32
      %dma_wait3A_116 = tpu.memref_slice %arg5[%add3A_114, %dma_wait3A_115] : memref<25x128xi32, #tpu.memory_space<vmem>> -> memref<1x128xi32, #tpu.memory_space<vmem>>
      %dma_wait3A_117 = tpu.memref_squeeze %dma_wait3A_116 : memref<1x128xi32, #tpu.memory_space<vmem>> -> memref<128xi32, #tpu.memory_space<vmem>>
      %dma_wait3A_118 = arith.constant 0 : i32
      %dma_wait3A_119 = arith.constant 0 : i32
      %dma_wait3A_120 = tpu.memref_slice %arg2[%dma_wait3A_118, %dma_wait3A_119] : memref<10000x16xf32, #tpu.memory_space<hbm>> -> memref<10000x16xf32, #tpu.memory_space<hbm>>
      tpu.wait_indirect_dma semaphore(%arg11 : memref<!tpu.dma_semaphore, #tpu.memory_space<semaphore_mem>>) src(%dma_wait3A_120 : memref<10000x16xf32, #tpu.memory_space<hbm>>) dst(%arg7 : memref<128x16xf32, #tpu.memory_space<vmem>>)
      %mul3A_121 = arith.constant 128 : i32
      %mul3A_122 = arith.muli %add3A_114, %mul3A_121 : i32
      %add3A_123 = arith.addi %mul3A_2, %mul3A_122 : i32
      "tpu.region"() ({
        %run_scoped3A = tpu.sem_alloc : memref<!tpu.dma_semaphore, #tpu.memory_space<semaphore_mem>>
        %dma_start3A_174 = arith.constant 0 : i32
        %dma_start3A_175 = tpu.memref_slice %arg4[%add3A_123, %dma_start3A_174] : memref<102400x16xf32, #tpu.memory_space<hbm>> -> memref<128x16xf32, #tpu.memory_space<hbm>>
        %dma_start3A_176 = arith.constant 0 : i32
        %dma_start3A_177 = tpu.memref_slice %arg4[%add3A_123, %dma_start3A_176] : memref<102400x16xf32, #tpu.memory_space<hbm>> -> memref<128x16xf32, #tpu.memory_space<hbm>>
        tpu.enqueue_dma source(%arg7 : memref<128x16xf32, #tpu.memory_space<vmem>>) target(%dma_start3A_177 : memref<128x16xf32, #tpu.memory_space<hbm>>) target_semaphore(%run_scoped3A : memref<!tpu.dma_semaphore, #tpu.memory_space<semaphore_mem>>)
        %dma_wait3A_178 = arith.constant 0 : i32
        %dma_wait3A_179 = tpu.memref_slice %arg4[%add3A_123, %dma_wait3A_178] : memref<102400x16xf32, #tpu.memory_space<hbm>> -> memref<128x16xf32, #tpu.memory_space<hbm>>
        %dma_wait3A_180 = arith.constant 0 : i32
        %dma_wait3A_181 = tpu.memref_slice %arg4[%add3A_123, %dma_wait3A_180] : memref<102400x16xf32, #tpu.memory_space<hbm>> -> memref<128x16xf32, #tpu.memory_space<hbm>>
        tpu.wait_dma2 semaphore(%run_scoped3A : memref<!tpu.dma_semaphore, #tpu.memory_space<semaphore_mem>>) src(%arg7 : memref<128x16xf32, #tpu.memory_space<vmem>>) dst(%dma_wait3A_181 : memref<128x16xf32, #tpu.memory_space<hbm>>)
        tpu.yield
      }) : () -> ()
      %add3A_124 = arith.constant 4 : i32
      %add3A_125 = arith.addi %add3A_114, %add3A_124 : i32
      %dma_start3A_126 = arith.constant 0 : i32
      %dma_start3A_127 = tpu.memref_slice %arg5[%add3A_125, %dma_start3A_126] : memref<25x128xi32, #tpu.memory_space<vmem>> -> memref<1x128xi32, #tpu.memory_space<vmem>>
      %dma_start3A_128 = tpu.memref_squeeze %dma_start3A_127 : memref<1x128xi32, #tpu.memory_space<vmem>> -> memref<128xi32, #tpu.memory_space<vmem>>
      %dma_start3A_129 = arith.constant 0 : i32
      %dma_start3A_130 = arith.constant 0 : i32
      %dma_start3A_131 = tpu.memref_slice %arg2[%dma_start3A_129, %dma_start3A_130] : memref<10000x16xf32, #tpu.memory_space<hbm>> -> memref<10000x16xf32, #tpu.memory_space<hbm>>
      tpu.enqueue_indirect_dma source(%dma_start3A_131 : memref<10000x16xf32, #tpu.memory_space<hbm>>) target(%arg7 : memref<128x16xf32, #tpu.memory_space<vmem>>) offsets(%dma_start3A_128 : memref<128xi32, #tpu.memory_space<vmem>>) semaphore(%arg11 : memref<!tpu.dma_semaphore, #tpu.memory_space<semaphore_mem>>)
      %mul3A_132 = arith.constant 4 : i32
      %mul3A_133 = arith.muli %mul3A_132, %add3A_89 : i32
      %add3A_134 = arith.constant 2 : i32
      %add3A_135 = arith.addi %mul3A_133, %add3A_134 : i32
      %dma_wait3A_136 = arith.constant 0 : i32
      %dma_wait3A_137 = tpu.memref_slice %arg5[%add3A_135, %dma_wait3A_136] : memref<25x128xi32, #tpu.memory_space<vmem>> -> memref<1x128xi32, #tpu.memory_space<vmem>>
      %dma_wait3A_138 = tpu.memref_squeeze %dma_wait3A_137 : memref<1x128xi32, #tpu.memory_space<vmem>> -> memref<128xi32, #tpu.memory_space<vmem>>
      %dma_wait3A_139 = arith.constant 0 : i32
      %dma_wait3A_140 = arith.constant 0 : i32
      %dma_wait3A_141 = tpu.memref_slice %arg2[%dma_wait3A_139, %dma_wait3A_140] : memref<10000x16xf32, #tpu.memory_space<hbm>> -> memref<10000x16xf32, #tpu.memory_space<hbm>>
      tpu.wait_indirect_dma semaphore(%arg12 : memref<!tpu.dma_semaphore, #tpu.memory_space<semaphore_mem>>) src(%dma_wait3A_141 : memref<10000x16xf32, #tpu.memory_space<hbm>>) dst(%arg8 : memref<128x16xf32, #tpu.memory_space<vmem>>)
      %mul3A_142 = arith.constant 128 : i32
      %mul3A_143 = arith.muli %add3A_135, %mul3A_142 : i32
      %add3A_144 = arith.addi %mul3A_2, %mul3A_143 : i32
      "tpu.region"() ({
        %run_scoped3A = tpu.sem_alloc : memref<!tpu.dma_semaphore, #tpu.memory_space<semaphore_mem>>
        %dma_start3A_174 = arith.constant 0 : i32
        %dma_start3A_175 = tpu.memref_slice %arg4[%add3A_144, %dma_start3A_174] : memref<102400x16xf32, #tpu.memory_space<hbm>> -> memref<128x16xf32, #tpu.memory_space<hbm>>
        %dma_start3A_176 = arith.constant 0 : i32
        %dma_start3A_177 = tpu.memref_slice %arg4[%add3A_144, %dma_start3A_176] : memref<102400x16xf32, #tpu.memory_space<hbm>> -> memref<128x16xf32, #tpu.memory_space<hbm>>
        tpu.enqueue_dma source(%arg8 : memref<128x16xf32, #tpu.memory_space<vmem>>) target(%dma_start3A_177 : memref<128x16xf32, #tpu.memory_space<hbm>>) target_semaphore(%run_scoped3A : memref<!tpu.dma_semaphore, #tpu.memory_space<semaphore_mem>>)
        %dma_wait3A_178 = arith.constant 0 : i32
        %dma_wait3A_179 = tpu.memref_slice %arg4[%add3A_144, %dma_wait3A_178] : memref<102400x16xf32, #tpu.memory_space<hbm>> -> memref<128x16xf32, #tpu.memory_space<hbm>>
        %dma_wait3A_180 = arith.constant 0 : i32
        %dma_wait3A_181 = tpu.memref_slice %arg4[%add3A_144, %dma_wait3A_180] : memref<102400x16xf32, #tpu.memory_space<hbm>> -> memref<128x16xf32, #tpu.memory_space<hbm>>
        tpu.wait_dma2 semaphore(%run_scoped3A : memref<!tpu.dma_semaphore, #tpu.memory_space<semaphore_mem>>) src(%arg8 : memref<128x16xf32, #tpu.memory_space<vmem>>) dst(%dma_wait3A_181 : memref<128x16xf32, #tpu.memory_space<hbm>>)
        tpu.yield
      }) : () -> ()
      %add3A_145 = arith.constant 4 : i32
      %add3A_146 = arith.addi %add3A_135, %add3A_145 : i32
      %dma_start3A_147 = arith.constant 0 : i32
      %dma_start3A_148 = tpu.memref_slice %arg5[%add3A_146, %dma_start3A_147] : memref<25x128xi32, #tpu.memory_space<vmem>> -> memref<1x128xi32, #tpu.memory_space<vmem>>
      %dma_start3A_149 = tpu.memref_squeeze %dma_start3A_148 : memref<1x128xi32, #tpu.memory_space<vmem>> -> memref<128xi32, #tpu.memory_space<vmem>>
      %dma_start3A_150 = arith.constant 0 : i32
      %dma_start3A_151 = arith.constant 0 : i32
      %dma_start3A_152 = tpu.memref_slice %arg2[%dma_start3A_150, %dma_start3A_151] : memref<10000x16xf32, #tpu.memory_space<hbm>> -> memref<10000x16xf32, #tpu.memory_space<hbm>>
      tpu.enqueue_indirect_dma source(%dma_start3A_152 : memref<10000x16xf32, #tpu.memory_space<hbm>>) target(%arg8 : memref<128x16xf32, #tpu.memory_space<vmem>>) offsets(%dma_start3A_149 : memref<128xi32, #tpu.memory_space<vmem>>) semaphore(%arg12 : memref<!tpu.dma_semaphore, #tpu.memory_space<semaphore_mem>>)
      %mul3A_153 = arith.constant 4 : i32
      %mul3A_154 = arith.muli %mul3A_153, %add3A_89 : i32
      %add3A_155 = arith.constant 3 : i32
      %add3A_156 = arith.addi %mul3A_154, %add3A_155 : i32
      %dma_wait3A_157 = arith.constant 0 : i32
      %dma_wait3A_158 = tpu.memref_slice %arg5[%add3A_156, %dma_wait3A_157] : memref<25x128xi32, #tpu.memory_space<vmem>> -> memref<1x128xi32, #tpu.memory_space<vmem>>
      %dma_wait3A_159 = tpu.memref_squeeze %dma_wait3A_158 : memref<1x128xi32, #tpu.memory_space<vmem>> -> memref<128xi32, #tpu.memory_space<vmem>>
      %dma_wait3A_160 = arith.constant 0 : i32
      %dma_wait3A_161 = arith.constant 0 : i32
      %dma_wait3A_162 = tpu.memref_slice %arg2[%dma_wait3A_160, %dma_wait3A_161] : memref<10000x16xf32, #tpu.memory_space<hbm>> -> memref<10000x16xf32, #tpu.memory_space<hbm>>
      tpu.wait_indirect_dma semaphore(%arg13 : memref<!tpu.dma_semaphore, #tpu.memory_space<semaphore_mem>>) src(%dma_wait3A_162 : memref<10000x16xf32, #tpu.memory_space<hbm>>) dst(%arg9 : memref<128x16xf32, #tpu.memory_space<vmem>>)
      %mul3A_163 = arith.constant 128 : i32
      %mul3A_164 = arith.muli %add3A_156, %mul3A_163 : i32
      %add3A_165 = arith.addi %mul3A_2, %mul3A_164 : i32
      "tpu.region"() ({
        %run_scoped3A = tpu.sem_alloc : memref<!tpu.dma_semaphore, #tpu.memory_space<semaphore_mem>>
        %dma_start3A_174 = arith.constant 0 : i32
        %dma_start3A_175 = tpu.memref_slice %arg4[%add3A_165, %dma_start3A_174] : memref<102400x16xf32, #tpu.memory_space<hbm>> -> memref<128x16xf32, #tpu.memory_space<hbm>>
        %dma_start3A_176 = arith.constant 0 : i32
        %dma_start3A_177 = tpu.memref_slice %arg4[%add3A_165, %dma_start3A_176] : memref<102400x16xf32, #tpu.memory_space<hbm>> -> memref<128x16xf32, #tpu.memory_space<hbm>>
        tpu.enqueue_dma source(%arg9 : memref<128x16xf32, #tpu.memory_space<vmem>>) target(%dma_start3A_177 : memref<128x16xf32, #tpu.memory_space<hbm>>) target_semaphore(%run_scoped3A : memref<!tpu.dma_semaphore, #tpu.memory_space<semaphore_mem>>)
        %dma_wait3A_178 = arith.constant 0 : i32
        %dma_wait3A_179 = tpu.memref_slice %arg4[%add3A_165, %dma_wait3A_178] : memref<102400x16xf32, #tpu.memory_space<hbm>> -> memref<128x16xf32, #tpu.memory_space<hbm>>
        %dma_wait3A_180 = arith.constant 0 : i32
        %dma_wait3A_181 = tpu.memref_slice %arg4[%add3A_165, %dma_wait3A_180] : memref<102400x16xf32, #tpu.memory_space<hbm>> -> memref<128x16xf32, #tpu.memory_space<hbm>>
        tpu.wait_dma2 semaphore(%run_scoped3A : memref<!tpu.dma_semaphore, #tpu.memory_space<semaphore_mem>>) src(%arg9 : memref<128x16xf32, #tpu.memory_space<vmem>>) dst(%dma_wait3A_181 : memref<128x16xf32, #tpu.memory_space<hbm>>)
        tpu.yield
      }) : () -> ()
      %add3A_166 = arith.constant 4 : i32
      %add3A_167 = arith.addi %add3A_156, %add3A_166 : i32
      %dma_start3A_168 = arith.constant 0 : i32
      %dma_start3A_169 = tpu.memref_slice %arg5[%add3A_167, %dma_start3A_168] : memref<25x128xi32, #tpu.memory_space<vmem>> -> memref<1x128xi32, #tpu.memory_space<vmem>>
      %dma_start3A_170 = tpu.memref_squeeze %dma_start3A_169 : memref<1x128xi32, #tpu.memory_space<vmem>> -> memref<128xi32, #tpu.memory_space<vmem>>
      %dma_start3A_171 = arith.constant 0 : i32
      %dma_start3A_172 = arith.constant 0 : i32
      %dma_start3A_173 = tpu.memref_slice %arg2[%dma_start3A_171, %dma_start3A_172] : memref<10000x16xf32, #tpu.memory_space<hbm>> -> memref<10000x16xf32, #tpu.memory_space<hbm>>
      tpu.enqueue_indirect_dma source(%dma_start3A_173 : memref<10000x16xf32, #tpu.memory_space<hbm>>) target(%arg9 : memref<128x16xf32, #tpu.memory_space<vmem>>) offsets(%dma_start3A_170 : memref<128xi32, #tpu.memory_space<vmem>>) semaphore(%arg13 : memref<!tpu.dma_semaphore, #tpu.memory_space<semaphore_mem>>)
    }
    %scan3A_33 = arith.constant 5 : i32
    %dma_wait3A = arith.constant 20 : i32
    %dma_wait3A_34 = arith.constant 0 : i32
    %dma_wait3A_35 = tpu.memref_slice %arg5[%dma_wait3A, %dma_wait3A_34] : memref<25x128xi32, #tpu.memory_space<vmem>> -> memref<1x128xi32, #tpu.memory_space<vmem>>
    %dma_wait3A_36 = tpu.memref_squeeze %dma_wait3A_35 : memref<1x128xi32, #tpu.memory_space<vmem>> -> memref<128xi32, #tpu.memory_space<vmem>>
    %dma_wait3A_37 = arith.constant 0 : i32
    %dma_wait3A_38 = arith.constant 0 : i32
    %dma_wait3A_39 = tpu.memref_slice %arg2[%dma_wait3A_37, %dma_wait3A_38] : memref<10000x16xf32, #tpu.memory_space<hbm>> -> memref<10000x16xf32, #tpu.memory_space<hbm>>
    tpu.wait_indirect_dma semaphore(%arg10 : memref<!tpu.dma_semaphore, #tpu.memory_space<semaphore_mem>>) src(%dma_wait3A_39 : memref<10000x16xf32, #tpu.memory_space<hbm>>) dst(%arg6 : memref<128x16xf32, #tpu.memory_space<vmem>>)
    %add3A_40 = arith.constant 2560 : i32
    %add3A_41 = arith.addi %mul3A_2, %add3A_40 : i32
    "tpu.region"() ({
      %run_scoped3A = tpu.sem_alloc : memref<!tpu.dma_semaphore, #tpu.memory_space<semaphore_mem>>
      %dma_start3A_85 = arith.constant 0 : i32
      %dma_start3A_86 = tpu.memref_slice %arg4[%add3A_41, %dma_start3A_85] : memref<102400x16xf32, #tpu.memory_space<hbm>> -> memref<128x16xf32, #tpu.memory_space<hbm>>
      %dma_start3A_87 = arith.constant 0 : i32
      %dma_start3A_88 = tpu.memref_slice %arg4[%add3A_41, %dma_start3A_87] : memref<102400x16xf32, #tpu.memory_space<hbm>> -> memref<128x16xf32, #tpu.memory_space<hbm>>
      tpu.enqueue_dma source(%arg6 : memref<128x16xf32, #tpu.memory_space<vmem>>) target(%dma_start3A_88 : memref<128x16xf32, #tpu.memory_space<hbm>>) target_semaphore(%run_scoped3A : memref<!tpu.dma_semaphore, #tpu.memory_space<semaphore_mem>>)
      %dma_wait3A_89 = arith.constant 0 : i32
      %dma_wait3A_90 = tpu.memref_slice %arg4[%add3A_41, %dma_wait3A_89] : memref<102400x16xf32, #tpu.memory_space<hbm>> -> memref<128x16xf32, #tpu.memory_space<hbm>>
      %dma_wait3A_91 = arith.constant 0 : i32
      %dma_wait3A_92 = tpu.memref_slice %arg4[%add3A_41, %dma_wait3A_91] : memref<102400x16xf32, #tpu.memory_space<hbm>> -> memref<128x16xf32, #tpu.memory_space<hbm>>
      tpu.wait_dma2 semaphore(%run_scoped3A : memref<!tpu.dma_semaphore, #tpu.memory_space<semaphore_mem>>) src(%arg6 : memref<128x16xf32, #tpu.memory_space<vmem>>) dst(%dma_wait3A_92 : memref<128x16xf32, #tpu.memory_space<hbm>>)
      tpu.yield
    }) : () -> ()
    %dma_start3A_42 = arith.constant 24 : i32
    %dma_start3A_43 = arith.constant 0 : i32
    %dma_start3A_44 = tpu.memref_slice %arg5[%dma_start3A_42, %dma_start3A_43] : memref<25x128xi32, #tpu.memory_space<vmem>> -> memref<1x128xi32, #tpu.memory_space<vmem>>
    %dma_start3A_45 = tpu.memref_squeeze %dma_start3A_44 : memref<1x128xi32, #tpu.memory_space<vmem>> -> memref<128xi32, #tpu.memory_space<vmem>>
    %dma_start3A_46 = arith.constant 0 : i32
    %dma_start3A_47 = arith.constant 0 : i32
    %dma_start3A_48 = tpu.memref_slice %arg2[%dma_start3A_46, %dma_start3A_47] : memref<10000x16xf32, #tpu.memory_space<hbm>> -> memref<10000x16xf32, #tpu.memory_space<hbm>>
    tpu.enqueue_indirect_dma source(%dma_start3A_48 : memref<10000x16xf32, #tpu.memory_space<hbm>>) target(%arg6 : memref<128x16xf32, #tpu.memory_space<vmem>>) offsets(%dma_start3A_45 : memref<128xi32, #tpu.memory_space<vmem>>) semaphore(%arg10 : memref<!tpu.dma_semaphore, #tpu.memory_space<semaphore_mem>>)
    %dma_wait3A_49 = arith.constant 21 : i32
    %dma_wait3A_50 = arith.constant 0 : i32
    %dma_wait3A_51 = tpu.memref_slice %arg5[%dma_wait3A_49, %dma_wait3A_50] : memref<25x128xi32, #tpu.memory_space<vmem>> -> memref<1x128xi32, #tpu.memory_space<vmem>>
    %dma_wait3A_52 = tpu.memref_squeeze %dma_wait3A_51 : memref<1x128xi32, #tpu.memory_space<vmem>> -> memref<128xi32, #tpu.memory_space<vmem>>
    %dma_wait3A_53 = arith.constant 0 : i32
    %dma_wait3A_54 = arith.constant 0 : i32
    %dma_wait3A_55 = tpu.memref_slice %arg2[%dma_wait3A_53, %dma_wait3A_54] : memref<10000x16xf32, #tpu.memory_space<hbm>> -> memref<10000x16xf32, #tpu.memory_space<hbm>>
    tpu.wait_indirect_dma semaphore(%arg11 : memref<!tpu.dma_semaphore, #tpu.memory_space<semaphore_mem>>) src(%dma_wait3A_55 : memref<10000x16xf32, #tpu.memory_space<hbm>>) dst(%arg7 : memref<128x16xf32, #tpu.memory_space<vmem>>)
    %add3A_56 = arith.constant 2688 : i32
    %add3A_57 = arith.addi %mul3A_2, %add3A_56 : i32
    "tpu.region"() ({
      %run_scoped3A = tpu.sem_alloc : memref<!tpu.dma_semaphore, #tpu.memory_space<semaphore_mem>>
      %dma_start3A_85 = arith.constant 0 : i32
      %dma_start3A_86 = tpu.memref_slice %arg4[%add3A_57, %dma_start3A_85] : memref<102400x16xf32, #tpu.memory_space<hbm>> -> memref<128x16xf32, #tpu.memory_space<hbm>>
      %dma_start3A_87 = arith.constant 0 : i32
      %dma_start3A_88 = tpu.memref_slice %arg4[%add3A_57, %dma_start3A_87] : memref<102400x16xf32, #tpu.memory_space<hbm>> -> memref<128x16xf32, #tpu.memory_space<hbm>>
      tpu.enqueue_dma source(%arg7 : memref<128x16xf32, #tpu.memory_space<vmem>>) target(%dma_start3A_88 : memref<128x16xf32, #tpu.memory_space<hbm>>) target_semaphore(%run_scoped3A : memref<!tpu.dma_semaphore, #tpu.memory_space<semaphore_mem>>)
      %dma_wait3A_89 = arith.constant 0 : i32
      %dma_wait3A_90 = tpu.memref_slice %arg4[%add3A_57, %dma_wait3A_89] : memref<102400x16xf32, #tpu.memory_space<hbm>> -> memref<128x16xf32, #tpu.memory_space<hbm>>
      %dma_wait3A_91 = arith.constant 0 : i32
      %dma_wait3A_92 = tpu.memref_slice %arg4[%add3A_57, %dma_wait3A_91] : memref<102400x16xf32, #tpu.memory_space<hbm>> -> memref<128x16xf32, #tpu.memory_space<hbm>>
      tpu.wait_dma2 semaphore(%run_scoped3A : memref<!tpu.dma_semaphore, #tpu.memory_space<semaphore_mem>>) src(%arg7 : memref<128x16xf32, #tpu.memory_space<vmem>>) dst(%dma_wait3A_92 : memref<128x16xf32, #tpu.memory_space<hbm>>)
      tpu.yield
    }) : () -> ()
    %dma_wait3A_58 = arith.constant 22 : i32
    %dma_wait3A_59 = arith.constant 0 : i32
    %dma_wait3A_60 = tpu.memref_slice %arg5[%dma_wait3A_58, %dma_wait3A_59] : memref<25x128xi32, #tpu.memory_space<vmem>> -> memref<1x128xi32, #tpu.memory_space<vmem>>
    %dma_wait3A_61 = tpu.memref_squeeze %dma_wait3A_60 : memref<1x128xi32, #tpu.memory_space<vmem>> -> memref<128xi32, #tpu.memory_space<vmem>>
    %dma_wait3A_62 = arith.constant 0 : i32
    %dma_wait3A_63 = arith.constant 0 : i32
    %dma_wait3A_64 = tpu.memref_slice %arg2[%dma_wait3A_62, %dma_wait3A_63] : memref<10000x16xf32, #tpu.memory_space<hbm>> -> memref<10000x16xf32, #tpu.memory_space<hbm>>
    tpu.wait_indirect_dma semaphore(%arg12 : memref<!tpu.dma_semaphore, #tpu.memory_space<semaphore_mem>>) src(%dma_wait3A_64 : memref<10000x16xf32, #tpu.memory_space<hbm>>) dst(%arg8 : memref<128x16xf32, #tpu.memory_space<vmem>>)
    %add3A_65 = arith.constant 2816 : i32
    %add3A_66 = arith.addi %mul3A_2, %add3A_65 : i32
    "tpu.region"() ({
      %run_scoped3A = tpu.sem_alloc : memref<!tpu.dma_semaphore, #tpu.memory_space<semaphore_mem>>
      %dma_start3A_85 = arith.constant 0 : i32
      %dma_start3A_86 = tpu.memref_slice %arg4[%add3A_66, %dma_start3A_85] : memref<102400x16xf32, #tpu.memory_space<hbm>> -> memref<128x16xf32, #tpu.memory_space<hbm>>
      %dma_start3A_87 = arith.constant 0 : i32
      %dma_start3A_88 = tpu.memref_slice %arg4[%add3A_66, %dma_start3A_87] : memref<102400x16xf32, #tpu.memory_space<hbm>> -> memref<128x16xf32, #tpu.memory_space<hbm>>
      tpu.enqueue_dma source(%arg8 : memref<128x16xf32, #tpu.memory_space<vmem>>) target(%dma_start3A_88 : memref<128x16xf32, #tpu.memory_space<hbm>>) target_semaphore(%run_scoped3A : memref<!tpu.dma_semaphore, #tpu.memory_space<semaphore_mem>>)
      %dma_wait3A_89 = arith.constant 0 : i32
      %dma_wait3A_90 = tpu.memref_slice %arg4[%add3A_66, %dma_wait3A_89] : memref<102400x16xf32, #tpu.memory_space<hbm>> -> memref<128x16xf32, #tpu.memory_space<hbm>>
      %dma_wait3A_91 = arith.constant 0 : i32
      %dma_wait3A_92 = tpu.memref_slice %arg4[%add3A_66, %dma_wait3A_91] : memref<102400x16xf32, #tpu.memory_space<hbm>> -> memref<128x16xf32, #tpu.memory_space<hbm>>
      tpu.wait_dma2 semaphore(%run_scoped3A : memref<!tpu.dma_semaphore, #tpu.memory_space<semaphore_mem>>) src(%arg8 : memref<128x16xf32, #tpu.memory_space<vmem>>) dst(%dma_wait3A_92 : memref<128x16xf32, #tpu.memory_space<hbm>>)
      tpu.yield
    }) : () -> ()
    %dma_wait3A_67 = arith.constant 23 : i32
    %dma_wait3A_68 = arith.constant 0 : i32
    %dma_wait3A_69 = tpu.memref_slice %arg5[%dma_wait3A_67, %dma_wait3A_68] : memref<25x128xi32, #tpu.memory_space<vmem>> -> memref<1x128xi32, #tpu.memory_space<vmem>>
    %dma_wait3A_70 = tpu.memref_squeeze %dma_wait3A_69 : memref<1x128xi32, #tpu.memory_space<vmem>> -> memref<128xi32, #tpu.memory_space<vmem>>
    %dma_wait3A_71 = arith.constant 0 : i32
    %dma_wait3A_72 = arith.constant 0 : i32
    %dma_wait3A_73 = tpu.memref_slice %arg2[%dma_wait3A_71, %dma_wait3A_72] : memref<10000x16xf32, #tpu.memory_space<hbm>> -> memref<10000x16xf32, #tpu.memory_space<hbm>>
    tpu.wait_indirect_dma semaphore(%arg13 : memref<!tpu.dma_semaphore, #tpu.memory_space<semaphore_mem>>) src(%dma_wait3A_73 : memref<10000x16xf32, #tpu.memory_space<hbm>>) dst(%arg9 : memref<128x16xf32, #tpu.memory_space<vmem>>)
    %add3A_74 = arith.constant 2944 : i32
    %add3A_75 = arith.addi %mul3A_2, %add3A_74 : i32
    "tpu.region"() ({
      %run_scoped3A = tpu.sem_alloc : memref<!tpu.dma_semaphore, #tpu.memory_space<semaphore_mem>>
      %dma_start3A_85 = arith.constant 0 : i32
      %dma_start3A_86 = tpu.memref_slice %arg4[%add3A_75, %dma_start3A_85] : memref<102400x16xf32, #tpu.memory_space<hbm>> -> memref<128x16xf32, #tpu.memory_space<hbm>>
      %dma_start3A_87 = arith.constant 0 : i32
      %dma_start3A_88 = tpu.memref_slice %arg4[%add3A_75, %dma_start3A_87] : memref<102400x16xf32, #tpu.memory_space<hbm>> -> memref<128x16xf32, #tpu.memory_space<hbm>>
      tpu.enqueue_dma source(%arg9 : memref<128x16xf32, #tpu.memory_space<vmem>>) target(%dma_start3A_88 : memref<128x16xf32, #tpu.memory_space<hbm>>) target_semaphore(%run_scoped3A : memref<!tpu.dma_semaphore, #tpu.memory_space<semaphore_mem>>)
      %dma_wait3A_89 = arith.constant 0 : i32
      %dma_wait3A_90 = tpu.memref_slice %arg4[%add3A_75, %dma_wait3A_89] : memref<102400x16xf32, #tpu.memory_space<hbm>> -> memref<128x16xf32, #tpu.memory_space<hbm>>
      %dma_wait3A_91 = arith.constant 0 : i32
      %dma_wait3A_92 = tpu.memref_slice %arg4[%add3A_75, %dma_wait3A_91] : memref<102400x16xf32, #tpu.memory_space<hbm>> -> memref<128x16xf32, #tpu.memory_space<hbm>>
      tpu.wait_dma2 semaphore(%run_scoped3A : memref<!tpu.dma_semaphore, #tpu.memory_space<semaphore_mem>>) src(%arg9 : memref<128x16xf32, #tpu.memory_space<vmem>>) dst(%dma_wait3A_92 : memref<128x16xf32, #tpu.memory_space<hbm>>)
      tpu.yield
    }) : () -> ()
    %dma_wait3A_76 = arith.constant 24 : i32
    %dma_wait3A_77 = arith.constant 0 : i32
    %dma_wait3A_78 = tpu.memref_slice %arg5[%dma_wait3A_76, %dma_wait3A_77] : memref<25x128xi32, #tpu.memory_space<vmem>> -> memref<1x128xi32, #tpu.memory_space<vmem>>
    %dma_wait3A_79 = tpu.memref_squeeze %dma_wait3A_78 : memref<1x128xi32, #tpu.memory_space<vmem>> -> memref<128xi32, #tpu.memory_space<vmem>>
    %dma_wait3A_80 = arith.constant 0 : i32
    %dma_wait3A_81 = arith.constant 0 : i32
    %dma_wait3A_82 = tpu.memref_slice %arg2[%dma_wait3A_80, %dma_wait3A_81] : memref<10000x16xf32, #tpu.memory_space<hbm>> -> memref<10000x16xf32, #tpu.memory_space<hbm>>
    tpu.wait_indirect_dma semaphore(%arg10 : memref<!tpu.dma_semaphore, #tpu.memory_space<semaphore_mem>>) src(%dma_wait3A_82 : memref<10000x16xf32, #tpu.memory_space<hbm>>) dst(%arg6 : memref<128x16xf32, #tpu.memory_space<vmem>>)
    %add3A_83 = arith.constant 3072 : i32
    %add3A_84 = arith.addi %mul3A_2, %add3A_83 : i32
    "tpu.region"() ({
      %run_scoped3A = tpu.sem_alloc : memref<!tpu.dma_semaphore, #tpu.memory_space<semaphore_mem>>
      %dma_start3A_85 = arith.constant 0 : i32
      %dma_start3A_86 = tpu.memref_slice %arg4[%add3A_84, %dma_start3A_85] : memref<102400x16xf32, #tpu.memory_space<hbm>> -> memref<128x16xf32, #tpu.memory_space<hbm>>
      %dma_start3A_87 = arith.constant 0 : i32
      %dma_start3A_88 = tpu.memref_slice %arg4[%add3A_84, %dma_start3A_87] : memref<102400x16xf32, #tpu.memory_space<hbm>> -> memref<128x16xf32, #tpu.memory_space<hbm>>
      tpu.enqueue_dma source(%arg6 : memref<128x16xf32, #tpu.memory_space<vmem>>) target(%dma_start3A_88 : memref<128x16xf32, #tpu.memory_space<hbm>>) target_semaphore(%run_scoped3A : memref<!tpu.dma_semaphore, #tpu.memory_space<semaphore_mem>>)
      %dma_wait3A_89 = arith.constant 0 : i32
      %dma_wait3A_90 = tpu.memref_slice %arg4[%add3A_84, %dma_wait3A_89] : memref<102400x16xf32, #tpu.memory_space<hbm>> -> memref<128x16xf32, #tpu.memory_space<hbm>>
      %dma_wait3A_91 = arith.constant 0 : i32
      %dma_wait3A_92 = tpu.memref_slice %arg4[%add3A_84, %dma_wait3A_91] : memref<102400x16xf32, #tpu.memory_space<hbm>> -> memref<128x16xf32, #tpu.memory_space<hbm>>
      tpu.wait_dma2 semaphore(%run_scoped3A : memref<!tpu.dma_semaphore, #tpu.memory_space<semaphore_mem>>) src(%arg6 : memref<128x16xf32, #tpu.memory_space<vmem>>) dst(%dma_wait3A_92 : memref<128x16xf32, #tpu.memory_space<hbm>>)
      tpu.yield
    }) : () -> ()
    return
  }
}

#map = affine_map<(d0, d1) -> (0, 0)>
#map1 = affine_map<(d0, d1) -> (0, 0, 0)>
module attributes {stable_mosaic.version = 14 : i64} {
  func.func @k(%arg0: i32, %arg1: i32, %arg2: memref<10000x64xf32, #tpu.memory_space<hbm>>, %arg3: memref<32x25x128xi32, #tpu.memory_space<hbm>>, %arg4: memref<102400x64xf32, #tpu.memory_space<hbm>>, %arg5: memref<25x128xi32, #tpu.memory_space<vmem>>, %arg6: memref<128x64xf32, #tpu.memory_space<vmem>>, %arg7: memref<128x64xf32, #tpu.memory_space<vmem>>, %arg8: memref<128x64xf32, #tpu.memory_space<vmem>>, %arg9: memref<128x64xf32, #tpu.memory_space<vmem>>, %arg10: memref<!tpu.dma_semaphore, #tpu.memory_space<semaphore_mem>>, %arg11: memref<!tpu.dma_semaphore, #tpu.memory_space<semaphore_mem>>, %arg12: memref<!tpu.dma_semaphore, #tpu.memory_space<semaphore_mem>>, %arg13: memref<!tpu.dma_semaphore, #tpu.memory_space<semaphore_mem>>) attributes {dimension_semantics = [#tpu.dimension_semantics<core_parallel>, #tpu.dimension_semantics<subcore_parallel>], iteration_bounds = array<i64: 2, 16>, scalar_prefetch = 0 : i64, scratch_operands = 9 : i64, tpu.core_type = #tpu.core_type<sc_vector_subcore>, window_params = [{transform_indices = #map}, {transform_indices = #map1}, {transform_indices = #map}]} {
    %mul3A = arith.constant 2 : i32
    %mul3A_0 = arith.muli %arg1, %mul3A : i32
    %add3A = arith.addi %mul3A_0, %arg0 : i32
    %mul3A_1 = arith.constant 3200 : i32
    %mul3A_2 = arith.muli %add3A, %mul3A_1 : i32
    "tpu.region"() ({
      %run_scoped3A = tpu.sem_alloc : memref<!tpu.dma_semaphore, #tpu.memory_space<semaphore_mem>>
      %dma_start3A_85 = arith.constant 0 : i32
      %dma_start3A_86 = arith.constant 0 : i32
      %dma_start3A_87 = tpu.memref_slice %arg3[%add3A, %dma_start3A_85, %dma_start3A_86] : memref<32x25x128xi32, #tpu.memory_space<hbm>> -> memref<1x25x128xi32, #tpu.memory_space<hbm>>
      %dma_start3A_88 = tpu.memref_squeeze %dma_start3A_87 : memref<1x25x128xi32, #tpu.memory_space<hbm>> -> memref<25x128xi32, #tpu.memory_space<hbm>>
      %dma_start3A_89 = arith.constant 0 : i32
      %dma_start3A_90 = arith.constant 0 : i32
      %dma_start3A_91 = tpu.memref_slice %arg3[%add3A, %dma_start3A_89, %dma_start3A_90] : memref<32x25x128xi32, #tpu.memory_space<hbm>> -> memref<1x25x128xi32, #tpu.memory_space<hbm>>
      %dma_start3A_92 = tpu.memref_squeeze %dma_start3A_91 : memref<1x25x128xi32, #tpu.memory_space<hbm>> -> memref<25x128xi32, #tpu.memory_space<hbm>>
      tpu.enqueue_dma source(%dma_start3A_92 : memref<25x128xi32, #tpu.memory_space<hbm>>) target(%arg5 : memref<25x128xi32, #tpu.memory_space<vmem>>) target_semaphore(%run_scoped3A : memref<!tpu.dma_semaphore, #tpu.memory_space<semaphore_mem>>)
      %dma_wait3A_93 = arith.constant 0 : i32
      %dma_wait3A_94 = arith.constant 0 : i32
      %dma_wait3A_95 = tpu.memref_slice %arg3[%add3A, %dma_wait3A_93, %dma_wait3A_94] : memref<32x25x128xi32, #tpu.memory_space<hbm>> -> memref<1x25x128xi32, #tpu.memory_space<hbm>>
      %dma_wait3A_96 = tpu.memref_squeeze %dma_wait3A_95 : memref<1x25x128xi32, #tpu.memory_space<hbm>> -> memref<25x128xi32, #tpu.memory_space<hbm>>
      %dma_wait3A_97 = arith.constant 0 : i32
      %dma_wait3A_98 = arith.constant 0 : i32
      %dma_wait3A_99 = tpu.memref_slice %arg3[%add3A, %dma_wait3A_97, %dma_wait3A_98] : memref<32x25x128xi32, #tpu.memory_space<hbm>> -> memref<1x25x128xi32, #tpu.memory_space<hbm>>
      %dma_wait3A_100 = tpu.memref_squeeze %dma_wait3A_99 : memref<1x25x128xi32, #tpu.memory_space<hbm>> -> memref<25x128xi32, #tpu.memory_space<hbm>>
      tpu.wait_dma2 semaphore(%run_scoped3A : memref<!tpu.dma_semaphore, #tpu.memory_space<semaphore_mem>>) src(%dma_wait3A_100 : memref<25x128xi32, #tpu.memory_space<hbm>>) dst(%arg5 : memref<25x128xi32, #tpu.memory_space<vmem>>)
      tpu.yield
    }) : () -> ()
    %dma_start3A = arith.constant 0 : i32
    %dma_start3A_3 = arith.constant 0 : i32
    %dma_start3A_4 = tpu.memref_slice %arg5[%dma_start3A, %dma_start3A_3] : memref<25x128xi32, #tpu.memory_space<vmem>> -> memref<1x128xi32, #tpu.memory_space<vmem>>
    %dma_start3A_5 = tpu.memref_squeeze %dma_start3A_4 : memref<1x128xi32, #tpu.memory_space<vmem>> -> memref<128xi32, #tpu.memory_space<vmem>>
    %dma_start3A_6 = arith.constant 0 : i32
    %dma_start3A_7 = arith.constant 0 : i32
    %dma_start3A_8 = tpu.memref_slice %arg2[%dma_start3A_6, %dma_start3A_7] : memref<10000x64xf32, #tpu.memory_space<hbm>> -> memref<10000x64xf32, #tpu.memory_space<hbm>>
    tpu.enqueue_indirect_dma source(%dma_start3A_8 : memref<10000x64xf32, #tpu.memory_space<hbm>>) target(%arg6 : memref<128x64xf32, #tpu.memory_space<vmem>>) offsets(%dma_start3A_5 : memref<128xi32, #tpu.memory_space<vmem>>) semaphore(%arg10 : memref<!tpu.dma_semaphore, #tpu.memory_space<semaphore_mem>>)
    %dma_start3A_9 = arith.constant 1 : i32
    %dma_start3A_10 = arith.constant 0 : i32
    %dma_start3A_11 = tpu.memref_slice %arg5[%dma_start3A_9, %dma_start3A_10] : memref<25x128xi32, #tpu.memory_space<vmem>> -> memref<1x128xi32, #tpu.memory_space<vmem>>
    %dma_start3A_12 = tpu.memref_squeeze %dma_start3A_11 : memref<1x128xi32, #tpu.memory_space<vmem>> -> memref<128xi32, #tpu.memory_space<vmem>>
    %dma_start3A_13 = arith.constant 0 : i32
    %dma_start3A_14 = arith.constant 0 : i32
    %dma_start3A_15 = tpu.memref_slice %arg2[%dma_start3A_13, %dma_start3A_14] : memref<10000x64xf32, #tpu.memory_space<hbm>> -> memref<10000x64xf32, #tpu.memory_space<hbm>>
    tpu.enqueue_indirect_dma source(%dma_start3A_15 : memref<10000x64xf32, #tpu.memory_space<hbm>>) target(%arg7 : memref<128x64xf32, #tpu.memory_space<vmem>>) offsets(%dma_start3A_12 : memref<128xi32, #tpu.memory_space<vmem>>) semaphore(%arg11 : memref<!tpu.dma_semaphore, #tpu.memory_space<semaphore_mem>>)
    %dma_start3A_16 = arith.constant 2 : i32
    %dma_start3A_17 = arith.constant 0 : i32
    %dma_start3A_18 = tpu.memref_slice %arg5[%dma_start3A_16, %dma_start3A_17] : memref<25x128xi32, #tpu.memory_space<vmem>> -> memref<1x128xi32, #tpu.memory_space<vmem>>
    %dma_start3A_19 = tpu.memref_squeeze %dma_start3A_18 : memref<1x128xi32, #tpu.memory_space<vmem>> -> memref<128xi32, #tpu.memory_space<vmem>>
    %dma_start3A_20 = arith.constant 0 : i32
    %dma_start3A_21 = arith.constant 0 : i32
    %dma_start3A_22 = tpu.memref_slice %arg2[%dma_start3A_20, %dma_start3A_21] : memref<10000x64xf32, #tpu.memory_space<hbm>> -> memref<10000x64xf32, #tpu.memory_space<hbm>>
    tpu.enqueue_indirect_dma source(%dma_start3A_22 : memref<10000x64xf32, #tpu.memory_space<hbm>>) target(%arg8 : memref<128x64xf32, #tpu.memory_space<vmem>>) offsets(%dma_start3A_19 : memref<128xi32, #tpu.memory_space<vmem>>) semaphore(%arg12 : memref<!tpu.dma_semaphore, #tpu.memory_space<semaphore_mem>>)
    %dma_start3A_23 = arith.constant 3 : i32
    %dma_start3A_24 = arith.constant 0 : i32
    %dma_start3A_25 = tpu.memref_slice %arg5[%dma_start3A_23, %dma_start3A_24] : memref<25x128xi32, #tpu.memory_space<vmem>> -> memref<1x128xi32, #tpu.memory_space<vmem>>
    %dma_start3A_26 = tpu.memref_squeeze %dma_start3A_25 : memref<1x128xi32, #tpu.memory_space<vmem>> -> memref<128xi32, #tpu.memory_space<vmem>>
    %dma_start3A_27 = arith.constant 0 : i32
    %dma_start3A_28 = arith.constant 0 : i32
    %dma_start3A_29 = tpu.memref_slice %arg2[%dma_start3A_27, %dma_start3A_28] : memref<10000x64xf32, #tpu.memory_space<hbm>> -> memref<10000x64xf32, #tpu.memory_space<hbm>>
    tpu.enqueue_indirect_dma source(%dma_start3A_29 : memref<10000x64xf32, #tpu.memory_space<hbm>>) target(%arg9 : memref<128x64xf32, #tpu.memory_space<vmem>>) offsets(%dma_start3A_26 : memref<128xi32, #tpu.memory_space<vmem>>) semaphore(%arg13 : memref<!tpu.dma_semaphore, #tpu.memory_space<semaphore_mem>>)
    %scan3A = arith.constant 0 : i32
    %scan3A_30 = arith.constant 5 : i32
    %scan3A_31 = arith.addi %scan3A, %scan3A_30 : i32
    %scan3A_32 = arith.constant 1 : i32
    scf.for %scan3A_85 = %scan3A to %scan3A_31 step %scan3A_32  : i32 {
      %mul3A_86 = arith.constant 1 : i32
      %mul3A_87 = arith.muli %scan3A_85, %mul3A_86 : i32
      %add3A_88 = arith.constant 0 : i32
      %add3A_89 = arith.addi %add3A_88, %mul3A_87 : i32
      %mul3A_90 = arith.constant 4 : i32
      %mul3A_91 = arith.muli %mul3A_90, %add3A_89 : i32
      %add3A_92 = arith.constant 0 : i32
      %add3A_93 = arith.addi %mul3A_91, %add3A_92 : i32
      %dma_wait3A_94 = arith.constant 0 : i32
      %dma_wait3A_95 = tpu.memref_slice %arg5[%add3A_93, %dma_wait3A_94] : memref<25x128xi32, #tpu.memory_space<vmem>> -> memref<1x128xi32, #tpu.memory_space<vmem>>
      %dma_wait3A_96 = tpu.memref_squeeze %dma_wait3A_95 : memref<1x128xi32, #tpu.memory_space<vmem>> -> memref<128xi32, #tpu.memory_space<vmem>>
      %dma_wait3A_97 = arith.constant 0 : i32
      %dma_wait3A_98 = arith.constant 0 : i32
      %dma_wait3A_99 = tpu.memref_slice %arg2[%dma_wait3A_97, %dma_wait3A_98] : memref<10000x64xf32, #tpu.memory_space<hbm>> -> memref<10000x64xf32, #tpu.memory_space<hbm>>
      tpu.wait_indirect_dma semaphore(%arg10 : memref<!tpu.dma_semaphore, #tpu.memory_space<semaphore_mem>>) src(%dma_wait3A_99 : memref<10000x64xf32, #tpu.memory_space<hbm>>) dst(%arg6 : memref<128x64xf32, #tpu.memory_space<vmem>>)
      %mul3A_100 = arith.constant 128 : i32
      %mul3A_101 = arith.muli %add3A_93, %mul3A_100 : i32
      %add3A_102 = arith.addi %mul3A_2, %mul3A_101 : i32
      "tpu.region"() ({
        %run_scoped3A = tpu.sem_alloc : memref<!tpu.dma_semaphore, #tpu.memory_space<semaphore_mem>>
        %dma_start3A_174 = arith.constant 0 : i32
        %dma_start3A_175 = tpu.memref_slice %arg4[%add3A_102, %dma_start3A_174] : memref<102400x64xf32, #tpu.memory_space<hbm>> -> memref<128x64xf32, #tpu.memory_space<hbm>>
        %dma_start3A_176 = arith.constant 0 : i32
        %dma_start3A_177 = tpu.memref_slice %arg4[%add3A_102, %dma_start3A_176] : memref<102400x64xf32, #tpu.memory_space<hbm>> -> memref<128x64xf32, #tpu.memory_space<hbm>>
        tpu.enqueue_dma source(%arg6 : memref<128x64xf32, #tpu.memory_space<vmem>>) target(%dma_start3A_177 : memref<128x64xf32, #tpu.memory_space<hbm>>) target_semaphore(%run_scoped3A : memref<!tpu.dma_semaphore, #tpu.memory_space<semaphore_mem>>)
        %dma_wait3A_178 = arith.constant 0 : i32
        %dma_wait3A_179 = tpu.memref_slice %arg4[%add3A_102, %dma_wait3A_178] : memref<102400x64xf32, #tpu.memory_space<hbm>> -> memref<128x64xf32, #tpu.memory_space<hbm>>
        %dma_wait3A_180 = arith.constant 0 : i32
        %dma_wait3A_181 = tpu.memref_slice %arg4[%add3A_102, %dma_wait3A_180] : memref<102400x64xf32, #tpu.memory_space<hbm>> -> memref<128x64xf32, #tpu.memory_space<hbm>>
        tpu.wait_dma2 semaphore(%run_scoped3A : memref<!tpu.dma_semaphore, #tpu.memory_space<semaphore_mem>>) src(%arg6 : memref<128x64xf32, #tpu.memory_space<vmem>>) dst(%dma_wait3A_181 : memref<128x64xf32, #tpu.memory_space<hbm>>)
        tpu.yield
      }) : () -> ()
      %add3A_103 = arith.constant 4 : i32
      %add3A_104 = arith.addi %add3A_93, %add3A_103 : i32
      %dma_start3A_105 = arith.constant 0 : i32
      %dma_start3A_106 = tpu.memref_slice %arg5[%add3A_104, %dma_start3A_105] : memref<25x128xi32, #tpu.memory_space<vmem>> -> memref<1x128xi32, #tpu.memory_space<vmem>>
      %dma_start3A_107 = tpu.memref_squeeze %dma_start3A_106 : memref<1x128xi32, #tpu.memory_space<vmem>> -> memref<128xi32, #tpu.memory_space<vmem>>
      %dma_start3A_108 = arith.constant 0 : i32
      %dma_start3A_109 = arith.constant 0 : i32
      %dma_start3A_110 = tpu.memref_slice %arg2[%dma_start3A_108, %dma_start3A_109] : memref<10000x64xf32, #tpu.memory_space<hbm>> -> memref<10000x64xf32, #tpu.memory_space<hbm>>
      tpu.enqueue_indirect_dma source(%dma_start3A_110 : memref<10000x64xf32, #tpu.memory_space<hbm>>) target(%arg6 : memref<128x64xf32, #tpu.memory_space<vmem>>) offsets(%dma_start3A_107 : memref<128xi32, #tpu.memory_space<vmem>>) semaphore(%arg10 : memref<!tpu.dma_semaphore, #tpu.memory_space<semaphore_mem>>)
      %mul3A_111 = arith.constant 4 : i32
      %mul3A_112 = arith.muli %mul3A_111, %add3A_89 : i32
      %add3A_113 = arith.constant 1 : i32
      %add3A_114 = arith.addi %mul3A_112, %add3A_113 : i32
      %dma_wait3A_115 = arith.constant 0 : i32
      %dma_wait3A_116 = tpu.memref_slice %arg5[%add3A_114, %dma_wait3A_115] : memref<25x128xi32, #tpu.memory_space<vmem>> -> memref<1x128xi32, #tpu.memory_space<vmem>>
      %dma_wait3A_117 = tpu.memref_squeeze %dma_wait3A_116 : memref<1x128xi32, #tpu.memory_space<vmem>> -> memref<128xi32, #tpu.memory_space<vmem>>
      %dma_wait3A_118 = arith.constant 0 : i32
      %dma_wait3A_119 = arith.constant 0 : i32
      %dma_wait3A_120 = tpu.memref_slice %arg2[%dma_wait3A_118, %dma_wait3A_119] : memref<10000x64xf32, #tpu.memory_space<hbm>> -> memref<10000x64xf32, #tpu.memory_space<hbm>>
      tpu.wait_indirect_dma semaphore(%arg11 : memref<!tpu.dma_semaphore, #tpu.memory_space<semaphore_mem>>) src(%dma_wait3A_120 : memref<10000x64xf32, #tpu.memory_space<hbm>>) dst(%arg7 : memref<128x64xf32, #tpu.memory_space<vmem>>)
      %mul3A_121 = arith.constant 128 : i32
      %mul3A_122 = arith.muli %add3A_114, %mul3A_121 : i32
      %add3A_123 = arith.addi %mul3A_2, %mul3A_122 : i32
      "tpu.region"() ({
        %run_scoped3A = tpu.sem_alloc : memref<!tpu.dma_semaphore, #tpu.memory_space<semaphore_mem>>
        %dma_start3A_174 = arith.constant 0 : i32
        %dma_start3A_175 = tpu.memref_slice %arg4[%add3A_123, %dma_start3A_174] : memref<102400x64xf32, #tpu.memory_space<hbm>> -> memref<128x64xf32, #tpu.memory_space<hbm>>
        %dma_start3A_176 = arith.constant 0 : i32
        %dma_start3A_177 = tpu.memref_slice %arg4[%add3A_123, %dma_start3A_176] : memref<102400x64xf32, #tpu.memory_space<hbm>> -> memref<128x64xf32, #tpu.memory_space<hbm>>
        tpu.enqueue_dma source(%arg7 : memref<128x64xf32, #tpu.memory_space<vmem>>) target(%dma_start3A_177 : memref<128x64xf32, #tpu.memory_space<hbm>>) target_semaphore(%run_scoped3A : memref<!tpu.dma_semaphore, #tpu.memory_space<semaphore_mem>>)
        %dma_wait3A_178 = arith.constant 0 : i32
        %dma_wait3A_179 = tpu.memref_slice %arg4[%add3A_123, %dma_wait3A_178] : memref<102400x64xf32, #tpu.memory_space<hbm>> -> memref<128x64xf32, #tpu.memory_space<hbm>>
        %dma_wait3A_180 = arith.constant 0 : i32
        %dma_wait3A_181 = tpu.memref_slice %arg4[%add3A_123, %dma_wait3A_180] : memref<102400x64xf32, #tpu.memory_space<hbm>> -> memref<128x64xf32, #tpu.memory_space<hbm>>
        tpu.wait_dma2 semaphore(%run_scoped3A : memref<!tpu.dma_semaphore, #tpu.memory_space<semaphore_mem>>) src(%arg7 : memref<128x64xf32, #tpu.memory_space<vmem>>) dst(%dma_wait3A_181 : memref<128x64xf32, #tpu.memory_space<hbm>>)
        tpu.yield
      }) : () -> ()
      %add3A_124 = arith.constant 4 : i32
      %add3A_125 = arith.addi %add3A_114, %add3A_124 : i32
      %dma_start3A_126 = arith.constant 0 : i32
      %dma_start3A_127 = tpu.memref_slice %arg5[%add3A_125, %dma_start3A_126] : memref<25x128xi32, #tpu.memory_space<vmem>> -> memref<1x128xi32, #tpu.memory_space<vmem>>
      %dma_start3A_128 = tpu.memref_squeeze %dma_start3A_127 : memref<1x128xi32, #tpu.memory_space<vmem>> -> memref<128xi32, #tpu.memory_space<vmem>>
      %dma_start3A_129 = arith.constant 0 : i32
      %dma_start3A_130 = arith.constant 0 : i32
      %dma_start3A_131 = tpu.memref_slice %arg2[%dma_start3A_129, %dma_start3A_130] : memref<10000x64xf32, #tpu.memory_space<hbm>> -> memref<10000x64xf32, #tpu.memory_space<hbm>>
      tpu.enqueue_indirect_dma source(%dma_start3A_131 : memref<10000x64xf32, #tpu.memory_space<hbm>>) target(%arg7 : memref<128x64xf32, #tpu.memory_space<vmem>>) offsets(%dma_start3A_128 : memref<128xi32, #tpu.memory_space<vmem>>) semaphore(%arg11 : memref<!tpu.dma_semaphore, #tpu.memory_space<semaphore_mem>>)
      %mul3A_132 = arith.constant 4 : i32
      %mul3A_133 = arith.muli %mul3A_132, %add3A_89 : i32
      %add3A_134 = arith.constant 2 : i32
      %add3A_135 = arith.addi %mul3A_133, %add3A_134 : i32
      %dma_wait3A_136 = arith.constant 0 : i32
      %dma_wait3A_137 = tpu.memref_slice %arg5[%add3A_135, %dma_wait3A_136] : memref<25x128xi32, #tpu.memory_space<vmem>> -> memref<1x128xi32, #tpu.memory_space<vmem>>
      %dma_wait3A_138 = tpu.memref_squeeze %dma_wait3A_137 : memref<1x128xi32, #tpu.memory_space<vmem>> -> memref<128xi32, #tpu.memory_space<vmem>>
      %dma_wait3A_139 = arith.constant 0 : i32
      %dma_wait3A_140 = arith.constant 0 : i32
      %dma_wait3A_141 = tpu.memref_slice %arg2[%dma_wait3A_139, %dma_wait3A_140] : memref<10000x64xf32, #tpu.memory_space<hbm>> -> memref<10000x64xf32, #tpu.memory_space<hbm>>
      tpu.wait_indirect_dma semaphore(%arg12 : memref<!tpu.dma_semaphore, #tpu.memory_space<semaphore_mem>>) src(%dma_wait3A_141 : memref<10000x64xf32, #tpu.memory_space<hbm>>) dst(%arg8 : memref<128x64xf32, #tpu.memory_space<vmem>>)
      %mul3A_142 = arith.constant 128 : i32
      %mul3A_143 = arith.muli %add3A_135, %mul3A_142 : i32
      %add3A_144 = arith.addi %mul3A_2, %mul3A_143 : i32
      "tpu.region"() ({
        %run_scoped3A = tpu.sem_alloc : memref<!tpu.dma_semaphore, #tpu.memory_space<semaphore_mem>>
        %dma_start3A_174 = arith.constant 0 : i32
        %dma_start3A_175 = tpu.memref_slice %arg4[%add3A_144, %dma_start3A_174] : memref<102400x64xf32, #tpu.memory_space<hbm>> -> memref<128x64xf32, #tpu.memory_space<hbm>>
        %dma_start3A_176 = arith.constant 0 : i32
        %dma_start3A_177 = tpu.memref_slice %arg4[%add3A_144, %dma_start3A_176] : memref<102400x64xf32, #tpu.memory_space<hbm>> -> memref<128x64xf32, #tpu.memory_space<hbm>>
        tpu.enqueue_dma source(%arg8 : memref<128x64xf32, #tpu.memory_space<vmem>>) target(%dma_start3A_177 : memref<128x64xf32, #tpu.memory_space<hbm>>) target_semaphore(%run_scoped3A : memref<!tpu.dma_semaphore, #tpu.memory_space<semaphore_mem>>)
        %dma_wait3A_178 = arith.constant 0 : i32
        %dma_wait3A_179 = tpu.memref_slice %arg4[%add3A_144, %dma_wait3A_178] : memref<102400x64xf32, #tpu.memory_space<hbm>> -> memref<128x64xf32, #tpu.memory_space<hbm>>
        %dma_wait3A_180 = arith.constant 0 : i32
        %dma_wait3A_181 = tpu.memref_slice %arg4[%add3A_144, %dma_wait3A_180] : memref<102400x64xf32, #tpu.memory_space<hbm>> -> memref<128x64xf32, #tpu.memory_space<hbm>>
        tpu.wait_dma2 semaphore(%run_scoped3A : memref<!tpu.dma_semaphore, #tpu.memory_space<semaphore_mem>>) src(%arg8 : memref<128x64xf32, #tpu.memory_space<vmem>>) dst(%dma_wait3A_181 : memref<128x64xf32, #tpu.memory_space<hbm>>)
        tpu.yield
      }) : () -> ()
      %add3A_145 = arith.constant 4 : i32
      %add3A_146 = arith.addi %add3A_135, %add3A_145 : i32
      %dma_start3A_147 = arith.constant 0 : i32
      %dma_start3A_148 = tpu.memref_slice %arg5[%add3A_146, %dma_start3A_147] : memref<25x128xi32, #tpu.memory_space<vmem>> -> memref<1x128xi32, #tpu.memory_space<vmem>>
      %dma_start3A_149 = tpu.memref_squeeze %dma_start3A_148 : memref<1x128xi32, #tpu.memory_space<vmem>> -> memref<128xi32, #tpu.memory_space<vmem>>
      %dma_start3A_150 = arith.constant 0 : i32
      %dma_start3A_151 = arith.constant 0 : i32
      %dma_start3A_152 = tpu.memref_slice %arg2[%dma_start3A_150, %dma_start3A_151] : memref<10000x64xf32, #tpu.memory_space<hbm>> -> memref<10000x64xf32, #tpu.memory_space<hbm>>
      tpu.enqueue_indirect_dma source(%dma_start3A_152 : memref<10000x64xf32, #tpu.memory_space<hbm>>) target(%arg8 : memref<128x64xf32, #tpu.memory_space<vmem>>) offsets(%dma_start3A_149 : memref<128xi32, #tpu.memory_space<vmem>>) semaphore(%arg12 : memref<!tpu.dma_semaphore, #tpu.memory_space<semaphore_mem>>)
      %mul3A_153 = arith.constant 4 : i32
      %mul3A_154 = arith.muli %mul3A_153, %add3A_89 : i32
      %add3A_155 = arith.constant 3 : i32
      %add3A_156 = arith.addi %mul3A_154, %add3A_155 : i32
      %dma_wait3A_157 = arith.constant 0 : i32
      %dma_wait3A_158 = tpu.memref_slice %arg5[%add3A_156, %dma_wait3A_157] : memref<25x128xi32, #tpu.memory_space<vmem>> -> memref<1x128xi32, #tpu.memory_space<vmem>>
      %dma_wait3A_159 = tpu.memref_squeeze %dma_wait3A_158 : memref<1x128xi32, #tpu.memory_space<vmem>> -> memref<128xi32, #tpu.memory_space<vmem>>
      %dma_wait3A_160 = arith.constant 0 : i32
      %dma_wait3A_161 = arith.constant 0 : i32
      %dma_wait3A_162 = tpu.memref_slice %arg2[%dma_wait3A_160, %dma_wait3A_161] : memref<10000x64xf32, #tpu.memory_space<hbm>> -> memref<10000x64xf32, #tpu.memory_space<hbm>>
      tpu.wait_indirect_dma semaphore(%arg13 : memref<!tpu.dma_semaphore, #tpu.memory_space<semaphore_mem>>) src(%dma_wait3A_162 : memref<10000x64xf32, #tpu.memory_space<hbm>>) dst(%arg9 : memref<128x64xf32, #tpu.memory_space<vmem>>)
      %mul3A_163 = arith.constant 128 : i32
      %mul3A_164 = arith.muli %add3A_156, %mul3A_163 : i32
      %add3A_165 = arith.addi %mul3A_2, %mul3A_164 : i32
      "tpu.region"() ({
        %run_scoped3A = tpu.sem_alloc : memref<!tpu.dma_semaphore, #tpu.memory_space<semaphore_mem>>
        %dma_start3A_174 = arith.constant 0 : i32
        %dma_start3A_175 = tpu.memref_slice %arg4[%add3A_165, %dma_start3A_174] : memref<102400x64xf32, #tpu.memory_space<hbm>> -> memref<128x64xf32, #tpu.memory_space<hbm>>
        %dma_start3A_176 = arith.constant 0 : i32
        %dma_start3A_177 = tpu.memref_slice %arg4[%add3A_165, %dma_start3A_176] : memref<102400x64xf32, #tpu.memory_space<hbm>> -> memref<128x64xf32, #tpu.memory_space<hbm>>
        tpu.enqueue_dma source(%arg9 : memref<128x64xf32, #tpu.memory_space<vmem>>) target(%dma_start3A_177 : memref<128x64xf32, #tpu.memory_space<hbm>>) target_semaphore(%run_scoped3A : memref<!tpu.dma_semaphore, #tpu.memory_space<semaphore_mem>>)
        %dma_wait3A_178 = arith.constant 0 : i32
        %dma_wait3A_179 = tpu.memref_slice %arg4[%add3A_165, %dma_wait3A_178] : memref<102400x64xf32, #tpu.memory_space<hbm>> -> memref<128x64xf32, #tpu.memory_space<hbm>>
        %dma_wait3A_180 = arith.constant 0 : i32
        %dma_wait3A_181 = tpu.memref_slice %arg4[%add3A_165, %dma_wait3A_180] : memref<102400x64xf32, #tpu.memory_space<hbm>> -> memref<128x64xf32, #tpu.memory_space<hbm>>
        tpu.wait_dma2 semaphore(%run_scoped3A : memref<!tpu.dma_semaphore, #tpu.memory_space<semaphore_mem>>) src(%arg9 : memref<128x64xf32, #tpu.memory_space<vmem>>) dst(%dma_wait3A_181 : memref<128x64xf32, #tpu.memory_space<hbm>>)
        tpu.yield
      }) : () -> ()
      %add3A_166 = arith.constant 4 : i32
      %add3A_167 = arith.addi %add3A_156, %add3A_166 : i32
      %dma_start3A_168 = arith.constant 0 : i32
      %dma_start3A_169 = tpu.memref_slice %arg5[%add3A_167, %dma_start3A_168] : memref<25x128xi32, #tpu.memory_space<vmem>> -> memref<1x128xi32, #tpu.memory_space<vmem>>
      %dma_start3A_170 = tpu.memref_squeeze %dma_start3A_169 : memref<1x128xi32, #tpu.memory_space<vmem>> -> memref<128xi32, #tpu.memory_space<vmem>>
      %dma_start3A_171 = arith.constant 0 : i32
      %dma_start3A_172 = arith.constant 0 : i32
      %dma_start3A_173 = tpu.memref_slice %arg2[%dma_start3A_171, %dma_start3A_172] : memref<10000x64xf32, #tpu.memory_space<hbm>> -> memref<10000x64xf32, #tpu.memory_space<hbm>>
      tpu.enqueue_indirect_dma source(%dma_start3A_173 : memref<10000x64xf32, #tpu.memory_space<hbm>>) target(%arg9 : memref<128x64xf32, #tpu.memory_space<vmem>>) offsets(%dma_start3A_170 : memref<128xi32, #tpu.memory_space<vmem>>) semaphore(%arg13 : memref<!tpu.dma_semaphore, #tpu.memory_space<semaphore_mem>>)
    }
    %scan3A_33 = arith.constant 5 : i32
    %dma_wait3A = arith.constant 20 : i32
    %dma_wait3A_34 = arith.constant 0 : i32
    %dma_wait3A_35 = tpu.memref_slice %arg5[%dma_wait3A, %dma_wait3A_34] : memref<25x128xi32, #tpu.memory_space<vmem>> -> memref<1x128xi32, #tpu.memory_space<vmem>>
    %dma_wait3A_36 = tpu.memref_squeeze %dma_wait3A_35 : memref<1x128xi32, #tpu.memory_space<vmem>> -> memref<128xi32, #tpu.memory_space<vmem>>
    %dma_wait3A_37 = arith.constant 0 : i32
    %dma_wait3A_38 = arith.constant 0 : i32
    %dma_wait3A_39 = tpu.memref_slice %arg2[%dma_wait3A_37, %dma_wait3A_38] : memref<10000x64xf32, #tpu.memory_space<hbm>> -> memref<10000x64xf32, #tpu.memory_space<hbm>>
    tpu.wait_indirect_dma semaphore(%arg10 : memref<!tpu.dma_semaphore, #tpu.memory_space<semaphore_mem>>) src(%dma_wait3A_39 : memref<10000x64xf32, #tpu.memory_space<hbm>>) dst(%arg6 : memref<128x64xf32, #tpu.memory_space<vmem>>)
    %add3A_40 = arith.constant 2560 : i32
    %add3A_41 = arith.addi %mul3A_2, %add3A_40 : i32
    "tpu.region"() ({
      %run_scoped3A = tpu.sem_alloc : memref<!tpu.dma_semaphore, #tpu.memory_space<semaphore_mem>>
      %dma_start3A_85 = arith.constant 0 : i32
      %dma_start3A_86 = tpu.memref_slice %arg4[%add3A_41, %dma_start3A_85] : memref<102400x64xf32, #tpu.memory_space<hbm>> -> memref<128x64xf32, #tpu.memory_space<hbm>>
      %dma_start3A_87 = arith.constant 0 : i32
      %dma_start3A_88 = tpu.memref_slice %arg4[%add3A_41, %dma_start3A_87] : memref<102400x64xf32, #tpu.memory_space<hbm>> -> memref<128x64xf32, #tpu.memory_space<hbm>>
      tpu.enqueue_dma source(%arg6 : memref<128x64xf32, #tpu.memory_space<vmem>>) target(%dma_start3A_88 : memref<128x64xf32, #tpu.memory_space<hbm>>) target_semaphore(%run_scoped3A : memref<!tpu.dma_semaphore, #tpu.memory_space<semaphore_mem>>)
      %dma_wait3A_89 = arith.constant 0 : i32
      %dma_wait3A_90 = tpu.memref_slice %arg4[%add3A_41, %dma_wait3A_89] : memref<102400x64xf32, #tpu.memory_space<hbm>> -> memref<128x64xf32, #tpu.memory_space<hbm>>
      %dma_wait3A_91 = arith.constant 0 : i32
      %dma_wait3A_92 = tpu.memref_slice %arg4[%add3A_41, %dma_wait3A_91] : memref<102400x64xf32, #tpu.memory_space<hbm>> -> memref<128x64xf32, #tpu.memory_space<hbm>>
      tpu.wait_dma2 semaphore(%run_scoped3A : memref<!tpu.dma_semaphore, #tpu.memory_space<semaphore_mem>>) src(%arg6 : memref<128x64xf32, #tpu.memory_space<vmem>>) dst(%dma_wait3A_92 : memref<128x64xf32, #tpu.memory_space<hbm>>)
      tpu.yield
    }) : () -> ()
    %dma_start3A_42 = arith.constant 24 : i32
    %dma_start3A_43 = arith.constant 0 : i32
    %dma_start3A_44 = tpu.memref_slice %arg5[%dma_start3A_42, %dma_start3A_43] : memref<25x128xi32, #tpu.memory_space<vmem>> -> memref<1x128xi32, #tpu.memory_space<vmem>>
    %dma_start3A_45 = tpu.memref_squeeze %dma_start3A_44 : memref<1x128xi32, #tpu.memory_space<vmem>> -> memref<128xi32, #tpu.memory_space<vmem>>
    %dma_start3A_46 = arith.constant 0 : i32
    %dma_start3A_47 = arith.constant 0 : i32
    %dma_start3A_48 = tpu.memref_slice %arg2[%dma_start3A_46, %dma_start3A_47] : memref<10000x64xf32, #tpu.memory_space<hbm>> -> memref<10000x64xf32, #tpu.memory_space<hbm>>
    tpu.enqueue_indirect_dma source(%dma_start3A_48 : memref<10000x64xf32, #tpu.memory_space<hbm>>) target(%arg6 : memref<128x64xf32, #tpu.memory_space<vmem>>) offsets(%dma_start3A_45 : memref<128xi32, #tpu.memory_space<vmem>>) semaphore(%arg10 : memref<!tpu.dma_semaphore, #tpu.memory_space<semaphore_mem>>)
    %dma_wait3A_49 = arith.constant 21 : i32
    %dma_wait3A_50 = arith.constant 0 : i32
    %dma_wait3A_51 = tpu.memref_slice %arg5[%dma_wait3A_49, %dma_wait3A_50] : memref<25x128xi32, #tpu.memory_space<vmem>> -> memref<1x128xi32, #tpu.memory_space<vmem>>
    %dma_wait3A_52 = tpu.memref_squeeze %dma_wait3A_51 : memref<1x128xi32, #tpu.memory_space<vmem>> -> memref<128xi32, #tpu.memory_space<vmem>>
    %dma_wait3A_53 = arith.constant 0 : i32
    %dma_wait3A_54 = arith.constant 0 : i32
    %dma_wait3A_55 = tpu.memref_slice %arg2[%dma_wait3A_53, %dma_wait3A_54] : memref<10000x64xf32, #tpu.memory_space<hbm>> -> memref<10000x64xf32, #tpu.memory_space<hbm>>
    tpu.wait_indirect_dma semaphore(%arg11 : memref<!tpu.dma_semaphore, #tpu.memory_space<semaphore_mem>>) src(%dma_wait3A_55 : memref<10000x64xf32, #tpu.memory_space<hbm>>) dst(%arg7 : memref<128x64xf32, #tpu.memory_space<vmem>>)
    %add3A_56 = arith.constant 2688 : i32
    %add3A_57 = arith.addi %mul3A_2, %add3A_56 : i32
    "tpu.region"() ({
      %run_scoped3A = tpu.sem_alloc : memref<!tpu.dma_semaphore, #tpu.memory_space<semaphore_mem>>
      %dma_start3A_85 = arith.constant 0 : i32
      %dma_start3A_86 = tpu.memref_slice %arg4[%add3A_57, %dma_start3A_85] : memref<102400x64xf32, #tpu.memory_space<hbm>> -> memref<128x64xf32, #tpu.memory_space<hbm>>
      %dma_start3A_87 = arith.constant 0 : i32
      %dma_start3A_88 = tpu.memref_slice %arg4[%add3A_57, %dma_start3A_87] : memref<102400x64xf32, #tpu.memory_space<hbm>> -> memref<128x64xf32, #tpu.memory_space<hbm>>
      tpu.enqueue_dma source(%arg7 : memref<128x64xf32, #tpu.memory_space<vmem>>) target(%dma_start3A_88 : memref<128x64xf32, #tpu.memory_space<hbm>>) target_semaphore(%run_scoped3A : memref<!tpu.dma_semaphore, #tpu.memory_space<semaphore_mem>>)
      %dma_wait3A_89 = arith.constant 0 : i32
      %dma_wait3A_90 = tpu.memref_slice %arg4[%add3A_57, %dma_wait3A_89] : memref<102400x64xf32, #tpu.memory_space<hbm>> -> memref<128x64xf32, #tpu.memory_space<hbm>>
      %dma_wait3A_91 = arith.constant 0 : i32
      %dma_wait3A_92 = tpu.memref_slice %arg4[%add3A_57, %dma_wait3A_91] : memref<102400x64xf32, #tpu.memory_space<hbm>> -> memref<128x64xf32, #tpu.memory_space<hbm>>
      tpu.wait_dma2 semaphore(%run_scoped3A : memref<!tpu.dma_semaphore, #tpu.memory_space<semaphore_mem>>) src(%arg7 : memref<128x64xf32, #tpu.memory_space<vmem>>) dst(%dma_wait3A_92 : memref<128x64xf32, #tpu.memory_space<hbm>>)
      tpu.yield
    }) : () -> ()
    %dma_wait3A_58 = arith.constant 22 : i32
    %dma_wait3A_59 = arith.constant 0 : i32
    %dma_wait3A_60 = tpu.memref_slice %arg5[%dma_wait3A_58, %dma_wait3A_59] : memref<25x128xi32, #tpu.memory_space<vmem>> -> memref<1x128xi32, #tpu.memory_space<vmem>>
    %dma_wait3A_61 = tpu.memref_squeeze %dma_wait3A_60 : memref<1x128xi32, #tpu.memory_space<vmem>> -> memref<128xi32, #tpu.memory_space<vmem>>
    %dma_wait3A_62 = arith.constant 0 : i32
    %dma_wait3A_63 = arith.constant 0 : i32
    %dma_wait3A_64 = tpu.memref_slice %arg2[%dma_wait3A_62, %dma_wait3A_63] : memref<10000x64xf32, #tpu.memory_space<hbm>> -> memref<10000x64xf32, #tpu.memory_space<hbm>>
    tpu.wait_indirect_dma semaphore(%arg12 : memref<!tpu.dma_semaphore, #tpu.memory_space<semaphore_mem>>) src(%dma_wait3A_64 : memref<10000x64xf32, #tpu.memory_space<hbm>>) dst(%arg8 : memref<128x64xf32, #tpu.memory_space<vmem>>)
    %add3A_65 = arith.constant 2816 : i32
    %add3A_66 = arith.addi %mul3A_2, %add3A_65 : i32
    "tpu.region"() ({
      %run_scoped3A = tpu.sem_alloc : memref<!tpu.dma_semaphore, #tpu.memory_space<semaphore_mem>>
      %dma_start3A_85 = arith.constant 0 : i32
      %dma_start3A_86 = tpu.memref_slice %arg4[%add3A_66, %dma_start3A_85] : memref<102400x64xf32, #tpu.memory_space<hbm>> -> memref<128x64xf32, #tpu.memory_space<hbm>>
      %dma_start3A_87 = arith.constant 0 : i32
      %dma_start3A_88 = tpu.memref_slice %arg4[%add3A_66, %dma_start3A_87] : memref<102400x64xf32, #tpu.memory_space<hbm>> -> memref<128x64xf32, #tpu.memory_space<hbm>>
      tpu.enqueue_dma source(%arg8 : memref<128x64xf32, #tpu.memory_space<vmem>>) target(%dma_start3A_88 : memref<128x64xf32, #tpu.memory_space<hbm>>) target_semaphore(%run_scoped3A : memref<!tpu.dma_semaphore, #tpu.memory_space<semaphore_mem>>)
      %dma_wait3A_89 = arith.constant 0 : i32
      %dma_wait3A_90 = tpu.memref_slice %arg4[%add3A_66, %dma_wait3A_89] : memref<102400x64xf32, #tpu.memory_space<hbm>> -> memref<128x64xf32, #tpu.memory_space<hbm>>
      %dma_wait3A_91 = arith.constant 0 : i32
      %dma_wait3A_92 = tpu.memref_slice %arg4[%add3A_66, %dma_wait3A_91] : memref<102400x64xf32, #tpu.memory_space<hbm>> -> memref<128x64xf32, #tpu.memory_space<hbm>>
      tpu.wait_dma2 semaphore(%run_scoped3A : memref<!tpu.dma_semaphore, #tpu.memory_space<semaphore_mem>>) src(%arg8 : memref<128x64xf32, #tpu.memory_space<vmem>>) dst(%dma_wait3A_92 : memref<128x64xf32, #tpu.memory_space<hbm>>)
      tpu.yield
    }) : () -> ()
    %dma_wait3A_67 = arith.constant 23 : i32
    %dma_wait3A_68 = arith.constant 0 : i32
    %dma_wait3A_69 = tpu.memref_slice %arg5[%dma_wait3A_67, %dma_wait3A_68] : memref<25x128xi32, #tpu.memory_space<vmem>> -> memref<1x128xi32, #tpu.memory_space<vmem>>
    %dma_wait3A_70 = tpu.memref_squeeze %dma_wait3A_69 : memref<1x128xi32, #tpu.memory_space<vmem>> -> memref<128xi32, #tpu.memory_space<vmem>>
    %dma_wait3A_71 = arith.constant 0 : i32
    %dma_wait3A_72 = arith.constant 0 : i32
    %dma_wait3A_73 = tpu.memref_slice %arg2[%dma_wait3A_71, %dma_wait3A_72] : memref<10000x64xf32, #tpu.memory_space<hbm>> -> memref<10000x64xf32, #tpu.memory_space<hbm>>
    tpu.wait_indirect_dma semaphore(%arg13 : memref<!tpu.dma_semaphore, #tpu.memory_space<semaphore_mem>>) src(%dma_wait3A_73 : memref<10000x64xf32, #tpu.memory_space<hbm>>) dst(%arg9 : memref<128x64xf32, #tpu.memory_space<vmem>>)
    %add3A_74 = arith.constant 2944 : i32
    %add3A_75 = arith.addi %mul3A_2, %add3A_74 : i32
    "tpu.region"() ({
      %run_scoped3A = tpu.sem_alloc : memref<!tpu.dma_semaphore, #tpu.memory_space<semaphore_mem>>
      %dma_start3A_85 = arith.constant 0 : i32
      %dma_start3A_86 = tpu.memref_slice %arg4[%add3A_75, %dma_start3A_85] : memref<102400x64xf32, #tpu.memory_space<hbm>> -> memref<128x64xf32, #tpu.memory_space<hbm>>
      %dma_start3A_87 = arith.constant 0 : i32
      %dma_start3A_88 = tpu.memref_slice %arg4[%add3A_75, %dma_start3A_87] : memref<102400x64xf32, #tpu.memory_space<hbm>> -> memref<128x64xf32, #tpu.memory_space<hbm>>
      tpu.enqueue_dma source(%arg9 : memref<128x64xf32, #tpu.memory_space<vmem>>) target(%dma_start3A_88 : memref<128x64xf32, #tpu.memory_space<hbm>>) target_semaphore(%run_scoped3A : memref<!tpu.dma_semaphore, #tpu.memory_space<semaphore_mem>>)
      %dma_wait3A_89 = arith.constant 0 : i32
      %dma_wait3A_90 = tpu.memref_slice %arg4[%add3A_75, %dma_wait3A_89] : memref<102400x64xf32, #tpu.memory_space<hbm>> -> memref<128x64xf32, #tpu.memory_space<hbm>>
      %dma_wait3A_91 = arith.constant 0 : i32
      %dma_wait3A_92 = tpu.memref_slice %arg4[%add3A_75, %dma_wait3A_91] : memref<102400x64xf32, #tpu.memory_space<hbm>> -> memref<128x64xf32, #tpu.memory_space<hbm>>
      tpu.wait_dma2 semaphore(%run_scoped3A : memref<!tpu.dma_semaphore, #tpu.memory_space<semaphore_mem>>) src(%arg9 : memref<128x64xf32, #tpu.memory_space<vmem>>) dst(%dma_wait3A_92 : memref<128x64xf32, #tpu.memory_space<hbm>>)
      tpu.yield
    }) : () -> ()
    %dma_wait3A_76 = arith.constant 24 : i32
    %dma_wait3A_77 = arith.constant 0 : i32
    %dma_wait3A_78 = tpu.memref_slice %arg5[%dma_wait3A_76, %dma_wait3A_77] : memref<25x128xi32, #tpu.memory_space<vmem>> -> memref<1x128xi32, #tpu.memory_space<vmem>>
    %dma_wait3A_79 = tpu.memref_squeeze %dma_wait3A_78 : memref<1x128xi32, #tpu.memory_space<vmem>> -> memref<128xi32, #tpu.memory_space<vmem>>
    %dma_wait3A_80 = arith.constant 0 : i32
    %dma_wait3A_81 = arith.constant 0 : i32
    %dma_wait3A_82 = tpu.memref_slice %arg2[%dma_wait3A_80, %dma_wait3A_81] : memref<10000x64xf32, #tpu.memory_space<hbm>> -> memref<10000x64xf32, #tpu.memory_space<hbm>>
    tpu.wait_indirect_dma semaphore(%arg10 : memref<!tpu.dma_semaphore, #tpu.memory_space<semaphore_mem>>) src(%dma_wait3A_82 : memref<10000x64xf32, #tpu.memory_space<hbm>>) dst(%arg6 : memref<128x64xf32, #tpu.memory_space<vmem>>)
    %add3A_83 = arith.constant 3072 : i32
    %add3A_84 = arith.addi %mul3A_2, %add3A_83 : i32
    "tpu.region"() ({
      %run_scoped3A = tpu.sem_alloc : memref<!tpu.dma_semaphore, #tpu.memory_space<semaphore_mem>>
      %dma_start3A_85 = arith.constant 0 : i32
      %dma_start3A_86 = tpu.memref_slice %arg4[%add3A_84, %dma_start3A_85] : memref<102400x64xf32, #tpu.memory_space<hbm>> -> memref<128x64xf32, #tpu.memory_space<hbm>>
      %dma_start3A_87 = arith.constant 0 : i32
      %dma_start3A_88 = tpu.memref_slice %arg4[%add3A_84, %dma_start3A_87] : memref<102400x64xf32, #tpu.memory_space<hbm>> -> memref<128x64xf32, #tpu.memory_space<hbm>>
      tpu.enqueue_dma source(%arg6 : memref<128x64xf32, #tpu.memory_space<vmem>>) target(%dma_start3A_88 : memref<128x64xf32, #tpu.memory_space<hbm>>) target_semaphore(%run_scoped3A : memref<!tpu.dma_semaphore, #tpu.memory_space<semaphore_mem>>)
      %dma_wait3A_89 = arith.constant 0 : i32
      %dma_wait3A_90 = tpu.memref_slice %arg4[%add3A_84, %dma_wait3A_89] : memref<102400x64xf32, #tpu.memory_space<hbm>> -> memref<128x64xf32, #tpu.memory_space<hbm>>
      %dma_wait3A_91 = arith.constant 0 : i32
      %dma_wait3A_92 = tpu.memref_slice %arg4[%add3A_84, %dma_wait3A_91] : memref<102400x64xf32, #tpu.memory_space<hbm>> -> memref<128x64xf32, #tpu.memory_space<hbm>>
      tpu.wait_dma2 semaphore(%run_scoped3A : memref<!tpu.dma_semaphore, #tpu.memory_space<semaphore_mem>>) src(%arg6 : memref<128x64xf32, #tpu.memory_space<vmem>>) dst(%dma_wait3A_92 : memref<128x64xf32, #tpu.memory_space<hbm>>)
      tpu.yield
    }) : () -> ()
    return
  }
}

#map = affine_map<(d0, d1) -> (0, 0)>
#map1 = affine_map<(d0, d1) -> (0, 0, 0)>
module attributes {stable_mosaic.version = 14 : i64} {
  func.func @k(%arg0: i32, %arg1: i32, %arg2: memref<102400x16xf32, #tpu.memory_space<hbm>>, %arg3: memref<32x25x128xi32, #tpu.memory_space<hbm>>, %arg4: memref<10016x16xf32, #tpu.memory_space<hbm>>, %arg5: memref<2x10016x16xf32, #tpu.memory_space<hbm>>, %arg6: memref<25x128xi32, #tpu.memory_space<vmem>>, %arg7: memref<128x16xf32, #tpu.memory_space<vmem>>, %arg8: memref<128x16xf32, #tpu.memory_space<vmem>>, %arg9: memref<10016x16xf32, #tpu.memory_space<vmem_shared>>, %arg10: memref<!tpu.dma_semaphore, #tpu.memory_space<semaphore_mem>>, %arg11: memref<!tpu.dma_semaphore, #tpu.memory_space<semaphore_mem>>) attributes {dimension_semantics = [#tpu.dimension_semantics<core_parallel>, #tpu.dimension_semantics<subcore_parallel>], iteration_bounds = array<i64: 2, 16>, scalar_prefetch = 0 : i64, scratch_operands = 6 : i64, tpu.core_type = #tpu.core_type<sc_vector_subcore>, window_params = [{transform_indices = #map}, {transform_indices = #map1}, {transform_indices = #map}, {transform_indices = #map1}]} {
    %mul3A = arith.constant 2 : i32
    %mul3A_0 = arith.muli %arg1, %mul3A : i32
    %add3A = arith.addi %mul3A_0, %arg0 : i32
    %mul3A_1 = arith.constant 3200 : i32
    %mul3A_2 = arith.muli %add3A, %mul3A_1 : i32
    "tpu.region"() ({
      %run_scoped3A_24 = tpu.sem_alloc : memref<!tpu.dma_semaphore, #tpu.memory_space<semaphore_mem>>
      %dma_start3A_25 = arith.constant 0 : i32
      %dma_start3A_26 = arith.constant 0 : i32
      %dma_start3A_27 = tpu.memref_slice %arg3[%add3A, %dma_start3A_25, %dma_start3A_26] : memref<32x25x128xi32, #tpu.memory_space<hbm>> -> memref<1x25x128xi32, #tpu.memory_space<hbm>>
      %dma_start3A_28 = tpu.memref_squeeze %dma_start3A_27 : memref<1x25x128xi32, #tpu.memory_space<hbm>> -> memref<25x128xi32, #tpu.memory_space<hbm>>
      %dma_start3A_29 = arith.constant 0 : i32
      %dma_start3A_30 = arith.constant 0 : i32
      %dma_start3A_31 = tpu.memref_slice %arg3[%add3A, %dma_start3A_29, %dma_start3A_30] : memref<32x25x128xi32, #tpu.memory_space<hbm>> -> memref<1x25x128xi32, #tpu.memory_space<hbm>>
      %dma_start3A_32 = tpu.memref_squeeze %dma_start3A_31 : memref<1x25x128xi32, #tpu.memory_space<hbm>> -> memref<25x128xi32, #tpu.memory_space<hbm>>
      tpu.enqueue_dma source(%dma_start3A_32 : memref<25x128xi32, #tpu.memory_space<hbm>>) target(%arg6 : memref<25x128xi32, #tpu.memory_space<vmem>>) target_semaphore(%run_scoped3A_24 : memref<!tpu.dma_semaphore, #tpu.memory_space<semaphore_mem>>)
      %dma_wait3A_33 = arith.constant 0 : i32
      %dma_wait3A_34 = arith.constant 0 : i32
      %dma_wait3A_35 = tpu.memref_slice %arg3[%add3A, %dma_wait3A_33, %dma_wait3A_34] : memref<32x25x128xi32, #tpu.memory_space<hbm>> -> memref<1x25x128xi32, #tpu.memory_space<hbm>>
      %dma_wait3A_36 = tpu.memref_squeeze %dma_wait3A_35 : memref<1x25x128xi32, #tpu.memory_space<hbm>> -> memref<25x128xi32, #tpu.memory_space<hbm>>
      %dma_wait3A_37 = arith.constant 0 : i32
      %dma_wait3A_38 = arith.constant 0 : i32
      %dma_wait3A_39 = tpu.memref_slice %arg3[%add3A, %dma_wait3A_37, %dma_wait3A_38] : memref<32x25x128xi32, #tpu.memory_space<hbm>> -> memref<1x25x128xi32, #tpu.memory_space<hbm>>
      %dma_wait3A_40 = tpu.memref_squeeze %dma_wait3A_39 : memref<1x25x128xi32, #tpu.memory_space<hbm>> -> memref<25x128xi32, #tpu.memory_space<hbm>>
      tpu.wait_dma2 semaphore(%run_scoped3A_24 : memref<!tpu.dma_semaphore, #tpu.memory_space<semaphore_mem>>) src(%dma_wait3A_40 : memref<25x128xi32, #tpu.memory_space<hbm>>) dst(%arg6 : memref<25x128xi32, #tpu.memory_space<vmem>>)
      tpu.yield
    }) : () -> ()
    %mul3A_3 = arith.constant 626 : i32
    %mul3A_4 = arith.muli %arg1, %mul3A_3 : i32
    %mul3A_5 = arith.constant 626 : i32
    %mul3A_6 = arith.muli %arg1, %mul3A_5 : i32
    "tpu.region"() ({
      %run_scoped3A_24 = tpu.sem_alloc : memref<!tpu.dma_semaphore, #tpu.memory_space<semaphore_mem>>
      %dma_start3A_25 = arith.constant 0 : i32
      %dma_start3A_26 = tpu.memref_slice %arg9[%mul3A_6, %dma_start3A_25] : memref<10016x16xf32, #tpu.memory_space<vmem_shared>> -> memref<626x16xf32, #tpu.memory_space<vmem_shared>>
      %dma_start3A_27 = arith.constant 0 : i32
      %dma_start3A_28 = tpu.memref_slice %arg4[%mul3A_4, %dma_start3A_27] : memref<10016x16xf32, #tpu.memory_space<hbm>> -> memref<626x16xf32, #tpu.memory_space<hbm>>
      tpu.enqueue_dma source(%dma_start3A_28 : memref<626x16xf32, #tpu.memory_space<hbm>>) target(%dma_start3A_26 : memref<626x16xf32, #tpu.memory_space<vmem_shared>>) target_semaphore(%run_scoped3A_24 : memref<!tpu.dma_semaphore, #tpu.memory_space<semaphore_mem>>)
      %dma_wait3A_29 = arith.constant 0 : i32
      %dma_wait3A_30 = tpu.memref_slice %arg9[%mul3A_6, %dma_wait3A_29] : memref<10016x16xf32, #tpu.memory_space<vmem_shared>> -> memref<626x16xf32, #tpu.memory_space<vmem_shared>>
      %dma_wait3A_31 = arith.constant 0 : i32
      %dma_wait3A_32 = tpu.memref_slice %arg4[%mul3A_4, %dma_wait3A_31] : memref<10016x16xf32, #tpu.memory_space<hbm>> -> memref<626x16xf32, #tpu.memory_space<hbm>>
      tpu.wait_dma2 semaphore(%run_scoped3A_24 : memref<!tpu.dma_semaphore, #tpu.memory_space<semaphore_mem>>) src(%dma_wait3A_32 : memref<626x16xf32, #tpu.memory_space<hbm>>) dst(%dma_wait3A_30 : memref<626x16xf32, #tpu.memory_space<vmem_shared>>)
      tpu.yield
    }) : () -> ()
    %barrier3A = arith.constant 0 : index
    tpu.barrier barrier_id(%barrier3A)
    %dma_start3A = arith.constant 0 : i32
    %dma_start3A_7 = tpu.memref_slice %arg2[%mul3A_2, %dma_start3A] : memref<102400x16xf32, #tpu.memory_space<hbm>> -> memref<128x16xf32, #tpu.memory_space<hbm>>
    %dma_start3A_8 = arith.constant 0 : i32
    %dma_start3A_9 = tpu.memref_slice %arg2[%mul3A_2, %dma_start3A_8] : memref<102400x16xf32, #tpu.memory_space<hbm>> -> memref<128x16xf32, #tpu.memory_space<hbm>>
    tpu.enqueue_dma source(%dma_start3A_9 : memref<128x16xf32, #tpu.memory_space<hbm>>) target(%arg7 : memref<128x16xf32, #tpu.memory_space<vmem>>) target_semaphore(%arg10 : memref<!tpu.dma_semaphore, #tpu.memory_space<semaphore_mem>>)
    %scan3A = arith.constant 0 : i32
    %scan3A_10 = arith.constant 12 : i32
    %scan3A_11 = arith.addi %scan3A, %scan3A_10 : i32
    %scan3A_12 = arith.constant 1 : i32
    scf.for %scan3A_24 = %scan3A to %scan3A_11 step %scan3A_12  : i32 {
      %mul3A_25 = arith.constant 1 : i32
      %mul3A_26 = arith.muli %scan3A_24, %mul3A_25 : i32
      %add3A_27 = arith.constant 0 : i32
      %add3A_28 = arith.addi %add3A_27, %mul3A_26 : i32
      %mul3A_29 = arith.constant 2 : i32
      %mul3A_30 = arith.muli %mul3A_29, %add3A_28 : i32
      %add3A_31 = arith.constant 1 : i32
      %add3A_32 = arith.addi %mul3A_30, %add3A_31 : i32
      %mul3A_33 = arith.constant 128 : i32
      %mul3A_34 = arith.muli %add3A_32, %mul3A_33 : i32
      %add3A_35 = arith.addi %mul3A_2, %mul3A_34 : i32
      %dma_start3A_36 = arith.constant 0 : i32
      %dma_start3A_37 = tpu.memref_slice %arg2[%add3A_35, %dma_start3A_36] : memref<102400x16xf32, #tpu.memory_space<hbm>> -> memref<128x16xf32, #tpu.memory_space<hbm>>
      %dma_start3A_38 = arith.constant 0 : i32
      %dma_start3A_39 = tpu.memref_slice %arg2[%add3A_35, %dma_start3A_38] : memref<102400x16xf32, #tpu.memory_space<hbm>> -> memref<128x16xf32, #tpu.memory_space<hbm>>
      tpu.enqueue_dma source(%dma_start3A_39 : memref<128x16xf32, #tpu.memory_space<hbm>>) target(%arg8 : memref<128x16xf32, #tpu.memory_space<vmem>>) target_semaphore(%arg11 : memref<!tpu.dma_semaphore, #tpu.memory_space<semaphore_mem>>)
      %mul3A_40 = arith.constant 128 : i32
      %mul3A_41 = arith.muli %mul3A_30, %mul3A_40 : i32
      %add3A_42 = arith.addi %mul3A_2, %mul3A_41 : i32
      %dma_wait3A_43 = arith.constant 0 : i32
      %dma_wait3A_44 = tpu.memref_slice %arg2[%add3A_42, %dma_wait3A_43] : memref<102400x16xf32, #tpu.memory_space<hbm>> -> memref<128x16xf32, #tpu.memory_space<hbm>>
      %dma_wait3A_45 = arith.constant 0 : i32
      %dma_wait3A_46 = tpu.memref_slice %arg2[%add3A_42, %dma_wait3A_45] : memref<102400x16xf32, #tpu.memory_space<hbm>> -> memref<128x16xf32, #tpu.memory_space<hbm>>
      tpu.wait_dma2 semaphore(%arg10 : memref<!tpu.dma_semaphore, #tpu.memory_space<semaphore_mem>>) src(%dma_wait3A_46 : memref<128x16xf32, #tpu.memory_space<hbm>>) dst(%arg7 : memref<128x16xf32, #tpu.memory_space<vmem>>)
      "tpu.region"() ({
        %run_scoped3A_67 = tpu.sem_alloc : memref<!tpu.dma_semaphore, #tpu.memory_space<semaphore_mem>>
        %dma_start3A_68 = arith.constant 0 : i32
        %dma_start3A_69 = tpu.memref_slice %arg6[%mul3A_30, %dma_start3A_68] : memref<25x128xi32, #tpu.memory_space<vmem>> -> memref<1x128xi32, #tpu.memory_space<vmem>>
        %dma_start3A_70 = tpu.memref_squeeze %dma_start3A_69 : memref<1x128xi32, #tpu.memory_space<vmem>> -> memref<128xi32, #tpu.memory_space<vmem>>
        %dma_start3A_71 = arith.constant 0 : i32
        %dma_start3A_72 = arith.constant 0 : i32
        %dma_start3A_73 = tpu.memref_slice %arg9[%dma_start3A_71, %dma_start3A_72] : memref<10016x16xf32, #tpu.memory_space<vmem_shared>> -> memref<10016x16xf32, #tpu.memory_space<vmem_shared>>
        tpu.enqueue_indirect_dma source(%arg7 : memref<128x16xf32, #tpu.memory_space<vmem>>) target(%dma_start3A_73 : memref<10016x16xf32, #tpu.memory_space<vmem_shared>>) offsets(%dma_start3A_70 : memref<128xi32, #tpu.memory_space<vmem>>) semaphore(%run_scoped3A_67 : memref<!tpu.dma_semaphore, #tpu.memory_space<semaphore_mem>>) {add = true}
        %dma_wait3A_74 = arith.constant 0 : i32
        %dma_wait3A_75 = tpu.memref_slice %arg6[%mul3A_30, %dma_wait3A_74] : memref<25x128xi32, #tpu.memory_space<vmem>> -> memref<1x128xi32, #tpu.memory_space<vmem>>
        %dma_wait3A_76 = tpu.memref_squeeze %dma_wait3A_75 : memref<1x128xi32, #tpu.memory_space<vmem>> -> memref<128xi32, #tpu.memory_space<vmem>>
        %dma_wait3A_77 = arith.constant 0 : i32
        %dma_wait3A_78 = arith.constant 0 : i32
        %dma_wait3A_79 = tpu.memref_slice %arg9[%dma_wait3A_77, %dma_wait3A_78] : memref<10016x16xf32, #tpu.memory_space<vmem_shared>> -> memref<10016x16xf32, #tpu.memory_space<vmem_shared>>
        tpu.wait_indirect_dma semaphore(%run_scoped3A_67 : memref<!tpu.dma_semaphore, #tpu.memory_space<semaphore_mem>>) src(%arg7 : memref<128x16xf32, #tpu.memory_space<vmem>>) dst(%dma_wait3A_79 : memref<10016x16xf32, #tpu.memory_space<vmem_shared>>)
        tpu.yield
      }) : () -> ()
      %add3A_47 = arith.constant 2 : i32
      %add3A_48 = arith.addi %mul3A_30, %add3A_47 : i32
      %mul3A_49 = arith.constant 128 : i32
      %mul3A_50 = arith.muli %add3A_48, %mul3A_49 : i32
      %add3A_51 = arith.addi %mul3A_2, %mul3A_50 : i32
      %dma_start3A_52 = arith.constant 0 : i32
      %dma_start3A_53 = tpu.memref_slice %arg2[%add3A_51, %dma_start3A_52] : memref<102400x16xf32, #tpu.memory_space<hbm>> -> memref<128x16xf32, #tpu.memory_space<hbm>>
      %dma_start3A_54 = arith.constant 0 : i32
      %dma_start3A_55 = tpu.memref_slice %arg2[%add3A_51, %dma_start3A_54] : memref<102400x16xf32, #tpu.memory_space<hbm>> -> memref<128x16xf32, #tpu.memory_space<hbm>>
      tpu.enqueue_dma source(%dma_start3A_55 : memref<128x16xf32, #tpu.memory_space<hbm>>) target(%arg7 : memref<128x16xf32, #tpu.memory_space<vmem>>) target_semaphore(%arg10 : memref<!tpu.dma_semaphore, #tpu.memory_space<semaphore_mem>>)
      %add3A_56 = arith.constant 1 : i32
      %add3A_57 = arith.addi %mul3A_30, %add3A_56 : i32
      %mul3A_58 = arith.constant 128 : i32
      %mul3A_59 = arith.muli %add3A_57, %mul3A_58 : i32
      %add3A_60 = arith.addi %mul3A_2, %mul3A_59 : i32
      %dma_wait3A_61 = arith.constant 0 : i32
      %dma_wait3A_62 = tpu.memref_slice %arg2[%add3A_60, %dma_wait3A_61] : memref<102400x16xf32, #tpu.memory_space<hbm>> -> memref<128x16xf32, #tpu.memory_space<hbm>>
      %dma_wait3A_63 = arith.constant 0 : i32
      %dma_wait3A_64 = tpu.memref_slice %arg2[%add3A_60, %dma_wait3A_63] : memref<102400x16xf32, #tpu.memory_space<hbm>> -> memref<128x16xf32, #tpu.memory_space<hbm>>
      tpu.wait_dma2 semaphore(%arg11 : memref<!tpu.dma_semaphore, #tpu.memory_space<semaphore_mem>>) src(%dma_wait3A_64 : memref<128x16xf32, #tpu.memory_space<hbm>>) dst(%arg8 : memref<128x16xf32, #tpu.memory_space<vmem>>)
      %add3A_65 = arith.constant 1 : i32
      %add3A_66 = arith.addi %mul3A_30, %add3A_65 : i32
      "tpu.region"() ({
        %run_scoped3A_67 = tpu.sem_alloc : memref<!tpu.dma_semaphore, #tpu.memory_space<semaphore_mem>>
        %dma_start3A_68 = arith.constant 0 : i32
        %dma_start3A_69 = tpu.memref_slice %arg6[%add3A_66, %dma_start3A_68] : memref<25x128xi32, #tpu.memory_space<vmem>> -> memref<1x128xi32, #tpu.memory_space<vmem>>
        %dma_start3A_70 = tpu.memref_squeeze %dma_start3A_69 : memref<1x128xi32, #tpu.memory_space<vmem>> -> memref<128xi32, #tpu.memory_space<vmem>>
        %dma_start3A_71 = arith.constant 0 : i32
        %dma_start3A_72 = arith.constant 0 : i32
        %dma_start3A_73 = tpu.memref_slice %arg9[%dma_start3A_71, %dma_start3A_72] : memref<10016x16xf32, #tpu.memory_space<vmem_shared>> -> memref<10016x16xf32, #tpu.memory_space<vmem_shared>>
        tpu.enqueue_indirect_dma source(%arg8 : memref<128x16xf32, #tpu.memory_space<vmem>>) target(%dma_start3A_73 : memref<10016x16xf32, #tpu.memory_space<vmem_shared>>) offsets(%dma_start3A_70 : memref<128xi32, #tpu.memory_space<vmem>>) semaphore(%run_scoped3A_67 : memref<!tpu.dma_semaphore, #tpu.memory_space<semaphore_mem>>) {add = true}
        %dma_wait3A_74 = arith.constant 0 : i32
        %dma_wait3A_75 = tpu.memref_slice %arg6[%add3A_66, %dma_wait3A_74] : memref<25x128xi32, #tpu.memory_space<vmem>> -> memref<1x128xi32, #tpu.memory_space<vmem>>
        %dma_wait3A_76 = tpu.memref_squeeze %dma_wait3A_75 : memref<1x128xi32, #tpu.memory_space<vmem>> -> memref<128xi32, #tpu.memory_space<vmem>>
        %dma_wait3A_77 = arith.constant 0 : i32
        %dma_wait3A_78 = arith.constant 0 : i32
        %dma_wait3A_79 = tpu.memref_slice %arg9[%dma_wait3A_77, %dma_wait3A_78] : memref<10016x16xf32, #tpu.memory_space<vmem_shared>> -> memref<10016x16xf32, #tpu.memory_space<vmem_shared>>
        tpu.wait_indirect_dma semaphore(%run_scoped3A_67 : memref<!tpu.dma_semaphore, #tpu.memory_space<semaphore_mem>>) src(%arg8 : memref<128x16xf32, #tpu.memory_space<vmem>>) dst(%dma_wait3A_79 : memref<10016x16xf32, #tpu.memory_space<vmem_shared>>)
        tpu.yield
      }) : () -> ()
    }
    %scan3A_13 = arith.constant 12 : i32
    %add3A_14 = arith.constant 3072 : i32
    %add3A_15 = arith.addi %mul3A_2, %add3A_14 : i32
    %dma_wait3A = arith.constant 0 : i32
    %dma_wait3A_16 = tpu.memref_slice %arg2[%add3A_15, %dma_wait3A] : memref<102400x16xf32, #tpu.memory_space<hbm>> -> memref<128x16xf32, #tpu.memory_space<hbm>>
    %dma_wait3A_17 = arith.constant 0 : i32
    %dma_wait3A_18 = tpu.memref_slice %arg2[%add3A_15, %dma_wait3A_17] : memref<102400x16xf32, #tpu.memory_space<hbm>> -> memref<128x16xf32, #tpu.memory_space<hbm>>
    tpu.wait_dma2 semaphore(%arg10 : memref<!tpu.dma_semaphore, #tpu.memory_space<semaphore_mem>>) src(%dma_wait3A_18 : memref<128x16xf32, #tpu.memory_space<hbm>>) dst(%arg7 : memref<128x16xf32, #tpu.memory_space<vmem>>)
    %run_scoped3A = arith.constant 24 : i32
    "tpu.region"() ({
      %run_scoped3A_24 = tpu.sem_alloc : memref<!tpu.dma_semaphore, #tpu.memory_space<semaphore_mem>>
      %dma_start3A_25 = arith.constant 0 : i32
      %dma_start3A_26 = tpu.memref_slice %arg6[%run_scoped3A, %dma_start3A_25] : memref<25x128xi32, #tpu.memory_space<vmem>> -> memref<1x128xi32, #tpu.memory_space<vmem>>
      %dma_start3A_27 = tpu.memref_squeeze %dma_start3A_26 : memref<1x128xi32, #tpu.memory_space<vmem>> -> memref<128xi32, #tpu.memory_space<vmem>>
      %dma_start3A_28 = arith.constant 0 : i32
      %dma_start3A_29 = arith.constant 0 : i32
      %dma_start3A_30 = tpu.memref_slice %arg9[%dma_start3A_28, %dma_start3A_29] : memref<10016x16xf32, #tpu.memory_space<vmem_shared>> -> memref<10016x16xf32, #tpu.memory_space<vmem_shared>>
      tpu.enqueue_indirect_dma source(%arg7 : memref<128x16xf32, #tpu.memory_space<vmem>>) target(%dma_start3A_30 : memref<10016x16xf32, #tpu.memory_space<vmem_shared>>) offsets(%dma_start3A_27 : memref<128xi32, #tpu.memory_space<vmem>>) semaphore(%run_scoped3A_24 : memref<!tpu.dma_semaphore, #tpu.memory_space<semaphore_mem>>) {add = true}
      %dma_wait3A_31 = arith.constant 0 : i32
      %dma_wait3A_32 = tpu.memref_slice %arg6[%run_scoped3A, %dma_wait3A_31] : memref<25x128xi32, #tpu.memory_space<vmem>> -> memref<1x128xi32, #tpu.memory_space<vmem>>
      %dma_wait3A_33 = tpu.memref_squeeze %dma_wait3A_32 : memref<1x128xi32, #tpu.memory_space<vmem>> -> memref<128xi32, #tpu.memory_space<vmem>>
      %dma_wait3A_34 = arith.constant 0 : i32
      %dma_wait3A_35 = arith.constant 0 : i32
      %dma_wait3A_36 = tpu.memref_slice %arg9[%dma_wait3A_34, %dma_wait3A_35] : memref<10016x16xf32, #tpu.memory_space<vmem_shared>> -> memref<10016x16xf32, #tpu.memory_space<vmem_shared>>
      tpu.wait_indirect_dma semaphore(%run_scoped3A_24 : memref<!tpu.dma_semaphore, #tpu.memory_space<semaphore_mem>>) src(%arg7 : memref<128x16xf32, #tpu.memory_space<vmem>>) dst(%dma_wait3A_36 : memref<10016x16xf32, #tpu.memory_space<vmem_shared>>)
      tpu.yield
    }) : () -> ()
    %barrier3A_19 = arith.constant 0 : index
    tpu.barrier barrier_id(%barrier3A_19)
    %mul3A_20 = arith.constant 626 : i32
    %mul3A_21 = arith.muli %arg1, %mul3A_20 : i32
    %mul3A_22 = arith.constant 626 : i32
    %mul3A_23 = arith.muli %arg1, %mul3A_22 : i32
    "tpu.region"() ({
      %run_scoped3A_24 = tpu.sem_alloc : memref<!tpu.dma_semaphore, #tpu.memory_space<semaphore_mem>>
      %dma_start3A_25 = arith.constant 0 : i32
      %dma_start3A_26 = tpu.memref_slice %arg5[%arg0, %mul3A_23, %dma_start3A_25] : memref<2x10016x16xf32, #tpu.memory_space<hbm>> -> memref<1x626x16xf32, #tpu.memory_space<hbm>>
      %dma_start3A_27 = tpu.memref_squeeze %dma_start3A_26 : memref<1x626x16xf32, #tpu.memory_space<hbm>> -> memref<626x16xf32, #tpu.memory_space<hbm>>
      %dma_start3A_28 = arith.constant 0 : i32
      %dma_start3A_29 = tpu.memref_slice %arg9[%mul3A_21, %dma_start3A_28] : memref<10016x16xf32, #tpu.memory_space<vmem_shared>> -> memref<626x16xf32, #tpu.memory_space<vmem_shared>>
      tpu.enqueue_dma source(%dma_start3A_29 : memref<626x16xf32, #tpu.memory_space<vmem_shared>>) target(%dma_start3A_27 : memref<626x16xf32, #tpu.memory_space<hbm>>) target_semaphore(%run_scoped3A_24 : memref<!tpu.dma_semaphore, #tpu.memory_space<semaphore_mem>>)
      %dma_wait3A_30 = arith.constant 0 : i32
      %dma_wait3A_31 = tpu.memref_slice %arg5[%arg0, %mul3A_23, %dma_wait3A_30] : memref<2x10016x16xf32, #tpu.memory_space<hbm>> -> memref<1x626x16xf32, #tpu.memory_space<hbm>>
      %dma_wait3A_32 = tpu.memref_squeeze %dma_wait3A_31 : memref<1x626x16xf32, #tpu.memory_space<hbm>> -> memref<626x16xf32, #tpu.memory_space<hbm>>
      %dma_wait3A_33 = arith.constant 0 : i32
      %dma_wait3A_34 = tpu.memref_slice %arg9[%mul3A_21, %dma_wait3A_33] : memref<10016x16xf32, #tpu.memory_space<vmem_shared>> -> memref<626x16xf32, #tpu.memory_space<vmem_shared>>
      tpu.wait_dma2 semaphore(%run_scoped3A_24 : memref<!tpu.dma_semaphore, #tpu.memory_space<semaphore_mem>>) src(%dma_wait3A_34 : memref<626x16xf32, #tpu.memory_space<vmem_shared>>) dst(%dma_wait3A_32 : memref<626x16xf32, #tpu.memory_space<hbm>>)
      tpu.yield
    }) : () -> ()
    return
  }
}

#map = affine_map<(d0, d1) -> (0, 0)>
#map1 = affine_map<(d0, d1) -> (0, 0, 0)>
module attributes {stable_mosaic.version = 14 : i64} {
  func.func @k(%arg0: i32, %arg1: i32, %arg2: memref<10000x16xf32, #tpu.memory_space<hbm>>, %arg3: memref<32x25x128xi32, #tpu.memory_space<hbm>>, %arg4: memref<102400x16xf32, #tpu.memory_space<hbm>>, %arg5: memref<25x128xi32, #tpu.memory_space<vmem>>, %arg6: memref<128x16xf32, #tpu.memory_space<vmem>>, %arg7: memref<128x16xf32, #tpu.memory_space<vmem>>, %arg8: memref<128x16xf32, #tpu.memory_space<vmem>>, %arg9: memref<128x16xf32, #tpu.memory_space<vmem>>, %arg10: memref<!tpu.dma_semaphore, #tpu.memory_space<semaphore_mem>>, %arg11: memref<!tpu.dma_semaphore, #tpu.memory_space<semaphore_mem>>, %arg12: memref<!tpu.dma_semaphore, #tpu.memory_space<semaphore_mem>>, %arg13: memref<!tpu.dma_semaphore, #tpu.memory_space<semaphore_mem>>) attributes {dimension_semantics = [#tpu.dimension_semantics<core_parallel>, #tpu.dimension_semantics<subcore_parallel>], iteration_bounds = array<i64: 2, 16>, scalar_prefetch = 0 : i64, scratch_operands = 9 : i64, tpu.core_type = #tpu.core_type<sc_vector_subcore>, window_params = [{transform_indices = #map}, {transform_indices = #map1}, {transform_indices = #map}]} {
    %mul3A = arith.constant 2 : i32
    %mul3A_0 = arith.muli %arg1, %mul3A : i32
    %add3A = arith.addi %mul3A_0, %arg0 : i32
    %mul3A_1 = arith.constant 3200 : i32
    %mul3A_2 = arith.muli %add3A, %mul3A_1 : i32
    "tpu.region"() ({
      %run_scoped3A = tpu.sem_alloc : memref<!tpu.dma_semaphore, #tpu.memory_space<semaphore_mem>>
      %dma_start3A_85 = arith.constant 0 : i32
      %dma_start3A_86 = arith.constant 0 : i32
      %dma_start3A_87 = tpu.memref_slice %arg3[%add3A, %dma_start3A_85, %dma_start3A_86] : memref<32x25x128xi32, #tpu.memory_space<hbm>> -> memref<1x25x128xi32, #tpu.memory_space<hbm>>
      %dma_start3A_88 = tpu.memref_squeeze %dma_start3A_87 : memref<1x25x128xi32, #tpu.memory_space<hbm>> -> memref<25x128xi32, #tpu.memory_space<hbm>>
      %dma_start3A_89 = arith.constant 0 : i32
      %dma_start3A_90 = arith.constant 0 : i32
      %dma_start3A_91 = tpu.memref_slice %arg3[%add3A, %dma_start3A_89, %dma_start3A_90] : memref<32x25x128xi32, #tpu.memory_space<hbm>> -> memref<1x25x128xi32, #tpu.memory_space<hbm>>
      %dma_start3A_92 = tpu.memref_squeeze %dma_start3A_91 : memref<1x25x128xi32, #tpu.memory_space<hbm>> -> memref<25x128xi32, #tpu.memory_space<hbm>>
      tpu.enqueue_dma source(%dma_start3A_92 : memref<25x128xi32, #tpu.memory_space<hbm>>) target(%arg5 : memref<25x128xi32, #tpu.memory_space<vmem>>) target_semaphore(%run_scoped3A : memref<!tpu.dma_semaphore, #tpu.memory_space<semaphore_mem>>)
      %dma_wait3A_93 = arith.constant 0 : i32
      %dma_wait3A_94 = arith.constant 0 : i32
      %dma_wait3A_95 = tpu.memref_slice %arg3[%add3A, %dma_wait3A_93, %dma_wait3A_94] : memref<32x25x128xi32, #tpu.memory_space<hbm>> -> memref<1x25x128xi32, #tpu.memory_space<hbm>>
      %dma_wait3A_96 = tpu.memref_squeeze %dma_wait3A_95 : memref<1x25x128xi32, #tpu.memory_space<hbm>> -> memref<25x128xi32, #tpu.memory_space<hbm>>
      %dma_wait3A_97 = arith.constant 0 : i32
      %dma_wait3A_98 = arith.constant 0 : i32
      %dma_wait3A_99 = tpu.memref_slice %arg3[%add3A, %dma_wait3A_97, %dma_wait3A_98] : memref<32x25x128xi32, #tpu.memory_space<hbm>> -> memref<1x25x128xi32, #tpu.memory_space<hbm>>
      %dma_wait3A_100 = tpu.memref_squeeze %dma_wait3A_99 : memref<1x25x128xi32, #tpu.memory_space<hbm>> -> memref<25x128xi32, #tpu.memory_space<hbm>>
      tpu.wait_dma2 semaphore(%run_scoped3A : memref<!tpu.dma_semaphore, #tpu.memory_space<semaphore_mem>>) src(%dma_wait3A_100 : memref<25x128xi32, #tpu.memory_space<hbm>>) dst(%arg5 : memref<25x128xi32, #tpu.memory_space<vmem>>)
      tpu.yield
    }) : () -> ()
    %dma_start3A = arith.constant 0 : i32
    %dma_start3A_3 = arith.constant 0 : i32
    %dma_start3A_4 = tpu.memref_slice %arg5[%dma_start3A, %dma_start3A_3] : memref<25x128xi32, #tpu.memory_space<vmem>> -> memref<1x128xi32, #tpu.memory_space<vmem>>
    %dma_start3A_5 = tpu.memref_squeeze %dma_start3A_4 : memref<1x128xi32, #tpu.memory_space<vmem>> -> memref<128xi32, #tpu.memory_space<vmem>>
    %dma_start3A_6 = arith.constant 0 : i32
    %dma_start3A_7 = arith.constant 0 : i32
    %dma_start3A_8 = tpu.memref_slice %arg2[%dma_start3A_6, %dma_start3A_7] : memref<10000x16xf32, #tpu.memory_space<hbm>> -> memref<10000x16xf32, #tpu.memory_space<hbm>>
    tpu.enqueue_indirect_dma source(%dma_start3A_8 : memref<10000x16xf32, #tpu.memory_space<hbm>>) target(%arg6 : memref<128x16xf32, #tpu.memory_space<vmem>>) offsets(%dma_start3A_5 : memref<128xi32, #tpu.memory_space<vmem>>) semaphore(%arg10 : memref<!tpu.dma_semaphore, #tpu.memory_space<semaphore_mem>>)
    %dma_start3A_9 = arith.constant 1 : i32
    %dma_start3A_10 = arith.constant 0 : i32
    %dma_start3A_11 = tpu.memref_slice %arg5[%dma_start3A_9, %dma_start3A_10] : memref<25x128xi32, #tpu.memory_space<vmem>> -> memref<1x128xi32, #tpu.memory_space<vmem>>
    %dma_start3A_12 = tpu.memref_squeeze %dma_start3A_11 : memref<1x128xi32, #tpu.memory_space<vmem>> -> memref<128xi32, #tpu.memory_space<vmem>>
    %dma_start3A_13 = arith.constant 0 : i32
    %dma_start3A_14 = arith.constant 0 : i32
    %dma_start3A_15 = tpu.memref_slice %arg2[%dma_start3A_13, %dma_start3A_14] : memref<10000x16xf32, #tpu.memory_space<hbm>> -> memref<10000x16xf32, #tpu.memory_space<hbm>>
    tpu.enqueue_indirect_dma source(%dma_start3A_15 : memref<10000x16xf32, #tpu.memory_space<hbm>>) target(%arg7 : memref<128x16xf32, #tpu.memory_space<vmem>>) offsets(%dma_start3A_12 : memref<128xi32, #tpu.memory_space<vmem>>) semaphore(%arg11 : memref<!tpu.dma_semaphore, #tpu.memory_space<semaphore_mem>>)
    %dma_start3A_16 = arith.constant 2 : i32
    %dma_start3A_17 = arith.constant 0 : i32
    %dma_start3A_18 = tpu.memref_slice %arg5[%dma_start3A_16, %dma_start3A_17] : memref<25x128xi32, #tpu.memory_space<vmem>> -> memref<1x128xi32, #tpu.memory_space<vmem>>
    %dma_start3A_19 = tpu.memref_squeeze %dma_start3A_18 : memref<1x128xi32, #tpu.memory_space<vmem>> -> memref<128xi32, #tpu.memory_space<vmem>>
    %dma_start3A_20 = arith.constant 0 : i32
    %dma_start3A_21 = arith.constant 0 : i32
    %dma_start3A_22 = tpu.memref_slice %arg2[%dma_start3A_20, %dma_start3A_21] : memref<10000x16xf32, #tpu.memory_space<hbm>> -> memref<10000x16xf32, #tpu.memory_space<hbm>>
    tpu.enqueue_indirect_dma source(%dma_start3A_22 : memref<10000x16xf32, #tpu.memory_space<hbm>>) target(%arg8 : memref<128x16xf32, #tpu.memory_space<vmem>>) offsets(%dma_start3A_19 : memref<128xi32, #tpu.memory_space<vmem>>) semaphore(%arg12 : memref<!tpu.dma_semaphore, #tpu.memory_space<semaphore_mem>>)
    %dma_start3A_23 = arith.constant 3 : i32
    %dma_start3A_24 = arith.constant 0 : i32
    %dma_start3A_25 = tpu.memref_slice %arg5[%dma_start3A_23, %dma_start3A_24] : memref<25x128xi32, #tpu.memory_space<vmem>> -> memref<1x128xi32, #tpu.memory_space<vmem>>
    %dma_start3A_26 = tpu.memref_squeeze %dma_start3A_25 : memref<1x128xi32, #tpu.memory_space<vmem>> -> memref<128xi32, #tpu.memory_space<vmem>>
    %dma_start3A_27 = arith.constant 0 : i32
    %dma_start3A_28 = arith.constant 0 : i32
    %dma_start3A_29 = tpu.memref_slice %arg2[%dma_start3A_27, %dma_start3A_28] : memref<10000x16xf32, #tpu.memory_space<hbm>> -> memref<10000x16xf32, #tpu.memory_space<hbm>>
    tpu.enqueue_indirect_dma source(%dma_start3A_29 : memref<10000x16xf32, #tpu.memory_space<hbm>>) target(%arg9 : memref<128x16xf32, #tpu.memory_space<vmem>>) offsets(%dma_start3A_26 : memref<128xi32, #tpu.memory_space<vmem>>) semaphore(%arg13 : memref<!tpu.dma_semaphore, #tpu.memory_space<semaphore_mem>>)
    %scan3A = arith.constant 0 : i32
    %scan3A_30 = arith.constant 5 : i32
    %scan3A_31 = arith.addi %scan3A, %scan3A_30 : i32
    %scan3A_32 = arith.constant 1 : i32
    scf.for %scan3A_85 = %scan3A to %scan3A_31 step %scan3A_32  : i32 {
      %mul3A_86 = arith.constant 1 : i32
      %mul3A_87 = arith.muli %scan3A_85, %mul3A_86 : i32
      %add3A_88 = arith.constant 0 : i32
      %add3A_89 = arith.addi %add3A_88, %mul3A_87 : i32
      %mul3A_90 = arith.constant 4 : i32
      %mul3A_91 = arith.muli %mul3A_90, %add3A_89 : i32
      %add3A_92 = arith.constant 0 : i32
      %add3A_93 = arith.addi %mul3A_91, %add3A_92 : i32
      %dma_wait3A_94 = arith.constant 0 : i32
      %dma_wait3A_95 = tpu.memref_slice %arg5[%add3A_93, %dma_wait3A_94] : memref<25x128xi32, #tpu.memory_space<vmem>> -> memref<1x128xi32, #tpu.memory_space<vmem>>
      %dma_wait3A_96 = tpu.memref_squeeze %dma_wait3A_95 : memref<1x128xi32, #tpu.memory_space<vmem>> -> memref<128xi32, #tpu.memory_space<vmem>>
      %dma_wait3A_97 = arith.constant 0 : i32
      %dma_wait3A_98 = arith.constant 0 : i32
      %dma_wait3A_99 = tpu.memref_slice %arg2[%dma_wait3A_97, %dma_wait3A_98] : memref<10000x16xf32, #tpu.memory_space<hbm>> -> memref<10000x16xf32, #tpu.memory_space<hbm>>
      tpu.wait_indirect_dma semaphore(%arg10 : memref<!tpu.dma_semaphore, #tpu.memory_space<semaphore_mem>>) src(%dma_wait3A_99 : memref<10000x16xf32, #tpu.memory_space<hbm>>) dst(%arg6 : memref<128x16xf32, #tpu.memory_space<vmem>>)
      %mul3A_100 = arith.constant 128 : i32
      %mul3A_101 = arith.muli %add3A_93, %mul3A_100 : i32
      %add3A_102 = arith.addi %mul3A_2, %mul3A_101 : i32
      "tpu.region"() ({
        %run_scoped3A = tpu.sem_alloc : memref<!tpu.dma_semaphore, #tpu.memory_space<semaphore_mem>>
        %dma_start3A_174 = arith.constant 0 : i32
        %dma_start3A_175 = tpu.memref_slice %arg4[%add3A_102, %dma_start3A_174] : memref<102400x16xf32, #tpu.memory_space<hbm>> -> memref<128x16xf32, #tpu.memory_space<hbm>>
        %dma_start3A_176 = arith.constant 0 : i32
        %dma_start3A_177 = tpu.memref_slice %arg4[%add3A_102, %dma_start3A_176] : memref<102400x16xf32, #tpu.memory_space<hbm>> -> memref<128x16xf32, #tpu.memory_space<hbm>>
        tpu.enqueue_dma source(%arg6 : memref<128x16xf32, #tpu.memory_space<vmem>>) target(%dma_start3A_177 : memref<128x16xf32, #tpu.memory_space<hbm>>) target_semaphore(%run_scoped3A : memref<!tpu.dma_semaphore, #tpu.memory_space<semaphore_mem>>)
        %dma_wait3A_178 = arith.constant 0 : i32
        %dma_wait3A_179 = tpu.memref_slice %arg4[%add3A_102, %dma_wait3A_178] : memref<102400x16xf32, #tpu.memory_space<hbm>> -> memref<128x16xf32, #tpu.memory_space<hbm>>
        %dma_wait3A_180 = arith.constant 0 : i32
        %dma_wait3A_181 = tpu.memref_slice %arg4[%add3A_102, %dma_wait3A_180] : memref<102400x16xf32, #tpu.memory_space<hbm>> -> memref<128x16xf32, #tpu.memory_space<hbm>>
        tpu.wait_dma2 semaphore(%run_scoped3A : memref<!tpu.dma_semaphore, #tpu.memory_space<semaphore_mem>>) src(%arg6 : memref<128x16xf32, #tpu.memory_space<vmem>>) dst(%dma_wait3A_181 : memref<128x16xf32, #tpu.memory_space<hbm>>)
        tpu.yield
      }) : () -> ()
      %add3A_103 = arith.constant 4 : i32
      %add3A_104 = arith.addi %add3A_93, %add3A_103 : i32
      %dma_start3A_105 = arith.constant 0 : i32
      %dma_start3A_106 = tpu.memref_slice %arg5[%add3A_104, %dma_start3A_105] : memref<25x128xi32, #tpu.memory_space<vmem>> -> memref<1x128xi32, #tpu.memory_space<vmem>>
      %dma_start3A_107 = tpu.memref_squeeze %dma_start3A_106 : memref<1x128xi32, #tpu.memory_space<vmem>> -> memref<128xi32, #tpu.memory_space<vmem>>
      %dma_start3A_108 = arith.constant 0 : i32
      %dma_start3A_109 = arith.constant 0 : i32
      %dma_start3A_110 = tpu.memref_slice %arg2[%dma_start3A_108, %dma_start3A_109] : memref<10000x16xf32, #tpu.memory_space<hbm>> -> memref<10000x16xf32, #tpu.memory_space<hbm>>
      tpu.enqueue_indirect_dma source(%dma_start3A_110 : memref<10000x16xf32, #tpu.memory_space<hbm>>) target(%arg6 : memref<128x16xf32, #tpu.memory_space<vmem>>) offsets(%dma_start3A_107 : memref<128xi32, #tpu.memory_space<vmem>>) semaphore(%arg10 : memref<!tpu.dma_semaphore, #tpu.memory_space<semaphore_mem>>)
      %mul3A_111 = arith.constant 4 : i32
      %mul3A_112 = arith.muli %mul3A_111, %add3A_89 : i32
      %add3A_113 = arith.constant 1 : i32
      %add3A_114 = arith.addi %mul3A_112, %add3A_113 : i32
      %dma_wait3A_115 = arith.constant 0 : i32
      %dma_wait3A_116 = tpu.memref_slice %arg5[%add3A_114, %dma_wait3A_115] : memref<25x128xi32, #tpu.memory_space<vmem>> -> memref<1x128xi32, #tpu.memory_space<vmem>>
      %dma_wait3A_117 = tpu.memref_squeeze %dma_wait3A_116 : memref<1x128xi32, #tpu.memory_space<vmem>> -> memref<128xi32, #tpu.memory_space<vmem>>
      %dma_wait3A_118 = arith.constant 0 : i32
      %dma_wait3A_119 = arith.constant 0 : i32
      %dma_wait3A_120 = tpu.memref_slice %arg2[%dma_wait3A_118, %dma_wait3A_119] : memref<10000x16xf32, #tpu.memory_space<hbm>> -> memref<10000x16xf32, #tpu.memory_space<hbm>>
      tpu.wait_indirect_dma semaphore(%arg11 : memref<!tpu.dma_semaphore, #tpu.memory_space<semaphore_mem>>) src(%dma_wait3A_120 : memref<10000x16xf32, #tpu.memory_space<hbm>>) dst(%arg7 : memref<128x16xf32, #tpu.memory_space<vmem>>)
      %mul3A_121 = arith.constant 128 : i32
      %mul3A_122 = arith.muli %add3A_114, %mul3A_121 : i32
      %add3A_123 = arith.addi %mul3A_2, %mul3A_122 : i32
      "tpu.region"() ({
        %run_scoped3A = tpu.sem_alloc : memref<!tpu.dma_semaphore, #tpu.memory_space<semaphore_mem>>
        %dma_start3A_174 = arith.constant 0 : i32
        %dma_start3A_175 = tpu.memref_slice %arg4[%add3A_123, %dma_start3A_174] : memref<102400x16xf32, #tpu.memory_space<hbm>> -> memref<128x16xf32, #tpu.memory_space<hbm>>
        %dma_start3A_176 = arith.constant 0 : i32
        %dma_start3A_177 = tpu.memref_slice %arg4[%add3A_123, %dma_start3A_176] : memref<102400x16xf32, #tpu.memory_space<hbm>> -> memref<128x16xf32, #tpu.memory_space<hbm>>
        tpu.enqueue_dma source(%arg7 : memref<128x16xf32, #tpu.memory_space<vmem>>) target(%dma_start3A_177 : memref<128x16xf32, #tpu.memory_space<hbm>>) target_semaphore(%run_scoped3A : memref<!tpu.dma_semaphore, #tpu.memory_space<semaphore_mem>>)
        %dma_wait3A_178 = arith.constant 0 : i32
        %dma_wait3A_179 = tpu.memref_slice %arg4[%add3A_123, %dma_wait3A_178] : memref<102400x16xf32, #tpu.memory_space<hbm>> -> memref<128x16xf32, #tpu.memory_space<hbm>>
        %dma_wait3A_180 = arith.constant 0 : i32
        %dma_wait3A_181 = tpu.memref_slice %arg4[%add3A_123, %dma_wait3A_180] : memref<102400x16xf32, #tpu.memory_space<hbm>> -> memref<128x16xf32, #tpu.memory_space<hbm>>
        tpu.wait_dma2 semaphore(%run_scoped3A : memref<!tpu.dma_semaphore, #tpu.memory_space<semaphore_mem>>) src(%arg7 : memref<128x16xf32, #tpu.memory_space<vmem>>) dst(%dma_wait3A_181 : memref<128x16xf32, #tpu.memory_space<hbm>>)
        tpu.yield
      }) : () -> ()
      %add3A_124 = arith.constant 4 : i32
      %add3A_125 = arith.addi %add3A_114, %add3A_124 : i32
      %dma_start3A_126 = arith.constant 0 : i32
      %dma_start3A_127 = tpu.memref_slice %arg5[%add3A_125, %dma_start3A_126] : memref<25x128xi32, #tpu.memory_space<vmem>> -> memref<1x128xi32, #tpu.memory_space<vmem>>
      %dma_start3A_128 = tpu.memref_squeeze %dma_start3A_127 : memref<1x128xi32, #tpu.memory_space<vmem>> -> memref<128xi32, #tpu.memory_space<vmem>>
      %dma_start3A_129 = arith.constant 0 : i32
      %dma_start3A_130 = arith.constant 0 : i32
      %dma_start3A_131 = tpu.memref_slice %arg2[%dma_start3A_129, %dma_start3A_130] : memref<10000x16xf32, #tpu.memory_space<hbm>> -> memref<10000x16xf32, #tpu.memory_space<hbm>>
      tpu.enqueue_indirect_dma source(%dma_start3A_131 : memref<10000x16xf32, #tpu.memory_space<hbm>>) target(%arg7 : memref<128x16xf32, #tpu.memory_space<vmem>>) offsets(%dma_start3A_128 : memref<128xi32, #tpu.memory_space<vmem>>) semaphore(%arg11 : memref<!tpu.dma_semaphore, #tpu.memory_space<semaphore_mem>>)
      %mul3A_132 = arith.constant 4 : i32
      %mul3A_133 = arith.muli %mul3A_132, %add3A_89 : i32
      %add3A_134 = arith.constant 2 : i32
      %add3A_135 = arith.addi %mul3A_133, %add3A_134 : i32
      %dma_wait3A_136 = arith.constant 0 : i32
      %dma_wait3A_137 = tpu.memref_slice %arg5[%add3A_135, %dma_wait3A_136] : memref<25x128xi32, #tpu.memory_space<vmem>> -> memref<1x128xi32, #tpu.memory_space<vmem>>
      %dma_wait3A_138 = tpu.memref_squeeze %dma_wait3A_137 : memref<1x128xi32, #tpu.memory_space<vmem>> -> memref<128xi32, #tpu.memory_space<vmem>>
      %dma_wait3A_139 = arith.constant 0 : i32
      %dma_wait3A_140 = arith.constant 0 : i32
      %dma_wait3A_141 = tpu.memref_slice %arg2[%dma_wait3A_139, %dma_wait3A_140] : memref<10000x16xf32, #tpu.memory_space<hbm>> -> memref<10000x16xf32, #tpu.memory_space<hbm>>
      tpu.wait_indirect_dma semaphore(%arg12 : memref<!tpu.dma_semaphore, #tpu.memory_space<semaphore_mem>>) src(%dma_wait3A_141 : memref<10000x16xf32, #tpu.memory_space<hbm>>) dst(%arg8 : memref<128x16xf32, #tpu.memory_space<vmem>>)
      %mul3A_142 = arith.constant 128 : i32
      %mul3A_143 = arith.muli %add3A_135, %mul3A_142 : i32
      %add3A_144 = arith.addi %mul3A_2, %mul3A_143 : i32
      "tpu.region"() ({
        %run_scoped3A = tpu.sem_alloc : memref<!tpu.dma_semaphore, #tpu.memory_space<semaphore_mem>>
        %dma_start3A_174 = arith.constant 0 : i32
        %dma_start3A_175 = tpu.memref_slice %arg4[%add3A_144, %dma_start3A_174] : memref<102400x16xf32, #tpu.memory_space<hbm>> -> memref<128x16xf32, #tpu.memory_space<hbm>>
        %dma_start3A_176 = arith.constant 0 : i32
        %dma_start3A_177 = tpu.memref_slice %arg4[%add3A_144, %dma_start3A_176] : memref<102400x16xf32, #tpu.memory_space<hbm>> -> memref<128x16xf32, #tpu.memory_space<hbm>>
        tpu.enqueue_dma source(%arg8 : memref<128x16xf32, #tpu.memory_space<vmem>>) target(%dma_start3A_177 : memref<128x16xf32, #tpu.memory_space<hbm>>) target_semaphore(%run_scoped3A : memref<!tpu.dma_semaphore, #tpu.memory_space<semaphore_mem>>)
        %dma_wait3A_178 = arith.constant 0 : i32
        %dma_wait3A_179 = tpu.memref_slice %arg4[%add3A_144, %dma_wait3A_178] : memref<102400x16xf32, #tpu.memory_space<hbm>> -> memref<128x16xf32, #tpu.memory_space<hbm>>
        %dma_wait3A_180 = arith.constant 0 : i32
        %dma_wait3A_181 = tpu.memref_slice %arg4[%add3A_144, %dma_wait3A_180] : memref<102400x16xf32, #tpu.memory_space<hbm>> -> memref<128x16xf32, #tpu.memory_space<hbm>>
        tpu.wait_dma2 semaphore(%run_scoped3A : memref<!tpu.dma_semaphore, #tpu.memory_space<semaphore_mem>>) src(%arg8 : memref<128x16xf32, #tpu.memory_space<vmem>>) dst(%dma_wait3A_181 : memref<128x16xf32, #tpu.memory_space<hbm>>)
        tpu.yield
      }) : () -> ()
      %add3A_145 = arith.constant 4 : i32
      %add3A_146 = arith.addi %add3A_135, %add3A_145 : i32
      %dma_start3A_147 = arith.constant 0 : i32
      %dma_start3A_148 = tpu.memref_slice %arg5[%add3A_146, %dma_start3A_147] : memref<25x128xi32, #tpu.memory_space<vmem>> -> memref<1x128xi32, #tpu.memory_space<vmem>>
      %dma_start3A_149 = tpu.memref_squeeze %dma_start3A_148 : memref<1x128xi32, #tpu.memory_space<vmem>> -> memref<128xi32, #tpu.memory_space<vmem>>
      %dma_start3A_150 = arith.constant 0 : i32
      %dma_start3A_151 = arith.constant 0 : i32
      %dma_start3A_152 = tpu.memref_slice %arg2[%dma_start3A_150, %dma_start3A_151] : memref<10000x16xf32, #tpu.memory_space<hbm>> -> memref<10000x16xf32, #tpu.memory_space<hbm>>
      tpu.enqueue_indirect_dma source(%dma_start3A_152 : memref<10000x16xf32, #tpu.memory_space<hbm>>) target(%arg8 : memref<128x16xf32, #tpu.memory_space<vmem>>) offsets(%dma_start3A_149 : memref<128xi32, #tpu.memory_space<vmem>>) semaphore(%arg12 : memref<!tpu.dma_semaphore, #tpu.memory_space<semaphore_mem>>)
      %mul3A_153 = arith.constant 4 : i32
      %mul3A_154 = arith.muli %mul3A_153, %add3A_89 : i32
      %add3A_155 = arith.constant 3 : i32
      %add3A_156 = arith.addi %mul3A_154, %add3A_155 : i32
      %dma_wait3A_157 = arith.constant 0 : i32
      %dma_wait3A_158 = tpu.memref_slice %arg5[%add3A_156, %dma_wait3A_157] : memref<25x128xi32, #tpu.memory_space<vmem>> -> memref<1x128xi32, #tpu.memory_space<vmem>>
      %dma_wait3A_159 = tpu.memref_squeeze %dma_wait3A_158 : memref<1x128xi32, #tpu.memory_space<vmem>> -> memref<128xi32, #tpu.memory_space<vmem>>
      %dma_wait3A_160 = arith.constant 0 : i32
      %dma_wait3A_161 = arith.constant 0 : i32
      %dma_wait3A_162 = tpu.memref_slice %arg2[%dma_wait3A_160, %dma_wait3A_161] : memref<10000x16xf32, #tpu.memory_space<hbm>> -> memref<10000x16xf32, #tpu.memory_space<hbm>>
      tpu.wait_indirect_dma semaphore(%arg13 : memref<!tpu.dma_semaphore, #tpu.memory_space<semaphore_mem>>) src(%dma_wait3A_162 : memref<10000x16xf32, #tpu.memory_space<hbm>>) dst(%arg9 : memref<128x16xf32, #tpu.memory_space<vmem>>)
      %mul3A_163 = arith.constant 128 : i32
      %mul3A_164 = arith.muli %add3A_156, %mul3A_163 : i32
      %add3A_165 = arith.addi %mul3A_2, %mul3A_164 : i32
      "tpu.region"() ({
        %run_scoped3A = tpu.sem_alloc : memref<!tpu.dma_semaphore, #tpu.memory_space<semaphore_mem>>
        %dma_start3A_174 = arith.constant 0 : i32
        %dma_start3A_175 = tpu.memref_slice %arg4[%add3A_165, %dma_start3A_174] : memref<102400x16xf32, #tpu.memory_space<hbm>> -> memref<128x16xf32, #tpu.memory_space<hbm>>
        %dma_start3A_176 = arith.constant 0 : i32
        %dma_start3A_177 = tpu.memref_slice %arg4[%add3A_165, %dma_start3A_176] : memref<102400x16xf32, #tpu.memory_space<hbm>> -> memref<128x16xf32, #tpu.memory_space<hbm>>
        tpu.enqueue_dma source(%arg9 : memref<128x16xf32, #tpu.memory_space<vmem>>) target(%dma_start3A_177 : memref<128x16xf32, #tpu.memory_space<hbm>>) target_semaphore(%run_scoped3A : memref<!tpu.dma_semaphore, #tpu.memory_space<semaphore_mem>>)
        %dma_wait3A_178 = arith.constant 0 : i32
        %dma_wait3A_179 = tpu.memref_slice %arg4[%add3A_165, %dma_wait3A_178] : memref<102400x16xf32, #tpu.memory_space<hbm>> -> memref<128x16xf32, #tpu.memory_space<hbm>>
        %dma_wait3A_180 = arith.constant 0 : i32
        %dma_wait3A_181 = tpu.memref_slice %arg4[%add3A_165, %dma_wait3A_180] : memref<102400x16xf32, #tpu.memory_space<hbm>> -> memref<128x16xf32, #tpu.memory_space<hbm>>
        tpu.wait_dma2 semaphore(%run_scoped3A : memref<!tpu.dma_semaphore, #tpu.memory_space<semaphore_mem>>) src(%arg9 : memref<128x16xf32, #tpu.memory_space<vmem>>) dst(%dma_wait3A_181 : memref<128x16xf32, #tpu.memory_space<hbm>>)
        tpu.yield
      }) : () -> ()
      %add3A_166 = arith.constant 4 : i32
      %add3A_167 = arith.addi %add3A_156, %add3A_166 : i32
      %dma_start3A_168 = arith.constant 0 : i32
      %dma_start3A_169 = tpu.memref_slice %arg5[%add3A_167, %dma_start3A_168] : memref<25x128xi32, #tpu.memory_space<vmem>> -> memref<1x128xi32, #tpu.memory_space<vmem>>
      %dma_start3A_170 = tpu.memref_squeeze %dma_start3A_169 : memref<1x128xi32, #tpu.memory_space<vmem>> -> memref<128xi32, #tpu.memory_space<vmem>>
      %dma_start3A_171 = arith.constant 0 : i32
      %dma_start3A_172 = arith.constant 0 : i32
      %dma_start3A_173 = tpu.memref_slice %arg2[%dma_start3A_171, %dma_start3A_172] : memref<10000x16xf32, #tpu.memory_space<hbm>> -> memref<10000x16xf32, #tpu.memory_space<hbm>>
      tpu.enqueue_indirect_dma source(%dma_start3A_173 : memref<10000x16xf32, #tpu.memory_space<hbm>>) target(%arg9 : memref<128x16xf32, #tpu.memory_space<vmem>>) offsets(%dma_start3A_170 : memref<128xi32, #tpu.memory_space<vmem>>) semaphore(%arg13 : memref<!tpu.dma_semaphore, #tpu.memory_space<semaphore_mem>>)
    }
    %scan3A_33 = arith.constant 5 : i32
    %dma_wait3A = arith.constant 20 : i32
    %dma_wait3A_34 = arith.constant 0 : i32
    %dma_wait3A_35 = tpu.memref_slice %arg5[%dma_wait3A, %dma_wait3A_34] : memref<25x128xi32, #tpu.memory_space<vmem>> -> memref<1x128xi32, #tpu.memory_space<vmem>>
    %dma_wait3A_36 = tpu.memref_squeeze %dma_wait3A_35 : memref<1x128xi32, #tpu.memory_space<vmem>> -> memref<128xi32, #tpu.memory_space<vmem>>
    %dma_wait3A_37 = arith.constant 0 : i32
    %dma_wait3A_38 = arith.constant 0 : i32
    %dma_wait3A_39 = tpu.memref_slice %arg2[%dma_wait3A_37, %dma_wait3A_38] : memref<10000x16xf32, #tpu.memory_space<hbm>> -> memref<10000x16xf32, #tpu.memory_space<hbm>>
    tpu.wait_indirect_dma semaphore(%arg10 : memref<!tpu.dma_semaphore, #tpu.memory_space<semaphore_mem>>) src(%dma_wait3A_39 : memref<10000x16xf32, #tpu.memory_space<hbm>>) dst(%arg6 : memref<128x16xf32, #tpu.memory_space<vmem>>)
    %add3A_40 = arith.constant 2560 : i32
    %add3A_41 = arith.addi %mul3A_2, %add3A_40 : i32
    "tpu.region"() ({
      %run_scoped3A = tpu.sem_alloc : memref<!tpu.dma_semaphore, #tpu.memory_space<semaphore_mem>>
      %dma_start3A_85 = arith.constant 0 : i32
      %dma_start3A_86 = tpu.memref_slice %arg4[%add3A_41, %dma_start3A_85] : memref<102400x16xf32, #tpu.memory_space<hbm>> -> memref<128x16xf32, #tpu.memory_space<hbm>>
      %dma_start3A_87 = arith.constant 0 : i32
      %dma_start3A_88 = tpu.memref_slice %arg4[%add3A_41, %dma_start3A_87] : memref<102400x16xf32, #tpu.memory_space<hbm>> -> memref<128x16xf32, #tpu.memory_space<hbm>>
      tpu.enqueue_dma source(%arg6 : memref<128x16xf32, #tpu.memory_space<vmem>>) target(%dma_start3A_88 : memref<128x16xf32, #tpu.memory_space<hbm>>) target_semaphore(%run_scoped3A : memref<!tpu.dma_semaphore, #tpu.memory_space<semaphore_mem>>)
      %dma_wait3A_89 = arith.constant 0 : i32
      %dma_wait3A_90 = tpu.memref_slice %arg4[%add3A_41, %dma_wait3A_89] : memref<102400x16xf32, #tpu.memory_space<hbm>> -> memref<128x16xf32, #tpu.memory_space<hbm>>
      %dma_wait3A_91 = arith.constant 0 : i32
      %dma_wait3A_92 = tpu.memref_slice %arg4[%add3A_41, %dma_wait3A_91] : memref<102400x16xf32, #tpu.memory_space<hbm>> -> memref<128x16xf32, #tpu.memory_space<hbm>>
      tpu.wait_dma2 semaphore(%run_scoped3A : memref<!tpu.dma_semaphore, #tpu.memory_space<semaphore_mem>>) src(%arg6 : memref<128x16xf32, #tpu.memory_space<vmem>>) dst(%dma_wait3A_92 : memref<128x16xf32, #tpu.memory_space<hbm>>)
      tpu.yield
    }) : () -> ()
    %dma_start3A_42 = arith.constant 24 : i32
    %dma_start3A_43 = arith.constant 0 : i32
    %dma_start3A_44 = tpu.memref_slice %arg5[%dma_start3A_42, %dma_start3A_43] : memref<25x128xi32, #tpu.memory_space<vmem>> -> memref<1x128xi32, #tpu.memory_space<vmem>>
    %dma_start3A_45 = tpu.memref_squeeze %dma_start3A_44 : memref<1x128xi32, #tpu.memory_space<vmem>> -> memref<128xi32, #tpu.memory_space<vmem>>
    %dma_start3A_46 = arith.constant 0 : i32
    %dma_start3A_47 = arith.constant 0 : i32
    %dma_start3A_48 = tpu.memref_slice %arg2[%dma_start3A_46, %dma_start3A_47] : memref<10000x16xf32, #tpu.memory_space<hbm>> -> memref<10000x16xf32, #tpu.memory_space<hbm>>
    tpu.enqueue_indirect_dma source(%dma_start3A_48 : memref<10000x16xf32, #tpu.memory_space<hbm>>) target(%arg6 : memref<128x16xf32, #tpu.memory_space<vmem>>) offsets(%dma_start3A_45 : memref<128xi32, #tpu.memory_space<vmem>>) semaphore(%arg10 : memref<!tpu.dma_semaphore, #tpu.memory_space<semaphore_mem>>)
    %dma_wait3A_49 = arith.constant 21 : i32
    %dma_wait3A_50 = arith.constant 0 : i32
    %dma_wait3A_51 = tpu.memref_slice %arg5[%dma_wait3A_49, %dma_wait3A_50] : memref<25x128xi32, #tpu.memory_space<vmem>> -> memref<1x128xi32, #tpu.memory_space<vmem>>
    %dma_wait3A_52 = tpu.memref_squeeze %dma_wait3A_51 : memref<1x128xi32, #tpu.memory_space<vmem>> -> memref<128xi32, #tpu.memory_space<vmem>>
    %dma_wait3A_53 = arith.constant 0 : i32
    %dma_wait3A_54 = arith.constant 0 : i32
    %dma_wait3A_55 = tpu.memref_slice %arg2[%dma_wait3A_53, %dma_wait3A_54] : memref<10000x16xf32, #tpu.memory_space<hbm>> -> memref<10000x16xf32, #tpu.memory_space<hbm>>
    tpu.wait_indirect_dma semaphore(%arg11 : memref<!tpu.dma_semaphore, #tpu.memory_space<semaphore_mem>>) src(%dma_wait3A_55 : memref<10000x16xf32, #tpu.memory_space<hbm>>) dst(%arg7 : memref<128x16xf32, #tpu.memory_space<vmem>>)
    %add3A_56 = arith.constant 2688 : i32
    %add3A_57 = arith.addi %mul3A_2, %add3A_56 : i32
    "tpu.region"() ({
      %run_scoped3A = tpu.sem_alloc : memref<!tpu.dma_semaphore, #tpu.memory_space<semaphore_mem>>
      %dma_start3A_85 = arith.constant 0 : i32
      %dma_start3A_86 = tpu.memref_slice %arg4[%add3A_57, %dma_start3A_85] : memref<102400x16xf32, #tpu.memory_space<hbm>> -> memref<128x16xf32, #tpu.memory_space<hbm>>
      %dma_start3A_87 = arith.constant 0 : i32
      %dma_start3A_88 = tpu.memref_slice %arg4[%add3A_57, %dma_start3A_87] : memref<102400x16xf32, #tpu.memory_space<hbm>> -> memref<128x16xf32, #tpu.memory_space<hbm>>
      tpu.enqueue_dma source(%arg7 : memref<128x16xf32, #tpu.memory_space<vmem>>) target(%dma_start3A_88 : memref<128x16xf32, #tpu.memory_space<hbm>>) target_semaphore(%run_scoped3A : memref<!tpu.dma_semaphore, #tpu.memory_space<semaphore_mem>>)
      %dma_wait3A_89 = arith.constant 0 : i32
      %dma_wait3A_90 = tpu.memref_slice %arg4[%add3A_57, %dma_wait3A_89] : memref<102400x16xf32, #tpu.memory_space<hbm>> -> memref<128x16xf32, #tpu.memory_space<hbm>>
      %dma_wait3A_91 = arith.constant 0 : i32
      %dma_wait3A_92 = tpu.memref_slice %arg4[%add3A_57, %dma_wait3A_91] : memref<102400x16xf32, #tpu.memory_space<hbm>> -> memref<128x16xf32, #tpu.memory_space<hbm>>
      tpu.wait_dma2 semaphore(%run_scoped3A : memref<!tpu.dma_semaphore, #tpu.memory_space<semaphore_mem>>) src(%arg7 : memref<128x16xf32, #tpu.memory_space<vmem>>) dst(%dma_wait3A_92 : memref<128x16xf32, #tpu.memory_space<hbm>>)
      tpu.yield
    }) : () -> ()
    %dma_wait3A_58 = arith.constant 22 : i32
    %dma_wait3A_59 = arith.constant 0 : i32
    %dma_wait3A_60 = tpu.memref_slice %arg5[%dma_wait3A_58, %dma_wait3A_59] : memref<25x128xi32, #tpu.memory_space<vmem>> -> memref<1x128xi32, #tpu.memory_space<vmem>>
    %dma_wait3A_61 = tpu.memref_squeeze %dma_wait3A_60 : memref<1x128xi32, #tpu.memory_space<vmem>> -> memref<128xi32, #tpu.memory_space<vmem>>
    %dma_wait3A_62 = arith.constant 0 : i32
    %dma_wait3A_63 = arith.constant 0 : i32
    %dma_wait3A_64 = tpu.memref_slice %arg2[%dma_wait3A_62, %dma_wait3A_63] : memref<10000x16xf32, #tpu.memory_space<hbm>> -> memref<10000x16xf32, #tpu.memory_space<hbm>>
    tpu.wait_indirect_dma semaphore(%arg12 : memref<!tpu.dma_semaphore, #tpu.memory_space<semaphore_mem>>) src(%dma_wait3A_64 : memref<10000x16xf32, #tpu.memory_space<hbm>>) dst(%arg8 : memref<128x16xf32, #tpu.memory_space<vmem>>)
    %add3A_65 = arith.constant 2816 : i32
    %add3A_66 = arith.addi %mul3A_2, %add3A_65 : i32
    "tpu.region"() ({
      %run_scoped3A = tpu.sem_alloc : memref<!tpu.dma_semaphore, #tpu.memory_space<semaphore_mem>>
      %dma_start3A_85 = arith.constant 0 : i32
      %dma_start3A_86 = tpu.memref_slice %arg4[%add3A_66, %dma_start3A_85] : memref<102400x16xf32, #tpu.memory_space<hbm>> -> memref<128x16xf32, #tpu.memory_space<hbm>>
      %dma_start3A_87 = arith.constant 0 : i32
      %dma_start3A_88 = tpu.memref_slice %arg4[%add3A_66, %dma_start3A_87] : memref<102400x16xf32, #tpu.memory_space<hbm>> -> memref<128x16xf32, #tpu.memory_space<hbm>>
      tpu.enqueue_dma source(%arg8 : memref<128x16xf32, #tpu.memory_space<vmem>>) target(%dma_start3A_88 : memref<128x16xf32, #tpu.memory_space<hbm>>) target_semaphore(%run_scoped3A : memref<!tpu.dma_semaphore, #tpu.memory_space<semaphore_mem>>)
      %dma_wait3A_89 = arith.constant 0 : i32
      %dma_wait3A_90 = tpu.memref_slice %arg4[%add3A_66, %dma_wait3A_89] : memref<102400x16xf32, #tpu.memory_space<hbm>> -> memref<128x16xf32, #tpu.memory_space<hbm>>
      %dma_wait3A_91 = arith.constant 0 : i32
      %dma_wait3A_92 = tpu.memref_slice %arg4[%add3A_66, %dma_wait3A_91] : memref<102400x16xf32, #tpu.memory_space<hbm>> -> memref<128x16xf32, #tpu.memory_space<hbm>>
      tpu.wait_dma2 semaphore(%run_scoped3A : memref<!tpu.dma_semaphore, #tpu.memory_space<semaphore_mem>>) src(%arg8 : memref<128x16xf32, #tpu.memory_space<vmem>>) dst(%dma_wait3A_92 : memref<128x16xf32, #tpu.memory_space<hbm>>)
      tpu.yield
    }) : () -> ()
    %dma_wait3A_67 = arith.constant 23 : i32
    %dma_wait3A_68 = arith.constant 0 : i32
    %dma_wait3A_69 = tpu.memref_slice %arg5[%dma_wait3A_67, %dma_wait3A_68] : memref<25x128xi32, #tpu.memory_space<vmem>> -> memref<1x128xi32, #tpu.memory_space<vmem>>
    %dma_wait3A_70 = tpu.memref_squeeze %dma_wait3A_69 : memref<1x128xi32, #tpu.memory_space<vmem>> -> memref<128xi32, #tpu.memory_space<vmem>>
    %dma_wait3A_71 = arith.constant 0 : i32
    %dma_wait3A_72 = arith.constant 0 : i32
    %dma_wait3A_73 = tpu.memref_slice %arg2[%dma_wait3A_71, %dma_wait3A_72] : memref<10000x16xf32, #tpu.memory_space<hbm>> -> memref<10000x16xf32, #tpu.memory_space<hbm>>
    tpu.wait_indirect_dma semaphore(%arg13 : memref<!tpu.dma_semaphore, #tpu.memory_space<semaphore_mem>>) src(%dma_wait3A_73 : memref<10000x16xf32, #tpu.memory_space<hbm>>) dst(%arg9 : memref<128x16xf32, #tpu.memory_space<vmem>>)
    %add3A_74 = arith.constant 2944 : i32
    %add3A_75 = arith.addi %mul3A_2, %add3A_74 : i32
    "tpu.region"() ({
      %run_scoped3A = tpu.sem_alloc : memref<!tpu.dma_semaphore, #tpu.memory_space<semaphore_mem>>
      %dma_start3A_85 = arith.constant 0 : i32
      %dma_start3A_86 = tpu.memref_slice %arg4[%add3A_75, %dma_start3A_85] : memref<102400x16xf32, #tpu.memory_space<hbm>> -> memref<128x16xf32, #tpu.memory_space<hbm>>
      %dma_start3A_87 = arith.constant 0 : i32
      %dma_start3A_88 = tpu.memref_slice %arg4[%add3A_75, %dma_start3A_87] : memref<102400x16xf32, #tpu.memory_space<hbm>> -> memref<128x16xf32, #tpu.memory_space<hbm>>
      tpu.enqueue_dma source(%arg9 : memref<128x16xf32, #tpu.memory_space<vmem>>) target(%dma_start3A_88 : memref<128x16xf32, #tpu.memory_space<hbm>>) target_semaphore(%run_scoped3A : memref<!tpu.dma_semaphore, #tpu.memory_space<semaphore_mem>>)
      %dma_wait3A_89 = arith.constant 0 : i32
      %dma_wait3A_90 = tpu.memref_slice %arg4[%add3A_75, %dma_wait3A_89] : memref<102400x16xf32, #tpu.memory_space<hbm>> -> memref<128x16xf32, #tpu.memory_space<hbm>>
      %dma_wait3A_91 = arith.constant 0 : i32
      %dma_wait3A_92 = tpu.memref_slice %arg4[%add3A_75, %dma_wait3A_91] : memref<102400x16xf32, #tpu.memory_space<hbm>> -> memref<128x16xf32, #tpu.memory_space<hbm>>
      tpu.wait_dma2 semaphore(%run_scoped3A : memref<!tpu.dma_semaphore, #tpu.memory_space<semaphore_mem>>) src(%arg9 : memref<128x16xf32, #tpu.memory_space<vmem>>) dst(%dma_wait3A_92 : memref<128x16xf32, #tpu.memory_space<hbm>>)
      tpu.yield
    }) : () -> ()
    %dma_wait3A_76 = arith.constant 24 : i32
    %dma_wait3A_77 = arith.constant 0 : i32
    %dma_wait3A_78 = tpu.memref_slice %arg5[%dma_wait3A_76, %dma_wait3A_77] : memref<25x128xi32, #tpu.memory_space<vmem>> -> memref<1x128xi32, #tpu.memory_space<vmem>>
    %dma_wait3A_79 = tpu.memref_squeeze %dma_wait3A_78 : memref<1x128xi32, #tpu.memory_space<vmem>> -> memref<128xi32, #tpu.memory_space<vmem>>
    %dma_wait3A_80 = arith.constant 0 : i32
    %dma_wait3A_81 = arith.constant 0 : i32
    %dma_wait3A_82 = tpu.memref_slice %arg2[%dma_wait3A_80, %dma_wait3A_81] : memref<10000x16xf32, #tpu.memory_space<hbm>> -> memref<10000x16xf32, #tpu.memory_space<hbm>>
    tpu.wait_indirect_dma semaphore(%arg10 : memref<!tpu.dma_semaphore, #tpu.memory_space<semaphore_mem>>) src(%dma_wait3A_82 : memref<10000x16xf32, #tpu.memory_space<hbm>>) dst(%arg6 : memref<128x16xf32, #tpu.memory_space<vmem>>)
    %add3A_83 = arith.constant 3072 : i32
    %add3A_84 = arith.addi %mul3A_2, %add3A_83 : i32
    "tpu.region"() ({
      %run_scoped3A = tpu.sem_alloc : memref<!tpu.dma_semaphore, #tpu.memory_space<semaphore_mem>>
      %dma_start3A_85 = arith.constant 0 : i32
      %dma_start3A_86 = tpu.memref_slice %arg4[%add3A_84, %dma_start3A_85] : memref<102400x16xf32, #tpu.memory_space<hbm>> -> memref<128x16xf32, #tpu.memory_space<hbm>>
      %dma_start3A_87 = arith.constant 0 : i32
      %dma_start3A_88 = tpu.memref_slice %arg4[%add3A_84, %dma_start3A_87] : memref<102400x16xf32, #tpu.memory_space<hbm>> -> memref<128x16xf32, #tpu.memory_space<hbm>>
      tpu.enqueue_dma source(%arg6 : memref<128x16xf32, #tpu.memory_space<vmem>>) target(%dma_start3A_88 : memref<128x16xf32, #tpu.memory_space<hbm>>) target_semaphore(%run_scoped3A : memref<!tpu.dma_semaphore, #tpu.memory_space<semaphore_mem>>)
      %dma_wait3A_89 = arith.constant 0 : i32
      %dma_wait3A_90 = tpu.memref_slice %arg4[%add3A_84, %dma_wait3A_89] : memref<102400x16xf32, #tpu.memory_space<hbm>> -> memref<128x16xf32, #tpu.memory_space<hbm>>
      %dma_wait3A_91 = arith.constant 0 : i32
      %dma_wait3A_92 = tpu.memref_slice %arg4[%add3A_84, %dma_wait3A_91] : memref<102400x16xf32, #tpu.memory_space<hbm>> -> memref<128x16xf32, #tpu.memory_space<hbm>>
      tpu.wait_dma2 semaphore(%run_scoped3A : memref<!tpu.dma_semaphore, #tpu.memory_space<semaphore_mem>>) src(%arg6 : memref<128x16xf32, #tpu.memory_space<vmem>>) dst(%dma_wait3A_92 : memref<128x16xf32, #tpu.memory_space<hbm>>)
      tpu.yield
    }) : () -> ()
    return
  }
}

#map = affine_map<(d0, d1) -> (0, 0)>
#map1 = affine_map<(d0, d1) -> (0, 0, 0)>
module attributes {stable_mosaic.version = 14 : i64} {
  func.func @k(%arg0: i32, %arg1: i32, %arg2: memref<102400x16xf32, #tpu.memory_space<hbm>>, %arg3: memref<32x25x128xi32, #tpu.memory_space<hbm>>, %arg4: memref<10016x16xf32, #tpu.memory_space<hbm>>, %arg5: memref<2x10016x16xf32, #tpu.memory_space<hbm>>, %arg6: memref<25x128xi32, #tpu.memory_space<vmem>>, %arg7: memref<128x16xf32, #tpu.memory_space<vmem>>, %arg8: memref<128x16xf32, #tpu.memory_space<vmem>>, %arg9: memref<10016x16xf32, #tpu.memory_space<vmem_shared>>, %arg10: memref<!tpu.dma_semaphore, #tpu.memory_space<semaphore_mem>>, %arg11: memref<!tpu.dma_semaphore, #tpu.memory_space<semaphore_mem>>) attributes {dimension_semantics = [#tpu.dimension_semantics<core_parallel>, #tpu.dimension_semantics<subcore_parallel>], iteration_bounds = array<i64: 2, 16>, scalar_prefetch = 0 : i64, scratch_operands = 6 : i64, tpu.core_type = #tpu.core_type<sc_vector_subcore>, window_params = [{transform_indices = #map}, {transform_indices = #map1}, {transform_indices = #map}, {transform_indices = #map1}]} {
    %mul3A = arith.constant 2 : i32
    %mul3A_0 = arith.muli %arg1, %mul3A : i32
    %add3A = arith.addi %mul3A_0, %arg0 : i32
    %mul3A_1 = arith.constant 3200 : i32
    %mul3A_2 = arith.muli %add3A, %mul3A_1 : i32
    "tpu.region"() ({
      %run_scoped3A_24 = tpu.sem_alloc : memref<!tpu.dma_semaphore, #tpu.memory_space<semaphore_mem>>
      %dma_start3A_25 = arith.constant 0 : i32
      %dma_start3A_26 = arith.constant 0 : i32
      %dma_start3A_27 = tpu.memref_slice %arg3[%add3A, %dma_start3A_25, %dma_start3A_26] : memref<32x25x128xi32, #tpu.memory_space<hbm>> -> memref<1x25x128xi32, #tpu.memory_space<hbm>>
      %dma_start3A_28 = tpu.memref_squeeze %dma_start3A_27 : memref<1x25x128xi32, #tpu.memory_space<hbm>> -> memref<25x128xi32, #tpu.memory_space<hbm>>
      %dma_start3A_29 = arith.constant 0 : i32
      %dma_start3A_30 = arith.constant 0 : i32
      %dma_start3A_31 = tpu.memref_slice %arg3[%add3A, %dma_start3A_29, %dma_start3A_30] : memref<32x25x128xi32, #tpu.memory_space<hbm>> -> memref<1x25x128xi32, #tpu.memory_space<hbm>>
      %dma_start3A_32 = tpu.memref_squeeze %dma_start3A_31 : memref<1x25x128xi32, #tpu.memory_space<hbm>> -> memref<25x128xi32, #tpu.memory_space<hbm>>
      tpu.enqueue_dma source(%dma_start3A_32 : memref<25x128xi32, #tpu.memory_space<hbm>>) target(%arg6 : memref<25x128xi32, #tpu.memory_space<vmem>>) target_semaphore(%run_scoped3A_24 : memref<!tpu.dma_semaphore, #tpu.memory_space<semaphore_mem>>)
      %dma_wait3A_33 = arith.constant 0 : i32
      %dma_wait3A_34 = arith.constant 0 : i32
      %dma_wait3A_35 = tpu.memref_slice %arg3[%add3A, %dma_wait3A_33, %dma_wait3A_34] : memref<32x25x128xi32, #tpu.memory_space<hbm>> -> memref<1x25x128xi32, #tpu.memory_space<hbm>>
      %dma_wait3A_36 = tpu.memref_squeeze %dma_wait3A_35 : memref<1x25x128xi32, #tpu.memory_space<hbm>> -> memref<25x128xi32, #tpu.memory_space<hbm>>
      %dma_wait3A_37 = arith.constant 0 : i32
      %dma_wait3A_38 = arith.constant 0 : i32
      %dma_wait3A_39 = tpu.memref_slice %arg3[%add3A, %dma_wait3A_37, %dma_wait3A_38] : memref<32x25x128xi32, #tpu.memory_space<hbm>> -> memref<1x25x128xi32, #tpu.memory_space<hbm>>
      %dma_wait3A_40 = tpu.memref_squeeze %dma_wait3A_39 : memref<1x25x128xi32, #tpu.memory_space<hbm>> -> memref<25x128xi32, #tpu.memory_space<hbm>>
      tpu.wait_dma2 semaphore(%run_scoped3A_24 : memref<!tpu.dma_semaphore, #tpu.memory_space<semaphore_mem>>) src(%dma_wait3A_40 : memref<25x128xi32, #tpu.memory_space<hbm>>) dst(%arg6 : memref<25x128xi32, #tpu.memory_space<vmem>>)
      tpu.yield
    }) : () -> ()
    %mul3A_3 = arith.constant 626 : i32
    %mul3A_4 = arith.muli %arg1, %mul3A_3 : i32
    %mul3A_5 = arith.constant 626 : i32
    %mul3A_6 = arith.muli %arg1, %mul3A_5 : i32
    "tpu.region"() ({
      %run_scoped3A_24 = tpu.sem_alloc : memref<!tpu.dma_semaphore, #tpu.memory_space<semaphore_mem>>
      %dma_start3A_25 = arith.constant 0 : i32
      %dma_start3A_26 = tpu.memref_slice %arg9[%mul3A_6, %dma_start3A_25] : memref<10016x16xf32, #tpu.memory_space<vmem_shared>> -> memref<626x16xf32, #tpu.memory_space<vmem_shared>>
      %dma_start3A_27 = arith.constant 0 : i32
      %dma_start3A_28 = tpu.memref_slice %arg4[%mul3A_4, %dma_start3A_27] : memref<10016x16xf32, #tpu.memory_space<hbm>> -> memref<626x16xf32, #tpu.memory_space<hbm>>
      tpu.enqueue_dma source(%dma_start3A_28 : memref<626x16xf32, #tpu.memory_space<hbm>>) target(%dma_start3A_26 : memref<626x16xf32, #tpu.memory_space<vmem_shared>>) target_semaphore(%run_scoped3A_24 : memref<!tpu.dma_semaphore, #tpu.memory_space<semaphore_mem>>)
      %dma_wait3A_29 = arith.constant 0 : i32
      %dma_wait3A_30 = tpu.memref_slice %arg9[%mul3A_6, %dma_wait3A_29] : memref<10016x16xf32, #tpu.memory_space<vmem_shared>> -> memref<626x16xf32, #tpu.memory_space<vmem_shared>>
      %dma_wait3A_31 = arith.constant 0 : i32
      %dma_wait3A_32 = tpu.memref_slice %arg4[%mul3A_4, %dma_wait3A_31] : memref<10016x16xf32, #tpu.memory_space<hbm>> -> memref<626x16xf32, #tpu.memory_space<hbm>>
      tpu.wait_dma2 semaphore(%run_scoped3A_24 : memref<!tpu.dma_semaphore, #tpu.memory_space<semaphore_mem>>) src(%dma_wait3A_32 : memref<626x16xf32, #tpu.memory_space<hbm>>) dst(%dma_wait3A_30 : memref<626x16xf32, #tpu.memory_space<vmem_shared>>)
      tpu.yield
    }) : () -> ()
    %barrier3A = arith.constant 0 : index
    tpu.barrier barrier_id(%barrier3A)
    %dma_start3A = arith.constant 0 : i32
    %dma_start3A_7 = tpu.memref_slice %arg2[%mul3A_2, %dma_start3A] : memref<102400x16xf32, #tpu.memory_space<hbm>> -> memref<128x16xf32, #tpu.memory_space<hbm>>
    %dma_start3A_8 = arith.constant 0 : i32
    %dma_start3A_9 = tpu.memref_slice %arg2[%mul3A_2, %dma_start3A_8] : memref<102400x16xf32, #tpu.memory_space<hbm>> -> memref<128x16xf32, #tpu.memory_space<hbm>>
    tpu.enqueue_dma source(%dma_start3A_9 : memref<128x16xf32, #tpu.memory_space<hbm>>) target(%arg7 : memref<128x16xf32, #tpu.memory_space<vmem>>) target_semaphore(%arg10 : memref<!tpu.dma_semaphore, #tpu.memory_space<semaphore_mem>>)
    %scan3A = arith.constant 0 : i32
    %scan3A_10 = arith.constant 12 : i32
    %scan3A_11 = arith.addi %scan3A, %scan3A_10 : i32
    %scan3A_12 = arith.constant 1 : i32
    scf.for %scan3A_24 = %scan3A to %scan3A_11 step %scan3A_12  : i32 {
      %mul3A_25 = arith.constant 1 : i32
      %mul3A_26 = arith.muli %scan3A_24, %mul3A_25 : i32
      %add3A_27 = arith.constant 0 : i32
      %add3A_28 = arith.addi %add3A_27, %mul3A_26 : i32
      %mul3A_29 = arith.constant 2 : i32
      %mul3A_30 = arith.muli %mul3A_29, %add3A_28 : i32
      %add3A_31 = arith.constant 1 : i32
      %add3A_32 = arith.addi %mul3A_30, %add3A_31 : i32
      %mul3A_33 = arith.constant 128 : i32
      %mul3A_34 = arith.muli %add3A_32, %mul3A_33 : i32
      %add3A_35 = arith.addi %mul3A_2, %mul3A_34 : i32
      %dma_start3A_36 = arith.constant 0 : i32
      %dma_start3A_37 = tpu.memref_slice %arg2[%add3A_35, %dma_start3A_36] : memref<102400x16xf32, #tpu.memory_space<hbm>> -> memref<128x16xf32, #tpu.memory_space<hbm>>
      %dma_start3A_38 = arith.constant 0 : i32
      %dma_start3A_39 = tpu.memref_slice %arg2[%add3A_35, %dma_start3A_38] : memref<102400x16xf32, #tpu.memory_space<hbm>> -> memref<128x16xf32, #tpu.memory_space<hbm>>
      tpu.enqueue_dma source(%dma_start3A_39 : memref<128x16xf32, #tpu.memory_space<hbm>>) target(%arg8 : memref<128x16xf32, #tpu.memory_space<vmem>>) target_semaphore(%arg11 : memref<!tpu.dma_semaphore, #tpu.memory_space<semaphore_mem>>)
      %mul3A_40 = arith.constant 128 : i32
      %mul3A_41 = arith.muli %mul3A_30, %mul3A_40 : i32
      %add3A_42 = arith.addi %mul3A_2, %mul3A_41 : i32
      %dma_wait3A_43 = arith.constant 0 : i32
      %dma_wait3A_44 = tpu.memref_slice %arg2[%add3A_42, %dma_wait3A_43] : memref<102400x16xf32, #tpu.memory_space<hbm>> -> memref<128x16xf32, #tpu.memory_space<hbm>>
      %dma_wait3A_45 = arith.constant 0 : i32
      %dma_wait3A_46 = tpu.memref_slice %arg2[%add3A_42, %dma_wait3A_45] : memref<102400x16xf32, #tpu.memory_space<hbm>> -> memref<128x16xf32, #tpu.memory_space<hbm>>
      tpu.wait_dma2 semaphore(%arg10 : memref<!tpu.dma_semaphore, #tpu.memory_space<semaphore_mem>>) src(%dma_wait3A_46 : memref<128x16xf32, #tpu.memory_space<hbm>>) dst(%arg7 : memref<128x16xf32, #tpu.memory_space<vmem>>)
      "tpu.region"() ({
        %run_scoped3A_67 = tpu.sem_alloc : memref<!tpu.dma_semaphore, #tpu.memory_space<semaphore_mem>>
        %dma_start3A_68 = arith.constant 0 : i32
        %dma_start3A_69 = tpu.memref_slice %arg6[%mul3A_30, %dma_start3A_68] : memref<25x128xi32, #tpu.memory_space<vmem>> -> memref<1x128xi32, #tpu.memory_space<vmem>>
        %dma_start3A_70 = tpu.memref_squeeze %dma_start3A_69 : memref<1x128xi32, #tpu.memory_space<vmem>> -> memref<128xi32, #tpu.memory_space<vmem>>
        %dma_start3A_71 = arith.constant 0 : i32
        %dma_start3A_72 = arith.constant 0 : i32
        %dma_start3A_73 = tpu.memref_slice %arg9[%dma_start3A_71, %dma_start3A_72] : memref<10016x16xf32, #tpu.memory_space<vmem_shared>> -> memref<10016x16xf32, #tpu.memory_space<vmem_shared>>
        tpu.enqueue_indirect_dma source(%arg7 : memref<128x16xf32, #tpu.memory_space<vmem>>) target(%dma_start3A_73 : memref<10016x16xf32, #tpu.memory_space<vmem_shared>>) offsets(%dma_start3A_70 : memref<128xi32, #tpu.memory_space<vmem>>) semaphore(%run_scoped3A_67 : memref<!tpu.dma_semaphore, #tpu.memory_space<semaphore_mem>>) {add = true}
        %dma_wait3A_74 = arith.constant 0 : i32
        %dma_wait3A_75 = tpu.memref_slice %arg6[%mul3A_30, %dma_wait3A_74] : memref<25x128xi32, #tpu.memory_space<vmem>> -> memref<1x128xi32, #tpu.memory_space<vmem>>
        %dma_wait3A_76 = tpu.memref_squeeze %dma_wait3A_75 : memref<1x128xi32, #tpu.memory_space<vmem>> -> memref<128xi32, #tpu.memory_space<vmem>>
        %dma_wait3A_77 = arith.constant 0 : i32
        %dma_wait3A_78 = arith.constant 0 : i32
        %dma_wait3A_79 = tpu.memref_slice %arg9[%dma_wait3A_77, %dma_wait3A_78] : memref<10016x16xf32, #tpu.memory_space<vmem_shared>> -> memref<10016x16xf32, #tpu.memory_space<vmem_shared>>
        tpu.wait_indirect_dma semaphore(%run_scoped3A_67 : memref<!tpu.dma_semaphore, #tpu.memory_space<semaphore_mem>>) src(%arg7 : memref<128x16xf32, #tpu.memory_space<vmem>>) dst(%dma_wait3A_79 : memref<10016x16xf32, #tpu.memory_space<vmem_shared>>)
        tpu.yield
      }) : () -> ()
      %add3A_47 = arith.constant 2 : i32
      %add3A_48 = arith.addi %mul3A_30, %add3A_47 : i32
      %mul3A_49 = arith.constant 128 : i32
      %mul3A_50 = arith.muli %add3A_48, %mul3A_49 : i32
      %add3A_51 = arith.addi %mul3A_2, %mul3A_50 : i32
      %dma_start3A_52 = arith.constant 0 : i32
      %dma_start3A_53 = tpu.memref_slice %arg2[%add3A_51, %dma_start3A_52] : memref<102400x16xf32, #tpu.memory_space<hbm>> -> memref<128x16xf32, #tpu.memory_space<hbm>>
      %dma_start3A_54 = arith.constant 0 : i32
      %dma_start3A_55 = tpu.memref_slice %arg2[%add3A_51, %dma_start3A_54] : memref<102400x16xf32, #tpu.memory_space<hbm>> -> memref<128x16xf32, #tpu.memory_space<hbm>>
      tpu.enqueue_dma source(%dma_start3A_55 : memref<128x16xf32, #tpu.memory_space<hbm>>) target(%arg7 : memref<128x16xf32, #tpu.memory_space<vmem>>) target_semaphore(%arg10 : memref<!tpu.dma_semaphore, #tpu.memory_space<semaphore_mem>>)
      %add3A_56 = arith.constant 1 : i32
      %add3A_57 = arith.addi %mul3A_30, %add3A_56 : i32
      %mul3A_58 = arith.constant 128 : i32
      %mul3A_59 = arith.muli %add3A_57, %mul3A_58 : i32
      %add3A_60 = arith.addi %mul3A_2, %mul3A_59 : i32
      %dma_wait3A_61 = arith.constant 0 : i32
      %dma_wait3A_62 = tpu.memref_slice %arg2[%add3A_60, %dma_wait3A_61] : memref<102400x16xf32, #tpu.memory_space<hbm>> -> memref<128x16xf32, #tpu.memory_space<hbm>>
      %dma_wait3A_63 = arith.constant 0 : i32
      %dma_wait3A_64 = tpu.memref_slice %arg2[%add3A_60, %dma_wait3A_63] : memref<102400x16xf32, #tpu.memory_space<hbm>> -> memref<128x16xf32, #tpu.memory_space<hbm>>
      tpu.wait_dma2 semaphore(%arg11 : memref<!tpu.dma_semaphore, #tpu.memory_space<semaphore_mem>>) src(%dma_wait3A_64 : memref<128x16xf32, #tpu.memory_space<hbm>>) dst(%arg8 : memref<128x16xf32, #tpu.memory_space<vmem>>)
      %add3A_65 = arith.constant 1 : i32
      %add3A_66 = arith.addi %mul3A_30, %add3A_65 : i32
      "tpu.region"() ({
        %run_scoped3A_67 = tpu.sem_alloc : memref<!tpu.dma_semaphore, #tpu.memory_space<semaphore_mem>>
        %dma_start3A_68 = arith.constant 0 : i32
        %dma_start3A_69 = tpu.memref_slice %arg6[%add3A_66, %dma_start3A_68] : memref<25x128xi32, #tpu.memory_space<vmem>> -> memref<1x128xi32, #tpu.memory_space<vmem>>
        %dma_start3A_70 = tpu.memref_squeeze %dma_start3A_69 : memref<1x128xi32, #tpu.memory_space<vmem>> -> memref<128xi32, #tpu.memory_space<vmem>>
        %dma_start3A_71 = arith.constant 0 : i32
        %dma_start3A_72 = arith.constant 0 : i32
        %dma_start3A_73 = tpu.memref_slice %arg9[%dma_start3A_71, %dma_start3A_72] : memref<10016x16xf32, #tpu.memory_space<vmem_shared>> -> memref<10016x16xf32, #tpu.memory_space<vmem_shared>>
        tpu.enqueue_indirect_dma source(%arg8 : memref<128x16xf32, #tpu.memory_space<vmem>>) target(%dma_start3A_73 : memref<10016x16xf32, #tpu.memory_space<vmem_shared>>) offsets(%dma_start3A_70 : memref<128xi32, #tpu.memory_space<vmem>>) semaphore(%run_scoped3A_67 : memref<!tpu.dma_semaphore, #tpu.memory_space<semaphore_mem>>) {add = true}
        %dma_wait3A_74 = arith.constant 0 : i32
        %dma_wait3A_75 = tpu.memref_slice %arg6[%add3A_66, %dma_wait3A_74] : memref<25x128xi32, #tpu.memory_space<vmem>> -> memref<1x128xi32, #tpu.memory_space<vmem>>
        %dma_wait3A_76 = tpu.memref_squeeze %dma_wait3A_75 : memref<1x128xi32, #tpu.memory_space<vmem>> -> memref<128xi32, #tpu.memory_space<vmem>>
        %dma_wait3A_77 = arith.constant 0 : i32
        %dma_wait3A_78 = arith.constant 0 : i32
        %dma_wait3A_79 = tpu.memref_slice %arg9[%dma_wait3A_77, %dma_wait3A_78] : memref<10016x16xf32, #tpu.memory_space<vmem_shared>> -> memref<10016x16xf32, #tpu.memory_space<vmem_shared>>
        tpu.wait_indirect_dma semaphore(%run_scoped3A_67 : memref<!tpu.dma_semaphore, #tpu.memory_space<semaphore_mem>>) src(%arg8 : memref<128x16xf32, #tpu.memory_space<vmem>>) dst(%dma_wait3A_79 : memref<10016x16xf32, #tpu.memory_space<vmem_shared>>)
        tpu.yield
      }) : () -> ()
    }
    %scan3A_13 = arith.constant 12 : i32
    %add3A_14 = arith.constant 3072 : i32
    %add3A_15 = arith.addi %mul3A_2, %add3A_14 : i32
    %dma_wait3A = arith.constant 0 : i32
    %dma_wait3A_16 = tpu.memref_slice %arg2[%add3A_15, %dma_wait3A] : memref<102400x16xf32, #tpu.memory_space<hbm>> -> memref<128x16xf32, #tpu.memory_space<hbm>>
    %dma_wait3A_17 = arith.constant 0 : i32
    %dma_wait3A_18 = tpu.memref_slice %arg2[%add3A_15, %dma_wait3A_17] : memref<102400x16xf32, #tpu.memory_space<hbm>> -> memref<128x16xf32, #tpu.memory_space<hbm>>
    tpu.wait_dma2 semaphore(%arg10 : memref<!tpu.dma_semaphore, #tpu.memory_space<semaphore_mem>>) src(%dma_wait3A_18 : memref<128x16xf32, #tpu.memory_space<hbm>>) dst(%arg7 : memref<128x16xf32, #tpu.memory_space<vmem>>)
    %run_scoped3A = arith.constant 24 : i32
    "tpu.region"() ({
      %run_scoped3A_24 = tpu.sem_alloc : memref<!tpu.dma_semaphore, #tpu.memory_space<semaphore_mem>>
      %dma_start3A_25 = arith.constant 0 : i32
      %dma_start3A_26 = tpu.memref_slice %arg6[%run_scoped3A, %dma_start3A_25] : memref<25x128xi32, #tpu.memory_space<vmem>> -> memref<1x128xi32, #tpu.memory_space<vmem>>
      %dma_start3A_27 = tpu.memref_squeeze %dma_start3A_26 : memref<1x128xi32, #tpu.memory_space<vmem>> -> memref<128xi32, #tpu.memory_space<vmem>>
      %dma_start3A_28 = arith.constant 0 : i32
      %dma_start3A_29 = arith.constant 0 : i32
      %dma_start3A_30 = tpu.memref_slice %arg9[%dma_start3A_28, %dma_start3A_29] : memref<10016x16xf32, #tpu.memory_space<vmem_shared>> -> memref<10016x16xf32, #tpu.memory_space<vmem_shared>>
      tpu.enqueue_indirect_dma source(%arg7 : memref<128x16xf32, #tpu.memory_space<vmem>>) target(%dma_start3A_30 : memref<10016x16xf32, #tpu.memory_space<vmem_shared>>) offsets(%dma_start3A_27 : memref<128xi32, #tpu.memory_space<vmem>>) semaphore(%run_scoped3A_24 : memref<!tpu.dma_semaphore, #tpu.memory_space<semaphore_mem>>) {add = true}
      %dma_wait3A_31 = arith.constant 0 : i32
      %dma_wait3A_32 = tpu.memref_slice %arg6[%run_scoped3A, %dma_wait3A_31] : memref<25x128xi32, #tpu.memory_space<vmem>> -> memref<1x128xi32, #tpu.memory_space<vmem>>
      %dma_wait3A_33 = tpu.memref_squeeze %dma_wait3A_32 : memref<1x128xi32, #tpu.memory_space<vmem>> -> memref<128xi32, #tpu.memory_space<vmem>>
      %dma_wait3A_34 = arith.constant 0 : i32
      %dma_wait3A_35 = arith.constant 0 : i32
      %dma_wait3A_36 = tpu.memref_slice %arg9[%dma_wait3A_34, %dma_wait3A_35] : memref<10016x16xf32, #tpu.memory_space<vmem_shared>> -> memref<10016x16xf32, #tpu.memory_space<vmem_shared>>
      tpu.wait_indirect_dma semaphore(%run_scoped3A_24 : memref<!tpu.dma_semaphore, #tpu.memory_space<semaphore_mem>>) src(%arg7 : memref<128x16xf32, #tpu.memory_space<vmem>>) dst(%dma_wait3A_36 : memref<10016x16xf32, #tpu.memory_space<vmem_shared>>)
      tpu.yield
    }) : () -> ()
    %barrier3A_19 = arith.constant 0 : index
    tpu.barrier barrier_id(%barrier3A_19)
    %mul3A_20 = arith.constant 626 : i32
    %mul3A_21 = arith.muli %arg1, %mul3A_20 : i32
    %mul3A_22 = arith.constant 626 : i32
    %mul3A_23 = arith.muli %arg1, %mul3A_22 : i32
    "tpu.region"() ({
      %run_scoped3A_24 = tpu.sem_alloc : memref<!tpu.dma_semaphore, #tpu.memory_space<semaphore_mem>>
      %dma_start3A_25 = arith.constant 0 : i32
      %dma_start3A_26 = tpu.memref_slice %arg5[%arg0, %mul3A_23, %dma_start3A_25] : memref<2x10016x16xf32, #tpu.memory_space<hbm>> -> memref<1x626x16xf32, #tpu.memory_space<hbm>>
      %dma_start3A_27 = tpu.memref_squeeze %dma_start3A_26 : memref<1x626x16xf32, #tpu.memory_space<hbm>> -> memref<626x16xf32, #tpu.memory_space<hbm>>
      %dma_start3A_28 = arith.constant 0 : i32
      %dma_start3A_29 = tpu.memref_slice %arg9[%mul3A_21, %dma_start3A_28] : memref<10016x16xf32, #tpu.memory_space<vmem_shared>> -> memref<626x16xf32, #tpu.memory_space<vmem_shared>>
      tpu.enqueue_dma source(%dma_start3A_29 : memref<626x16xf32, #tpu.memory_space<vmem_shared>>) target(%dma_start3A_27 : memref<626x16xf32, #tpu.memory_space<hbm>>) target_semaphore(%run_scoped3A_24 : memref<!tpu.dma_semaphore, #tpu.memory_space<semaphore_mem>>)
      %dma_wait3A_30 = arith.constant 0 : i32
      %dma_wait3A_31 = tpu.memref_slice %arg5[%arg0, %mul3A_23, %dma_wait3A_30] : memref<2x10016x16xf32, #tpu.memory_space<hbm>> -> memref<1x626x16xf32, #tpu.memory_space<hbm>>
      %dma_wait3A_32 = tpu.memref_squeeze %dma_wait3A_31 : memref<1x626x16xf32, #tpu.memory_space<hbm>> -> memref<626x16xf32, #tpu.memory_space<hbm>>
      %dma_wait3A_33 = arith.constant 0 : i32
      %dma_wait3A_34 = tpu.memref_slice %arg9[%mul3A_21, %dma_wait3A_33] : memref<10016x16xf32, #tpu.memory_space<vmem_shared>> -> memref<626x16xf32, #tpu.memory_space<vmem_shared>>
      tpu.wait_dma2 semaphore(%run_scoped3A_24 : memref<!tpu.dma_semaphore, #tpu.memory_space<semaphore_mem>>) src(%dma_wait3A_34 : memref<626x16xf32, #tpu.memory_space<vmem_shared>>) dst(%dma_wait3A_32 : memref<626x16xf32, #tpu.memory_space<hbm>>)
      tpu.yield
    }) : () -> ()
    return
  }
}

module attributes {stable_mosaic.version = 14 : i64} {
  func.func @body(%arg0: i32, %arg1: memref<512x128xf32, #tpu.memory_space<vmem>>, %arg2: memref<4x1024xf32, #tpu.memory_space<vmem>>, %arg3: memref<2x128x1024xbf16, #tpu.memory_space<vmem>>, %arg4: memref<4x1024xbf16, #tpu.memory_space<vmem>>, %arg5: memref<1x1024xf32, #tpu.memory_space<vmem>>, %arg6: memref<1024x1024xbf16, #tpu.memory_space<vmem>>, %arg7: memref<1x1024xf32, #tpu.memory_space<vmem>>, %arg8: memref<1024x16xf32, #tpu.memory_space<vmem>>, %arg9: memref<128x128xf32, #tpu.memory_space<vmem>>) attributes {dimension_semantics = [#tpu.dimension_semantics<arbitrary>], iteration_bounds = array<i64: 100>, scalar_prefetch = 0 : i64, scratch_operands = 0 : i64, tpu.core_type = #tpu.core_type<tc>, window_params = [{transform_indices = @transform_0, window_bounds = array<i64: 512, 128>}, {transform_indices = @transform_1, window_bounds = array<i64: 4, 1024>}, {pipeline_mode = #tpu.pipeline_mode<synchronous>, transform_indices = @transform_2, window_bounds = array<i64: 2, 128, 1024>}, {pipeline_mode = #tpu.pipeline_mode<synchronous>, transform_indices = @transform_3, window_bounds = array<i64: 4, 1024>}, {pipeline_mode = #tpu.pipeline_mode<synchronous>, transform_indices = @transform_4, window_bounds = array<i64: 1, 1024>}, {pipeline_mode = #tpu.pipeline_mode<synchronous>, transform_indices = @transform_5, window_bounds = array<i64: 1024, 1024>}, {pipeline_mode = #tpu.pipeline_mode<synchronous>, transform_indices = @transform_6, window_bounds = array<i64: 1, 1024>}, {pipeline_mode = #tpu.pipeline_mode<synchronous>, transform_indices = @transform_7, window_bounds = array<i64: 1024, 16>}, {transform_indices = @transform_8, window_bounds = array<i64: 128, 128>}]} {
    %get3A = arith.constant 0 : index
    %get3A_0 = arith.constant 0 : index
    %get3A_1 = vector.load %arg1[%get3A, %get3A_0] : memref<512x128xf32, #tpu.memory_space<vmem>>, vector<512x128xf32>
    %convert_element_type3A = arith.truncf %get3A_1 : vector<512x128xf32> to vector<512x128xbf16>
    %get3A_2 = arith.constant 0 : index
    %get3A_3 = arith.constant 0 : index
    %get3A_4 = arith.constant 0 : index
    %get3A_5 = vector.load %arg3[%get3A_2, %get3A_3, %get3A_4] : memref<2x128x1024xbf16, #tpu.memory_space<vmem>>, vector<1x128x1024xbf16>
    %get3A_6 = vector.shape_cast %get3A_5 : vector<1x128x1024xbf16> to vector<128x1024xbf16>
    %dot_general3A = arith.constant dense<0.000000e+00> : vector<512x1024xf32>
    %dot_general3A_7 = tpu.matmul %convert_element_type3A, %get3A_6, %dot_general3A {dimension_numbers = #tpu.dot_dimension_numbers<[1], [0], [0], [1], [0, 0, 1, 1], [], []>, transpose_lhs_hint = false} : vector<512x128xbf16>, vector<128x1024xbf16>, vector<512x1024xf32> -> vector<512x1024xf32>
    %get3A_8 = arith.constant 1 : index
    %get3A_9 = arith.constant 0 : index
    %get3A_10 = arith.constant 0 : index
    %get3A_11 = vector.load %arg3[%get3A_8, %get3A_9, %get3A_10] : memref<2x128x1024xbf16, #tpu.memory_space<vmem>>, vector<1x128x1024xbf16>
    %get3A_12 = vector.shape_cast %get3A_11 : vector<1x128x1024xbf16> to vector<128x1024xbf16>
    %dot_general3A_13 = arith.constant dense<0.000000e+00> : vector<512x1024xf32>
    %dot_general3A_14 = tpu.matmul %convert_element_type3A, %get3A_12, %dot_general3A_13 {dimension_numbers = #tpu.dot_dimension_numbers<[1], [0], [0], [1], [0, 0, 1, 1], [], []>, transpose_lhs_hint = false} : vector<512x128xbf16>, vector<128x1024xbf16>, vector<512x1024xf32> -> vector<512x1024xf32>
    %concatenate3A = tpu.concatenate %dot_general3A_7, %dot_general3A_14 in 0 : vector<512x1024xf32>, vector<512x1024xf32> -> vector<1024x1024xf32>
    %get3A_15 = arith.constant 0 : index
    %get3A_16 = arith.constant 0 : index
    %get3A_17 = vector.load %arg2[%get3A_15, %get3A_16] : memref<4x1024xf32, #tpu.memory_space<vmem>>, vector<4x1024xf32>
    %transpose3A = tpu.transpose %get3A_17, [1, 0] : vector<4x1024xf32> -> vector<1024x4xf32>
    %convert_element_type3A_18 = arith.truncf %transpose3A : vector<1024x4xf32> to vector<1024x4xbf16>
    %get3A_19 = arith.constant 0 : index
    %get3A_20 = arith.constant 0 : index
    %get3A_21 = vector.load %arg4[%get3A_19, %get3A_20] : memref<4x1024xbf16, #tpu.memory_space<vmem>>, vector<4x1024xbf16>
    %dot_general3A_22 = arith.constant dense<0.000000e+00> : vector<1024x1024xf32>
    %dot_general3A_23 = tpu.matmul %convert_element_type3A_18, %get3A_21, %dot_general3A_22 {dimension_numbers = #tpu.dot_dimension_numbers<[1], [0], [0], [1], [0, 0, 1, 1], [], []>, transpose_lhs_hint = false} : vector<1024x4xbf16>, vector<4x1024xbf16>, vector<1024x1024xf32> -> vector<1024x1024xf32>
    %get3A_24 = arith.constant 0 : index
    %get3A_25 = arith.constant 0 : index
    %get3A_26 = vector.load %arg5[%get3A_24, %get3A_25] : memref<1x1024xf32, #tpu.memory_space<vmem>>, vector<1x1024xf32>
    %add3A = vector.broadcast %get3A_26 : vector<1x1024xf32> to vector<1024x1024xf32>
    %add3A_27 = arith.addf %dot_general3A_23, %add3A : vector<1024x1024xf32>
    %max3A = arith.constant 0.000000e+00 : f32
    %max3A_28 = vector.broadcast %max3A : f32 to vector<1024x1024xf32>
    %max3A_29 = arith.maximumf %add3A_27, %max3A_28 : vector<1024x1024xf32>
    %convert_element_type3A_30 = arith.truncf %max3A_29 : vector<1024x1024xf32> to vector<1024x1024xbf16>
    %get3A_31 = arith.constant 0 : index
    %get3A_32 = arith.constant 0 : index
    %get3A_33 = vector.load %arg6[%get3A_31, %get3A_32] : memref<1024x1024xbf16, #tpu.memory_space<vmem>>, vector<1024x1024xbf16>
    %dot_general3A_34 = arith.constant dense<0.000000e+00> : vector<1024x1024xf32>
    %dot_general3A_35 = tpu.matmul %convert_element_type3A_30, %get3A_33, %dot_general3A_34 {dimension_numbers = #tpu.dot_dimension_numbers<[1], [0], [0], [1], [0, 0, 1, 1], [], []>, transpose_lhs_hint = false} : vector<1024x1024xbf16>, vector<1024x1024xbf16>, vector<1024x1024xf32> -> vector<1024x1024xf32>
    %get3A_36 = arith.constant 0 : index
    %get3A_37 = arith.constant 0 : index
    %get3A_38 = vector.load %arg7[%get3A_36, %get3A_37] : memref<1x1024xf32, #tpu.memory_space<vmem>>, vector<1x1024xf32>
    %add3A_39 = vector.broadcast %get3A_38 : vector<1x1024xf32> to vector<1024x1024xf32>
    %add3A_40 = arith.addf %dot_general3A_35, %add3A_39 : vector<1024x1024xf32>
    %mul3A = arith.mulf %concatenate3A, %add3A_40 : vector<1024x1024xf32>
    %get3A_41 = arith.constant 0 : index
    %get3A_42 = arith.constant 0 : index
    %get3A_43 = vector.load %arg8[%get3A_41, %get3A_42] : memref<1024x16xf32, #tpu.memory_space<vmem>>, vector<1024x16xf32>
    %dot_general3A_44 = arith.constant dense<0.000000e+00> : vector<1024x16xf32>
    %dot_general3A_45 = tpu.matmul %mul3A, %get3A_43, %dot_general3A_44 {dimension_numbers = #tpu.dot_dimension_numbers<[1], [0], [0], [1], [0, 0, 1, 1], [], []>, transpose_lhs_hint = false} : vector<1024x1024xf32>, vector<1024x16xf32>, vector<1024x16xf32> -> vector<1024x16xf32>
    %slice3A = vector.extract_strided_slice %dot_general3A_45 {offsets = [0, 0], sizes = [128, 16], strides = [1, 1]} : vector<1024x16xf32> to vector<128x16xf32>
    %slice3A_46 = vector.extract_strided_slice %dot_general3A_45 {offsets = [128, 0], sizes = [128, 16], strides = [1, 1]} : vector<1024x16xf32> to vector<128x16xf32>
    %slice3A_47 = vector.extract_strided_slice %dot_general3A_45 {offsets = [256, 0], sizes = [128, 16], strides = [1, 1]} : vector<1024x16xf32> to vector<128x16xf32>
    %slice3A_48 = vector.extract_strided_slice %dot_general3A_45 {offsets = [384, 0], sizes = [128, 16], strides = [1, 1]} : vector<1024x16xf32> to vector<128x16xf32>
    %slice3A_49 = vector.extract_strided_slice %dot_general3A_45 {offsets = [512, 0], sizes = [128, 16], strides = [1, 1]} : vector<1024x16xf32> to vector<128x16xf32>
    %slice3A_50 = vector.extract_strided_slice %dot_general3A_45 {offsets = [640, 0], sizes = [128, 16], strides = [1, 1]} : vector<1024x16xf32> to vector<128x16xf32>
    %slice3A_51 = vector.extract_strided_slice %dot_general3A_45 {offsets = [768, 0], sizes = [128, 16], strides = [1, 1]} : vector<1024x16xf32> to vector<128x16xf32>
    %slice3A_52 = vector.extract_strided_slice %dot_general3A_45 {offsets = [896, 0], sizes = [128, 16], strides = [1, 1]} : vector<1024x16xf32> to vector<128x16xf32>
    %concatenate3A_53 = tpu.concatenate %slice3A, %slice3A_46, %slice3A_47, %slice3A_48, %slice3A_49, %slice3A_50, %slice3A_51, %slice3A_52 in 1 : vector<128x16xf32>, vector<128x16xf32>, vector<128x16xf32>, vector<128x16xf32>, vector<128x16xf32>, vector<128x16xf32>, vector<128x16xf32>, vector<128x16xf32> -> vector<128x128xf32>
    %swap3A = arith.constant 0 : index
    %swap3A_54 = arith.constant 0 : index
    %swap3A_55 = vector.load %arg9[%swap3A, %swap3A_54] : memref<128x128xf32, #tpu.memory_space<vmem>>, vector<128x128xf32>
    tpu.vector_store %arg9[%swap3A, %swap3A_54], %concatenate3A_53 {strides = array<i32>} : memref<128x128xf32, #tpu.memory_space<vmem>>, vector<128x128xf32>,
    return
  }
  func.func @transform_0(%arg0: i32) -> (i32, i32) {
    %c0_i32 = arith.constant 0 : i32
    %c0_i32_0 = arith.constant 0 : i32
    return %arg0, %c0_i32 : i32, i32
  }
  func.func @transform_1(%arg0: i32) -> (i32, i32) {
    %c0_i32 = arith.constant 0 : i32
    %c0_i32_0 = arith.constant 0 : i32
    return %c0_i32, %arg0 : i32, i32
  }
  func.func @transform_2(%arg0: i32) -> (i32, i32, i32) {
    %c0_i32 = arith.constant 0 : i32
    %c0_i32_0 = arith.constant 0 : i32
    %c0_i32_1 = arith.constant 0 : i32
    %c0_i32_2 = arith.constant 0 : i32
    return %c0_i32, %c0_i32_0, %c0_i32_1 : i32, i32, i32
  }
  func.func @transform_3(%arg0: i32) -> (i32, i32) {
    %c0_i32 = arith.constant 0 : i32
    %c0_i32_0 = arith.constant 0 : i32
    %c0_i32_1 = arith.constant 0 : i32
    return %c0_i32, %c0_i32_0 : i32, i32
  }
  func.func @transform_4(%arg0: i32) -> (i32, i32) {
    %c0_i32 = arith.constant 0 : i32
    %c0_i32_0 = arith.constant 0 : i32
    %c0_i32_1 = arith.constant 0 : i32
    return %c0_i32, %c0_i32_0 : i32, i32
  }
  func.func @transform_5(%arg0: i32) -> (i32, i32) {
    %c0_i32 = arith.constant 0 : i32
    %c0_i32_0 = arith.constant 0 : i32
    %c0_i32_1 = arith.constant 0 : i32
    return %c0_i32, %c0_i32_0 : i32, i32
  }
  func.func @transform_6(%arg0: i32) -> (i32, i32) {
    %c0_i32 = arith.constant 0 : i32
    %c0_i32_0 = arith.constant 0 : i32
    %c0_i32_1 = arith.constant 0 : i32
    return %c0_i32, %c0_i32_0 : i32, i32
  }
  func.func @transform_7(%arg0: i32) -> (i32, i32) {
    %c0_i32 = arith.constant 0 : i32
    %c0_i32_0 = arith.constant 0 : i32
    %c0_i32_1 = arith.constant 0 : i32
    return %c0_i32, %c0_i32_0 : i32, i32
  }
  func.func @transform_8(%arg0: i32) -> (i32, i32) {
    %c0_i32 = arith.constant 0 : i32
    %c0_i32_0 = arith.constant 0 : i32
    return %arg0, %c0_i32 : i32, i32
  }
}

module attributes {stable_mosaic.version = 14 : i64} {
  func.func @body(%arg0: memref<2x10016x16xf32, #tpu.memory_space<vmem>>, %arg1: memref<10000x64xf32, #tpu.memory_space<vmem>>, %arg2: memref<64x16xf32, #tpu.memory_space<vmem>>, %arg3: memref<1x16xf32, #tpu.memory_space<vmem>>, %arg4: memref<1x16xf32, #tpu.memory_space<vmem>>, %arg5: memref<1x16xf32, #tpu.memory_space<vmem>>, %arg6: memref<10000x16xf32, #tpu.memory_space<vmem>>, %arg7: memref<1x16xf32, #tpu.memory_space<vmem>>) attributes {dimension_semantics = [], scalar_prefetch = 0 : i64, scratch_operands = 0 : i64, tpu.core_type = #tpu.core_type<tc>} {
    %get3A = arith.constant 0 : index
    %get3A_0 = arith.constant 0 : index
    %get3A_1 = arith.constant 0 : index
    %get3A_2 = vector.load %arg0[%get3A, %get3A_0, %get3A_1] : memref<2x10016x16xf32, #tpu.memory_space<vmem>>, vector<1x10000x16xf32>
    %get3A_3 = vector.shape_cast %get3A_2 : vector<1x10000x16xf32> to vector<10000x16xf32>
    %get3A_4 = arith.constant 1 : index
    %get3A_5 = arith.constant 0 : index
    %get3A_6 = arith.constant 0 : index
    %get3A_7 = vector.load %arg0[%get3A_4, %get3A_5, %get3A_6] : memref<2x10016x16xf32, #tpu.memory_space<vmem>>, vector<1x10000x16xf32>
    %get3A_8 = vector.shape_cast %get3A_7 : vector<1x10000x16xf32> to vector<10000x16xf32>
    %add3A = arith.addf %get3A_3, %get3A_8 : vector<10000x16xf32>
    %get3A_9 = arith.constant 0 : index
    %get3A_10 = arith.constant 0 : index
    %get3A_11 = vector.load %arg1[%get3A_9, %get3A_10] : memref<10000x64xf32, #tpu.memory_space<vmem>>, vector<10000x64xf32>
    %get3A_12 = arith.constant 0 : index
    %get3A_13 = arith.constant 0 : index
    %get3A_14 = vector.load %arg2[%get3A_12, %get3A_13] : memref<64x16xf32, #tpu.memory_space<vmem>>, vector<64x16xf32>
    %dot_general3A = arith.constant dense<0.000000e+00> : vector<10000x16xf32>
    %dot_general3A_15 = tpu.matmul %get3A_11, %get3A_14, %dot_general3A {dimension_numbers = #tpu.dot_dimension_numbers<[1], [0], [0], [1], [0, 0, 1, 1], [], []>, transpose_lhs_hint = false} : vector<10000x64xf32>, vector<64x16xf32>, vector<10000x16xf32> -> vector<10000x16xf32>
    %add3A_16 = arith.addf %add3A, %dot_general3A_15 : vector<10000x16xf32>
    %get3A_17 = arith.constant 0 : index
    %get3A_18 = arith.constant 0 : index
    %get3A_19 = vector.load %arg3[%get3A_17, %get3A_18] : memref<1x16xf32, #tpu.memory_space<vmem>>, vector<1x16xf32>
    %add3A_20 = vector.broadcast %get3A_19 : vector<1x16xf32> to vector<10000x16xf32>
    %add3A_21 = arith.addf %add3A_16, %add3A_20 : vector<10000x16xf32>
    %reduce_sum3A = arith.constant dense<0.000000e+00> : vector<16xf32>
    %reduce_sum3A_22 = vector.multi_reduction <add>, %add3A_21, %reduce_sum3A [0] : vector<10000x16xf32> to vector<16xf32>
    %broadcast_in_dim3A = vector.shape_cast %reduce_sum3A_22 : vector<16xf32> to vector<1x16xf32>
    %div3A = arith.constant 1.000000e+04 : f32
    %div3A_23 = vector.broadcast %div3A : f32 to vector<1x16xf32>
    %div3A_24 = arith.divf %broadcast_in_dim3A, %div3A_23 : vector<1x16xf32>
    %sub3A = vector.broadcast %div3A_24 : vector<1x16xf32> to vector<10000x16xf32>
    %sub3A_25 = arith.subf %add3A_21, %sub3A : vector<10000x16xf32>
    %integer_pow3A = arith.mulf %sub3A_25, %sub3A_25 : vector<10000x16xf32>
    %reduce_sum3A_26 = arith.constant dense<0.000000e+00> : vector<16xf32>
    %reduce_sum3A_27 = vector.multi_reduction <add>, %integer_pow3A, %reduce_sum3A_26 [0] : vector<10000x16xf32> to vector<16xf32>
    %broadcast_in_dim3A_28 = vector.shape_cast %reduce_sum3A_27 : vector<16xf32> to vector<1x16xf32>
    %div3A_29 = arith.constant 1.000000e+04 : f32
    %div3A_30 = vector.broadcast %div3A_29 : f32 to vector<1x16xf32>
    %div3A_31 = arith.divf %broadcast_in_dim3A_28, %div3A_30 : vector<1x16xf32>
    %sub3A_32 = vector.broadcast %div3A_24 : vector<1x16xf32> to vector<10000x16xf32>
    %sub3A_33 = arith.subf %add3A_21, %sub3A_32 : vector<10000x16xf32>
    %add3A_34 = arith.constant 9.99999974E-6 : f32
    %add3A_35 = vector.broadcast %add3A_34 : f32 to vector<1x16xf32>
    %add3A_36 = arith.addf %div3A_31, %add3A_35 : vector<1x16xf32>
    %rsqrt3A = math.rsqrt %add3A_36 : vector<1x16xf32>
    %mul3A = vector.broadcast %rsqrt3A : vector<1x16xf32> to vector<10000x16xf32>
    %mul3A_37 = arith.mulf %sub3A_33, %mul3A : vector<10000x16xf32>
    %get3A_38 = arith.constant 0 : index
    %get3A_39 = arith.constant 0 : index
    %get3A_40 = vector.load %arg4[%get3A_38, %get3A_39] : memref<1x16xf32, #tpu.memory_space<vmem>>, vector<1x16xf32>
    %mul3A_41 = vector.broadcast %get3A_40 : vector<1x16xf32> to vector<10000x16xf32>
    %mul3A_42 = arith.mulf %mul3A_37, %mul3A_41 : vector<10000x16xf32>
    %get3A_43 = arith.constant 0 : index
    %get3A_44 = arith.constant 0 : index
    %get3A_45 = vector.load %arg5[%get3A_43, %get3A_44] : memref<1x16xf32, #tpu.memory_space<vmem>>, vector<1x16xf32>
    %add3A_46 = vector.broadcast %get3A_45 : vector<1x16xf32> to vector<10000x16xf32>
    %add3A_47 = arith.addf %mul3A_42, %add3A_46 : vector<10000x16xf32>
    %max3A = arith.constant 0.000000e+00 : f32
    %max3A_48 = vector.broadcast %max3A : f32 to vector<10000x16xf32>
    %max3A_49 = arith.maximumf %add3A_47, %max3A_48 : vector<10000x16xf32>
    %swap3A = arith.constant 0 : index
    %swap3A_50 = arith.constant 0 : index
    %swap3A_51 = vector.load %arg6[%swap3A, %swap3A_50] : memref<10000x16xf32, #tpu.memory_space<vmem>>, vector<10000x16xf32>
    tpu.vector_store %arg6[%swap3A, %swap3A_50], %max3A_49 {strides = array<i32>} : memref<10000x16xf32, #tpu.memory_space<vmem>>, vector<10000x16xf32>,
    %reduce_sum3A_52 = arith.constant dense<0.000000e+00> : vector<16xf32>
    %reduce_sum3A_53 = vector.multi_reduction <add>, %max3A_49, %reduce_sum3A_52 [0] : vector<10000x16xf32> to vector<16xf32>
    %broadcast_in_dim3A_54 = vector.shape_cast %reduce_sum3A_53 : vector<16xf32> to vector<1x16xf32>
    %swap3A_55 = arith.constant 0 : index
    %swap3A_56 = arith.constant 0 : index
    %swap3A_57 = vector.load %arg7[%swap3A_55, %swap3A_56] : memref<1x16xf32, #tpu.memory_space<vmem>>, vector<1x16xf32>
    tpu.vector_store %arg7[%swap3A_55, %swap3A_56], %broadcast_in_dim3A_54 {strides = array<i32>} : memref<1x16xf32, #tpu.memory_space<vmem>>, vector<1x16xf32>,
    return
  }
}

module attributes {stable_mosaic.version = 14 : i64} {
  func.func @body(%arg0: i32, %arg1: memref<512x128xf32, #tpu.memory_space<vmem>>, %arg2: memref<4x4096xf32, #tpu.memory_space<vmem>>, %arg3: memref<8x128x256xbf16, #tpu.memory_space<vmem>>, %arg4: memref<4x256xbf16, #tpu.memory_space<vmem>>, %arg5: memref<1x256xf32, #tpu.memory_space<vmem>>, %arg6: memref<256x256xbf16, #tpu.memory_space<vmem>>, %arg7: memref<1x256xf32, #tpu.memory_space<vmem>>, %arg8: memref<256x16xf32, #tpu.memory_space<vmem>>, %arg9: memref<512x128xf32, #tpu.memory_space<vmem>>) attributes {dimension_semantics = [#tpu.dimension_semantics<arbitrary>], iteration_bounds = array<i64: 25>, scalar_prefetch = 0 : i64, scratch_operands = 0 : i64, tpu.core_type = #tpu.core_type<tc>, window_params = [{transform_indices = @transform_0, window_bounds = array<i64: 512, 128>}, {transform_indices = @transform_1, window_bounds = array<i64: 4, 4096>}, {pipeline_mode = #tpu.pipeline_mode<synchronous>, transform_indices = @transform_2, window_bounds = array<i64: 8, 128, 256>}, {pipeline_mode = #tpu.pipeline_mode<synchronous>, transform_indices = @transform_3, window_bounds = array<i64: 4, 256>}, {pipeline_mode = #tpu.pipeline_mode<synchronous>, transform_indices = @transform_4, window_bounds = array<i64: 1, 256>}, {pipeline_mode = #tpu.pipeline_mode<synchronous>, transform_indices = @transform_5, window_bounds = array<i64: 256, 256>}, {pipeline_mode = #tpu.pipeline_mode<synchronous>, transform_indices = @transform_6, window_bounds = array<i64: 1, 256>}, {pipeline_mode = #tpu.pipeline_mode<synchronous>, transform_indices = @transform_7, window_bounds = array<i64: 256, 16>}, {transform_indices = @transform_8, window_bounds = array<i64: 512, 128>}]} {
    %get3A = arith.constant 0 : index
    %get3A_0 = arith.constant 0 : index
    %get3A_1 = vector.load %arg1[%get3A, %get3A_0] : memref<512x128xf32, #tpu.memory_space<vmem>>, vector<512x128xf32>
    %convert_element_type3A = arith.truncf %get3A_1 : vector<512x128xf32> to vector<512x128xbf16>
    %get3A_2 = arith.constant 0 : index
    %get3A_3 = arith.constant 0 : index
    %get3A_4 = arith.constant 0 : index
    %get3A_5 = vector.load %arg3[%get3A_2, %get3A_3, %get3A_4] : memref<8x128x256xbf16, #tpu.memory_space<vmem>>, vector<1x128x256xbf16>
    %get3A_6 = vector.shape_cast %get3A_5 : vector<1x128x256xbf16> to vector<128x256xbf16>
    %dot_general3A = arith.constant dense<0.000000e+00> : vector<512x256xf32>
    %dot_general3A_7 = tpu.matmul %convert_element_type3A, %get3A_6, %dot_general3A {dimension_numbers = #tpu.dot_dimension_numbers<[1], [0], [0], [1], [0, 0, 1, 1], [], []>, transpose_lhs_hint = false} : vector<512x128xbf16>, vector<128x256xbf16>, vector<512x256xf32> -> vector<512x256xf32>
    %get3A_8 = arith.constant 1 : index
    %get3A_9 = arith.constant 0 : index
    %get3A_10 = arith.constant 0 : index
    %get3A_11 = vector.load %arg3[%get3A_8, %get3A_9, %get3A_10] : memref<8x128x256xbf16, #tpu.memory_space<vmem>>, vector<1x128x256xbf16>
    %get3A_12 = vector.shape_cast %get3A_11 : vector<1x128x256xbf16> to vector<128x256xbf16>
    %dot_general3A_13 = arith.constant dense<0.000000e+00> : vector<512x256xf32>
    %dot_general3A_14 = tpu.matmul %convert_element_type3A, %get3A_12, %dot_general3A_13 {dimension_numbers = #tpu.dot_dimension_numbers<[1], [0], [0], [1], [0, 0, 1, 1], [], []>, transpose_lhs_hint = false} : vector<512x128xbf16>, vector<128x256xbf16>, vector<512x256xf32> -> vector<512x256xf32>
    %get3A_15 = arith.constant 2 : index
    %get3A_16 = arith.constant 0 : index
    %get3A_17 = arith.constant 0 : index
    %get3A_18 = vector.load %arg3[%get3A_15, %get3A_16, %get3A_17] : memref<8x128x256xbf16, #tpu.memory_space<vmem>>, vector<1x128x256xbf16>
    %get3A_19 = vector.shape_cast %get3A_18 : vector<1x128x256xbf16> to vector<128x256xbf16>
    %dot_general3A_20 = arith.constant dense<0.000000e+00> : vector<512x256xf32>
    %dot_general3A_21 = tpu.matmul %convert_element_type3A, %get3A_19, %dot_general3A_20 {dimension_numbers = #tpu.dot_dimension_numbers<[1], [0], [0], [1], [0, 0, 1, 1], [], []>, transpose_lhs_hint = false} : vector<512x128xbf16>, vector<128x256xbf16>, vector<512x256xf32> -> vector<512x256xf32>
    %get3A_22 = arith.constant 3 : index
    %get3A_23 = arith.constant 0 : index
    %get3A_24 = arith.constant 0 : index
    %get3A_25 = vector.load %arg3[%get3A_22, %get3A_23, %get3A_24] : memref<8x128x256xbf16, #tpu.memory_space<vmem>>, vector<1x128x256xbf16>
    %get3A_26 = vector.shape_cast %get3A_25 : vector<1x128x256xbf16> to vector<128x256xbf16>
    %dot_general3A_27 = arith.constant dense<0.000000e+00> : vector<512x256xf32>
    %dot_general3A_28 = tpu.matmul %convert_element_type3A, %get3A_26, %dot_general3A_27 {dimension_numbers = #tpu.dot_dimension_numbers<[1], [0], [0], [1], [0, 0, 1, 1], [], []>, transpose_lhs_hint = false} : vector<512x128xbf16>, vector<128x256xbf16>, vector<512x256xf32> -> vector<512x256xf32>
    %get3A_29 = arith.constant 4 : index
    %get3A_30 = arith.constant 0 : index
    %get3A_31 = arith.constant 0 : index
    %get3A_32 = vector.load %arg3[%get3A_29, %get3A_30, %get3A_31] : memref<8x128x256xbf16, #tpu.memory_space<vmem>>, vector<1x128x256xbf16>
    %get3A_33 = vector.shape_cast %get3A_32 : vector<1x128x256xbf16> to vector<128x256xbf16>
    %dot_general3A_34 = arith.constant dense<0.000000e+00> : vector<512x256xf32>
    %dot_general3A_35 = tpu.matmul %convert_element_type3A, %get3A_33, %dot_general3A_34 {dimension_numbers = #tpu.dot_dimension_numbers<[1], [0], [0], [1], [0, 0, 1, 1], [], []>, transpose_lhs_hint = false} : vector<512x128xbf16>, vector<128x256xbf16>, vector<512x256xf32> -> vector<512x256xf32>
    %get3A_36 = arith.constant 5 : index
    %get3A_37 = arith.constant 0 : index
    %get3A_38 = arith.constant 0 : index
    %get3A_39 = vector.load %arg3[%get3A_36, %get3A_37, %get3A_38] : memref<8x128x256xbf16, #tpu.memory_space<vmem>>, vector<1x128x256xbf16>
    %get3A_40 = vector.shape_cast %get3A_39 : vector<1x128x256xbf16> to vector<128x256xbf16>
    %dot_general3A_41 = arith.constant dense<0.000000e+00> : vector<512x256xf32>
    %dot_general3A_42 = tpu.matmul %convert_element_type3A, %get3A_40, %dot_general3A_41 {dimension_numbers = #tpu.dot_dimension_numbers<[1], [0], [0], [1], [0, 0, 1, 1], [], []>, transpose_lhs_hint = false} : vector<512x128xbf16>, vector<128x256xbf16>, vector<512x256xf32> -> vector<512x256xf32>
    %get3A_43 = arith.constant 6 : index
    %get3A_44 = arith.constant 0 : index
    %get3A_45 = arith.constant 0 : index
    %get3A_46 = vector.load %arg3[%get3A_43, %get3A_44, %get3A_45] : memref<8x128x256xbf16, #tpu.memory_space<vmem>>, vector<1x128x256xbf16>
    %get3A_47 = vector.shape_cast %get3A_46 : vector<1x128x256xbf16> to vector<128x256xbf16>
    %dot_general3A_48 = arith.constant dense<0.000000e+00> : vector<512x256xf32>
    %dot_general3A_49 = tpu.matmul %convert_element_type3A, %get3A_47, %dot_general3A_48 {dimension_numbers = #tpu.dot_dimension_numbers<[1], [0], [0], [1], [0, 0, 1, 1], [], []>, transpose_lhs_hint = false} : vector<512x128xbf16>, vector<128x256xbf16>, vector<512x256xf32> -> vector<512x256xf32>
    %get3A_50 = arith.constant 7 : index
    %get3A_51 = arith.constant 0 : index
    %get3A_52 = arith.constant 0 : index
    %get3A_53 = vector.load %arg3[%get3A_50, %get3A_51, %get3A_52] : memref<8x128x256xbf16, #tpu.memory_space<vmem>>, vector<1x128x256xbf16>
    %get3A_54 = vector.shape_cast %get3A_53 : vector<1x128x256xbf16> to vector<128x256xbf16>
    %dot_general3A_55 = arith.constant dense<0.000000e+00> : vector<512x256xf32>
    %dot_general3A_56 = tpu.matmul %convert_element_type3A, %get3A_54, %dot_general3A_55 {dimension_numbers = #tpu.dot_dimension_numbers<[1], [0], [0], [1], [0, 0, 1, 1], [], []>, transpose_lhs_hint = false} : vector<512x128xbf16>, vector<128x256xbf16>, vector<512x256xf32> -> vector<512x256xf32>
    %concatenate3A = tpu.concatenate %dot_general3A_7, %dot_general3A_14, %dot_general3A_21, %dot_general3A_28, %dot_general3A_35, %dot_general3A_42, %dot_general3A_49, %dot_general3A_56 in 0 : vector<512x256xf32>, vector<512x256xf32>, vector<512x256xf32>, vector<512x256xf32>, vector<512x256xf32>, vector<512x256xf32>, vector<512x256xf32>, vector<512x256xf32> -> vector<4096x256xf32>
    %get3A_57 = arith.constant 0 : index
    %get3A_58 = arith.constant 0 : index
    %get3A_59 = vector.load %arg2[%get3A_57, %get3A_58] : memref<4x4096xf32, #tpu.memory_space<vmem>>, vector<4x4096xf32>
    %transpose3A = tpu.transpose %get3A_59, [1, 0] : vector<4x4096xf32> -> vector<4096x4xf32>
    %convert_element_type3A_60 = arith.truncf %transpose3A : vector<4096x4xf32> to vector<4096x4xbf16>
    %get3A_61 = arith.constant 0 : index
    %get3A_62 = arith.constant 0 : index
    %get3A_63 = vector.load %arg4[%get3A_61, %get3A_62] : memref<4x256xbf16, #tpu.memory_space<vmem>>, vector<4x256xbf16>
    %dot_general3A_64 = arith.constant dense<0.000000e+00> : vector<4096x256xf32>
    %dot_general3A_65 = tpu.matmul %convert_element_type3A_60, %get3A_63, %dot_general3A_64 {dimension_numbers = #tpu.dot_dimension_numbers<[1], [0], [0], [1], [0, 0, 1, 1], [], []>, transpose_lhs_hint = false} : vector<4096x4xbf16>, vector<4x256xbf16>, vector<4096x256xf32> -> vector<4096x256xf32>
    %get3A_66 = arith.constant 0 : index
    %get3A_67 = arith.constant 0 : index
    %get3A_68 = vector.load %arg5[%get3A_66, %get3A_67] : memref<1x256xf32, #tpu.memory_space<vmem>>, vector<1x256xf32>
    %add3A = vector.broadcast %get3A_68 : vector<1x256xf32> to vector<4096x256xf32>
    %add3A_69 = arith.addf %dot_general3A_65, %add3A : vector<4096x256xf32>
    %max3A = arith.constant 0.000000e+00 : f32
    %max3A_70 = vector.broadcast %max3A : f32 to vector<4096x256xf32>
    %max3A_71 = arith.maximumf %add3A_69, %max3A_70 : vector<4096x256xf32>
    %convert_element_type3A_72 = arith.truncf %max3A_71 : vector<4096x256xf32> to vector<4096x256xbf16>
    %get3A_73 = arith.constant 0 : index
    %get3A_74 = arith.constant 0 : index
    %get3A_75 = vector.load %arg6[%get3A_73, %get3A_74] : memref<256x256xbf16, #tpu.memory_space<vmem>>, vector<256x256xbf16>
    %dot_general3A_76 = arith.constant dense<0.000000e+00> : vector<4096x256xf32>
    %dot_general3A_77 = tpu.matmul %convert_element_type3A_72, %get3A_75, %dot_general3A_76 {dimension_numbers = #tpu.dot_dimension_numbers<[1], [0], [0], [1], [0, 0, 1, 1], [], []>, transpose_lhs_hint = false} : vector<4096x256xbf16>, vector<256x256xbf16>, vector<4096x256xf32> -> vector<4096x256xf32>
    %get3A_78 = arith.constant 0 : index
    %get3A_79 = arith.constant 0 : index
    %get3A_80 = vector.load %arg7[%get3A_78, %get3A_79] : memref<1x256xf32, #tpu.memory_space<vmem>>, vector<1x256xf32>
    %add3A_81 = vector.broadcast %get3A_80 : vector<1x256xf32> to vector<4096x256xf32>
    %add3A_82 = arith.addf %dot_general3A_77, %add3A_81 : vector<4096x256xf32>
    %mul3A = arith.mulf %concatenate3A, %add3A_82 : vector<4096x256xf32>
    %get3A_83 = arith.constant 0 : index
    %get3A_84 = arith.constant 0 : index
    %get3A_85 = vector.load %arg8[%get3A_83, %get3A_84] : memref<256x16xf32, #tpu.memory_space<vmem>>, vector<256x16xf32>
    %dot_general3A_86 = arith.constant dense<0.000000e+00> : vector<4096x16xf32>
    %dot_general3A_87 = tpu.matmul %mul3A, %get3A_85, %dot_general3A_86 {dimension_numbers = #tpu.dot_dimension_numbers<[1], [0], [0], [1], [0, 0, 1, 1], [], []>, transpose_lhs_hint = false} : vector<4096x256xf32>, vector<256x16xf32>, vector<4096x16xf32> -> vector<4096x16xf32>
    %slice3A = vector.extract_strided_slice %dot_general3A_87 {offsets = [0, 0], sizes = [512, 16], strides = [1, 1]} : vector<4096x16xf32> to vector<512x16xf32>
    %slice3A_88 = vector.extract_strided_slice %dot_general3A_87 {offsets = [512, 0], sizes = [512, 16], strides = [1, 1]} : vector<4096x16xf32> to vector<512x16xf32>
    %slice3A_89 = vector.extract_strided_slice %dot_general3A_87 {offsets = [1024, 0], sizes = [512, 16], strides = [1, 1]} : vector<4096x16xf32> to vector<512x16xf32>
    %slice3A_90 = vector.extract_strided_slice %dot_general3A_87 {offsets = [1536, 0], sizes = [512, 16], strides = [1, 1]} : vector<4096x16xf32> to vector<512x16xf32>
    %slice3A_91 = vector.extract_strided_slice %dot_general3A_87 {offsets = [2048, 0], sizes = [512, 16], strides = [1, 1]} : vector<4096x16xf32> to vector<512x16xf32>
    %slice3A_92 = vector.extract_strided_slice %dot_general3A_87 {offsets = [2560, 0], sizes = [512, 16], strides = [1, 1]} : vector<4096x16xf32> to vector<512x16xf32>
    %slice3A_93 = vector.extract_strided_slice %dot_general3A_87 {offsets = [3072, 0], sizes = [512, 16], strides = [1, 1]} : vector<4096x16xf32> to vector<512x16xf32>
    %slice3A_94 = vector.extract_strided_slice %dot_general3A_87 {offsets = [3584, 0], sizes = [512, 16], strides = [1, 1]} : vector<4096x16xf32> to vector<512x16xf32>
    %concatenate3A_95 = tpu.concatenate %slice3A, %slice3A_88, %slice3A_89, %slice3A_90, %slice3A_91, %slice3A_92, %slice3A_93, %slice3A_94 in 1 : vector<512x16xf32>, vector<512x16xf32>, vector<512x16xf32>, vector<512x16xf32>, vector<512x16xf32>, vector<512x16xf32>, vector<512x16xf32>, vector<512x16xf32> -> vector<512x128xf32>
    %swap3A = arith.constant 0 : index
    %swap3A_96 = arith.constant 0 : index
    %swap3A_97 = vector.load %arg9[%swap3A, %swap3A_96] : memref<512x128xf32, #tpu.memory_space<vmem>>, vector<512x128xf32>
    tpu.vector_store %arg9[%swap3A, %swap3A_96], %concatenate3A_95 {strides = array<i32>} : memref<512x128xf32, #tpu.memory_space<vmem>>, vector<512x128xf32>,
    return
  }
  func.func @transform_0(%arg0: i32) -> (i32, i32) {
    %c0_i32 = arith.constant 0 : i32
    %c0_i32_0 = arith.constant 0 : i32
    return %arg0, %c0_i32 : i32, i32
  }
  func.func @transform_1(%arg0: i32) -> (i32, i32) {
    %c0_i32 = arith.constant 0 : i32
    %c0_i32_0 = arith.constant 0 : i32
    return %c0_i32, %arg0 : i32, i32
  }
  func.func @transform_2(%arg0: i32) -> (i32, i32, i32) {
    %c0_i32 = arith.constant 0 : i32
    %c0_i32_0 = arith.constant 0 : i32
    %c0_i32_1 = arith.constant 0 : i32
    %c0_i32_2 = arith.constant 0 : i32
    return %c0_i32, %c0_i32_0, %c0_i32_1 : i32, i32, i32
  }
  func.func @transform_3(%arg0: i32) -> (i32, i32) {
    %c0_i32 = arith.constant 0 : i32
    %c0_i32_0 = arith.constant 0 : i32
    %c0_i32_1 = arith.constant 0 : i32
    return %c0_i32, %c0_i32_0 : i32, i32
  }
  func.func @transform_4(%arg0: i32) -> (i32, i32) {
    %c0_i32 = arith.constant 0 : i32
    %c0_i32_0 = arith.constant 0 : i32
    %c0_i32_1 = arith.constant 0 : i32
    return %c0_i32, %c0_i32_0 : i32, i32
  }
  func.func @transform_5(%arg0: i32) -> (i32, i32) {
    %c0_i32 = arith.constant 0 : i32
    %c0_i32_0 = arith.constant 0 : i32
    %c0_i32_1 = arith.constant 0 : i32
    return %c0_i32, %c0_i32_0 : i32, i32
  }
  func.func @transform_6(%arg0: i32) -> (i32, i32) {
    %c0_i32 = arith.constant 0 : i32
    %c0_i32_0 = arith.constant 0 : i32
    %c0_i32_1 = arith.constant 0 : i32
    return %c0_i32, %c0_i32_0 : i32, i32
  }
  func.func @transform_7(%arg0: i32) -> (i32, i32) {
    %c0_i32 = arith.constant 0 : i32
    %c0_i32_0 = arith.constant 0 : i32
    %c0_i32_1 = arith.constant 0 : i32
    return %c0_i32, %c0_i32_0 : i32, i32
  }
  func.func @transform_8(%arg0: i32) -> (i32, i32) {
    %c0_i32 = arith.constant 0 : i32
    %c0_i32_0 = arith.constant 0 : i32
    return %arg0, %c0_i32 : i32, i32
  }
}

module attributes {stable_mosaic.version = 14 : i64} {
  func.func @body(%arg0: memref<2x10016x16xf32, #tpu.memory_space<vmem>>, %arg1: memref<10000x16xf32, #tpu.memory_space<vmem>>, %arg2: memref<16x16xf32, #tpu.memory_space<vmem>>, %arg3: memref<1x16xf32, #tpu.memory_space<vmem>>, %arg4: memref<1x16xf32, #tpu.memory_space<vmem>>, %arg5: memref<1x16xf32, #tpu.memory_space<vmem>>, %arg6: memref<10000x16xf32, #tpu.memory_space<vmem>>, %arg7: memref<1x16xf32, #tpu.memory_space<vmem>>) attributes {dimension_semantics = [], scalar_prefetch = 0 : i64, scratch_operands = 0 : i64, tpu.core_type = #tpu.core_type<tc>} {
    %get3A = arith.constant 0 : index
    %get3A_0 = arith.constant 0 : index
    %get3A_1 = arith.constant 0 : index
    %get3A_2 = vector.load %arg0[%get3A, %get3A_0, %get3A_1] : memref<2x10016x16xf32, #tpu.memory_space<vmem>>, vector<1x10000x16xf32>
    %get3A_3 = vector.shape_cast %get3A_2 : vector<1x10000x16xf32> to vector<10000x16xf32>
    %get3A_4 = arith.constant 1 : index
    %get3A_5 = arith.constant 0 : index
    %get3A_6 = arith.constant 0 : index
    %get3A_7 = vector.load %arg0[%get3A_4, %get3A_5, %get3A_6] : memref<2x10016x16xf32, #tpu.memory_space<vmem>>, vector<1x10000x16xf32>
    %get3A_8 = vector.shape_cast %get3A_7 : vector<1x10000x16xf32> to vector<10000x16xf32>
    %add3A = arith.addf %get3A_3, %get3A_8 : vector<10000x16xf32>
    %get3A_9 = arith.constant 0 : index
    %get3A_10 = arith.constant 0 : index
    %get3A_11 = vector.load %arg1[%get3A_9, %get3A_10] : memref<10000x16xf32, #tpu.memory_space<vmem>>, vector<10000x16xf32>
    %get3A_12 = arith.constant 0 : index
    %get3A_13 = arith.constant 0 : index
    %get3A_14 = vector.load %arg2[%get3A_12, %get3A_13] : memref<16x16xf32, #tpu.memory_space<vmem>>, vector<16x16xf32>
    %dot_general3A = arith.constant dense<0.000000e+00> : vector<10000x16xf32>
    %dot_general3A_15 = tpu.matmul %get3A_11, %get3A_14, %dot_general3A {dimension_numbers = #tpu.dot_dimension_numbers<[1], [0], [0], [1], [0, 0, 1, 1], [], []>, transpose_lhs_hint = false} : vector<10000x16xf32>, vector<16x16xf32>, vector<10000x16xf32> -> vector<10000x16xf32>
    %add3A_16 = arith.addf %add3A, %dot_general3A_15 : vector<10000x16xf32>
    %get3A_17 = arith.constant 0 : index
    %get3A_18 = arith.constant 0 : index
    %get3A_19 = vector.load %arg3[%get3A_17, %get3A_18] : memref<1x16xf32, #tpu.memory_space<vmem>>, vector<1x16xf32>
    %add3A_20 = vector.broadcast %get3A_19 : vector<1x16xf32> to vector<10000x16xf32>
    %add3A_21 = arith.addf %add3A_16, %add3A_20 : vector<10000x16xf32>
    %reduce_sum3A = arith.constant dense<0.000000e+00> : vector<16xf32>
    %reduce_sum3A_22 = vector.multi_reduction <add>, %add3A_21, %reduce_sum3A [0] : vector<10000x16xf32> to vector<16xf32>
    %broadcast_in_dim3A = vector.shape_cast %reduce_sum3A_22 : vector<16xf32> to vector<1x16xf32>
    %div3A = arith.constant 1.000000e+04 : f32
    %div3A_23 = vector.broadcast %div3A : f32 to vector<1x16xf32>
    %div3A_24 = arith.divf %broadcast_in_dim3A, %div3A_23 : vector<1x16xf32>
    %sub3A = vector.broadcast %div3A_24 : vector<1x16xf32> to vector<10000x16xf32>
    %sub3A_25 = arith.subf %add3A_21, %sub3A : vector<10000x16xf32>
    %integer_pow3A = arith.mulf %sub3A_25, %sub3A_25 : vector<10000x16xf32>
    %reduce_sum3A_26 = arith.constant dense<0.000000e+00> : vector<16xf32>
    %reduce_sum3A_27 = vector.multi_reduction <add>, %integer_pow3A, %reduce_sum3A_26 [0] : vector<10000x16xf32> to vector<16xf32>
    %broadcast_in_dim3A_28 = vector.shape_cast %reduce_sum3A_27 : vector<16xf32> to vector<1x16xf32>
    %div3A_29 = arith.constant 1.000000e+04 : f32
    %div3A_30 = vector.broadcast %div3A_29 : f32 to vector<1x16xf32>
    %div3A_31 = arith.divf %broadcast_in_dim3A_28, %div3A_30 : vector<1x16xf32>
    %sub3A_32 = vector.broadcast %div3A_24 : vector<1x16xf32> to vector<10000x16xf32>
    %sub3A_33 = arith.subf %add3A_21, %sub3A_32 : vector<10000x16xf32>
    %add3A_34 = arith.constant 9.99999974E-6 : f32
    %add3A_35 = vector.broadcast %add3A_34 : f32 to vector<1x16xf32>
    %add3A_36 = arith.addf %div3A_31, %add3A_35 : vector<1x16xf32>
    %rsqrt3A = math.rsqrt %add3A_36 : vector<1x16xf32>
    %mul3A = vector.broadcast %rsqrt3A : vector<1x16xf32> to vector<10000x16xf32>
    %mul3A_37 = arith.mulf %sub3A_33, %mul3A : vector<10000x16xf32>
    %get3A_38 = arith.constant 0 : index
    %get3A_39 = arith.constant 0 : index
    %get3A_40 = vector.load %arg4[%get3A_38, %get3A_39] : memref<1x16xf32, #tpu.memory_space<vmem>>, vector<1x16xf32>
    %mul3A_41 = vector.broadcast %get3A_40 : vector<1x16xf32> to vector<10000x16xf32>
    %mul3A_42 = arith.mulf %mul3A_37, %mul3A_41 : vector<10000x16xf32>
    %get3A_43 = arith.constant 0 : index
    %get3A_44 = arith.constant 0 : index
    %get3A_45 = vector.load %arg5[%get3A_43, %get3A_44] : memref<1x16xf32, #tpu.memory_space<vmem>>, vector<1x16xf32>
    %add3A_46 = vector.broadcast %get3A_45 : vector<1x16xf32> to vector<10000x16xf32>
    %add3A_47 = arith.addf %mul3A_42, %add3A_46 : vector<10000x16xf32>
    %max3A = arith.constant 0.000000e+00 : f32
    %max3A_48 = vector.broadcast %max3A : f32 to vector<10000x16xf32>
    %max3A_49 = arith.maximumf %add3A_47, %max3A_48 : vector<10000x16xf32>
    %swap3A = arith.constant 0 : index
    %swap3A_50 = arith.constant 0 : index
    %swap3A_51 = vector.load %arg6[%swap3A, %swap3A_50] : memref<10000x16xf32, #tpu.memory_space<vmem>>, vector<10000x16xf32>
    tpu.vector_store %arg6[%swap3A, %swap3A_50], %max3A_49 {strides = array<i32>} : memref<10000x16xf32, #tpu.memory_space<vmem>>, vector<10000x16xf32>,
    %reduce_sum3A_52 = arith.constant dense<0.000000e+00> : vector<16xf32>
    %reduce_sum3A_53 = vector.multi_reduction <add>, %max3A_49, %reduce_sum3A_52 [0] : vector<10000x16xf32> to vector<16xf32>
    %broadcast_in_dim3A_54 = vector.shape_cast %reduce_sum3A_53 : vector<16xf32> to vector<1x16xf32>
    %swap3A_55 = arith.constant 0 : index
    %swap3A_56 = arith.constant 0 : index
    %swap3A_57 = vector.load %arg7[%swap3A_55, %swap3A_56] : memref<1x16xf32, #tpu.memory_space<vmem>>, vector<1x16xf32>
    tpu.vector_store %arg7[%swap3A_55, %swap3A_56], %broadcast_in_dim3A_54 {strides = array<i32>} : memref<1x16xf32, #tpu.memory_space<vmem>>, vector<1x16xf32>,
    return
  }
}

module attributes {stable_mosaic.version = 14 : i64} {
  func.func @body(%arg0: memref<2x10016x16xf32, #tpu.memory_space<vmem>>, %arg1: memref<10000x16xf32, #tpu.memory_space<vmem>>, %arg2: memref<16x16xf32, #tpu.memory_space<vmem>>, %arg3: memref<1x16xf32, #tpu.memory_space<vmem>>, %arg4: memref<1x16xf32, #tpu.memory_space<vmem>>, %arg5: memref<1x16xf32, #tpu.memory_space<vmem>>, %arg6: memref<10000x16xf32, #tpu.memory_space<vmem>>, %arg7: memref<1x16xf32, #tpu.memory_space<vmem>>) attributes {dimension_semantics = [], scalar_prefetch = 0 : i64, scratch_operands = 0 : i64, tpu.core_type = #tpu.core_type<tc>} {
    %get3A = arith.constant 0 : index
    %get3A_0 = arith.constant 0 : index
    %get3A_1 = arith.constant 0 : index
    %get3A_2 = vector.load %arg0[%get3A, %get3A_0, %get3A_1] : memref<2x10016x16xf32, #tpu.memory_space<vmem>>, vector<1x10000x16xf32>
    %get3A_3 = vector.shape_cast %get3A_2 : vector<1x10000x16xf32> to vector<10000x16xf32>
    %get3A_4 = arith.constant 1 : index
    %get3A_5 = arith.constant 0 : index
    %get3A_6 = arith.constant 0 : index
    %get3A_7 = vector.load %arg0[%get3A_4, %get3A_5, %get3A_6] : memref<2x10016x16xf32, #tpu.memory_space<vmem>>, vector<1x10000x16xf32>
    %get3A_8 = vector.shape_cast %get3A_7 : vector<1x10000x16xf32> to vector<10000x16xf32>
    %add3A = arith.addf %get3A_3, %get3A_8 : vector<10000x16xf32>
    %get3A_9 = arith.constant 0 : index
    %get3A_10 = arith.constant 0 : index
    %get3A_11 = vector.load %arg1[%get3A_9, %get3A_10] : memref<10000x16xf32, #tpu.memory_space<vmem>>, vector<10000x16xf32>
    %get3A_12 = arith.constant 0 : index
    %get3A_13 = arith.constant 0 : index
    %get3A_14 = vector.load %arg2[%get3A_12, %get3A_13] : memref<16x16xf32, #tpu.memory_space<vmem>>, vector<16x16xf32>
    %dot_general3A = arith.constant dense<0.000000e+00> : vector<10000x16xf32>
    %dot_general3A_15 = tpu.matmul %get3A_11, %get3A_14, %dot_general3A {dimension_numbers = #tpu.dot_dimension_numbers<[1], [0], [0], [1], [0, 0, 1, 1], [], []>, transpose_lhs_hint = false} : vector<10000x16xf32>, vector<16x16xf32>, vector<10000x16xf32> -> vector<10000x16xf32>
    %add3A_16 = arith.addf %add3A, %dot_general3A_15 : vector<10000x16xf32>
    %get3A_17 = arith.constant 0 : index
    %get3A_18 = arith.constant 0 : index
    %get3A_19 = vector.load %arg3[%get3A_17, %get3A_18] : memref<1x16xf32, #tpu.memory_space<vmem>>, vector<1x16xf32>
    %add3A_20 = vector.broadcast %get3A_19 : vector<1x16xf32> to vector<10000x16xf32>
    %add3A_21 = arith.addf %add3A_16, %add3A_20 : vector<10000x16xf32>
    %reduce_sum3A = arith.constant dense<0.000000e+00> : vector<16xf32>
    %reduce_sum3A_22 = vector.multi_reduction <add>, %add3A_21, %reduce_sum3A [0] : vector<10000x16xf32> to vector<16xf32>
    %broadcast_in_dim3A = vector.shape_cast %reduce_sum3A_22 : vector<16xf32> to vector<1x16xf32>
    %div3A = arith.constant 1.000000e+04 : f32
    %div3A_23 = vector.broadcast %div3A : f32 to vector<1x16xf32>
    %div3A_24 = arith.divf %broadcast_in_dim3A, %div3A_23 : vector<1x16xf32>
    %sub3A = vector.broadcast %div3A_24 : vector<1x16xf32> to vector<10000x16xf32>
    %sub3A_25 = arith.subf %add3A_21, %sub3A : vector<10000x16xf32>
    %integer_pow3A = arith.mulf %sub3A_25, %sub3A_25 : vector<10000x16xf32>
    %reduce_sum3A_26 = arith.constant dense<0.000000e+00> : vector<16xf32>
    %reduce_sum3A_27 = vector.multi_reduction <add>, %integer_pow3A, %reduce_sum3A_26 [0] : vector<10000x16xf32> to vector<16xf32>
    %broadcast_in_dim3A_28 = vector.shape_cast %reduce_sum3A_27 : vector<16xf32> to vector<1x16xf32>
    %div3A_29 = arith.constant 1.000000e+04 : f32
    %div3A_30 = vector.broadcast %div3A_29 : f32 to vector<1x16xf32>
    %div3A_31 = arith.divf %broadcast_in_dim3A_28, %div3A_30 : vector<1x16xf32>
    %sub3A_32 = vector.broadcast %div3A_24 : vector<1x16xf32> to vector<10000x16xf32>
    %sub3A_33 = arith.subf %add3A_21, %sub3A_32 : vector<10000x16xf32>
    %add3A_34 = arith.constant 9.99999974E-6 : f32
    %add3A_35 = vector.broadcast %add3A_34 : f32 to vector<1x16xf32>
    %add3A_36 = arith.addf %div3A_31, %add3A_35 : vector<1x16xf32>
    %rsqrt3A = math.rsqrt %add3A_36 : vector<1x16xf32>
    %mul3A = vector.broadcast %rsqrt3A : vector<1x16xf32> to vector<10000x16xf32>
    %mul3A_37 = arith.mulf %sub3A_33, %mul3A : vector<10000x16xf32>
    %get3A_38 = arith.constant 0 : index
    %get3A_39 = arith.constant 0 : index
    %get3A_40 = vector.load %arg4[%get3A_38, %get3A_39] : memref<1x16xf32, #tpu.memory_space<vmem>>, vector<1x16xf32>
    %mul3A_41 = vector.broadcast %get3A_40 : vector<1x16xf32> to vector<10000x16xf32>
    %mul3A_42 = arith.mulf %mul3A_37, %mul3A_41 : vector<10000x16xf32>
    %get3A_43 = arith.constant 0 : index
    %get3A_44 = arith.constant 0 : index
    %get3A_45 = vector.load %arg5[%get3A_43, %get3A_44] : memref<1x16xf32, #tpu.memory_space<vmem>>, vector<1x16xf32>
    %add3A_46 = vector.broadcast %get3A_45 : vector<1x16xf32> to vector<10000x16xf32>
    %add3A_47 = arith.addf %mul3A_42, %add3A_46 : vector<10000x16xf32>
    %max3A = arith.constant 0.000000e+00 : f32
    %max3A_48 = vector.broadcast %max3A : f32 to vector<10000x16xf32>
    %max3A_49 = arith.maximumf %add3A_47, %max3A_48 : vector<10000x16xf32>
    %swap3A = arith.constant 0 : index
    %swap3A_50 = arith.constant 0 : index
    %swap3A_51 = vector.load %arg6[%swap3A, %swap3A_50] : memref<10000x16xf32, #tpu.memory_space<vmem>>, vector<10000x16xf32>
    tpu.vector_store %arg6[%swap3A, %swap3A_50], %max3A_49 {strides = array<i32>} : memref<10000x16xf32, #tpu.memory_space<vmem>>, vector<10000x16xf32>,
    %reduce_sum3A_52 = arith.constant dense<0.000000e+00> : vector<16xf32>
    %reduce_sum3A_53 = vector.multi_reduction <add>, %max3A_49, %reduce_sum3A_52 [0] : vector<10000x16xf32> to vector<16xf32>
    %broadcast_in_dim3A_54 = vector.shape_cast %reduce_sum3A_53 : vector<16xf32> to vector<1x16xf32>
    %swap3A_55 = arith.constant 0 : index
    %swap3A_56 = arith.constant 0 : index
    %swap3A_57 = vector.load %arg7[%swap3A_55, %swap3A_56] : memref<1x16xf32, #tpu.memory_space<vmem>>, vector<1x16xf32>
    tpu.vector_store %arg7[%swap3A_55, %swap3A_56], %broadcast_in_dim3A_54 {strides = array<i32>} : memref<1x16xf32, #tpu.memory_space<vmem>>, vector<1x16xf32>,
    return
  }
}

module attributes {stable_mosaic.version = 14 : i64} {
  func.func @body(%arg0: memref<1x48xf32, #tpu.memory_space<vmem>>, %arg1: memref<48x16xf32, #tpu.memory_space<vmem>>, %arg2: memref<1x16xf32, #tpu.memory_space<vmem>>, %arg3: memref<16x8xf32, #tpu.memory_space<vmem>>, %arg4: memref<1x8xf32, #tpu.memory_space<vmem>>, %arg5: memref<8x1xf32, #tpu.memory_space<vmem>>, %arg6: memref<1x1xf32, #tpu.memory_space<vmem>>, %arg7: memref<1x1xf32, #tpu.memory_space<vmem>>) attributes {dimension_semantics = [], scalar_prefetch = 0 : i64, scratch_operands = 0 : i64, tpu.core_type = #tpu.core_type<tc>} {
    %get3A = arith.constant 0 : index
    %get3A_0 = arith.constant 0 : index
    %get3A_1 = vector.load %arg0[%get3A, %get3A_0] : memref<1x48xf32, #tpu.memory_space<vmem>>, vector<1x48xf32>
    %get3A_2 = arith.constant 0 : index
    %get3A_3 = arith.constant 0 : index
    %get3A_4 = vector.load %arg1[%get3A_2, %get3A_3] : memref<48x16xf32, #tpu.memory_space<vmem>>, vector<48x16xf32>
    %dot_general3A = arith.constant dense<0.000000e+00> : vector<1x16xf32>
    %dot_general3A_5 = tpu.matmul %get3A_1, %get3A_4, %dot_general3A {dimension_numbers = #tpu.dot_dimension_numbers<[1], [0], [0], [1], [0, 0, 1, 1], [], []>, transpose_lhs_hint = false} : vector<1x48xf32>, vector<48x16xf32>, vector<1x16xf32> -> vector<1x16xf32>
    %get3A_6 = arith.constant 0 : index
    %get3A_7 = arith.constant 0 : index
    %get3A_8 = vector.load %arg2[%get3A_6, %get3A_7] : memref<1x16xf32, #tpu.memory_space<vmem>>, vector<1x16xf32>
    %mul3A = arith.constant 1.000000e+04 : f32
    %mul3A_9 = vector.broadcast %mul3A : f32 to vector<1x16xf32>
    %mul3A_10 = arith.mulf %mul3A_9, %get3A_8 : vector<1x16xf32>
    %add3A = arith.addf %dot_general3A_5, %mul3A_10 : vector<1x16xf32>
    %get3A_11 = arith.constant 0 : index
    %get3A_12 = arith.constant 0 : index
    %get3A_13 = vector.load %arg3[%get3A_11, %get3A_12] : memref<16x8xf32, #tpu.memory_space<vmem>>, vector<16x8xf32>
    %dot_general3A_14 = arith.constant dense<0.000000e+00> : vector<1x8xf32>
    %dot_general3A_15 = tpu.matmul %add3A, %get3A_13, %dot_general3A_14 {dimension_numbers = #tpu.dot_dimension_numbers<[1], [0], [0], [1], [0, 0, 1, 1], [], []>, transpose_lhs_hint = false} : vector<1x16xf32>, vector<16x8xf32>, vector<1x8xf32> -> vector<1x8xf32>
    %get3A_16 = arith.constant 0 : index
    %get3A_17 = arith.constant 0 : index
    %get3A_18 = vector.load %arg4[%get3A_16, %get3A_17] : memref<1x8xf32, #tpu.memory_space<vmem>>, vector<1x8xf32>
    %add3A_19 = arith.addf %dot_general3A_15, %get3A_18 : vector<1x8xf32>
    %max3A = arith.constant 0.000000e+00 : f32
    %max3A_20 = vector.broadcast %max3A : f32 to vector<1x8xf32>
    %max3A_21 = arith.maximumf %add3A_19, %max3A_20 : vector<1x8xf32>
    %get3A_22 = arith.constant 0 : index
    %get3A_23 = arith.constant 0 : index
    %get3A_24 = vector.load %arg5[%get3A_22, %get3A_23] : memref<8x1xf32, #tpu.memory_space<vmem>>, vector<8x1xf32>
    %dot_general3A_25 = arith.constant dense<0.000000e+00> : vector<1x1xf32>
    %dot_general3A_26 = tpu.matmul %max3A_21, %get3A_24, %dot_general3A_25 {dimension_numbers = #tpu.dot_dimension_numbers<[1], [0], [0], [1], [0, 0, 1, 1], [], []>, transpose_lhs_hint = false} : vector<1x8xf32>, vector<8x1xf32>, vector<1x1xf32> -> vector<1x1xf32>
    %get3A_27 = arith.constant 0 : index
    %get3A_28 = arith.constant 0 : index
    %get3A_29 = vector.load %arg6[%get3A_27, %get3A_28] : memref<1x1xf32, #tpu.memory_space<vmem>>, vector<1x1xf32>
    %add3A_30 = arith.addf %dot_general3A_26, %get3A_29 : vector<1x1xf32>
    %swap3A = arith.constant 0 : index
    %swap3A_31 = arith.constant 0 : index
    %swap3A_32 = vector.load %arg7[%swap3A, %swap3A_31] : memref<1x1xf32, #tpu.memory_space<vmem>>, vector<1x1xf32>
    tpu.vector_store %arg7[%swap3A, %swap3A_31], %add3A_30 {strides = array<i32>} : memref<1x1xf32, #tpu.memory_space<vmem>>, vector<1x1xf32>,
    return
  }
}

</mosaic_0001>

<sc_bundles>
// kernel: kernel.15.cloned.1.call-start
scs
__scs_entry_jumppad:
0x0: {  	(pc) =	sbr.rel $0x88, $3  }
0x1: {  	(tag) =	ssettag $0x0;
	lr =	simm.s32 $0x1  }
0x2: {  	[smem:$0x3F80] =	sst lr;
	_ =	strace $0xD0000000  }
0x3: {  	_ = 	snop  }
0x4: {  	_ = 	snop  }
0x5: {  	_ = 	snop  }
0x6: {  	_ = 	snop  }
0x7: {  	_ = 	snop  }
__scs_overlays_trampoline_lowered:
0x8: {  	[smem:$0x3F8F] =	sst s0  }
0x9: {  	[smem:$0x3F90] =	sst s1  }
0xa: {  	[smem:$0x3F91] =	sst s2  }
0xb: {  	[smem:$0x3F92] =	sst s3  }
0xc: {  	[smem:$0x3F93] =	sst s4  }
0xd: {  	[smem:$0x3F94] =	sst s5  }
0xe: {  	[smem:$0x3F95] =	sst s6  }
0xf: {  	[smem:$0x3F96] =	sst s7  }
0x10: {  	[smem:$0x3F97] =	sst s8  }
0x11: {  	[smem:$0x3F98] =	sst s9;
	s0 =	simm.s32 @!p0 $0x0  }
0x12: {  	s1 =	sld [smem:$0x3F7E];
	s0 =	simm.s32 @p0 $0x1  }
0x13: {  	[smem:$0x3F99] =	sst s0;
	s0 =	simm.s32 @!p1 $0x0  }
0x14: {  	s2 =	sld [smem:$0x3F7D];
	s0 =	simm.s32 @p1 $0x1  }
0x15: {  	[smem:$0x3F9A] =	sst s0;
	s0 =	simm.s32 @!p2 $0x0  }
0x16: {  	s3 =	sld [smem:$0x3FDB];
	s0 =	simm.s32 @p2 $0x1  }
0x17: {  	s4 =	simm.s32 $0x1BF5;
	[smem:$0x3F9C] =	sst s0  }
0x18: {  	s0 =	sld [smem:$0x3F7F];
	_ =	swait.ge [sflag:s4], $0x0  }
0x19: {  	s7 =	sld [smem:$0x3F80]  }
0x1a: {  	s8 =	sadd.s32 $0xFFFFE003, lr  }
0x1b: {  	s9 =	sadd.s32 $0xFFFFFEF7, lr;
	s5 =	simm.s32 $0xFFFFFFFF;
	p2 =	slt.u32 s8, $0xFFFFF086  }
0x1c: {  	p1 =	slt.u32 s9, $0xF7A;
	s5 =	simm.s32 @!p2 $0x0  }
0x1d: {  	s5 =	simm.s32 @p1 $0x1;
	p0 =	seq.s32 s7, s2  }
0x1e: {  	s7 =	smul.u32 @!p0 $0xF7A, s2;
	p2 =	seq.s32 @!p0 s5, $0x0  }
0x1f: {  	s9 =	smul.u32 $0xF7A, s1;
	s8 =	simm.s32 @!p0 $0x1BF5;
	p2 =	por !p2, p0  }
0x20: {  	[sflag:s8] =	ssyncset.s32 @!p0 $0xFFFFF086;
	s6 =	sadd.s32 @!p0 s3, s7;
	s7 =	simm.s32 @!p0 $0x108  }
0x21: {  	s3 =	sadd.s32 s3, s9;
	s6 =	sadd.s32 @!p0 $0x88, s6;
	s7 =	simm.s32 @p2 $0x1082  }
0x22: {  	[simem:s7], [sflag:s8] =	dma.local @!p0 [hbm:s6], $0xF7A  }
0x23: {  	s9 =	sor.u32 $0xD0000000, s2;
	s6 =	simm.s32 $0x108;
	_ =	swait.ge @!p0 [sflag:s8], $0x0  }
0x24: {  	s3 =	sadd.s32 $0x88, s3;
	s6 =	simm.s32 @!p1 $0x1082;
	[sflag:s4] =	ssyncset.s32 $0xFFFFF086  }
0x25: {  	[simem:s6], [sflag:s4] =	dma.local [hbm:s3], $0xF7A  }
0x26: {  	[smem:$0x3F80] =	sst s1;
	(tag) =	ssettag s2;
	_ =	strace s9  }
0x27: {  	s1 =	sld [smem:$0x3F90]  }
0x28: {  	s2 =	sld [smem:$0x3F91]  }
0x29: {  	s4 =	sld [smem:$0x3F93]  }
0x2a: {  	p0 =	seq.s32 s5, $0x0;
	s5 =	sld [smem:$0x3F94]  }
0x2b: {  	s6 =	sld [smem:$0x3F95]  }
0x2c: {  	s7 =	sld [smem:$0x3F96]  }
0x2d: {  	s3 =	simm.s32 $0x108;
	s8 =	sld [smem:$0x3F97]  }
0x2e: {  	s3 =	simm.s32 @!p0 $0x1082;
	s9 =	sld [smem:$0x3F98]  }
0x2f: {  	lr =	sadd.s32 s0, s3;
	s0 =	sld [smem:$0x3F8F]  }
0x30: {  	s3 =	sld [smem:$0x3F92]  }
0x31: {  	[smem:$0x3F9B] =	sst s10  }
0x32: {  	s10 =	sld [smem:$0x3F99];
	_ =	sdelay $0x3  }
0x33: {  	p0 =	seq.s32 s10, $0x1;
	s10 =	sld [smem:$0x3F9B];
	_ =	sdelay $0x3  }
0x34: {  	[smem:$0x3F9B] =	sst s10  }
0x35: {  	s10 =	sld [smem:$0x3F9A];
	_ =	sdelay $0x3  }
0x36: {  	p1 =	seq.s32 s10, $0x1;
	s10 =	sld [smem:$0x3F9B];
	_ =	sdelay $0x3  }
0x37: {  	[smem:$0x3F9B] =	sst s10  }
0x38: {  	s10 =	sld [smem:$0x3F9C]  }
0x39: {  	_ = 	snop;
	(pc) =	sbr.ind lr, $3  }
0x3a: {  	_ = 	snop  }
0x3b: {  	_ = 	snop  }
0x3c: {  	p2 =	seq.s32 s10, $0x1;
	s10 =	sld [smem:$0x3F9B]  }
0x3d: {  	_ =	shalt  }
0x3e: {  	_ =	shalt  }
0x3f: {  	_ =	shalt  }
0x40: {  	_ =	shalt  }
0x41: {  	_ =	shalt  }
0x42: {  	_ =	shalt  }
0x43: {  	_ =	shalt  }
0x44: {  	_ =	shalt  }
0x45: {  	_ =	shalt  }
0x46: {  	_ =	shalt  }
0x47: {  	_ =	shalt  }
0x48: {  	_ =	shalt  }
0x49: {  	_ =	shalt  }
0x4a: {  	_ =	shalt  }
0x4b: {  	_ =	shalt  }
0x4c: {  	_ =	shalt  }
0x4d: {  	_ =	shalt  }
0x4e: {  	_ =	shalt  }
0x4f: {  	_ =	shalt  }
0x50: {  	_ =	shalt  }
0x51: {  	_ =	shalt  }
0x52: {  	_ =	shalt  }
0x53: {  	_ =	shalt  }
0x54: {  	_ =	shalt  }
0x55: {  	_ =	shalt  }
0x56: {  	_ =	shalt  }
0x57: {  	_ =	shalt  }
0x58: {  	_ =	shalt  }
0x59: {  	_ =	shalt  }
0x5a: {  	_ =	shalt  }
0x5b: {  	_ =	shalt  }
0x5c: {  	_ =	shalt  }
0x5d: {  	_ =	shalt  }
0x5e: {  	_ =	shalt  }
0x5f: {  	_ =	shalt  }
0x60: {  	_ =	shalt  }
0x61: {  	_ =	shalt  }
0x62: {  	_ =	shalt  }
0x63: {  	_ =	shalt  }
0x64: {  	_ =	shalt  }
0x65: {  	_ =	shalt  }
0x66: {  	_ =	shalt  }
0x67: {  	_ =	shalt  }
0x68: {  	_ =	shalt  }
0x69: {  	_ =	shalt  }
0x6a: {  	_ =	shalt  }
0x6b: {  	_ =	shalt  }
0x6c: {  	_ =	shalt  }
0x6d: {  	_ =	shalt  }
0x6e: {  	_ =	shalt  }
0x6f: {  	_ =	shalt  }
0x70: {  	_ =	shalt  }
0x71: {  	_ =	shalt  }
0x72: {  	_ =	shalt  }
0x73: {  	_ =	shalt  }
0x74: {  	_ =	shalt  }
0x75: {  	_ =	shalt  }
0x76: {  	_ =	shalt  }
0x77: {  	_ =	shalt  }
0x78: {  	_ =	shalt  }
0x79: {  	_ =	shalt  }
0x7a: {  	_ =	shalt  }
0x7b: {  	_ =	shalt  }
0x7c: {  	_ =	shalt  }
0x7d: {  	_ =	shalt  }
0x7e: {  	_ =	shalt  }
0x7f: {  	_ =	shalt  }
0x80: {  	_ =	shalt  }
0x81: {  	_ =	shalt  }
0x82: {  	_ =	shalt  }
0x83: {  	_ =	shalt  }
0x84: {  	_ =	shalt  }
0x85: {  	_ =	shalt  }
0x86: {  	_ =	shalt  }
0x87: {  	_ =	shalt  }
.Lfunc_end0:
.L_simem_size_0:
called_computation_lowered:
.L_overlay_start_0:
0x88: {  	s2 =	sld [smem:$0x3FD9]  }
0x89: {  	s3 =	sld [smem:$0x3FFE];
	_ =	sdelay $0x1  }
0x8a: {  	s1 =	srdreg.scid  }
0x8b: {  	s0 =	sand.u32 $0x1, s1  }
0x8c: {  	s16 =	sshll.u32 s0, $0xA;
	s2 =	sadd.s32 s3, s2  }
0x8d: {  	s2 =	sadd.s32 s2, s16  }
0x8e: {  	[smem:$0x3FA7] =	sst s2  }
0x8f: {  	_ = 	snop  }
0x90: {  	(tm) =	ssettm $0x1  }
0x91: {  	s17 =	sld [smem:$0x3FFB];
	_ =	sdelay $0x3  }
0x92: {  	_ =	strace s17  }
0x93: {  	s2 =	sld [smem:$0x3FFC];
	_ =	sdelay $0x3  }
0x94: {  	_ =	strace s2  }
0x95: {  	s2 =	sld [smem:$0x3FFD];
	_ =	sdelay $0x3  }
0x96: {  	_ =	strace s2  }
0x97: {  	_ =	strace $0x8FFFFFFF  }
0x98: {  	s18 =	sld [smem:$0x3FDB];
	_ =	sdelay $0x1  }
0x99: {  	s19 =	simm.s32 $_scs_section_size  }
0x9a: {  	s4 =	simm.s32 $_size__tile_overlayer_lowered;
	s5 =	simm.s32 $_tile_overlayer_lowered  }
0x9b: {  	s22 =	simm.s32 $0x1BFF;
	s21 =	sshll.u32 s5, $0x1;
	s2 =	sadd.s32 s19, s18  }
0x9c: {  	s6 =	simm.s32 $0x0;
	s20 =	sshll.u32 s4, $0x1;
	s4 =	sadd.s32 s21, s2  }
0x9d: {  	[timem:s6], [sflag:s22] =	dma.local [hbm:s4], s20  }
0x9e: {  	_ =	swait.ge [sflag:s22], s20  }
0x9f: {  	s3 =	ssub.s32 $0x0, s20;
	[sflag:s22] =	ssyncset.done $0x0  }
0xa0: {  	[sflag:s22] =	ssyncadd.s32 s3;
	_ =	sdelay $0x1  }
0xa1: {  	s23 =	simm.s32 $0x1B8B  }
0xa2: {  	_ =	swait.ge [sflag:s23], $0x1  }
0xa3: {  	[sflag:s23] =	ssyncset.done $0x0  }
0xa4: {  	s25 =	simm.s32 $0x1B8E;
	s24 =	sld [smem:$0x3FFE];
	[sflag:s23] =	ssyncadd.s32 $0xFFFFFFFF  }
0xa5: {  	s26 =	simm.s32 $execute0_lowered;
	[smem:$0x3FD2] =	sst s25  }
0xa6: {  	s4 =	sshll.u32 s26, $0x1;
	_ =	strace $0x80000046;
	[dreg:$0x1] =	wrdreg $0xFFFFFFFF  }
0xa7: {  	s28 =	simm.s32 $_size_execute0_lowered;
	s2 =	sadd.s32 s2, s4;
	[dreg:$0x0] =	wrdreg $0x0  }
0xa8: {  	s4 =	sshll.u32 s28, $0x1;
	[dreg:$0x2] =	wrdreg s2  }
0xa9: {  	[dreg:$0x3] =	wrdreg s4  }
0xaa: {  	[dreg:$0x4] =	wrdreg $0xC0  }
0xab: {  	_ =	task [dreg:s6], $0x5FFFF  }
0xac: {  	[dreg:$0x1] =	wrdreg $0xFFFFFFFF  }
0xad: {  	[dreg:$0x0] =	wrdreg $0x60  }
0xae: {  	[dreg:$0x2] =	wrdreg s24  }
0xaf: {  	[dreg:$0x3] =	wrdreg $0x9  }
0xb0: {  	_ =	task.clear_ibuf [dreg:s6], $0x4FFFF;
	_ =	strace $0x90000046  }
0xb1: {  	s29 =	simm.s32 $0x9;
	_ =	strace $0x80000048  }
0xb2: {  	_ =	swait.ge [sflag:s29], $0x1  }
0xb3: {  	[sflag:s29] =	ssyncadd.s32 $0xFFFFFFFF  }
0xb4: {  	_ =	strace $0x90000048  }
0xb5: {  	_ =	sfence  }
0xb6: {  	s30 =	sld [smem:$0x0];
	_ =	sdelay $0x2  }
0xb7: {  	s31 =	sshll.u32 s1, $0xD;
	s1 =	sshrl.u32 s1, $0x2  }
0xb8: {  	s3 =	sand.u32 $0x4000, s31;
	s1 =	sadd.s32 s1, s30  }
0xb9: {  	s0 =	sor.u32 s3, s0;
	s1 =	sshll.u32 s1, $0x11  }
0xba: {  	s0 =	sor.u32 s1, s0  }
0xbb: {  	s0 =	sadd.s32 $0x8F2B, s0  }
0xbc: {  	[sflag:s0] =	ssyncadd.remote.s32 $0x1  }
0xbd: {  	_ =	sfence.sel $0xFFFF  }
0xbe: {  	[dreg:$0x0] =	wrdreg $0xFFFFFFFF;
	(pc) =	sbr.abs _section_cstart, $3  }
0xbf: {  	[dreg:$0x1] =	wrdreg $0xFFFFFFFF  }
0xc0: {  	_ =	task.clear_ibuf [dreg:s6], $0x2FFFF;
	_ =	strace $0x9FFFFFFF  }
0xc1: {  	(tm) =	ssettm $0x7FFFFFFF  }
tec
execute0_lowered:
.L_overlay_start_1:
0x0: {  	(tag) =	ssettag $0x1  }
0x1: {  	s0 =	srdreg.scid;
	s7 =	stileid.u32  }
0x2: {  	s4 =	rddreg [dreg:$0x0];
	s2 =	simm.s32 $0x0;
	s15 =	simm.s32 $0x5  }
0x3: {  	s16 =	simm.s32 $0x80;
	s17 =	simm.s32 $0xC80;
	s18 =	simm.s32 $0x2C80  }
0x4: {  	s20 =	simm.s32 $0x4C80;
	s21 =	simm.s32 $0x180;
	s22 =	simm.s32 $0x6C80  }
0x5: {  	s23 =	simm.s32 $0x1;
	s24 =	simm.s32 $0x2;
	s25 =	simm.s32 $0x3  }
0x6: {  	s26 =	simm.s32 $0x4;
	s28 =	simm.s32 $0xC00;
	s10 =	smul.u32 $0x64000, s7  }
0x7: {  	s29 =	simm.s32 $0x0;
	s0 =	sand.u32 $0x1, s0;
	s9 =	smul.u32 $0x1900, s7  }
0x8: {  	s1 =	sshll.u32 s7, $0x1;
	[smem:$0x7FF] =	sst s2;
	s13 =	smul.u32 $0xC80, s0  }
0x9: {  	s1 =	sor.u32 s0, s1;
	s6 =	ssub.s32 $0x2, s0;
	s0 =	smul.u32 $0x32000, s0  }
0xa: {  	s3 =	sadd.s32 $0x9A00, s4;
	s11 =	sadd.s32 $0x1D400, s4;
	s5 =	smul.u32 $0xC80, s1  }
0xb: {  	_ =	strace $0x80000047;
	s1 =	smul.u32 $0x32000, s1;
	s30 =	sshrl.u32 s6, $0x1  }
0xc: {  	s12 =	ssub.s32 s6, s30;
	s13 =	sadd.s32 s13, s9;
	s0 =	sadd.s32 s0, s10  }
0xd: {  	s5 =	sshrl.u32 s5, $0x3;
	s1 =	sshrl.u32 s1, $0x3;
	s31 =	sshll.u32 s13, $0x3  }
0xe: {  	s10 =	smax.u32 s12, $0x1;
	s5 =	sadd.s32 s5, s4;
	s1 =	sadd.s32 s11, s1  }
0xf: {  	s0 =	sshrl.u32 s0, $0x3;
	s4 =	sadd.s32 $0x6800, s5;
	s5 =	sadd.s32 $0x5000, s1  }
0x10: {  	s6 =	sadd.s32 $0x5400, s1;
	s7 =	sadd.s32 $0x5800, s1;
	s8 =	sadd.s32 $0x5C00, s1  }
0x11: {  	s9 =	sadd.s32 $0x6000, s1;
	s1 =	sadd.s32 s11, s31;
	s11 =	sadd.s32 s0, s11  }
0x12: {  	s12 =	sadd.s32 $0xC00, s1;
	s13 =	sadd.s32 $0x800, s1;
	s14 =	sadd.s32 $0x400, s1  }
.LBB2_1:
0x13: {  	[tilespmem:s2], [sflag:$0x5] =	stream.linear.gather [hbm4b:s4+s2], $0xC80, $0x38;
	[tilespmem:$0x8C80] =	vst v63  }
0x14: {  	_ =	swait.ge [sflag:s15], $0xC80  }
0x15: {  	[sflag:s15] =	ssyncset.done $0x0  }
0x16: {  	[sflag:s15] =	ssyncadd.s32 $0xFFFFF380  }
0x17: {  	[tilespmem:s17], [sflag:$0x1] =	stream.indirect.gather [hbm4b:s3+s16], $0x40, s2, s16, $0xb8;
	[tilespmem:$0x8C80] =	vst v63  }
0x18: {  	_ = 	snop  }
0x19: {  	[tilespmem:s18], [sflag:$0x2] =	stream.indirect.gather [hbm4b:s3+s16], $0x40, s16, s16, $0xb8;
	[tilespmem:$0x8C80] =	vst v63  }
0x1a: {  	s0 =	simm.s32 $0x100  }
0x1b: {  	[tilespmem:s20], [sflag:$0x3] =	stream.indirect.gather [hbm4b:s3+s16], $0x40, s0, s16, $0xb8;
	[tilespmem:$0x8C80] =	vst v63  }
0x1c: {  	_ = 	snop  }
0x1d: {  	[tilespmem:s22], [sflag:$0x4] =	stream.indirect.gather [hbm4b:s3+s16], $0x40, s21, s16, $0xb8;
	[tilespmem:$0x8C80] =	vst v63  }
0x1e: {  	_ =	swait.ge [sflag:s23], $0x2000  }
0x1f: {  	[sflag:s23] =	ssyncset.done $0x0  }
0x20: {  	s19 =	sadd.s32 $0x0, s11;
	[sflag:s23] =	ssyncadd.s32 $0xFFFFE000  }
0x21: {  	[hbm4b:s19+s2] =	stream.linear.scatter [tilespmem:s17], [sflag:$0x5], $0x2000, $0x38;
	[tilespmem:$0x8C80] =	vst v63  }
0x22: {  	_ =	swait.ge [sflag:s15], $0x2000  }
0x23: {  	[sflag:s15] =	ssyncset.done $0x0  }
0x24: {  	s1 =	simm.s32 $0x200;
	[sflag:s15] =	ssyncadd.s32 $0xFFFFE000  }
0x25: {  	[tilespmem:s17], [sflag:$0x1] =	stream.indirect.gather [hbm4b:s3+s16], $0x40, s1, s16, $0xb8;
	[tilespmem:$0x8C80] =	vst v63  }
0x26: {  	_ =	swait.ge [sflag:s24], $0x2000  }
0x27: {  	[sflag:s24] =	ssyncset.done $0x0  }
0x28: {  	s19 =	sadd.s32 $0x0, s14;
	[sflag:s24] =	ssyncadd.s32 $0xFFFFE000  }
0x29: {  	[hbm4b:s19+s2] =	stream.linear.scatter [tilespmem:s18], [sflag:$0x5], $0x2000, $0x38;
	[tilespmem:$0x8C80] =	vst v63  }
0x2a: {  	_ =	swait.ge [sflag:s15], $0x2000  }
0x2b: {  	[sflag:s15] =	ssyncset.done $0x0  }
0x2c: {  	s1 =	simm.s32 $0x280;
	[sflag:s15] =	ssyncadd.s32 $0xFFFFE000  }
0x2d: {  	[tilespmem:s18], [sflag:$0x2] =	stream.indirect.gather [hbm4b:s3+s16], $0x40, s1, s16, $0xb8;
	[tilespmem:$0x8C80] =	vst v63  }
0x2e: {  	_ =	swait.ge [sflag:s25], $0x2000  }
0x2f: {  	[sflag:s25] =	ssyncset.done $0x0  }
0x30: {  	s19 =	sadd.s32 $0x0, s13;
	[sflag:s25] =	ssyncadd.s32 $0xFFFFE000  }
0x31: {  	[hbm4b:s19+s2] =	stream.linear.scatter [tilespmem:s20], [sflag:$0x5], $0x2000, $0x38;
	[tilespmem:$0x8C80] =	vst v63  }
0x32: {  	_ =	swait.ge [sflag:s15], $0x2000  }
0x33: {  	[sflag:s15] =	ssyncset.done $0x0  }
0x34: {  	s1 =	simm.s32 $0x300;
	[sflag:s15] =	ssyncadd.s32 $0xFFFFE000  }
0x35: {  	[tilespmem:s20], [sflag:$0x3] =	stream.indirect.gather [hbm4b:s3+s16], $0x40, s1, s16, $0xb8;
	[tilespmem:$0x8C80] =	vst v63  }
0x36: {  	_ =	swait.ge [sflag:s26], $0x2000  }
0x37: {  	[sflag:s26] =	ssyncset.done $0x0  }
0x38: {  	s19 =	sadd.s32 $0x0, s12;
	[sflag:s26] =	ssyncadd.s32 $0xFFFFE000  }
0x39: {  	[hbm4b:s19+s2] =	stream.linear.scatter [tilespmem:s22], [sflag:$0x5], $0x2000, $0x38;
	[tilespmem:$0x8C80] =	vst v63  }
0x3a: {  	_ =	swait.ge [sflag:s15], $0x2000  }
0x3b: {  	s30 =	simm.s32 $0x380;
	[sflag:s15] =	ssyncset.done $0x0  }
0x3c: {  	s31 =	simm.s32 $0x1000;
	s1 =	simm.s32 $0x580;
	[sflag:s15] =	ssyncadd.s32 $0xFFFFE000  }
.LBB2_2:
0x3d: {  	[tilespmem:s22], [sflag:$0x4] =	stream.indirect.gather [hbm4b:s3+s16], $0x40, s30, s16, $0xb8;
	[tilespmem:$0x8C80] =	vst v63  }
0x3e: {  	s0 =	smov.u32 s31;
	s30 =	smov.u32 s1  }
0x3f: {  	p0 =	sne.s32 s31, $0x4000;
	s31 =	sadd.s32 $0x1000, s31;
	_ =	swait.ge [sflag:s23], $0x2000  }
0x40: {  	[sflag:s23] =	ssyncset.done $0x0  }
0x41: {  	s19 =	sadd.s32 s0, s11;
	[sflag:s23] =	ssyncadd.s32 $0xFFFFE000  }
0x42: {  	[hbm4b:s19+s2] =	stream.linear.scatter [tilespmem:s17], [sflag:$0x5], $0x2000, $0x38;
	[tilespmem:$0x8C80] =	vst v63  }
0x43: {  	_ =	swait.ge [sflag:s15], $0x2000  }
0x44: {  	[sflag:s15] =	ssyncset.done $0x0  }
0x45: {  	s19 =	sadd.s32 $0xFFFFFE80, s1;
	[sflag:s15] =	ssyncadd.s32 $0xFFFFE000  }
0x46: {  	[tilespmem:s17], [sflag:$0x1] =	stream.indirect.gather [hbm4b:s3+s16], $0x40, s19, s16, $0xb8;
	[tilespmem:$0x8C80] =	vst v63  }
0x47: {  	_ =	swait.ge [sflag:s24], $0x2000  }
0x48: {  	[sflag:s24] =	ssyncset.done $0x0  }
0x49: {  	s19 =	sadd.s32 s0, s14;
	[sflag:s24] =	ssyncadd.s32 $0xFFFFE000  }
0x4a: {  	[hbm4b:s19+s2] =	stream.linear.scatter [tilespmem:s18], [sflag:$0x5], $0x2000, $0x38;
	[tilespmem:$0x8C80] =	vst v63  }
0x4b: {  	_ =	swait.ge [sflag:s15], $0x2000  }
0x4c: {  	[sflag:s15] =	ssyncset.done $0x0  }
0x4d: {  	s19 =	sadd.s32 $0xFFFFFF00, s1;
	[sflag:s15] =	ssyncadd.s32 $0xFFFFE000  }
0x4e: {  	[tilespmem:s18], [sflag:$0x2] =	stream.indirect.gather [hbm4b:s3+s16], $0x40, s19, s16, $0xb8;
	[tilespmem:$0x8C80] =	vst v63  }
0x4f: {  	_ =	swait.ge [sflag:s25], $0x2000  }
0x50: {  	[sflag:s25] =	ssyncset.done $0x0  }
0x51: {  	s19 =	sadd.s32 s0, s13;
	[sflag:s25] =	ssyncadd.s32 $0xFFFFE000  }
0x52: {  	[hbm4b:s19+s2] =	stream.linear.scatter [tilespmem:s20], [sflag:$0x5], $0x2000, $0x38;
	[tilespmem:$0x8C80] =	vst v63  }
0x53: {  	_ =	swait.ge [sflag:s15], $0x2000  }
0x54: {  	[sflag:s15] =	ssyncset.done $0x0  }
0x55: {  	s19 =	sadd.s32 $0xFFFFFF80, s1;
	[sflag:s15] =	ssyncadd.s32 $0xFFFFE000  }
0x56: {  	[tilespmem:s20], [sflag:$0x3] =	stream.indirect.gather [hbm4b:s3+s16], $0x40, s19, s16, $0xb8;
	[tilespmem:$0x8C80] =	vst v63  }
0x57: {  	_ =	swait.ge [sflag:s26], $0x2000  }
0x58: {  	[sflag:s26] =	ssyncset.done $0x0  }
.Ltmp0:
0x59: {  	s0 =	sadd.s32 s0, s12;
	[sflag:s26] =	ssyncadd.s32 $0xFFFFE000;
	(pc) =	sbr.rel @p0 .LBB2_2-.Ltmp0, $4  }
0x5a: {  	[hbm4b:s0+s2] =	stream.linear.scatter [tilespmem:s22], [sflag:$0x5], $0x2000, $0x38;
	[tilespmem:$0x8C80] =	vst v63  }
0x5b: {  	_ =	swait.ge [sflag:s15], $0x2000  }
0x5c: {  	[sflag:s15] =	ssyncset.done $0x0  }
0x5d: {  	s1 =	sadd.s32 $0x200, s1;
	[sflag:s15] =	ssyncadd.s32 $0xFFFFE000  }
0x5e: {  	[tilespmem:s22], [sflag:$0x4] =	stream.indirect.gather [hbm4b:s3+s16], $0x40, s30, s16, $0xb8;
	[tilespmem:$0x8C80] =	vst v63  }
0x5f: {  	_ =	swait.ge [sflag:s23], $0x2000  }
0x60: {  	[sflag:s23] =	ssyncset.done $0x0  }
0x61: {  	[sflag:s23] =	ssyncadd.s32 $0xFFFFE000  }
0x62: {  	[hbm4b:s5+s2] =	stream.linear.scatter [tilespmem:s17], [sflag:$0x5], $0x2000, $0x38;
	[tilespmem:$0x8C80] =	vst v63  }
0x63: {  	_ =	swait.ge [sflag:s15], $0x2000  }
0x64: {  	[sflag:s15] =	ssyncset.done $0x0  }
0x65: {  	[sflag:s15] =	ssyncadd.s32 $0xFFFFE000  }
0x66: {  	[tilespmem:s17], [sflag:$0x1] =	stream.indirect.gather [hbm4b:s3+s16], $0x40, s28, s16, $0xb8;
	[tilespmem:$0x8C80] =	vst v63  }
0x67: {  	_ =	swait.ge [sflag:s24], $0x2000  }
0x68: {  	[sflag:s24] =	ssyncset.done $0x0  }
0x69: {  	[sflag:s24] =	ssyncadd.s32 $0xFFFFE000  }
0x6a: {  	[hbm4b:s6+s2] =	stream.linear.scatter [tilespmem:s18], [sflag:$0x5], $0x2000, $0x38;
	[tilespmem:$0x8C80] =	vst v63  }
0x6b: {  	_ =	swait.ge [sflag:s15], $0x2000  }
0x6c: {  	[sflag:s15] =	ssyncset.done $0x0  }
0x6d: {  	[sflag:s15] =	ssyncadd.s32 $0xFFFFE000  }
0x6e: {  	_ =	swait.ge [sflag:s25], $0x2000  }
0x6f: {  	[sflag:s25] =	ssyncset.done $0x0  }
0x70: {  	[sflag:s25] =	ssyncadd.s32 $0xFFFFE000  }
0x71: {  	[hbm4b:s7+s2] =	stream.linear.scatter [tilespmem:s20], [sflag:$0x5], $0x2000, $0x38;
	[tilespmem:$0x8C80] =	vst v63  }
0x72: {  	_ =	swait.ge [sflag:s15], $0x2000  }
0x73: {  	[sflag:s15] =	ssyncset.done $0x0  }
0x74: {  	[sflag:s15] =	ssyncadd.s32 $0xFFFFE000  }
0x75: {  	_ =	swait.ge [sflag:s26], $0x2000  }
0x76: {  	[sflag:s26] =	ssyncset.done $0x0  }
0x77: {  	[sflag:s26] =	ssyncadd.s32 $0xFFFFE000  }
0x78: {  	[hbm4b:s8+s2] =	stream.linear.scatter [tilespmem:s22], [sflag:$0x5], $0x2000, $0x38;
	[tilespmem:$0x8C80] =	vst v63  }
0x79: {  	_ =	swait.ge [sflag:s15], $0x2000  }
0x7a: {  	[sflag:s15] =	ssyncset.done $0x0  }
0x7b: {  	[sflag:s15] =	ssyncadd.s32 $0xFFFFE000  }
0x7c: {  	s29 =	sadd.s32 $0x1, s29;
	_ =	swait.ge [sflag:s23], $0x2000  }
0x7d: {  	p0 =	sne.s32 s29, s10;
	[sflag:s23] =	ssyncset.done $0x0  }
.Ltmp1:
0x7e: {  	[sflag:s23] =	ssyncadd.s32 $0xFFFFE000;
	(pc) =	sbr.rel @p0 .LBB2_1-.Ltmp1, $4  }
0x7f: {  	[hbm4b:s9+s2] =	stream.linear.scatter [tilespmem:s17], [sflag:$0x5], $0x2000, $0x38;
	[tilespmem:$0x8C80] =	vst v63  }
0x80: {  	_ =	swait.ge [sflag:s15], $0x2000  }
0x81: {  	[sflag:s15] =	ssyncset.done $0x0  }
0x82: {  	[sflag:s15] =	ssyncadd.s32 $0xFFFFE000  }
0x83: {  	_ =	sfence.sel $0x180000  }
0x84: {  	[bflag:$0x0] =	sbarrier.arrive $0xFFFF  }
0x85: {  	_ =	strace $0x90000047  }
0x86: {  	s0 =	stileid.u32;
	[bflag:$0x2] =	sbarrier.arrive $0xFFFF  }
0x87: {  	p0 =	sne.s32 s0, $0x0;
	s0 =	rddreg [dreg:$0x1]  }
0x88: {  	s0 =	sadd.s32 @!p0 $0x100000, s0  }
0x89: {  	[sflag:s0] =	ssyncadd.tile.s32 @!p0 $0x1;
	_ =	shalt  }
.Lfunc_end2:
_tile_overlayer_lowered:
.L_overlay_start_2:
0x8a: {  	(tag) =	ssettag $0x2  }
0x8b: {  	s0 =	rddreg [dreg:$0x0];
	s2 =	stileid.u32  }
0x8c: {  	s1 =	rddreg [dreg:$0x1];
	p0 =	sne.s32 s2, $0x0  }
0x8d: {  	s3 =	rddreg [dreg:$0x2];
	[bflag:$0x3] =	sbarrier.arrive $0xFFFF;
	s2 =	simm.s32 @!p0 $0x1C05  }
0x8e: {  	[timem:s3], [sflag:s2] =	dma.local @!p0 [hbm:s0], s1  }
0x8f: {  	s0 =	simm.s32 @!p0 $0x5  }
0x90: {  	_ =	swait.ge @!p0 [sflag:s0], s1  }
0x91: {  	s1 =	ssub.s32 @!p0 $0x0, s1;
	[sflag:s0] =	ssyncset.done @!p0 $0x0  }
0x92: {  	[sflag:s0] =	ssyncadd.s32 @!p0 s1  }
0x93: {  	[bflag:$0x3] =	sbarrier.arrive $0xFFFF  }
0x94: {  	_ =	shalt  }

// kernel: kernel.18.cloned.1.call-start
scs
__scs_entry_jumppad:
0x0: {  	(pc) =	sbr.rel $0x88, $3  }
0x1: {  	(tag) =	ssettag $0x0;
	lr =	simm.s32 $0x1  }
0x2: {  	[smem:$0x3F80] =	sst lr;
	_ =	strace $0xD0000000  }
0x3: {  	_ = 	snop  }
0x4: {  	_ = 	snop  }
0x5: {  	_ = 	snop  }
0x6: {  	_ = 	snop  }
0x7: {  	_ = 	snop  }
__scs_overlays_trampoline_lowered:
0x8: {  	[smem:$0x3F8F] =	sst s0  }
0x9: {  	[smem:$0x3F90] =	sst s1  }
0xa: {  	[smem:$0x3F91] =	sst s2  }
0xb: {  	[smem:$0x3F92] =	sst s3  }
0xc: {  	[smem:$0x3F93] =	sst s4  }
0xd: {  	[smem:$0x3F94] =	sst s5  }
0xe: {  	[smem:$0x3F95] =	sst s6  }
0xf: {  	[smem:$0x3F96] =	sst s7  }
0x10: {  	[smem:$0x3F97] =	sst s8  }
0x11: {  	[smem:$0x3F98] =	sst s9;
	s0 =	simm.s32 @!p0 $0x0  }
0x12: {  	s1 =	sld [smem:$0x3F7E];
	s0 =	simm.s32 @p0 $0x1  }
0x13: {  	[smem:$0x3F99] =	sst s0;
	s0 =	simm.s32 @!p1 $0x0  }
0x14: {  	s2 =	sld [smem:$0x3F7D];
	s0 =	simm.s32 @p1 $0x1  }
0x15: {  	[smem:$0x3F9A] =	sst s0;
	s0 =	simm.s32 @!p2 $0x0  }
0x16: {  	s3 =	sld [smem:$0x3FDB];
	s0 =	simm.s32 @p2 $0x1  }
0x17: {  	s4 =	simm.s32 $0x1BF5;
	[smem:$0x3F9C] =	sst s0  }
0x18: {  	s0 =	sld [smem:$0x3F7F];
	_ =	swait.ge [sflag:s4], $0x0  }
0x19: {  	s7 =	sld [smem:$0x3F80]  }
0x1a: {  	s8 =	sadd.s32 $0xFFFFE003, lr  }
0x1b: {  	s9 =	sadd.s32 $0xFFFFFEF7, lr;
	s5 =	simm.s32 $0xFFFFFFFF;
	p2 =	slt.u32 s8, $0xFFFFF086  }
0x1c: {  	p1 =	slt.u32 s9, $0xF7A;
	s5 =	simm.s32 @!p2 $0x0  }
0x1d: {  	s5 =	simm.s32 @p1 $0x1;
	p0 =	seq.s32 s7, s2  }
0x1e: {  	s7 =	smul.u32 @!p0 $0xF7A, s2;
	p2 =	seq.s32 @!p0 s5, $0x0  }
0x1f: {  	s9 =	smul.u32 $0xF7A, s1;
	s8 =	simm.s32 @!p0 $0x1BF5;
	p2 =	por !p2, p0  }
0x20: {  	[sflag:s8] =	ssyncset.s32 @!p0 $0xFFFFF086;
	s6 =	sadd.s32 @!p0 s3, s7;
	s7 =	simm.s32 @!p0 $0x108  }
0x21: {  	s3 =	sadd.s32 s3, s9;
	s6 =	sadd.s32 @!p0 $0x88, s6;
	s7 =	simm.s32 @p2 $0x1082  }
0x22: {  	[simem:s7], [sflag:s8] =	dma.local @!p0 [hbm:s6], $0xF7A  }
0x23: {  	s9 =	sor.u32 $0xD0000000, s2;
	s6 =	simm.s32 $0x108;
	_ =	swait.ge @!p0 [sflag:s8], $0x0  }
0x24: {  	s3 =	sadd.s32 $0x88, s3;
	s6 =	simm.s32 @!p1 $0x1082;
	[sflag:s4] =	ssyncset.s32 $0xFFFFF086  }
0x25: {  	[simem:s6], [sflag:s4] =	dma.local [hbm:s3], $0xF7A  }
0x26: {  	[smem:$0x3F80] =	sst s1;
	(tag) =	ssettag s2;
	_ =	strace s9  }
0x27: {  	s1 =	sld [smem:$0x3F90]  }
0x28: {  	s2 =	sld [smem:$0x3F91]  }
0x29: {  	s4 =	sld [smem:$0x3F93]  }
0x2a: {  	p0 =	seq.s32 s5, $0x0;
	s5 =	sld [smem:$0x3F94]  }
0x2b: {  	s6 =	sld [smem:$0x3F95]  }
0x2c: {  	s7 =	sld [smem:$0x3F96]  }
0x2d: {  	s3 =	simm.s32 $0x108;
	s8 =	sld [smem:$0x3F97]  }
0x2e: {  	s3 =	simm.s32 @!p0 $0x1082;
	s9 =	sld [smem:$0x3F98]  }
0x2f: {  	lr =	sadd.s32 s0, s3;
	s0 =	sld [smem:$0x3F8F]  }
0x30: {  	s3 =	sld [smem:$0x3F92]  }
0x31: {  	[smem:$0x3F9B] =	sst s10  }
0x32: {  	s10 =	sld [smem:$0x3F99];
	_ =	sdelay $0x3  }
0x33: {  	p0 =	seq.s32 s10, $0x1;
	s10 =	sld [smem:$0x3F9B];
	_ =	sdelay $0x3  }
0x34: {  	[smem:$0x3F9B] =	sst s10  }
0x35: {  	s10 =	sld [smem:$0x3F9A];
	_ =	sdelay $0x3  }
0x36: {  	p1 =	seq.s32 s10, $0x1;
	s10 =	sld [smem:$0x3F9B];
	_ =	sdelay $0x3  }
0x37: {  	[smem:$0x3F9B] =	sst s10  }
0x38: {  	s10 =	sld [smem:$0x3F9C]  }
0x39: {  	_ = 	snop;
	(pc) =	sbr.ind lr, $3  }
0x3a: {  	_ = 	snop  }
0x3b: {  	_ = 	snop  }
0x3c: {  	p2 =	seq.s32 s10, $0x1;
	s10 =	sld [smem:$0x3F9B]  }
0x3d: {  	_ =	shalt  }
0x3e: {  	_ =	shalt  }
0x3f: {  	_ =	shalt  }
0x40: {  	_ =	shalt  }
0x41: {  	_ =	shalt  }
0x42: {  	_ =	shalt  }
0x43: {  	_ =	shalt  }
0x44: {  	_ =	shalt  }
0x45: {  	_ =	shalt  }
0x46: {  	_ =	shalt  }
0x47: {  	_ =	shalt  }
0x48: {  	_ =	shalt  }
0x49: {  	_ =	shalt  }
0x4a: {  	_ =	shalt  }
0x4b: {  	_ =	shalt  }
0x4c: {  	_ =	shalt  }
0x4d: {  	_ =	shalt  }
0x4e: {  	_ =	shalt  }
0x4f: {  	_ =	shalt  }
0x50: {  	_ =	shalt  }
0x51: {  	_ =	shalt  }
0x52: {  	_ =	shalt  }
0x53: {  	_ =	shalt  }
0x54: {  	_ =	shalt  }
0x55: {  	_ =	shalt  }
0x56: {  	_ =	shalt  }
0x57: {  	_ =	shalt  }
0x58: {  	_ =	shalt  }
0x59: {  	_ =	shalt  }
0x5a: {  	_ =	shalt  }
0x5b: {  	_ =	shalt  }
0x5c: {  	_ =	shalt  }
0x5d: {  	_ =	shalt  }
0x5e: {  	_ =	shalt  }
0x5f: {  	_ =	shalt  }
0x60: {  	_ =	shalt  }
0x61: {  	_ =	shalt  }
0x62: {  	_ =	shalt  }
0x63: {  	_ =	shalt  }
0x64: {  	_ =	shalt  }
0x65: {  	_ =	shalt  }
0x66: {  	_ =	shalt  }
0x67: {  	_ =	shalt  }
0x68: {  	_ =	shalt  }
0x69: {  	_ =	shalt  }
0x6a: {  	_ =	shalt  }
0x6b: {  	_ =	shalt  }
0x6c: {  	_ =	shalt  }
0x6d: {  	_ =	shalt  }
0x6e: {  	_ =	shalt  }
0x6f: {  	_ =	shalt  }
0x70: {  	_ =	shalt  }
0x71: {  	_ =	shalt  }
0x72: {  	_ =	shalt  }
0x73: {  	_ =	shalt  }
0x74: {  	_ =	shalt  }
0x75: {  	_ =	shalt  }
0x76: {  	_ =	shalt  }
0x77: {  	_ =	shalt  }
0x78: {  	_ =	shalt  }
0x79: {  	_ =	shalt  }
0x7a: {  	_ =	shalt  }
0x7b: {  	_ =	shalt  }
0x7c: {  	_ =	shalt  }
0x7d: {  	_ =	shalt  }
0x7e: {  	_ =	shalt  }
0x7f: {  	_ =	shalt  }
0x80: {  	_ =	shalt  }
0x81: {  	_ =	shalt  }
0x82: {  	_ =	shalt  }
0x83: {  	_ =	shalt  }
0x84: {  	_ =	shalt  }
0x85: {  	_ =	shalt  }
0x86: {  	_ =	shalt  }
0x87: {  	_ =	shalt  }
.Lfunc_end0:
.L_simem_size_0:
called_computation.1_lowered:
.L_overlay_start_0:
0x88: {  	s2 =	sld [smem:$0x3FD9]  }
0x89: {  	s3 =	sld [smem:$0x3FFE];
	_ =	sdelay $0x1  }
0x8a: {  	s1 =	srdreg.scid  }
0x8b: {  	s0 =	sand.u32 $0x1, s1  }
0x8c: {  	s16 =	sshll.u32 s0, $0xA;
	s2 =	sadd.s32 s3, s2  }
0x8d: {  	s2 =	sadd.s32 s2, s16  }
0x8e: {  	[smem:$0x3FA7] =	sst s2  }
0x8f: {  	_ = 	snop  }
0x90: {  	(tm) =	ssettm $0x1  }
0x91: {  	s17 =	sld [smem:$0x3FFB];
	_ =	sdelay $0x3  }
0x92: {  	_ =	strace s17  }
0x93: {  	s2 =	sld [smem:$0x3FFC];
	_ =	sdelay $0x3  }
0x94: {  	_ =	strace s2  }
0x95: {  	s2 =	sld [smem:$0x3FFD];
	_ =	sdelay $0x3  }
0x96: {  	_ =	strace s2  }
0x97: {  	_ =	strace $0x8FFFFFFF  }
0x98: {  	s18 =	sld [smem:$0x3FDB];
	_ =	sdelay $0x1  }
0x99: {  	s19 =	simm.s32 $_scs_section_size  }
0x9a: {  	s4 =	simm.s32 $_size__tile_overlayer_lowered;
	s5 =	simm.s32 $_tile_overlayer_lowered  }
0x9b: {  	s22 =	simm.s32 $0x1BFF;
	s21 =	sshll.u32 s5, $0x1;
	s2 =	sadd.s32 s19, s18  }
0x9c: {  	s6 =	simm.s32 $0x0;
	s20 =	sshll.u32 s4, $0x1;
	s4 =	sadd.s32 s21, s2  }
0x9d: {  	[timem:s6], [sflag:s22] =	dma.local [hbm:s4], s20  }
0x9e: {  	_ =	swait.ge [sflag:s22], s20  }
0x9f: {  	s3 =	ssub.s32 $0x0, s20;
	[sflag:s22] =	ssyncset.done $0x0  }
0xa0: {  	[sflag:s22] =	ssyncadd.s32 s3;
	_ =	sdelay $0x1  }
0xa1: {  	s23 =	simm.s32 $0x1B8B  }
0xa2: {  	_ =	swait.ge [sflag:s23], $0x1  }
0xa3: {  	[sflag:s23] =	ssyncset.done $0x0  }
0xa4: {  	s25 =	simm.s32 $0x1B8E;
	s24 =	sld [smem:$0x3FFE];
	[sflag:s23] =	ssyncadd.s32 $0xFFFFFFFF  }
0xa5: {  	s26 =	simm.s32 $execute0_lowered;
	[smem:$0x3FD2] =	sst s25  }
0xa6: {  	s4 =	sshll.u32 s26, $0x1;
	_ =	strace $0x80000049;
	[dreg:$0x1] =	wrdreg $0xFFFFFFFF  }
0xa7: {  	s28 =	simm.s32 $_size_execute0_lowered;
	s2 =	sadd.s32 s2, s4;
	[dreg:$0x0] =	wrdreg $0x0  }
0xa8: {  	s4 =	sshll.u32 s28, $0x1;
	[dreg:$0x2] =	wrdreg s2  }
0xa9: {  	[dreg:$0x3] =	wrdreg s4  }
0xaa: {  	[dreg:$0x4] =	wrdreg $0xC0  }
0xab: {  	_ =	task [dreg:s6], $0x5FFFF  }
0xac: {  	[dreg:$0x1] =	wrdreg $0xFFFFFFFF  }
0xad: {  	[dreg:$0x0] =	wrdreg $0x60  }
0xae: {  	[dreg:$0x2] =	wrdreg s24  }
0xaf: {  	[dreg:$0x3] =	wrdreg $0x1C800  }
0xb0: {  	[dreg:$0x4] =	wrdreg $0x9  }
0xb1: {  	_ =	task.clear_ibuf [dreg:s6], $0x5FFFF;
	_ =	strace $0x90000049  }
0xb2: {  	s29 =	simm.s32 $0x9;
	_ =	strace $0x8000004B  }
0xb3: {  	_ =	swait.ge [sflag:s29], $0x1  }
0xb4: {  	[sflag:s29] =	ssyncadd.s32 $0xFFFFFFFF  }
0xb5: {  	_ =	strace $0x9000004B  }
0xb6: {  	_ =	sfence  }
0xb7: {  	s30 =	sld [smem:$0x0];
	_ =	sdelay $0x2  }
0xb8: {  	s31 =	sshll.u32 s1, $0xD;
	s1 =	sshrl.u32 s1, $0x2  }
0xb9: {  	s3 =	sand.u32 $0x4000, s31;
	s1 =	sadd.s32 s1, s30  }
0xba: {  	s0 =	sor.u32 s3, s0;
	s1 =	sshll.u32 s1, $0x11  }
0xbb: {  	s0 =	sor.u32 s1, s0  }
0xbc: {  	s0 =	sadd.s32 $0x8F2B, s0  }
0xbd: {  	[sflag:s0] =	ssyncadd.remote.s32 $0x1  }
0xbe: {  	_ =	sfence.sel $0xFFFF  }
0xbf: {  	[dreg:$0x0] =	wrdreg $0xFFFFFFFF;
	(pc) =	sbr.abs _section_cstart, $3  }
0xc0: {  	[dreg:$0x1] =	wrdreg $0xFFFFFFFF  }
0xc1: {  	_ =	task.clear_ibuf [dreg:s6], $0x2FFFF;
	_ =	strace $0x9FFFFFFF  }
0xc2: {  	(tm) =	ssettm $0x7FFFFFFF  }
0xc3: {  	_ =	shalt  }
tec
execute0_lowered:
.L_overlay_start_1:
0x0: {  	(tag) =	ssettag $0x1  }
0x1: {  	s1 =	srdreg.scid;
	s5 =	rddreg [dreg:$0x0]  }
0x2: {  	s0 =	stileid.u32;
	s2 =	rddreg [dreg:$0x1];
	s3 =	simm.s32 $0x0  }
0x3: {  	s15 =	simm.s32 $0x1480;
	s16 =	simm.s32 $0x1;
	s17 =	simm.s32 $0x80  }
0x4: {  	s18 =	simm.s32 $0x2;
	s19 =	simm.s32 $0xC00;
	s20 =	simm.s32 $0x0  }
0x5: {  	s4 =	sand.u32 $0x1, s1;
	s1 =	rddreg [dreg:$0x2];
	s8 =	smul.u32 $0x2720, s0  }
0x6: {  	s26 =	sshll.u32 s0, $0x1;
	[smem:$0x7FF] =	sst s3;
	s12 =	smul.u32 $0x1900, s0  }
0x7: {  	s10 =	sadd.s32 $0x6800, s5;
	s31 =	sshll.u32 s0, $0x6;
	s9 =	smul.u32 $0x27200, s4  }
0x8: {  	s6 =	sor.u32 s4, s26;
	s13 =	ssub.s32 $0x2, s4;
	s4 =	smul.u32 $0xC80, s4  }
0x9: {  	_ =	strace $0x8000004A;
	s7 =	smul.u32 $0xC80, s6;
	s11 =	sshrl.u32 s8, $0x3  }
0xa: {  	s28 =	sshrl.u32 s13, $0x1;
	s6 =	smul.u32 $0x1900, s6;
	s14 =	sadd.s32 s8, s2  }
0xb: {  	s9 =	sadd.s32 s8, s9;
	s11 =	sadd.s32 s11, s5;
	s13 =	ssub.s32 s13, s28  }
0xc: {  	s29 =	sadd.s32 s4, s12;
	s12 =	sor.u32 $0x1C03, s31;
	s7 =	sshrl.u32 s7, $0x3  }
0xd: {  	s9 =	sshrl.u32 s9, $0x3;
	s30 =	sshll.u32 s29, $0x1;
	s6 =	sadd.s32 s10, s6  }
0xe: {  	s8 =	smax.u32 s13, $0x1;
	s13 =	sshrl.u32 s14, $0x3;
	s14 =	simm.s32 $0xC80  }
0xf: {  	s7 =	sadd.s32 s7, s5;
	s9 =	sadd.s32 s9, s5;
	s5 =	sadd.s32 $0x38800, s11  }
0x10: {  	s10 =	sadd.s32 s10, s30;
	s11 =	simm.s32 $0x3;
	s4 =	sadd.s32 $0xE5400, s7  }
0x11: {  	s7 =	sadd.s32 $0x3D800, s9;
	s9 =	sadd.s32 $0x200, s10;
	s10 =	sadd.s32 $0x100, s10  }
.LBB2_1:
0x12: {  	[tilespmem:s3], [sflag:$0x3] =	stream.linear.gather [hbm4b:s4+s3], $0xC80, $0x38;
	[tilespmem:$0x43A0] =	vst v63  }
0x13: {  	_ =	swait.ge [sflag:s11], $0xC80  }
0x14: {  	[sflag:s11] =	ssyncset.done $0x0  }
0x15: {  	[sflag:s11] =	ssyncadd.s32 $0xFFFFF380  }
0x16: {  	[spmem:s13], [sflag:s12] =	dma.local [hbm:s5], $0x4E4  }
0x17: {  	_ =	swait.ge [sflag:s11], $0x4E4  }
0x18: {  	[sflag:s11] =	ssyncset.done $0x0  }
0x19: {  	[sflag:s11] =	ssyncadd.s32 $0xFFFFFB1C  }
0x1a: {  	[bflag:$0x0] =	sbarrier.arrive $0xFFFF  }
0x1b: {  	[tilespmem:s14], [sflag:$0x1] =	stream.linear.gather [hbm4b:s6+s3], $0x800, $0x38;
	[tilespmem:$0x43A0] =	vst v63  }
0x1c: {  	s21 =	sadd.s32 $0x0, s10  }
0x1d: {  	[tilespmem:s15], [sflag:$0x2] =	stream.linear.gather [hbm4b:s21+s3], $0x800, $0x38;
	[tilespmem:$0x43A0] =	vst v63  }
0x1e: {  	_ =	swait.ge [sflag:s16], $0x800  }
0x1f: {  	[sflag:s16] =	ssyncset.done $0x0  }
0x20: {  	[sflag:s16] =	ssyncadd.s32 $0xFFFFF800  }
0x21: {  	[spmem:s2] =	stream.indirect.scatter.add.f32 [tilespmem:s14], [sflag:$0x3], $0x10, s3, s17, $0xb8;
	[tilespmem:$0x43A0] =	vst v63  }
0x22: {  	_ =	swait.ge [sflag:s11], $0x800  }
0x23: {  	[sflag:s11] =	ssyncset.done $0x0  }
0x24: {  	s30 =	sadd.s32 $0x0, s9;
	[sflag:s11] =	ssyncadd.s32 $0xFFFFF800  }
0x25: {  	[tilespmem:s14], [sflag:$0x1] =	stream.linear.gather [hbm4b:s30+s3], $0x800, $0x38;
	[tilespmem:$0x43A0] =	vst v63  }
0x26: {  	_ =	swait.ge [sflag:s18], $0x800  }
0x27: {  	[sflag:s18] =	ssyncset.done $0x0  }
0x28: {  	s31 =	simm.s32 $0x80;
	[sflag:s18] =	ssyncadd.s32 $0xFFFFF800  }
0x29: {  	[spmem:s2] =	stream.indirect.scatter.add.f32 [tilespmem:s15], [sflag:$0x3], $0x10, s31, s17, $0xb8;
	[tilespmem:$0x43A0] =	vst v63  }
0x2a: {  	s22 =	simm.s32 $0x200;
	_ =	swait.ge [sflag:s11], $0x800  }
0x2b: {  	s23 =	simm.s32 $0x400;
	s21 =	simm.s32 $0x100;
	[sflag:s11] =	ssyncset.done $0x0  }
.LBB2_2:
0x2c: {  	s24 =	sadd.s32 s22, s10  }
0x2d: {  	[sflag:s11] =	ssyncadd.s32 $0xFFFFF800;
	s25 =	smov.u32 s23;
	s26 =	sadd.s32 $0x200, s23  }
0x2e: {  	[tilespmem:s15], [sflag:$0x2] =	stream.linear.gather [hbm4b:s24+s3], $0x800, $0x38;
	[tilespmem:$0x43A0] =	vst v63  }
0x2f: {  	p0 =	sne.s32 s23, $0x1600;
	_ =	swait.ge [sflag:s16], $0x800  }
0x30: {  	[sflag:s16] =	ssyncset.done $0x0  }
0x31: {  	[sflag:s16] =	ssyncadd.s32 $0xFFFFF800  }
0x32: {  	[spmem:s2] =	stream.indirect.scatter.add.f32 [tilespmem:s14], [sflag:$0x3], $0x10, s21, s17, $0xb8;
	[tilespmem:$0x43A0] =	vst v63  }
0x33: {  	_ =	swait.ge [sflag:s11], $0x800  }
0x34: {  	[sflag:s11] =	ssyncset.done $0x0  }
0x35: {  	s23 =	sadd.s32 s22, s9;
	s22 =	smov.u32 s25;
	[sflag:s11] =	ssyncadd.s32 $0xFFFFF800  }
0x36: {  	[tilespmem:s14], [sflag:$0x1] =	stream.linear.gather [hbm4b:s23+s3], $0x800, $0x38;
	[tilespmem:$0x43A0] =	vst v63  }
0x37: {  	_ =	swait.ge [sflag:s18], $0x800  }
.Ltmp0:
0x38: {  	[sflag:s18] =	ssyncset.done $0x0;
	(pc) =	sbr.rel @p0 .LBB2_2-.Ltmp0, $4  }
0x39: {  	s23 =	sadd.s32 $0x80, s21;
	[sflag:s18] =	ssyncadd.s32 $0xFFFFF800  }
0x3a: {  	[spmem:s2] =	stream.indirect.scatter.add.f32 [tilespmem:s15], [sflag:$0x3], $0x10, s23, s17, $0xb8;
	[tilespmem:$0x43A0] =	vst v63  }
0x3b: {  	_ =	swait.ge [sflag:s11], $0x800  }
0x3c: {  	s21 =	sadd.s32 $0x100, s21;
	s23 =	smov.u32 s26;
	[sflag:s11] =	ssyncset.done $0x0  }
0x3d: {  	s23 =	sadd.s32 s22, s10;
	[sflag:s11] =	ssyncadd.s32 $0xFFFFF800  }
0x3e: {  	[tilespmem:s15], [sflag:$0x2] =	stream.linear.gather [hbm4b:s23+s3], $0x800, $0x38;
	[tilespmem:$0x43A0] =	vst v63  }
0x3f: {  	_ =	swait.ge [sflag:s16], $0x800  }
0x40: {  	[sflag:s16] =	ssyncset.done $0x0  }
0x41: {  	[sflag:s16] =	ssyncadd.s32 $0xFFFFF800  }
0x42: {  	[spmem:s2] =	stream.indirect.scatter.add.f32 [tilespmem:s14], [sflag:$0x3], $0x10, s21, s17, $0xb8;
	[tilespmem:$0x43A0] =	vst v63  }
0x43: {  	_ =	swait.ge [sflag:s11], $0x800  }
0x44: {  	[sflag:s11] =	ssyncset.done $0x0  }
0x45: {  	s30 =	sadd.s32 s22, s9;
	[sflag:s11] =	ssyncadd.s32 $0xFFFFF800  }
0x46: {  	[tilespmem:s14], [sflag:$0x1] =	stream.linear.gather [hbm4b:s30+s3], $0x800, $0x38;
	[tilespmem:$0x43A0] =	vst v63  }
0x47: {  	_ =	swait.ge [sflag:s18], $0x800  }
0x48: {  	[sflag:s18] =	ssyncset.done $0x0  }
0x49: {  	s31 =	sadd.s32 $0x80, s21;
	[sflag:s18] =	ssyncadd.s32 $0xFFFFF800  }
0x4a: {  	[spmem:s2] =	stream.indirect.scatter.add.f32 [tilespmem:s15], [sflag:$0x3], $0x10, s31, s17, $0xb8;
	[tilespmem:$0x43A0] =	vst v63  }
0x4b: {  	_ =	swait.ge [sflag:s11], $0x800  }
0x4c: {  	[sflag:s11] =	ssyncset.done $0x0  }
0x4d: {  	[sflag:s11] =	ssyncadd.s32 $0xFFFFF800  }
0x4e: {  	_ =	swait.ge [sflag:s16], $0x800  }
0x4f: {  	[sflag:s16] =	ssyncset.done $0x0  }
0x50: {  	[sflag:s16] =	ssyncadd.s32 $0xFFFFF800  }
0x51: {  	[spmem:s2] =	stream.indirect.scatter.add.f32 [tilespmem:s14], [sflag:$0x3], $0x10, s19, s17, $0xb8;
	[tilespmem:$0x43A0] =	vst v63  }
0x52: {  	_ =	swait.ge [sflag:s11], $0x800  }
0x53: {  	s20 =	sadd.s32 $0x1, s20;
	[sflag:s11] =	ssyncset.done $0x0  }
0x54: {  	p0 =	sne.s32 s20, s8;
	[sflag:s11] =	ssyncadd.s32 $0xFFFFF800  }
.Ltmp1:
0x55: {  	[bflag:$0x0] =	sbarrier.arrive $0xFFFF;
	(pc) =	sbr.rel @p0 .LBB2_1-.Ltmp1, $4  }
0x56: {  	[hbm:s7], [sflag:s12] =	dma.local [spmem:s13], $0x4E4  }
0x57: {  	_ =	swait.ge [sflag:s11], $0x4E4  }
0x58: {  	[sflag:s11] =	ssyncset.done $0x0  }
0x59: {  	[sflag:s11] =	ssyncadd.s32 $0xFFFFFB1C  }
0x5a: {  	_ =	sfence.sel $0x180000  }
0x5b: {  	[bflag:$0x0] =	sbarrier.arrive $0xFFFF  }
0x5c: {  	p0 =	sne.s32 s0, $0x0;
	_ =	strace $0x9000004A  }
0x5d: {  	s0 =	sadd.s32 @!p0 $0x100000, s1;
	[bflag:$0x2] =	sbarrier.arrive $0xFFFF  }
0x5e: {  	[sflag:s0] =	ssyncadd.tile.s32 @!p0 $0x1;
	_ =	shalt  }
.Lfunc_end2:
_tile_overlayer_lowered:
.L_overlay_start_2:
0x5f: {  	(tag) =	ssettag $0x2  }
0x60: {  	s0 =	rddreg [dreg:$0x0];
	s2 =	stileid.u32  }
0x61: {  	s1 =	rddreg [dreg:$0x1];
	p0 =	sne.s32 s2, $0x0  }
0x62: {  	s3 =	rddreg [dreg:$0x2];
	[bflag:$0x3] =	sbarrier.arrive $0xFFFF;
	s2 =	simm.s32 @!p0 $0x1C03  }
0x63: {  	[timem:s3], [sflag:s2] =	dma.local @!p0 [hbm:s0], s1  }
0x64: {  	s0 =	simm.s32 @!p0 $0x3  }
0x65: {  	_ =	swait.ge @!p0 [sflag:s0], s1  }
0x66: {  	s1 =	ssub.s32 @!p0 $0x0, s1;
	[sflag:s0] =	ssyncset.done @!p0 $0x0  }
0x67: {  	[sflag:s0] =	ssyncadd.s32 @!p0 s1  }
0x68: {  	[bflag:$0x3] =	sbarrier.arrive $0xFFFF  }
0x69: {  	_ =	shalt  }

// kernel: kernel.21.cloned.1.call-start
scs
__scs_entry_jumppad:
0x0: {  	(pc) =	sbr.rel $0x88, $3  }
0x1: {  	(tag) =	ssettag $0x0;
	lr =	simm.s32 $0x1  }
0x2: {  	[smem:$0x3F80] =	sst lr;
	_ =	strace $0xD0000000  }
0x3: {  	_ = 	snop  }
0x4: {  	_ = 	snop  }
0x5: {  	_ = 	snop  }
0x6: {  	_ = 	snop  }
0x7: {  	_ = 	snop  }
__scs_overlays_trampoline_lowered:
0x8: {  	[smem:$0x3F8F] =	sst s0  }
0x9: {  	[smem:$0x3F90] =	sst s1  }
0xa: {  	[smem:$0x3F91] =	sst s2  }
0xb: {  	[smem:$0x3F92] =	sst s3  }
0xc: {  	[smem:$0x3F93] =	sst s4  }
0xd: {  	[smem:$0x3F94] =	sst s5  }
0xe: {  	[smem:$0x3F95] =	sst s6  }
0xf: {  	[smem:$0x3F96] =	sst s7  }
0x10: {  	[smem:$0x3F97] =	sst s8  }
0x11: {  	[smem:$0x3F98] =	sst s9;
	s0 =	simm.s32 @!p0 $0x0  }
0x12: {  	s1 =	sld [smem:$0x3F7E];
	s0 =	simm.s32 @p0 $0x1  }
0x13: {  	[smem:$0x3F99] =	sst s0;
	s0 =	simm.s32 @!p1 $0x0  }
0x14: {  	s2 =	sld [smem:$0x3F7D];
	s0 =	simm.s32 @p1 $0x1  }
0x15: {  	[smem:$0x3F9A] =	sst s0;
	s0 =	simm.s32 @!p2 $0x0  }
0x16: {  	s3 =	sld [smem:$0x3FDB];
	s0 =	simm.s32 @p2 $0x1  }
0x17: {  	s4 =	simm.s32 $0x1BF5;
	[smem:$0x3F9C] =	sst s0  }
0x18: {  	s0 =	sld [smem:$0x3F7F];
	_ =	swait.ge [sflag:s4], $0x0  }
0x19: {  	s7 =	sld [smem:$0x3F80]  }
0x1a: {  	s8 =	sadd.s32 $0xFFFFE003, lr  }
0x1b: {  	s9 =	sadd.s32 $0xFFFFFEF7, lr;
	s5 =	simm.s32 $0xFFFFFFFF;
	p2 =	slt.u32 s8, $0xFFFFF086  }
0x1c: {  	p1 =	slt.u32 s9, $0xF7A;
	s5 =	simm.s32 @!p2 $0x0  }
0x1d: {  	s5 =	simm.s32 @p1 $0x1;
	p0 =	seq.s32 s7, s2  }
0x1e: {  	s7 =	smul.u32 @!p0 $0xF7A, s2;
	p2 =	seq.s32 @!p0 s5, $0x0  }
0x1f: {  	s9 =	smul.u32 $0xF7A, s1;
	s8 =	simm.s32 @!p0 $0x1BF5;
	p2 =	por !p2, p0  }
0x20: {  	[sflag:s8] =	ssyncset.s32 @!p0 $0xFFFFF086;
	s6 =	sadd.s32 @!p0 s3, s7;
	s7 =	simm.s32 @!p0 $0x108  }
0x21: {  	s3 =	sadd.s32 s3, s9;
	s6 =	sadd.s32 @!p0 $0x88, s6;
	s7 =	simm.s32 @p2 $0x1082  }
0x22: {  	[simem:s7], [sflag:s8] =	dma.local @!p0 [hbm:s6], $0xF7A  }
0x23: {  	s9 =	sor.u32 $0xD0000000, s2;
	s6 =	simm.s32 $0x108;
	_ =	swait.ge @!p0 [sflag:s8], $0x0  }
0x24: {  	s3 =	sadd.s32 $0x88, s3;
	s6 =	simm.s32 @!p1 $0x1082;
	[sflag:s4] =	ssyncset.s32 $0xFFFFF086  }
0x25: {  	[simem:s6], [sflag:s4] =	dma.local [hbm:s3], $0xF7A  }
0x26: {  	[smem:$0x3F80] =	sst s1;
	(tag) =	ssettag s2;
	_ =	strace s9  }
0x27: {  	s1 =	sld [smem:$0x3F90]  }
0x28: {  	s2 =	sld [smem:$0x3F91]  }
0x29: {  	s4 =	sld [smem:$0x3F93]  }
0x2a: {  	p0 =	seq.s32 s5, $0x0;
	s5 =	sld [smem:$0x3F94]  }
0x2b: {  	s6 =	sld [smem:$0x3F95]  }
0x2c: {  	s7 =	sld [smem:$0x3F96]  }
0x2d: {  	s3 =	simm.s32 $0x108;
	s8 =	sld [smem:$0x3F97]  }
0x2e: {  	s3 =	simm.s32 @!p0 $0x1082;
	s9 =	sld [smem:$0x3F98]  }
0x2f: {  	lr =	sadd.s32 s0, s3;
	s0 =	sld [smem:$0x3F8F]  }
0x30: {  	s3 =	sld [smem:$0x3F92]  }
0x31: {  	[smem:$0x3F9B] =	sst s10  }
0x32: {  	s10 =	sld [smem:$0x3F99];
	_ =	sdelay $0x3  }
0x33: {  	p0 =	seq.s32 s10, $0x1;
	s10 =	sld [smem:$0x3F9B];
	_ =	sdelay $0x3  }
0x34: {  	[smem:$0x3F9B] =	sst s10  }
0x35: {  	s10 =	sld [smem:$0x3F9A];
	_ =	sdelay $0x3  }
0x36: {  	p1 =	seq.s32 s10, $0x1;
	s10 =	sld [smem:$0x3F9B];
	_ =	sdelay $0x3  }
0x37: {  	[smem:$0x3F9B] =	sst s10  }
0x38: {  	s10 =	sld [smem:$0x3F9C]  }
0x39: {  	_ = 	snop;
	(pc) =	sbr.ind lr, $3  }
0x3a: {  	_ = 	snop  }
0x3b: {  	_ = 	snop  }
0x3c: {  	p2 =	seq.s32 s10, $0x1;
	s10 =	sld [smem:$0x3F9B]  }
0x3d: {  	_ =	shalt  }
0x3e: {  	_ =	shalt  }
0x3f: {  	_ =	shalt  }
0x40: {  	_ =	shalt  }
0x41: {  	_ =	shalt  }
0x42: {  	_ =	shalt  }
0x43: {  	_ =	shalt  }
0x44: {  	_ =	shalt  }
0x45: {  	_ =	shalt  }
0x46: {  	_ =	shalt  }
0x47: {  	_ =	shalt  }
0x48: {  	_ =	shalt  }
0x49: {  	_ =	shalt  }
0x4a: {  	_ =	shalt  }
0x4b: {  	_ =	shalt  }
0x4c: {  	_ =	shalt  }
0x4d: {  	_ =	shalt  }
0x4e: {  	_ =	shalt  }
0x4f: {  	_ =	shalt  }
0x50: {  	_ =	shalt  }
0x51: {  	_ =	shalt  }
0x52: {  	_ =	shalt  }
0x53: {  	_ =	shalt  }
0x54: {  	_ =	shalt  }
0x55: {  	_ =	shalt  }
0x56: {  	_ =	shalt  }
0x57: {  	_ =	shalt  }
0x58: {  	_ =	shalt  }
0x59: {  	_ =	shalt  }
0x5a: {  	_ =	shalt  }
0x5b: {  	_ =	shalt  }
0x5c: {  	_ =	shalt  }
0x5d: {  	_ =	shalt  }
0x5e: {  	_ =	shalt  }
0x5f: {  	_ =	shalt  }
0x60: {  	_ =	shalt  }
0x61: {  	_ =	shalt  }
0x62: {  	_ =	shalt  }
0x63: {  	_ =	shalt  }
0x64: {  	_ =	shalt  }
0x65: {  	_ =	shalt  }
0x66: {  	_ =	shalt  }
0x67: {  	_ =	shalt  }
0x68: {  	_ =	shalt  }
0x69: {  	_ =	shalt  }
0x6a: {  	_ =	shalt  }
0x6b: {  	_ =	shalt  }
0x6c: {  	_ =	shalt  }
0x6d: {  	_ =	shalt  }
0x6e: {  	_ =	shalt  }
0x6f: {  	_ =	shalt  }
0x70: {  	_ =	shalt  }
0x71: {  	_ =	shalt  }
0x72: {  	_ =	shalt  }
0x73: {  	_ =	shalt  }
0x74: {  	_ =	shalt  }
0x75: {  	_ =	shalt  }
0x76: {  	_ =	shalt  }
0x77: {  	_ =	shalt  }
0x78: {  	_ =	shalt  }
0x79: {  	_ =	shalt  }
0x7a: {  	_ =	shalt  }
0x7b: {  	_ =	shalt  }
0x7c: {  	_ =	shalt  }
0x7d: {  	_ =	shalt  }
0x7e: {  	_ =	shalt  }
0x7f: {  	_ =	shalt  }
0x80: {  	_ =	shalt  }
0x81: {  	_ =	shalt  }
0x82: {  	_ =	shalt  }
0x83: {  	_ =	shalt  }
0x84: {  	_ =	shalt  }
0x85: {  	_ =	shalt  }
0x86: {  	_ =	shalt  }
0x87: {  	_ =	shalt  }
.Lfunc_end0:
.L_simem_size_0:
called_computation.2_lowered:
.L_overlay_start_0:
0x88: {  	s2 =	sld [smem:$0x3FD9]  }
0x89: {  	s3 =	sld [smem:$0x3FFE];
	_ =	sdelay $0x1  }
0x8a: {  	s1 =	srdreg.scid  }
0x8b: {  	s0 =	sand.u32 $0x1, s1  }
0x8c: {  	s16 =	sshll.u32 s0, $0xA;
	s2 =	sadd.s32 s3, s2  }
0x8d: {  	s2 =	sadd.s32 s2, s16  }
0x8e: {  	[smem:$0x3FA7] =	sst s2  }
0x8f: {  	_ = 	snop  }
0x90: {  	(tm) =	ssettm $0x1  }
0x91: {  	s17 =	sld [smem:$0x3FFB];
	_ =	sdelay $0x3  }
0x92: {  	_ =	strace s17  }
0x93: {  	s2 =	sld [smem:$0x3FFC];
	_ =	sdelay $0x3  }
0x94: {  	_ =	strace s2  }
0x95: {  	s2 =	sld [smem:$0x3FFD];
	_ =	sdelay $0x3  }
0x96: {  	_ =	strace s2  }
0x97: {  	_ =	strace $0x8FFFFFFF  }
0x98: {  	s18 =	sld [smem:$0x3FDB];
	_ =	sdelay $0x1  }
0x99: {  	s19 =	simm.s32 $_scs_section_size  }
0x9a: {  	s4 =	simm.s32 $_size__tile_overlayer_lowered;
	s5 =	simm.s32 $_tile_overlayer_lowered  }
0x9b: {  	s22 =	simm.s32 $0x1BFF;
	s21 =	sshll.u32 s5, $0x1;
	s2 =	sadd.s32 s19, s18  }
0x9c: {  	s6 =	simm.s32 $0x0;
	s20 =	sshll.u32 s4, $0x1;
	s4 =	sadd.s32 s21, s2  }
0x9d: {  	[timem:s6], [sflag:s22] =	dma.local [hbm:s4], s20  }
0x9e: {  	_ =	swait.ge [sflag:s22], s20  }
0x9f: {  	s3 =	ssub.s32 $0x0, s20;
	[sflag:s22] =	ssyncset.done $0x0  }
0xa0: {  	[sflag:s22] =	ssyncadd.s32 s3;
	_ =	sdelay $0x1  }
0xa1: {  	s23 =	simm.s32 $0x1B8B  }
0xa2: {  	_ =	swait.ge [sflag:s23], $0x1  }
0xa3: {  	[sflag:s23] =	ssyncset.done $0x0  }
0xa4: {  	s25 =	simm.s32 $0x1B8E;
	s24 =	sld [smem:$0x3FFE];
	[sflag:s23] =	ssyncadd.s32 $0xFFFFFFFF  }
0xa5: {  	s26 =	simm.s32 $execute0_lowered;
	[smem:$0x3FD2] =	sst s25  }
0xa6: {  	s4 =	sshll.u32 s26, $0x1;
	_ =	strace $0x8000004C;
	[dreg:$0x1] =	wrdreg $0xFFFFFFFF  }
0xa7: {  	s28 =	simm.s32 $_size_execute0_lowered;
	s2 =	sadd.s32 s2, s4;
	[dreg:$0x0] =	wrdreg $0x0  }
0xa8: {  	s4 =	sshll.u32 s28, $0x1;
	[dreg:$0x2] =	wrdreg s2  }
0xa9: {  	[dreg:$0x3] =	wrdreg s4  }
0xaa: {  	[dreg:$0x4] =	wrdreg $0xC0  }
0xab: {  	_ =	task [dreg:s6], $0x5FFFF  }
0xac: {  	[dreg:$0x1] =	wrdreg $0xFFFFFFFF  }
0xad: {  	[dreg:$0x0] =	wrdreg $0x60  }
0xae: {  	[dreg:$0x2] =	wrdreg s24  }
0xaf: {  	[dreg:$0x3] =	wrdreg $0x9  }
0xb0: {  	_ =	task.clear_ibuf [dreg:s6], $0x4FFFF;
	_ =	strace $0x9000004C  }
0xb1: {  	s29 =	simm.s32 $0x9;
	_ =	strace $0x8000004E  }
0xb2: {  	_ =	swait.ge [sflag:s29], $0x1  }
0xb3: {  	[sflag:s29] =	ssyncadd.s32 $0xFFFFFFFF  }
0xb4: {  	_ =	strace $0x9000004E  }
0xb5: {  	_ =	sfence  }
0xb6: {  	s30 =	sld [smem:$0x0];
	_ =	sdelay $0x2  }
0xb7: {  	s31 =	sshll.u32 s1, $0xD;
	s1 =	sshrl.u32 s1, $0x2  }
0xb8: {  	s3 =	sand.u32 $0x4000, s31;
	s1 =	sadd.s32 s1, s30  }
0xb9: {  	s0 =	sor.u32 s3, s0;
	s1 =	sshll.u32 s1, $0x11  }
0xba: {  	s0 =	sor.u32 s1, s0  }
0xbb: {  	s0 =	sadd.s32 $0x8F2B, s0  }
0xbc: {  	[sflag:s0] =	ssyncadd.remote.s32 $0x1  }
0xbd: {  	_ =	sfence.sel $0xFFFF  }
0xbe: {  	[dreg:$0x0] =	wrdreg $0xFFFFFFFF;
	(pc) =	sbr.abs _section_cstart, $3  }
0xbf: {  	[dreg:$0x1] =	wrdreg $0xFFFFFFFF  }
0xc0: {  	_ =	task.clear_ibuf [dreg:s6], $0x2FFFF;
	_ =	strace $0x9FFFFFFF  }
0xc1: {  	(tm) =	ssettm $0x7FFFFFFF  }
tec
execute0_lowered:
.L_overlay_start_1:
0x0: {  	(tag) =	ssettag $0x1  }
0x1: {  	s0 =	srdreg.scid;
	s7 =	stileid.u32  }
0x2: {  	s4 =	rddreg [dreg:$0x0];
	s2 =	simm.s32 $0x0;
	s15 =	simm.s32 $0x5  }
0x3: {  	s16 =	simm.s32 $0x80;
	s17 =	simm.s32 $0xC80;
	s18 =	simm.s32 $0x1480  }
0x4: {  	s20 =	simm.s32 $0x1C80;
	s21 =	simm.s32 $0x180;
	s22 =	simm.s32 $0x2480  }
0x5: {  	s23 =	simm.s32 $0x1;
	s24 =	simm.s32 $0x2;
	s25 =	simm.s32 $0x3  }
0x6: {  	s26 =	simm.s32 $0x4;
	s28 =	simm.s32 $0xC00;
	s10 =	smul.u32 $0x19000, s7  }
0x7: {  	s29 =	simm.s32 $0x0;
	s0 =	sand.u32 $0x1, s0;
	s9 =	smul.u32 $0x1900, s7  }
0x8: {  	s1 =	sshll.u32 s7, $0x1;
	[smem:$0x7FF] =	sst s2;
	s13 =	smul.u32 $0xC80, s0  }
0x9: {  	s1 =	sor.u32 s0, s1;
	s6 =	ssub.s32 $0x2, s0;
	s0 =	smul.u32 $0xC800, s0  }
0xa: {  	s3 =	sadd.s32 $0x3D800, s4;
	s11 =	sadd.s32 $0x6800, s4;
	s5 =	smul.u32 $0xC80, s1  }
0xb: {  	_ =	strace $0x8000004D;
	s1 =	smul.u32 $0xC800, s1;
	s30 =	sshrl.u32 s6, $0x1  }
0xc: {  	s12 =	ssub.s32 s6, s30;
	s13 =	sadd.s32 s13, s9;
	s0 =	sadd.s32 s0, s10  }
0xd: {  	s5 =	sshrl.u32 s5, $0x3;
	s1 =	sshrl.u32 s1, $0x3;
	s31 =	sshll.u32 s13, $0x1  }
0xe: {  	s10 =	smax.u32 s12, $0x1;
	s5 =	sadd.s32 s5, s4;
	s1 =	sadd.s32 s11, s1  }
0xf: {  	s0 =	sshrl.u32 s0, $0x3;
	s4 =	sadd.s32 $0x47600, s5;
	s5 =	sadd.s32 $0x1400, s1  }
0x10: {  	s6 =	sadd.s32 $0x1500, s1;
	s7 =	sadd.s32 $0x1600, s1;
	s8 =	sadd.s32 $0x1700, s1  }
0x11: {  	s9 =	sadd.s32 $0x1800, s1;
	s1 =	sadd.s32 s11, s31;
	s11 =	sadd.s32 s0, s11  }
0x12: {  	s12 =	sadd.s32 $0x300, s1;
	s13 =	sadd.s32 $0x200, s1;
	s14 =	sadd.s32 $0x100, s1  }
.LBB2_1:
0x13: {  	[tilespmem:s2], [sflag:$0x5] =	stream.linear.gather [hbm4b:s4+s2], $0xC80, $0x38;
	[tilespmem:$0x2C80] =	vst v63  }
0x14: {  	_ =	swait.ge [sflag:s15], $0xC80  }
0x15: {  	[sflag:s15] =	ssyncset.done $0x0  }
0x16: {  	[sflag:s15] =	ssyncadd.s32 $0xFFFFF380  }
0x17: {  	[tilespmem:s17], [sflag:$0x1] =	stream.indirect.gather [hbm4b:s3+s16], $0x10, s2, s16, $0xb8;
	[tilespmem:$0x2C80] =	vst v63  }
0x18: {  	_ = 	snop  }
0x19: {  	[tilespmem:s18], [sflag:$0x2] =	stream.indirect.gather [hbm4b:s3+s16], $0x10, s16, s16, $0xb8;
	[tilespmem:$0x2C80] =	vst v63  }
0x1a: {  	s0 =	simm.s32 $0x100  }
0x1b: {  	[tilespmem:s20], [sflag:$0x3] =	stream.indirect.gather [hbm4b:s3+s16], $0x10, s0, s16, $0xb8;
	[tilespmem:$0x2C80] =	vst v63  }
0x1c: {  	_ = 	snop  }
0x1d: {  	[tilespmem:s22], [sflag:$0x4] =	stream.indirect.gather [hbm4b:s3+s16], $0x10, s21, s16, $0xb8;
	[tilespmem:$0x2C80] =	vst v63  }
0x1e: {  	_ =	swait.ge [sflag:s23], $0x800  }
0x1f: {  	[sflag:s23] =	ssyncset.done $0x0  }
0x20: {  	s19 =	sadd.s32 $0x0, s11;
	[sflag:s23] =	ssyncadd.s32 $0xFFFFF800  }
0x21: {  	[hbm4b:s19+s2] =	stream.linear.scatter [tilespmem:s17], [sflag:$0x5], $0x800, $0x38;
	[tilespmem:$0x2C80] =	vst v63  }
0x22: {  	_ =	swait.ge [sflag:s15], $0x800  }
0x23: {  	[sflag:s15] =	ssyncset.done $0x0  }
0x24: {  	s1 =	simm.s32 $0x200;
	[sflag:s15] =	ssyncadd.s32 $0xFFFFF800  }
0x25: {  	[tilespmem:s17], [sflag:$0x1] =	stream.indirect.gather [hbm4b:s3+s16], $0x10, s1, s16, $0xb8;
	[tilespmem:$0x2C80] =	vst v63  }
0x26: {  	_ =	swait.ge [sflag:s24], $0x800  }
0x27: {  	[sflag:s24] =	ssyncset.done $0x0  }
0x28: {  	s19 =	sadd.s32 $0x0, s14;
	[sflag:s24] =	ssyncadd.s32 $0xFFFFF800  }
0x29: {  	[hbm4b:s19+s2] =	stream.linear.scatter [tilespmem:s18], [sflag:$0x5], $0x800, $0x38;
	[tilespmem:$0x2C80] =	vst v63  }
0x2a: {  	_ =	swait.ge [sflag:s15], $0x800  }
0x2b: {  	[sflag:s15] =	ssyncset.done $0x0  }
0x2c: {  	s1 =	simm.s32 $0x280;
	[sflag:s15] =	ssyncadd.s32 $0xFFFFF800  }
0x2d: {  	[tilespmem:s18], [sflag:$0x2] =	stream.indirect.gather [hbm4b:s3+s16], $0x10, s1, s16, $0xb8;
	[tilespmem:$0x2C80] =	vst v63  }
0x2e: {  	_ =	swait.ge [sflag:s25], $0x800  }
0x2f: {  	[sflag:s25] =	ssyncset.done $0x0  }
0x30: {  	s19 =	sadd.s32 $0x0, s13;
	[sflag:s25] =	ssyncadd.s32 $0xFFFFF800  }
0x31: {  	[hbm4b:s19+s2] =	stream.linear.scatter [tilespmem:s20], [sflag:$0x5], $0x800, $0x38;
	[tilespmem:$0x2C80] =	vst v63  }
0x32: {  	_ =	swait.ge [sflag:s15], $0x800  }
0x33: {  	[sflag:s15] =	ssyncset.done $0x0  }
0x34: {  	s1 =	simm.s32 $0x300;
	[sflag:s15] =	ssyncadd.s32 $0xFFFFF800  }
0x35: {  	[tilespmem:s20], [sflag:$0x3] =	stream.indirect.gather [hbm4b:s3+s16], $0x10, s1, s16, $0xb8;
	[tilespmem:$0x2C80] =	vst v63  }
0x36: {  	_ =	swait.ge [sflag:s26], $0x800  }
0x37: {  	[sflag:s26] =	ssyncset.done $0x0  }
0x38: {  	s19 =	sadd.s32 $0x0, s12;
	[sflag:s26] =	ssyncadd.s32 $0xFFFFF800  }
0x39: {  	[hbm4b:s19+s2] =	stream.linear.scatter [tilespmem:s22], [sflag:$0x5], $0x800, $0x38;
	[tilespmem:$0x2C80] =	vst v63  }
0x3a: {  	_ =	swait.ge [sflag:s15], $0x800  }
0x3b: {  	s30 =	simm.s32 $0x380;
	[sflag:s15] =	ssyncset.done $0x0  }
0x3c: {  	s31 =	simm.s32 $0x400;
	s1 =	simm.s32 $0x580;
	[sflag:s15] =	ssyncadd.s32 $0xFFFFF800  }
.LBB2_2:
0x3d: {  	[tilespmem:s22], [sflag:$0x4] =	stream.indirect.gather [hbm4b:s3+s16], $0x10, s30, s16, $0xb8;
	[tilespmem:$0x2C80] =	vst v63  }
0x3e: {  	s0 =	smov.u32 s31;
	s30 =	smov.u32 s1  }
0x3f: {  	p0 =	sne.s32 s31, $0x1000;
	s31 =	sadd.s32 $0x400, s31;
	_ =	swait.ge [sflag:s23], $0x800  }
0x40: {  	[sflag:s23] =	ssyncset.done $0x0  }
0x41: {  	s19 =	sadd.s32 s0, s11;
	[sflag:s23] =	ssyncadd.s32 $0xFFFFF800  }
0x42: {  	[hbm4b:s19+s2] =	stream.linear.scatter [tilespmem:s17], [sflag:$0x5], $0x800, $0x38;
	[tilespmem:$0x2C80] =	vst v63  }
0x43: {  	_ =	swait.ge [sflag:s15], $0x800  }
0x44: {  	[sflag:s15] =	ssyncset.done $0x0  }
0x45: {  	s19 =	sadd.s32 $0xFFFFFE80, s1;
	[sflag:s15] =	ssyncadd.s32 $0xFFFFF800  }
0x46: {  	[tilespmem:s17], [sflag:$0x1] =	stream.indirect.gather [hbm4b:s3+s16], $0x10, s19, s16, $0xb8;
	[tilespmem:$0x2C80] =	vst v63  }
0x47: {  	_ =	swait.ge [sflag:s24], $0x800  }
0x48: {  	[sflag:s24] =	ssyncset.done $0x0  }
0x49: {  	s19 =	sadd.s32 s0, s14;
	[sflag:s24] =	ssyncadd.s32 $0xFFFFF800  }
0x4a: {  	[hbm4b:s19+s2] =	stream.linear.scatter [tilespmem:s18], [sflag:$0x5], $0x800, $0x38;
	[tilespmem:$0x2C80] =	vst v63  }
0x4b: {  	_ =	swait.ge [sflag:s15], $0x800  }
0x4c: {  	[sflag:s15] =	ssyncset.done $0x0  }
0x4d: {  	s19 =	sadd.s32 $0xFFFFFF00, s1;
	[sflag:s15] =	ssyncadd.s32 $0xFFFFF800  }
0x4e: {  	[tilespmem:s18], [sflag:$0x2] =	stream.indirect.gather [hbm4b:s3+s16], $0x10, s19, s16, $0xb8;
	[tilespmem:$0x2C80] =	vst v63  }
0x4f: {  	_ =	swait.ge [sflag:s25], $0x800  }
0x50: {  	[sflag:s25] =	ssyncset.done $0x0  }
0x51: {  	s19 =	sadd.s32 s0, s13;
	[sflag:s25] =	ssyncadd.s32 $0xFFFFF800  }
0x52: {  	[hbm4b:s19+s2] =	stream.linear.scatter [tilespmem:s20], [sflag:$0x5], $0x800, $0x38;
	[tilespmem:$0x2C80] =	vst v63  }
0x53: {  	_ =	swait.ge [sflag:s15], $0x800  }
0x54: {  	[sflag:s15] =	ssyncset.done $0x0  }
0x55: {  	s19 =	sadd.s32 $0xFFFFFF80, s1;
	[sflag:s15] =	ssyncadd.s32 $0xFFFFF800  }
0x56: {  	[tilespmem:s20], [sflag:$0x3] =	stream.indirect.gather [hbm4b:s3+s16], $0x10, s19, s16, $0xb8;
	[tilespmem:$0x2C80] =	vst v63  }
0x57: {  	_ =	swait.ge [sflag:s26], $0x800  }
0x58: {  	[sflag:s26] =	ssyncset.done $0x0  }
.Ltmp0:
0x59: {  	s0 =	sadd.s32 s0, s12;
	[sflag:s26] =	ssyncadd.s32 $0xFFFFF800;
	(pc) =	sbr.rel @p0 .LBB2_2-.Ltmp0, $4  }
0x5a: {  	[hbm4b:s0+s2] =	stream.linear.scatter [tilespmem:s22], [sflag:$0x5], $0x800, $0x38;
	[tilespmem:$0x2C80] =	vst v63  }
0x5b: {  	_ =	swait.ge [sflag:s15], $0x800  }
0x5c: {  	[sflag:s15] =	ssyncset.done $0x0  }
0x5d: {  	s1 =	sadd.s32 $0x200, s1;
	[sflag:s15] =	ssyncadd.s32 $0xFFFFF800  }
0x5e: {  	[tilespmem:s22], [sflag:$0x4] =	stream.indirect.gather [hbm4b:s3+s16], $0x10, s30, s16, $0xb8;
	[tilespmem:$0x2C80] =	vst v63  }
0x5f: {  	_ =	swait.ge [sflag:s23], $0x800  }
0x60: {  	[sflag:s23] =	ssyncset.done $0x0  }
0x61: {  	[sflag:s23] =	ssyncadd.s32 $0xFFFFF800  }
0x62: {  	[hbm4b:s5+s2] =	stream.linear.scatter [tilespmem:s17], [sflag:$0x5], $0x800, $0x38;
	[tilespmem:$0x2C80] =	vst v63  }
0x63: {  	_ =	swait.ge [sflag:s15], $0x800  }
0x64: {  	[sflag:s15] =	ssyncset.done $0x0  }
0x65: {  	[sflag:s15] =	ssyncadd.s32 $0xFFFFF800  }
0x66: {  	[tilespmem:s17], [sflag:$0x1] =	stream.indirect.gather [hbm4b:s3+s16], $0x10, s28, s16, $0xb8;
	[tilespmem:$0x2C80] =	vst v63  }
0x67: {  	_ =	swait.ge [sflag:s24], $0x800  }
0x68: {  	[sflag:s24] =	ssyncset.done $0x0  }
0x69: {  	[sflag:s24] =	ssyncadd.s32 $0xFFFFF800  }
0x6a: {  	[hbm4b:s6+s2] =	stream.linear.scatter [tilespmem:s18], [sflag:$0x5], $0x800, $0x38;
	[tilespmem:$0x2C80] =	vst v63  }
0x6b: {  	_ =	swait.ge [sflag:s15], $0x800  }
0x6c: {  	[sflag:s15] =	ssyncset.done $0x0  }
0x6d: {  	[sflag:s15] =	ssyncadd.s32 $0xFFFFF800  }
0x6e: {  	_ =	swait.ge [sflag:s25], $0x800  }
0x6f: {  	[sflag:s25] =	ssyncset.done $0x0  }
0x70: {  	[sflag:s25] =	ssyncadd.s32 $0xFFFFF800  }
0x71: {  	[hbm4b:s7+s2] =	stream.linear.scatter [tilespmem:s20], [sflag:$0x5], $0x800, $0x38;
	[tilespmem:$0x2C80] =	vst v63  }
0x72: {  	_ =	swait.ge [sflag:s15], $0x800  }
0x73: {  	[sflag:s15] =	ssyncset.done $0x0  }
0x74: {  	[sflag:s15] =	ssyncadd.s32 $0xFFFFF800  }
0x75: {  	_ =	swait.ge [sflag:s26], $0x800  }
0x76: {  	[sflag:s26] =	ssyncset.done $0x0  }
0x77: {  	[sflag:s26] =	ssyncadd.s32 $0xFFFFF800  }
0x78: {  	[hbm4b:s8+s2] =	stream.linear.scatter [tilespmem:s22], [sflag:$0x5], $0x800, $0x38;
	[tilespmem:$0x2C80] =	vst v63  }
0x79: {  	_ =	swait.ge [sflag:s15], $0x800  }
0x7a: {  	[sflag:s15] =	ssyncset.done $0x0  }
0x7b: {  	[sflag:s15] =	ssyncadd.s32 $0xFFFFF800  }
0x7c: {  	s29 =	sadd.s32 $0x1, s29;
	_ =	swait.ge [sflag:s23], $0x800  }
0x7d: {  	p0 =	sne.s32 s29, s10;
	[sflag:s23] =	ssyncset.done $0x0  }
.Ltmp1:
0x7e: {  	[sflag:s23] =	ssyncadd.s32 $0xFFFFF800;
	(pc) =	sbr.rel @p0 .LBB2_1-.Ltmp1, $4  }
0x7f: {  	[hbm4b:s9+s2] =	stream.linear.scatter [tilespmem:s17], [sflag:$0x5], $0x800, $0x38;
	[tilespmem:$0x2C80] =	vst v63  }
0x80: {  	_ =	swait.ge [sflag:s15], $0x800  }
0x81: {  	[sflag:s15] =	ssyncset.done $0x0  }
0x82: {  	[sflag:s15] =	ssyncadd.s32 $0xFFFFF800  }
0x83: {  	_ =	sfence.sel $0x180000  }
0x84: {  	[bflag:$0x0] =	sbarrier.arrive $0xFFFF  }
0x85: {  	_ =	strace $0x9000004D  }
0x86: {  	s0 =	stileid.u32;
	[bflag:$0x2] =	sbarrier.arrive $0xFFFF  }
0x87: {  	p0 =	sne.s32 s0, $0x0;
	s0 =	rddreg [dreg:$0x1]  }
0x88: {  	s0 =	sadd.s32 @!p0 $0x100000, s0  }
0x89: {  	[sflag:s0] =	ssyncadd.tile.s32 @!p0 $0x1;
	_ =	shalt  }
.Lfunc_end2:
_tile_overlayer_lowered:
.L_overlay_start_2:
0x8a: {  	(tag) =	ssettag $0x2  }
0x8b: {  	s0 =	rddreg [dreg:$0x0];
	s2 =	stileid.u32  }
0x8c: {  	s1 =	rddreg [dreg:$0x1];
	p0 =	sne.s32 s2, $0x0  }
0x8d: {  	s3 =	rddreg [dreg:$0x2];
	[bflag:$0x3] =	sbarrier.arrive $0xFFFF;
	s2 =	simm.s32 @!p0 $0x1C05  }
0x8e: {  	[timem:s3], [sflag:s2] =	dma.local @!p0 [hbm:s0], s1  }
0x8f: {  	s0 =	simm.s32 @!p0 $0x5  }
0x90: {  	_ =	swait.ge @!p0 [sflag:s0], s1  }
0x91: {  	s1 =	ssub.s32 @!p0 $0x0, s1;
	[sflag:s0] =	ssyncset.done @!p0 $0x0  }
0x92: {  	[sflag:s0] =	ssyncadd.s32 @!p0 s1  }
0x93: {  	[bflag:$0x3] =	sbarrier.arrive $0xFFFF  }
0x94: {  	_ =	shalt  }

// kernel: kernel.24.cloned.1.call-start
scs
__scs_entry_jumppad:
0x0: {  	(pc) =	sbr.rel $0x88, $3  }
0x1: {  	(tag) =	ssettag $0x0;
	lr =	simm.s32 $0x1  }
0x2: {  	[smem:$0x3F80] =	sst lr;
	_ =	strace $0xD0000000  }
0x3: {  	_ = 	snop  }
0x4: {  	_ = 	snop  }
0x5: {  	_ = 	snop  }
0x6: {  	_ = 	snop  }
0x7: {  	_ = 	snop  }
__scs_overlays_trampoline_lowered:
0x8: {  	[smem:$0x3F8F] =	sst s0  }
0x9: {  	[smem:$0x3F90] =	sst s1  }
0xa: {  	[smem:$0x3F91] =	sst s2  }
0xb: {  	[smem:$0x3F92] =	sst s3  }
0xc: {  	[smem:$0x3F93] =	sst s4  }
0xd: {  	[smem:$0x3F94] =	sst s5  }
0xe: {  	[smem:$0x3F95] =	sst s6  }
0xf: {  	[smem:$0x3F96] =	sst s7  }
0x10: {  	[smem:$0x3F97] =	sst s8  }
0x11: {  	[smem:$0x3F98] =	sst s9;
	s0 =	simm.s32 @!p0 $0x0  }
0x12: {  	s1 =	sld [smem:$0x3F7E];
	s0 =	simm.s32 @p0 $0x1  }
0x13: {  	[smem:$0x3F99] =	sst s0;
	s0 =	simm.s32 @!p1 $0x0  }
0x14: {  	s2 =	sld [smem:$0x3F7D];
	s0 =	simm.s32 @p1 $0x1  }
0x15: {  	[smem:$0x3F9A] =	sst s0;
	s0 =	simm.s32 @!p2 $0x0  }
0x16: {  	s3 =	sld [smem:$0x3FDB];
	s0 =	simm.s32 @p2 $0x1  }
0x17: {  	s4 =	simm.s32 $0x1BF5;
	[smem:$0x3F9C] =	sst s0  }
0x18: {  	s0 =	sld [smem:$0x3F7F];
	_ =	swait.ge [sflag:s4], $0x0  }
0x19: {  	s7 =	sld [smem:$0x3F80]  }
0x1a: {  	s8 =	sadd.s32 $0xFFFFE003, lr  }
0x1b: {  	s9 =	sadd.s32 $0xFFFFFEF7, lr;
	s5 =	simm.s32 $0xFFFFFFFF;
	p2 =	slt.u32 s8, $0xFFFFF086  }
0x1c: {  	p1 =	slt.u32 s9, $0xF7A;
	s5 =	simm.s32 @!p2 $0x0  }
0x1d: {  	s5 =	simm.s32 @p1 $0x1;
	p0 =	seq.s32 s7, s2  }
0x1e: {  	s7 =	smul.u32 @!p0 $0xF7A, s2;
	p2 =	seq.s32 @!p0 s5, $0x0  }
0x1f: {  	s9 =	smul.u32 $0xF7A, s1;
	s8 =	simm.s32 @!p0 $0x1BF5;
	p2 =	por !p2, p0  }
0x20: {  	[sflag:s8] =	ssyncset.s32 @!p0 $0xFFFFF086;
	s6 =	sadd.s32 @!p0 s3, s7;
	s7 =	simm.s32 @!p0 $0x108  }
0x21: {  	s3 =	sadd.s32 s3, s9;
	s6 =	sadd.s32 @!p0 $0x88, s6;
	s7 =	simm.s32 @p2 $0x1082  }
0x22: {  	[simem:s7], [sflag:s8] =	dma.local @!p0 [hbm:s6], $0xF7A  }
0x23: {  	s9 =	sor.u32 $0xD0000000, s2;
	s6 =	simm.s32 $0x108;
	_ =	swait.ge @!p0 [sflag:s8], $0x0  }
0x24: {  	s3 =	sadd.s32 $0x88, s3;
	s6 =	simm.s32 @!p1 $0x1082;
	[sflag:s4] =	ssyncset.s32 $0xFFFFF086  }
0x25: {  	[simem:s6], [sflag:s4] =	dma.local [hbm:s3], $0xF7A  }
0x26: {  	[smem:$0x3F80] =	sst s1;
	(tag) =	ssettag s2;
	_ =	strace s9  }
0x27: {  	s1 =	sld [smem:$0x3F90]  }
0x28: {  	s2 =	sld [smem:$0x3F91]  }
0x29: {  	s4 =	sld [smem:$0x3F93]  }
0x2a: {  	p0 =	seq.s32 s5, $0x0;
	s5 =	sld [smem:$0x3F94]  }
0x2b: {  	s6 =	sld [smem:$0x3F95]  }
0x2c: {  	s7 =	sld [smem:$0x3F96]  }
0x2d: {  	s3 =	simm.s32 $0x108;
	s8 =	sld [smem:$0x3F97]  }
0x2e: {  	s3 =	simm.s32 @!p0 $0x1082;
	s9 =	sld [smem:$0x3F98]  }
0x2f: {  	lr =	sadd.s32 s0, s3;
	s0 =	sld [smem:$0x3F8F]  }
0x30: {  	s3 =	sld [smem:$0x3F92]  }
0x31: {  	[smem:$0x3F9B] =	sst s10  }
0x32: {  	s10 =	sld [smem:$0x3F99];
	_ =	sdelay $0x3  }
0x33: {  	p0 =	seq.s32 s10, $0x1;
	s10 =	sld [smem:$0x3F9B];
	_ =	sdelay $0x3  }
0x34: {  	[smem:$0x3F9B] =	sst s10  }
0x35: {  	s10 =	sld [smem:$0x3F9A];
	_ =	sdelay $0x3  }
0x36: {  	p1 =	seq.s32 s10, $0x1;
	s10 =	sld [smem:$0x3F9B];
	_ =	sdelay $0x3  }
0x37: {  	[smem:$0x3F9B] =	sst s10  }
0x38: {  	s10 =	sld [smem:$0x3F9C]  }
0x39: {  	_ = 	snop;
	(pc) =	sbr.ind lr, $3  }
0x3a: {  	_ = 	snop  }
0x3b: {  	_ = 	snop  }
0x3c: {  	p2 =	seq.s32 s10, $0x1;
	s10 =	sld [smem:$0x3F9B]  }
0x3d: {  	_ =	shalt  }
0x3e: {  	_ =	shalt  }
0x3f: {  	_ =	shalt  }
0x40: {  	_ =	shalt  }
0x41: {  	_ =	shalt  }
0x42: {  	_ =	shalt  }
0x43: {  	_ =	shalt  }
0x44: {  	_ =	shalt  }
0x45: {  	_ =	shalt  }
0x46: {  	_ =	shalt  }
0x47: {  	_ =	shalt  }
0x48: {  	_ =	shalt  }
0x49: {  	_ =	shalt  }
0x4a: {  	_ =	shalt  }
0x4b: {  	_ =	shalt  }
0x4c: {  	_ =	shalt  }
0x4d: {  	_ =	shalt  }
0x4e: {  	_ =	shalt  }
0x4f: {  	_ =	shalt  }
0x50: {  	_ =	shalt  }
0x51: {  	_ =	shalt  }
0x52: {  	_ =	shalt  }
0x53: {  	_ =	shalt  }
0x54: {  	_ =	shalt  }
0x55: {  	_ =	shalt  }
0x56: {  	_ =	shalt  }
0x57: {  	_ =	shalt  }
0x58: {  	_ =	shalt  }
0x59: {  	_ =	shalt  }
0x5a: {  	_ =	shalt  }
0x5b: {  	_ =	shalt  }
0x5c: {  	_ =	shalt  }
0x5d: {  	_ =	shalt  }
0x5e: {  	_ =	shalt  }
0x5f: {  	_ =	shalt  }
0x60: {  	_ =	shalt  }
0x61: {  	_ =	shalt  }
0x62: {  	_ =	shalt  }
0x63: {  	_ =	shalt  }
0x64: {  	_ =	shalt  }
0x65: {  	_ =	shalt  }
0x66: {  	_ =	shalt  }
0x67: {  	_ =	shalt  }
0x68: {  	_ =	shalt  }
0x69: {  	_ =	shalt  }
0x6a: {  	_ =	shalt  }
0x6b: {  	_ =	shalt  }
0x6c: {  	_ =	shalt  }
0x6d: {  	_ =	shalt  }
0x6e: {  	_ =	shalt  }
0x6f: {  	_ =	shalt  }
0x70: {  	_ =	shalt  }
0x71: {  	_ =	shalt  }
0x72: {  	_ =	shalt  }
0x73: {  	_ =	shalt  }
0x74: {  	_ =	shalt  }
0x75: {  	_ =	shalt  }
0x76: {  	_ =	shalt  }
0x77: {  	_ =	shalt  }
0x78: {  	_ =	shalt  }
0x79: {  	_ =	shalt  }
0x7a: {  	_ =	shalt  }
0x7b: {  	_ =	shalt  }
0x7c: {  	_ =	shalt  }
0x7d: {  	_ =	shalt  }
0x7e: {  	_ =	shalt  }
0x7f: {  	_ =	shalt  }
0x80: {  	_ =	shalt  }
0x81: {  	_ =	shalt  }
0x82: {  	_ =	shalt  }
0x83: {  	_ =	shalt  }
0x84: {  	_ =	shalt  }
0x85: {  	_ =	shalt  }
0x86: {  	_ =	shalt  }
0x87: {  	_ =	shalt  }
.Lfunc_end0:
.L_simem_size_0:
called_computation.3_lowered:
.L_overlay_start_0:
0x88: {  	s2 =	sld [smem:$0x3FD9]  }
0x89: {  	s3 =	sld [smem:$0x3FFE];
	_ =	sdelay $0x1  }
0x8a: {  	s1 =	srdreg.scid  }
0x8b: {  	s0 =	sand.u32 $0x1, s1  }
0x8c: {  	s16 =	sshll.u32 s0, $0xA;
	s2 =	sadd.s32 s3, s2  }
0x8d: {  	s2 =	sadd.s32 s2, s16  }
0x8e: {  	[smem:$0x3FA7] =	sst s2  }
0x8f: {  	_ = 	snop  }
0x90: {  	(tm) =	ssettm $0x1  }
0x91: {  	s17 =	sld [smem:$0x3FFB];
	_ =	sdelay $0x3  }
0x92: {  	_ =	strace s17  }
0x93: {  	s2 =	sld [smem:$0x3FFC];
	_ =	sdelay $0x3  }
0x94: {  	_ =	strace s2  }
0x95: {  	s2 =	sld [smem:$0x3FFD];
	_ =	sdelay $0x3  }
0x96: {  	_ =	strace s2  }
0x97: {  	_ =	strace $0x8FFFFFFF  }
0x98: {  	s18 =	sld [smem:$0x3FDB];
	_ =	sdelay $0x1  }
0x99: {  	s19 =	simm.s32 $_scs_section_size  }
0x9a: {  	s4 =	simm.s32 $_size__tile_overlayer_lowered;
	s5 =	simm.s32 $_tile_overlayer_lowered  }
0x9b: {  	s22 =	simm.s32 $0x1BFF;
	s21 =	sshll.u32 s5, $0x1;
	s2 =	sadd.s32 s19, s18  }
0x9c: {  	s6 =	simm.s32 $0x0;
	s20 =	sshll.u32 s4, $0x1;
	s4 =	sadd.s32 s21, s2  }
0x9d: {  	[timem:s6], [sflag:s22] =	dma.local [hbm:s4], s20  }
0x9e: {  	_ =	swait.ge [sflag:s22], s20  }
0x9f: {  	s3 =	ssub.s32 $0x0, s20;
	[sflag:s22] =	ssyncset.done $0x0  }
0xa0: {  	[sflag:s22] =	ssyncadd.s32 s3;
	_ =	sdelay $0x1  }
0xa1: {  	s23 =	simm.s32 $0x1B8B  }
0xa2: {  	_ =	swait.ge [sflag:s23], $0x1  }
0xa3: {  	[sflag:s23] =	ssyncset.done $0x0  }
0xa4: {  	s25 =	simm.s32 $0x1B8E;
	s24 =	sld [smem:$0x3FFE];
	[sflag:s23] =	ssyncadd.s32 $0xFFFFFFFF  }
0xa5: {  	s26 =	simm.s32 $execute0_lowered;
	[smem:$0x3FD2] =	sst s25  }
0xa6: {  	s4 =	sshll.u32 s26, $0x1;
	_ =	strace $0x8000004F;
	[dreg:$0x1] =	wrdreg $0xFFFFFFFF  }
0xa7: {  	s28 =	simm.s32 $_size_execute0_lowered;
	s2 =	sadd.s32 s2, s4;
	[dreg:$0x0] =	wrdreg $0x0  }
0xa8: {  	s4 =	sshll.u32 s28, $0x1;
	[dreg:$0x2] =	wrdreg s2  }
0xa9: {  	[dreg:$0x3] =	wrdreg s4  }
0xaa: {  	[dreg:$0x4] =	wrdreg $0xC0  }
0xab: {  	_ =	task [dreg:s6], $0x5FFFF  }
0xac: {  	[dreg:$0x1] =	wrdreg $0xFFFFFFFF  }
0xad: {  	[dreg:$0x0] =	wrdreg $0x60  }
0xae: {  	[dreg:$0x2] =	wrdreg s24  }
0xaf: {  	[dreg:$0x3] =	wrdreg $0x1C800  }
0xb0: {  	[dreg:$0x4] =	wrdreg $0x9  }
0xb1: {  	_ =	task.clear_ibuf [dreg:s6], $0x5FFFF;
	_ =	strace $0x9000004F  }
0xb2: {  	s29 =	simm.s32 $0x9;
	_ =	strace $0x80000051  }
0xb3: {  	_ =	swait.ge [sflag:s29], $0x1  }
0xb4: {  	[sflag:s29] =	ssyncadd.s32 $0xFFFFFFFF  }
0xb5: {  	_ =	strace $0x90000051  }
0xb6: {  	_ =	sfence  }
0xb7: {  	s30 =	sld [smem:$0x0];
	_ =	sdelay $0x2  }
0xb8: {  	s31 =	sshll.u32 s1, $0xD;
	s1 =	sshrl.u32 s1, $0x2  }
0xb9: {  	s3 =	sand.u32 $0x4000, s31;
	s1 =	sadd.s32 s1, s30  }
0xba: {  	s0 =	sor.u32 s3, s0;
	s1 =	sshll.u32 s1, $0x11  }
0xbb: {  	s0 =	sor.u32 s1, s0  }
0xbc: {  	s0 =	sadd.s32 $0x8F2B, s0  }
0xbd: {  	[sflag:s0] =	ssyncadd.remote.s32 $0x1  }
0xbe: {  	_ =	sfence.sel $0xFFFF  }
0xbf: {  	[dreg:$0x0] =	wrdreg $0xFFFFFFFF;
	(pc) =	sbr.abs _section_cstart, $3  }
0xc0: {  	[dreg:$0x1] =	wrdreg $0xFFFFFFFF  }
0xc1: {  	_ =	task.clear_ibuf [dreg:s6], $0x2FFFF;
	_ =	strace $0x9FFFFFFF  }
0xc2: {  	(tm) =	ssettm $0x7FFFFFFF  }
0xc3: {  	_ =	shalt  }
tec
execute0_lowered:
.L_overlay_start_1:
0x0: {  	(tag) =	ssettag $0x1  }
0x1: {  	s1 =	srdreg.scid;
	s5 =	rddreg [dreg:$0x0]  }
0x2: {  	s0 =	stileid.u32;
	s2 =	rddreg [dreg:$0x1];
	s3 =	simm.s32 $0x0  }
0x3: {  	s15 =	simm.s32 $0x1480;
	s16 =	simm.s32 $0x1;
	s17 =	simm.s32 $0x80  }
0x4: {  	s18 =	simm.s32 $0x2;
	s19 =	simm.s32 $0xC00;
	s20 =	simm.s32 $0x0  }
0x5: {  	s4 =	sand.u32 $0x1, s1;
	s1 =	rddreg [dreg:$0x2];
	s8 =	smul.u32 $0x2720, s0  }
0x6: {  	s26 =	sshll.u32 s0, $0x1;
	[smem:$0x7FF] =	sst s3;
	s12 =	smul.u32 $0x1900, s0  }
0x7: {  	s10 =	sadd.s32 $0x6800, s5;
	s31 =	sshll.u32 s0, $0x6;
	s9 =	smul.u32 $0x27200, s4  }
0x8: {  	s6 =	sor.u32 s4, s26;
	s13 =	ssub.s32 $0x2, s4;
	s4 =	smul.u32 $0xC80, s4  }
0x9: {  	_ =	strace $0x80000050;
	s7 =	smul.u32 $0xC80, s6;
	s11 =	sshrl.u32 s8, $0x3  }
0xa: {  	s28 =	sshrl.u32 s13, $0x1;
	s6 =	smul.u32 $0x1900, s6;
	s14 =	sadd.s32 s8, s2  }
0xb: {  	s9 =	sadd.s32 s8, s9;
	s11 =	sadd.s32 s11, s5;
	s13 =	ssub.s32 s13, s28  }
0xc: {  	s29 =	sadd.s32 s4, s12;
	s12 =	sor.u32 $0x1C03, s31;
	s7 =	sshrl.u32 s7, $0x3  }
0xd: {  	s9 =	sshrl.u32 s9, $0x3;
	s30 =	sshll.u32 s29, $0x1;
	s6 =	sadd.s32 s10, s6  }
0xe: {  	s8 =	smax.u32 s13, $0x1;
	s13 =	sshrl.u32 s14, $0x3;
	s14 =	simm.s32 $0xC80  }
0xf: {  	s7 =	sadd.s32 s7, s5;
	s9 =	sadd.s32 s9, s5;
	s5 =	sadd.s32 $0x38800, s11  }
0x10: {  	s10 =	sadd.s32 s10, s30;
	s11 =	simm.s32 $0x3;
	s4 =	sadd.s32 $0x42800, s7  }
0x11: {  	s7 =	sadd.s32 $0x4A800, s9;
	s9 =	sadd.s32 $0x200, s10;
	s10 =	sadd.s32 $0x100, s10  }
.LBB2_1:
0x12: {  	[tilespmem:s3], [sflag:$0x3] =	stream.linear.gather [hbm4b:s4+s3], $0xC80, $0x38;
	[tilespmem:$0x43A0] =	vst v63  }
0x13: {  	_ =	swait.ge [sflag:s11], $0xC80  }
0x14: {  	[sflag:s11] =	ssyncset.done $0x0  }
0x15: {  	[sflag:s11] =	ssyncadd.s32 $0xFFFFF380  }
0x16: {  	[spmem:s13], [sflag:s12] =	dma.local [hbm:s5], $0x4E4  }
0x17: {  	_ =	swait.ge [sflag:s11], $0x4E4  }
0x18: {  	[sflag:s11] =	ssyncset.done $0x0  }
0x19: {  	[sflag:s11] =	ssyncadd.s32 $0xFFFFFB1C  }
0x1a: {  	[bflag:$0x0] =	sbarrier.arrive $0xFFFF  }
0x1b: {  	[tilespmem:s14], [sflag:$0x1] =	stream.linear.gather [hbm4b:s6+s3], $0x800, $0x38;
	[tilespmem:$0x43A0] =	vst v63  }
0x1c: {  	s21 =	sadd.s32 $0x0, s10  }
0x1d: {  	[tilespmem:s15], [sflag:$0x2] =	stream.linear.gather [hbm4b:s21+s3], $0x800, $0x38;
	[tilespmem:$0x43A0] =	vst v63  }
0x1e: {  	_ =	swait.ge [sflag:s16], $0x800  }
0x1f: {  	[sflag:s16] =	ssyncset.done $0x0  }
0x20: {  	[sflag:s16] =	ssyncadd.s32 $0xFFFFF800  }
0x21: {  	[spmem:s2] =	stream.indirect.scatter.add.f32 [tilespmem:s14], [sflag:$0x3], $0x10, s3, s17, $0xb8;
	[tilespmem:$0x43A0] =	vst v63  }
0x22: {  	_ =	swait.ge [sflag:s11], $0x800  }
0x23: {  	[sflag:s11] =	ssyncset.done $0x0  }
0x24: {  	s30 =	sadd.s32 $0x0, s9;
	[sflag:s11] =	ssyncadd.s32 $0xFFFFF800  }
0x25: {  	[tilespmem:s14], [sflag:$0x1] =	stream.linear.gather [hbm4b:s30+s3], $0x800, $0x38;
	[tilespmem:$0x43A0] =	vst v63  }
0x26: {  	_ =	swait.ge [sflag:s18], $0x800  }
0x27: {  	[sflag:s18] =	ssyncset.done $0x0  }
0x28: {  	s31 =	simm.s32 $0x80;
	[sflag:s18] =	ssyncadd.s32 $0xFFFFF800  }
0x29: {  	[spmem:s2] =	stream.indirect.scatter.add.f32 [tilespmem:s15], [sflag:$0x3], $0x10, s31, s17, $0xb8;
	[tilespmem:$0x43A0] =	vst v63  }
0x2a: {  	s22 =	simm.s32 $0x200;
	_ =	swait.ge [sflag:s11], $0x800  }
0x2b: {  	s23 =	simm.s32 $0x400;
	s21 =	simm.s32 $0x100;
	[sflag:s11] =	ssyncset.done $0x0  }
.LBB2_2:
0x2c: {  	s24 =	sadd.s32 s22, s10  }
0x2d: {  	[sflag:s11] =	ssyncadd.s32 $0xFFFFF800;
	s25 =	smov.u32 s23;
	s26 =	sadd.s32 $0x200, s23  }
0x2e: {  	[tilespmem:s15], [sflag:$0x2] =	stream.linear.gather [hbm4b:s24+s3], $0x800, $0x38;
	[tilespmem:$0x43A0] =	vst v63  }
0x2f: {  	p0 =	sne.s32 s23, $0x1600;
	_ =	swait.ge [sflag:s16], $0x800  }
0x30: {  	[sflag:s16] =	ssyncset.done $0x0  }
0x31: {  	[sflag:s16] =	ssyncadd.s32 $0xFFFFF800  }
0x32: {  	[spmem:s2] =	stream.indirect.scatter.add.f32 [tilespmem:s14], [sflag:$0x3], $0x10, s21, s17, $0xb8;
	[tilespmem:$0x43A0] =	vst v63  }
0x33: {  	_ =	swait.ge [sflag:s11], $0x800  }
0x34: {  	[sflag:s11] =	ssyncset.done $0x0  }
0x35: {  	s23 =	sadd.s32 s22, s9;
	s22 =	smov.u32 s25;
	[sflag:s11] =	ssyncadd.s32 $0xFFFFF800  }
0x36: {  	[tilespmem:s14], [sflag:$0x1] =	stream.linear.gather [hbm4b:s23+s3], $0x800, $0x38;
	[tilespmem:$0x43A0] =	vst v63  }
0x37: {  	_ =	swait.ge [sflag:s18], $0x800  }
.Ltmp0:
0x38: {  	[sflag:s18] =	ssyncset.done $0x0;
	(pc) =	sbr.rel @p0 .LBB2_2-.Ltmp0, $4  }
0x39: {  	s23 =	sadd.s32 $0x80, s21;
	[sflag:s18] =	ssyncadd.s32 $0xFFFFF800  }
0x3a: {  	[spmem:s2] =	stream.indirect.scatter.add.f32 [tilespmem:s15], [sflag:$0x3], $0x10, s23, s17, $0xb8;
	[tilespmem:$0x43A0] =	vst v63  }
0x3b: {  	_ =	swait.ge [sflag:s11], $0x800  }
0x3c: {  	s21 =	sadd.s32 $0x100, s21;
	s23 =	smov.u32 s26;
	[sflag:s11] =	ssyncset.done $0x0  }
0x3d: {  	s23 =	sadd.s32 s22, s10;
	[sflag:s11] =	ssyncadd.s32 $0xFFFFF800  }
0x3e: {  	[tilespmem:s15], [sflag:$0x2] =	stream.linear.gather [hbm4b:s23+s3], $0x800, $0x38;
	[tilespmem:$0x43A0] =	vst v63  }
0x3f: {  	_ =	swait.ge [sflag:s16], $0x800  }
0x40: {  	[sflag:s16] =	ssyncset.done $0x0  }
0x41: {  	[sflag:s16] =	ssyncadd.s32 $0xFFFFF800  }
0x42: {  	[spmem:s2] =	stream.indirect.scatter.add.f32 [tilespmem:s14], [sflag:$0x3], $0x10, s21, s17, $0xb8;
	[tilespmem:$0x43A0] =	vst v63  }
0x43: {  	_ =	swait.ge [sflag:s11], $0x800  }
0x44: {  	[sflag:s11] =	ssyncset.done $0x0  }
0x45: {  	s30 =	sadd.s32 s22, s9;
	[sflag:s11] =	ssyncadd.s32 $0xFFFFF800  }
0x46: {  	[tilespmem:s14], [sflag:$0x1] =	stream.linear.gather [hbm4b:s30+s3], $0x800, $0x38;
	[tilespmem:$0x43A0] =	vst v63  }
0x47: {  	_ =	swait.ge [sflag:s18], $0x800  }
0x48: {  	[sflag:s18] =	ssyncset.done $0x0  }
0x49: {  	s31 =	sadd.s32 $0x80, s21;
	[sflag:s18] =	ssyncadd.s32 $0xFFFFF800  }
0x4a: {  	[spmem:s2] =	stream.indirect.scatter.add.f32 [tilespmem:s15], [sflag:$0x3], $0x10, s31, s17, $0xb8;
	[tilespmem:$0x43A0] =	vst v63  }
0x4b: {  	_ =	swait.ge [sflag:s11], $0x800  }
0x4c: {  	[sflag:s11] =	ssyncset.done $0x0  }
0x4d: {  	[sflag:s11] =	ssyncadd.s32 $0xFFFFF800  }
0x4e: {  	_ =	swait.ge [sflag:s16], $0x800  }
0x4f: {  	[sflag:s16] =	ssyncset.done $0x0  }
0x50: {  	[sflag:s16] =	ssyncadd.s32 $0xFFFFF800  }
0x51: {  	[spmem:s2] =	stream.indirect.scatter.add.f32 [tilespmem:s14], [sflag:$0x3], $0x10, s19, s17, $0xb8;
	[tilespmem:$0x43A0] =	vst v63  }
0x52: {  	_ =	swait.ge [sflag:s11], $0x800  }
0x53: {  	s20 =	sadd.s32 $0x1, s20;
	[sflag:s11] =	ssyncset.done $0x0  }
0x54: {  	p0 =	sne.s32 s20, s8;
	[sflag:s11] =	ssyncadd.s32 $0xFFFFF800  }
.Ltmp1:
0x55: {  	[bflag:$0x0] =	sbarrier.arrive $0xFFFF;
	(pc) =	sbr.rel @p0 .LBB2_1-.Ltmp1, $4  }
0x56: {  	[hbm:s7], [sflag:s12] =	dma.local [spmem:s13], $0x4E4  }
0x57: {  	_ =	swait.ge [sflag:s11], $0x4E4  }
0x58: {  	[sflag:s11] =	ssyncset.done $0x0  }
0x59: {  	[sflag:s11] =	ssyncadd.s32 $0xFFFFFB1C  }
0x5a: {  	_ =	sfence.sel $0x180000  }
0x5b: {  	[bflag:$0x0] =	sbarrier.arrive $0xFFFF  }
0x5c: {  	p0 =	sne.s32 s0, $0x0;
	_ =	strace $0x90000050  }
0x5d: {  	s0 =	sadd.s32 @!p0 $0x100000, s1;
	[bflag:$0x2] =	sbarrier.arrive $0xFFFF  }
0x5e: {  	[sflag:s0] =	ssyncadd.tile.s32 @!p0 $0x1;
	_ =	shalt  }
.Lfunc_end2:
_tile_overlayer_lowered:
.L_overlay_start_2:
0x5f: {  	(tag) =	ssettag $0x2  }
0x60: {  	s0 =	rddreg [dreg:$0x0];
	s2 =	stileid.u32  }
0x61: {  	s1 =	rddreg [dreg:$0x1];
	p0 =	sne.s32 s2, $0x0  }
0x62: {  	s3 =	rddreg [dreg:$0x2];
	[bflag:$0x3] =	sbarrier.arrive $0xFFFF;
	s2 =	simm.s32 @!p0 $0x1C03  }
0x63: {  	[timem:s3], [sflag:s2] =	dma.local @!p0 [hbm:s0], s1  }
0x64: {  	s0 =	simm.s32 @!p0 $0x3  }
0x65: {  	_ =	swait.ge @!p0 [sflag:s0], s1  }
0x66: {  	s1 =	ssub.s32 @!p0 $0x0, s1;
	[sflag:s0] =	ssyncset.done @!p0 $0x0  }
0x67: {  	[sflag:s0] =	ssyncadd.s32 @!p0 s1  }
0x68: {  	[bflag:$0x3] =	sbarrier.arrive $0xFFFF  }
0x69: {  	_ =	shalt  }

// kernel: kernel.27.cloned.1.call-start
scs
__scs_entry_jumppad:
0x0: {  	(pc) =	sbr.rel $0x88, $3  }
0x1: {  	(tag) =	ssettag $0x0;
	lr =	simm.s32 $0x1  }
0x2: {  	[smem:$0x3F80] =	sst lr;
	_ =	strace $0xD0000000  }
0x3: {  	_ = 	snop  }
0x4: {  	_ = 	snop  }
0x5: {  	_ = 	snop  }
0x6: {  	_ = 	snop  }
0x7: {  	_ = 	snop  }
__scs_overlays_trampoline_lowered:
0x8: {  	[smem:$0x3F8F] =	sst s0  }
0x9: {  	[smem:$0x3F90] =	sst s1  }
0xa: {  	[smem:$0x3F91] =	sst s2  }
0xb: {  	[smem:$0x3F92] =	sst s3  }
0xc: {  	[smem:$0x3F93] =	sst s4  }
0xd: {  	[smem:$0x3F94] =	sst s5  }
0xe: {  	[smem:$0x3F95] =	sst s6  }
0xf: {  	[smem:$0x3F96] =	sst s7  }
0x10: {  	[smem:$0x3F97] =	sst s8  }
0x11: {  	[smem:$0x3F98] =	sst s9;
	s0 =	simm.s32 @!p0 $0x0  }
0x12: {  	s1 =	sld [smem:$0x3F7E];
	s0 =	simm.s32 @p0 $0x1  }
0x13: {  	[smem:$0x3F99] =	sst s0;
	s0 =	simm.s32 @!p1 $0x0  }
0x14: {  	s2 =	sld [smem:$0x3F7D];
	s0 =	simm.s32 @p1 $0x1  }
0x15: {  	[smem:$0x3F9A] =	sst s0;
	s0 =	simm.s32 @!p2 $0x0  }
0x16: {  	s3 =	sld [smem:$0x3FDB];
	s0 =	simm.s32 @p2 $0x1  }
0x17: {  	s4 =	simm.s32 $0x1BF5;
	[smem:$0x3F9C] =	sst s0  }
0x18: {  	s0 =	sld [smem:$0x3F7F];
	_ =	swait.ge [sflag:s4], $0x0  }
0x19: {  	s7 =	sld [smem:$0x3F80]  }
0x1a: {  	s8 =	sadd.s32 $0xFFFFE003, lr  }
0x1b: {  	s9 =	sadd.s32 $0xFFFFFEF7, lr;
	s5 =	simm.s32 $0xFFFFFFFF;
	p2 =	slt.u32 s8, $0xFFFFF086  }
0x1c: {  	p1 =	slt.u32 s9, $0xF7A;
	s5 =	simm.s32 @!p2 $0x0  }
0x1d: {  	s5 =	simm.s32 @p1 $0x1;
	p0 =	seq.s32 s7, s2  }
0x1e: {  	s7 =	smul.u32 @!p0 $0xF7A, s2;
	p2 =	seq.s32 @!p0 s5, $0x0  }
0x1f: {  	s9 =	smul.u32 $0xF7A, s1;
	s8 =	simm.s32 @!p0 $0x1BF5;
	p2 =	por !p2, p0  }
0x20: {  	[sflag:s8] =	ssyncset.s32 @!p0 $0xFFFFF086;
	s6 =	sadd.s32 @!p0 s3, s7;
	s7 =	simm.s32 @!p0 $0x108  }
0x21: {  	s3 =	sadd.s32 s3, s9;
	s6 =	sadd.s32 @!p0 $0x88, s6;
	s7 =	simm.s32 @p2 $0x1082  }
0x22: {  	[simem:s7], [sflag:s8] =	dma.local @!p0 [hbm:s6], $0xF7A  }
0x23: {  	s9 =	sor.u32 $0xD0000000, s2;
	s6 =	simm.s32 $0x108;
	_ =	swait.ge @!p0 [sflag:s8], $0x0  }
0x24: {  	s3 =	sadd.s32 $0x88, s3;
	s6 =	simm.s32 @!p1 $0x1082;
	[sflag:s4] =	ssyncset.s32 $0xFFFFF086  }
0x25: {  	[simem:s6], [sflag:s4] =	dma.local [hbm:s3], $0xF7A  }
0x26: {  	[smem:$0x3F80] =	sst s1;
	(tag) =	ssettag s2;
	_ =	strace s9  }
0x27: {  	s1 =	sld [smem:$0x3F90]  }
0x28: {  	s2 =	sld [smem:$0x3F91]  }
0x29: {  	s4 =	sld [smem:$0x3F93]  }
0x2a: {  	p0 =	seq.s32 s5, $0x0;
	s5 =	sld [smem:$0x3F94]  }
0x2b: {  	s6 =	sld [smem:$0x3F95]  }
0x2c: {  	s7 =	sld [smem:$0x3F96]  }
0x2d: {  	s3 =	simm.s32 $0x108;
	s8 =	sld [smem:$0x3F97]  }
0x2e: {  	s3 =	simm.s32 @!p0 $0x1082;
	s9 =	sld [smem:$0x3F98]  }
0x2f: {  	lr =	sadd.s32 s0, s3;
	s0 =	sld [smem:$0x3F8F]  }
0x30: {  	s3 =	sld [smem:$0x3F92]  }
0x31: {  	[smem:$0x3F9B] =	sst s10  }
0x32: {  	s10 =	sld [smem:$0x3F99];
	_ =	sdelay $0x3  }
0x33: {  	p0 =	seq.s32 s10, $0x1;
	s10 =	sld [smem:$0x3F9B];
	_ =	sdelay $0x3  }
0x34: {  	[smem:$0x3F9B] =	sst s10  }
0x35: {  	s10 =	sld [smem:$0x3F9A];
	_ =	sdelay $0x3  }
0x36: {  	p1 =	seq.s32 s10, $0x1;
	s10 =	sld [smem:$0x3F9B];
	_ =	sdelay $0x3  }
0x37: {  	[smem:$0x3F9B] =	sst s10  }
0x38: {  	s10 =	sld [smem:$0x3F9C]  }
0x39: {  	_ = 	snop;
	(pc) =	sbr.ind lr, $3  }
0x3a: {  	_ = 	snop  }
0x3b: {  	_ = 	snop  }
0x3c: {  	p2 =	seq.s32 s10, $0x1;
	s10 =	sld [smem:$0x3F9B]  }
0x3d: {  	_ =	shalt  }
0x3e: {  	_ =	shalt  }
0x3f: {  	_ =	shalt  }
0x40: {  	_ =	shalt  }
0x41: {  	_ =	shalt  }
0x42: {  	_ =	shalt  }
0x43: {  	_ =	shalt  }
0x44: {  	_ =	shalt  }
0x45: {  	_ =	shalt  }
0x46: {  	_ =	shalt  }
0x47: {  	_ =	shalt  }
0x48: {  	_ =	shalt  }
0x49: {  	_ =	shalt  }
0x4a: {  	_ =	shalt  }
0x4b: {  	_ =	shalt  }
0x4c: {  	_ =	shalt  }
0x4d: {  	_ =	shalt  }
0x4e: {  	_ =	shalt  }
0x4f: {  	_ =	shalt  }
0x50: {  	_ =	shalt  }
0x51: {  	_ =	shalt  }
0x52: {  	_ =	shalt  }
0x53: {  	_ =	shalt  }
0x54: {  	_ =	shalt  }
0x55: {  	_ =	shalt  }
0x56: {  	_ =	shalt  }
0x57: {  	_ =	shalt  }
0x58: {  	_ =	shalt  }
0x59: {  	_ =	shalt  }
0x5a: {  	_ =	shalt  }
0x5b: {  	_ =	shalt  }
0x5c: {  	_ =	shalt  }
0x5d: {  	_ =	shalt  }
0x5e: {  	_ =	shalt  }
0x5f: {  	_ =	shalt  }
0x60: {  	_ =	shalt  }
0x61: {  	_ =	shalt  }
0x62: {  	_ =	shalt  }
0x63: {  	_ =	shalt  }
0x64: {  	_ =	shalt  }
0x65: {  	_ =	shalt  }
0x66: {  	_ =	shalt  }
0x67: {  	_ =	shalt  }
0x68: {  	_ =	shalt  }
0x69: {  	_ =	shalt  }
0x6a: {  	_ =	shalt  }
0x6b: {  	_ =	shalt  }
0x6c: {  	_ =	shalt  }
0x6d: {  	_ =	shalt  }
0x6e: {  	_ =	shalt  }
0x6f: {  	_ =	shalt  }
0x70: {  	_ =	shalt  }
0x71: {  	_ =	shalt  }
0x72: {  	_ =	shalt  }
0x73: {  	_ =	shalt  }
0x74: {  	_ =	shalt  }
0x75: {  	_ =	shalt  }
0x76: {  	_ =	shalt  }
0x77: {  	_ =	shalt  }
0x78: {  	_ =	shalt  }
0x79: {  	_ =	shalt  }
0x7a: {  	_ =	shalt  }
0x7b: {  	_ =	shalt  }
0x7c: {  	_ =	shalt  }
0x7d: {  	_ =	shalt  }
0x7e: {  	_ =	shalt  }
0x7f: {  	_ =	shalt  }
0x80: {  	_ =	shalt  }
0x81: {  	_ =	shalt  }
0x82: {  	_ =	shalt  }
0x83: {  	_ =	shalt  }
0x84: {  	_ =	shalt  }
0x85: {  	_ =	shalt  }
0x86: {  	_ =	shalt  }
0x87: {  	_ =	shalt  }
.Lfunc_end0:
.L_simem_size_0:
called_computation.4_lowered:
.L_overlay_start_0:
0x88: {  	s2 =	sld [smem:$0x3FD9]  }
0x89: {  	s3 =	sld [smem:$0x3FFE];
	_ =	sdelay $0x1  }
0x8a: {  	s1 =	srdreg.scid  }
0x8b: {  	s0 =	sand.u32 $0x1, s1  }
0x8c: {  	s16 =	sshll.u32 s0, $0xA;
	s2 =	sadd.s32 s3, s2  }
0x8d: {  	s2 =	sadd.s32 s2, s16  }
0x8e: {  	[smem:$0x3FA7] =	sst s2  }
0x8f: {  	_ = 	snop  }
0x90: {  	(tm) =	ssettm $0x1  }
0x91: {  	s17 =	sld [smem:$0x3FFB];
	_ =	sdelay $0x3  }
0x92: {  	_ =	strace s17  }
0x93: {  	s2 =	sld [smem:$0x3FFC];
	_ =	sdelay $0x3  }
0x94: {  	_ =	strace s2  }
0x95: {  	s2 =	sld [smem:$0x3FFD];
	_ =	sdelay $0x3  }
0x96: {  	_ =	strace s2  }
0x97: {  	_ =	strace $0x8FFFFFFF  }
0x98: {  	s18 =	sld [smem:$0x3FDB];
	_ =	sdelay $0x1  }
0x99: {  	s19 =	simm.s32 $_scs_section_size  }
0x9a: {  	s4 =	simm.s32 $_size__tile_overlayer_lowered;
	s5 =	simm.s32 $_tile_overlayer_lowered  }
0x9b: {  	s22 =	simm.s32 $0x1BFF;
	s21 =	sshll.u32 s5, $0x1;
	s2 =	sadd.s32 s19, s18  }
0x9c: {  	s6 =	simm.s32 $0x0;
	s20 =	sshll.u32 s4, $0x1;
	s4 =	sadd.s32 s21, s2  }
0x9d: {  	[timem:s6], [sflag:s22] =	dma.local [hbm:s4], s20  }
0x9e: {  	_ =	swait.ge [sflag:s22], s20  }
0x9f: {  	s3 =	ssub.s32 $0x0, s20;
	[sflag:s22] =	ssyncset.done $0x0  }
0xa0: {  	[sflag:s22] =	ssyncadd.s32 s3;
	_ =	sdelay $0x1  }
0xa1: {  	s23 =	simm.s32 $0x1B8B  }
0xa2: {  	_ =	swait.ge [sflag:s23], $0x1  }
0xa3: {  	[sflag:s23] =	ssyncset.done $0x0  }
0xa4: {  	s25 =	simm.s32 $0x1B8E;
	s24 =	sld [smem:$0x3FFE];
	[sflag:s23] =	ssyncadd.s32 $0xFFFFFFFF  }
0xa5: {  	s26 =	simm.s32 $execute0_lowered;
	[smem:$0x3FD2] =	sst s25  }
0xa6: {  	s4 =	sshll.u32 s26, $0x1;
	_ =	strace $0x80000052;
	[dreg:$0x1] =	wrdreg $0xFFFFFFFF  }
0xa7: {  	s28 =	simm.s32 $_size_execute0_lowered;
	s2 =	sadd.s32 s2, s4;
	[dreg:$0x0] =	wrdreg $0x0  }
0xa8: {  	s4 =	sshll.u32 s28, $0x1;
	[dreg:$0x2] =	wrdreg s2  }
0xa9: {  	[dreg:$0x3] =	wrdreg s4  }
0xaa: {  	[dreg:$0x4] =	wrdreg $0xC0  }
0xab: {  	_ =	task [dreg:s6], $0x5FFFF  }
0xac: {  	[dreg:$0x1] =	wrdreg $0xFFFFFFFF  }
0xad: {  	[dreg:$0x0] =	wrdreg $0x60  }
0xae: {  	[dreg:$0x2] =	wrdreg s24  }
0xaf: {  	[dreg:$0x3] =	wrdreg $0x9  }
0xb0: {  	_ =	task.clear_ibuf [dreg:s6], $0x4FFFF;
	_ =	strace $0x90000052  }
0xb1: {  	s29 =	simm.s32 $0x9;
	_ =	strace $0x80000054  }
0xb2: {  	_ =	swait.ge [sflag:s29], $0x1  }
0xb3: {  	[sflag:s29] =	ssyncadd.s32 $0xFFFFFFFF  }
0xb4: {  	_ =	strace $0x90000054  }
0xb5: {  	_ =	sfence  }
0xb6: {  	s30 =	sld [smem:$0x0];
	_ =	sdelay $0x2  }
0xb7: {  	s31 =	sshll.u32 s1, $0xD;
	s1 =	sshrl.u32 s1, $0x2  }
0xb8: {  	s3 =	sand.u32 $0x4000, s31;
	s1 =	sadd.s32 s1, s30  }
0xb9: {  	s0 =	sor.u32 s3, s0;
	s1 =	sshll.u32 s1, $0x11  }
0xba: {  	s0 =	sor.u32 s1, s0  }
0xbb: {  	s0 =	sadd.s32 $0x8F2B, s0  }
0xbc: {  	[sflag:s0] =	ssyncadd.remote.s32 $0x1  }
0xbd: {  	_ =	sfence.sel $0xFFFF  }
0xbe: {  	[dreg:$0x0] =	wrdreg $0xFFFFFFFF;
	(pc) =	sbr.abs _section_cstart, $3  }
0xbf: {  	[dreg:$0x1] =	wrdreg $0xFFFFFFFF  }
0xc0: {  	_ =	task.clear_ibuf [dreg:s6], $0x2FFFF;
	_ =	strace $0x9FFFFFFF  }
0xc1: {  	(tm) =	ssettm $0x7FFFFFFF  }
tec
execute0_lowered:
.L_overlay_start_1:
0x0: {  	(tag) =	ssettag $0x1  }
0x1: {  	s0 =	srdreg.scid;
	s7 =	stileid.u32  }
0x2: {  	s4 =	rddreg [dreg:$0x0];
	s2 =	simm.s32 $0x0;
	s15 =	simm.s32 $0x5  }
0x3: {  	s16 =	simm.s32 $0x80;
	s17 =	simm.s32 $0xC80;
	s18 =	simm.s32 $0x1480  }
0x4: {  	s20 =	simm.s32 $0x1C80;
	s21 =	simm.s32 $0x180;
	s22 =	simm.s32 $0x2480  }
0x5: {  	s23 =	simm.s32 $0x1;
	s24 =	simm.s32 $0x2;
	s25 =	simm.s32 $0x3  }
0x6: {  	s26 =	simm.s32 $0x4;
	s28 =	simm.s32 $0xC00;
	s10 =	smul.u32 $0x19000, s7  }
0x7: {  	s29 =	simm.s32 $0x0;
	s0 =	sand.u32 $0x1, s0;
	s9 =	smul.u32 $0x1900, s7  }
0x8: {  	s1 =	sshll.u32 s7, $0x1;
	[smem:$0x7FF] =	sst s2;
	s13 =	smul.u32 $0xC80, s0  }
0x9: {  	s1 =	sor.u32 s0, s1;
	s6 =	ssub.s32 $0x2, s0;
	s0 =	smul.u32 $0xC800, s0  }
0xa: {  	s3 =	sadd.s32 $0x3D800, s4;
	s11 =	sadd.s32 $0x6800, s4;
	s5 =	smul.u32 $0xC80, s1  }
0xb: {  	_ =	strace $0x80000053;
	s1 =	smul.u32 $0xC800, s1;
	s30 =	sshrl.u32 s6, $0x1  }
0xc: {  	s12 =	ssub.s32 s6, s30;
	s13 =	sadd.s32 s13, s9;
	s0 =	sadd.s32 s0, s10  }
0xd: {  	s5 =	sshrl.u32 s5, $0x3;
	s1 =	sshrl.u32 s1, $0x3;
	s31 =	sshll.u32 s13, $0x1  }
0xe: {  	s10 =	smax.u32 s12, $0x1;
	s5 =	sadd.s32 s5, s4;
	s1 =	sadd.s32 s11, s1  }
0xf: {  	s0 =	sshrl.u32 s0, $0x3;
	s4 =	sadd.s32 $0x47600, s5;
	s5 =	sadd.s32 $0x1400, s1  }
0x10: {  	s6 =	sadd.s32 $0x1500, s1;
	s7 =	sadd.s32 $0x1600, s1;
	s8 =	sadd.s32 $0x1700, s1  }
0x11: {  	s9 =	sadd.s32 $0x1800, s1;
	s1 =	sadd.s32 s11, s31;
	s11 =	sadd.s32 s0, s11  }
0x12: {  	s12 =	sadd.s32 $0x300, s1;
	s13 =	sadd.s32 $0x200, s1;
	s14 =	sadd.s32 $0x100, s1  }
.LBB2_1:
0x13: {  	[tilespmem:s2], [sflag:$0x5] =	stream.linear.gather [hbm4b:s4+s2], $0xC80, $0x38;
	[tilespmem:$0x2C80] =	vst v63  }
0x14: {  	_ =	swait.ge [sflag:s15], $0xC80  }
0x15: {  	[sflag:s15] =	ssyncset.done $0x0  }
0x16: {  	[sflag:s15] =	ssyncadd.s32 $0xFFFFF380  }
0x17: {  	[tilespmem:s17], [sflag:$0x1] =	stream.indirect.gather [hbm4b:s3+s16], $0x10, s2, s16, $0xb8;
	[tilespmem:$0x2C80] =	vst v63  }
0x18: {  	_ = 	snop  }
0x19: {  	[tilespmem:s18], [sflag:$0x2] =	stream.indirect.gather [hbm4b:s3+s16], $0x10, s16, s16, $0xb8;
	[tilespmem:$0x2C80] =	vst v63  }
0x1a: {  	s0 =	simm.s32 $0x100  }
0x1b: {  	[tilespmem:s20], [sflag:$0x3] =	stream.indirect.gather [hbm4b:s3+s16], $0x10, s0, s16, $0xb8;
	[tilespmem:$0x2C80] =	vst v63  }
0x1c: {  	_ = 	snop  }
0x1d: {  	[tilespmem:s22], [sflag:$0x4] =	stream.indirect.gather [hbm4b:s3+s16], $0x10, s21, s16, $0xb8;
	[tilespmem:$0x2C80] =	vst v63  }
0x1e: {  	_ =	swait.ge [sflag:s23], $0x800  }
0x1f: {  	[sflag:s23] =	ssyncset.done $0x0  }
0x20: {  	s19 =	sadd.s32 $0x0, s11;
	[sflag:s23] =	ssyncadd.s32 $0xFFFFF800  }
0x21: {  	[hbm4b:s19+s2] =	stream.linear.scatter [tilespmem:s17], [sflag:$0x5], $0x800, $0x38;
	[tilespmem:$0x2C80] =	vst v63  }
0x22: {  	_ =	swait.ge [sflag:s15], $0x800  }
0x23: {  	[sflag:s15] =	ssyncset.done $0x0  }
0x24: {  	s1 =	simm.s32 $0x200;
	[sflag:s15] =	ssyncadd.s32 $0xFFFFF800  }
0x25: {  	[tilespmem:s17], [sflag:$0x1] =	stream.indirect.gather [hbm4b:s3+s16], $0x10, s1, s16, $0xb8;
	[tilespmem:$0x2C80] =	vst v63  }
0x26: {  	_ =	swait.ge [sflag:s24], $0x800  }
0x27: {  	[sflag:s24] =	ssyncset.done $0x0  }
0x28: {  	s19 =	sadd.s32 $0x0, s14;
	[sflag:s24] =	ssyncadd.s32 $0xFFFFF800  }
0x29: {  	[hbm4b:s19+s2] =	stream.linear.scatter [tilespmem:s18], [sflag:$0x5], $0x800, $0x38;
	[tilespmem:$0x2C80] =	vst v63  }
0x2a: {  	_ =	swait.ge [sflag:s15], $0x800  }
0x2b: {  	[sflag:s15] =	ssyncset.done $0x0  }
0x2c: {  	s1 =	simm.s32 $0x280;
	[sflag:s15] =	ssyncadd.s32 $0xFFFFF800  }
0x2d: {  	[tilespmem:s18], [sflag:$0x2] =	stream.indirect.gather [hbm4b:s3+s16], $0x10, s1, s16, $0xb8;
	[tilespmem:$0x2C80] =	vst v63  }
0x2e: {  	_ =	swait.ge [sflag:s25], $0x800  }
0x2f: {  	[sflag:s25] =	ssyncset.done $0x0  }
0x30: {  	s19 =	sadd.s32 $0x0, s13;
	[sflag:s25] =	ssyncadd.s32 $0xFFFFF800  }
0x31: {  	[hbm4b:s19+s2] =	stream.linear.scatter [tilespmem:s20], [sflag:$0x5], $0x800, $0x38;
	[tilespmem:$0x2C80] =	vst v63  }
0x32: {  	_ =	swait.ge [sflag:s15], $0x800  }
0x33: {  	[sflag:s15] =	ssyncset.done $0x0  }
0x34: {  	s1 =	simm.s32 $0x300;
	[sflag:s15] =	ssyncadd.s32 $0xFFFFF800  }
0x35: {  	[tilespmem:s20], [sflag:$0x3] =	stream.indirect.gather [hbm4b:s3+s16], $0x10, s1, s16, $0xb8;
	[tilespmem:$0x2C80] =	vst v63  }
0x36: {  	_ =	swait.ge [sflag:s26], $0x800  }
0x37: {  	[sflag:s26] =	ssyncset.done $0x0  }
0x38: {  	s19 =	sadd.s32 $0x0, s12;
	[sflag:s26] =	ssyncadd.s32 $0xFFFFF800  }
0x39: {  	[hbm4b:s19+s2] =	stream.linear.scatter [tilespmem:s22], [sflag:$0x5], $0x800, $0x38;
	[tilespmem:$0x2C80] =	vst v63  }
0x3a: {  	_ =	swait.ge [sflag:s15], $0x800  }
0x3b: {  	s30 =	simm.s32 $0x380;
	[sflag:s15] =	ssyncset.done $0x0  }
0x3c: {  	s31 =	simm.s32 $0x400;
	s1 =	simm.s32 $0x580;
	[sflag:s15] =	ssyncadd.s32 $0xFFFFF800  }
.LBB2_2:
0x3d: {  	[tilespmem:s22], [sflag:$0x4] =	stream.indirect.gather [hbm4b:s3+s16], $0x10, s30, s16, $0xb8;
	[tilespmem:$0x2C80] =	vst v63  }
0x3e: {  	s0 =	smov.u32 s31;
	s30 =	smov.u32 s1  }
0x3f: {  	p0 =	sne.s32 s31, $0x1000;
	s31 =	sadd.s32 $0x400, s31;
	_ =	swait.ge [sflag:s23], $0x800  }
0x40: {  	[sflag:s23] =	ssyncset.done $0x0  }
0x41: {  	s19 =	sadd.s32 s0, s11;
	[sflag:s23] =	ssyncadd.s32 $0xFFFFF800  }
0x42: {  	[hbm4b:s19+s2] =	stream.linear.scatter [tilespmem:s17], [sflag:$0x5], $0x800, $0x38;
	[tilespmem:$0x2C80] =	vst v63  }
0x43: {  	_ =	swait.ge [sflag:s15], $0x800  }
0x44: {  	[sflag:s15] =	ssyncset.done $0x0  }
0x45: {  	s19 =	sadd.s32 $0xFFFFFE80, s1;
	[sflag:s15] =	ssyncadd.s32 $0xFFFFF800  }
0x46: {  	[tilespmem:s17], [sflag:$0x1] =	stream.indirect.gather [hbm4b:s3+s16], $0x10, s19, s16, $0xb8;
	[tilespmem:$0x2C80] =	vst v63  }
0x47: {  	_ =	swait.ge [sflag:s24], $0x800  }
0x48: {  	[sflag:s24] =	ssyncset.done $0x0  }
0x49: {  	s19 =	sadd.s32 s0, s14;
	[sflag:s24] =	ssyncadd.s32 $0xFFFFF800  }
0x4a: {  	[hbm4b:s19+s2] =	stream.linear.scatter [tilespmem:s18], [sflag:$0x5], $0x800, $0x38;
	[tilespmem:$0x2C80] =	vst v63  }
0x4b: {  	_ =	swait.ge [sflag:s15], $0x800  }
0x4c: {  	[sflag:s15] =	ssyncset.done $0x0  }
0x4d: {  	s19 =	sadd.s32 $0xFFFFFF00, s1;
	[sflag:s15] =	ssyncadd.s32 $0xFFFFF800  }
0x4e: {  	[tilespmem:s18], [sflag:$0x2] =	stream.indirect.gather [hbm4b:s3+s16], $0x10, s19, s16, $0xb8;
	[tilespmem:$0x2C80] =	vst v63  }
0x4f: {  	_ =	swait.ge [sflag:s25], $0x800  }
0x50: {  	[sflag:s25] =	ssyncset.done $0x0  }
0x51: {  	s19 =	sadd.s32 s0, s13;
	[sflag:s25] =	ssyncadd.s32 $0xFFFFF800  }
0x52: {  	[hbm4b:s19+s2] =	stream.linear.scatter [tilespmem:s20], [sflag:$0x5], $0x800, $0x38;
	[tilespmem:$0x2C80] =	vst v63  }
0x53: {  	_ =	swait.ge [sflag:s15], $0x800  }
0x54: {  	[sflag:s15] =	ssyncset.done $0x0  }
0x55: {  	s19 =	sadd.s32 $0xFFFFFF80, s1;
	[sflag:s15] =	ssyncadd.s32 $0xFFFFF800  }
0x56: {  	[tilespmem:s20], [sflag:$0x3] =	stream.indirect.gather [hbm4b:s3+s16], $0x10, s19, s16, $0xb8;
	[tilespmem:$0x2C80] =	vst v63  }
0x57: {  	_ =	swait.ge [sflag:s26], $0x800  }
0x58: {  	[sflag:s26] =	ssyncset.done $0x0  }
.Ltmp0:
0x59: {  	s0 =	sadd.s32 s0, s12;
	[sflag:s26] =	ssyncadd.s32 $0xFFFFF800;
	(pc) =	sbr.rel @p0 .LBB2_2-.Ltmp0, $4  }
0x5a: {  	[hbm4b:s0+s2] =	stream.linear.scatter [tilespmem:s22], [sflag:$0x5], $0x800, $0x38;
	[tilespmem:$0x2C80] =	vst v63  }
0x5b: {  	_ =	swait.ge [sflag:s15], $0x800  }
0x5c: {  	[sflag:s15] =	ssyncset.done $0x0  }
0x5d: {  	s1 =	sadd.s32 $0x200, s1;
	[sflag:s15] =	ssyncadd.s32 $0xFFFFF800  }
0x5e: {  	[tilespmem:s22], [sflag:$0x4] =	stream.indirect.gather [hbm4b:s3+s16], $0x10, s30, s16, $0xb8;
	[tilespmem:$0x2C80] =	vst v63  }
0x5f: {  	_ =	swait.ge [sflag:s23], $0x800  }
0x60: {  	[sflag:s23] =	ssyncset.done $0x0  }
0x61: {  	[sflag:s23] =	ssyncadd.s32 $0xFFFFF800  }
0x62: {  	[hbm4b:s5+s2] =	stream.linear.scatter [tilespmem:s17], [sflag:$0x5], $0x800, $0x38;
	[tilespmem:$0x2C80] =	vst v63  }
0x63: {  	_ =	swait.ge [sflag:s15], $0x800  }
0x64: {  	[sflag:s15] =	ssyncset.done $0x0  }
0x65: {  	[sflag:s15] =	ssyncadd.s32 $0xFFFFF800  }
0x66: {  	[tilespmem:s17], [sflag:$0x1] =	stream.indirect.gather [hbm4b:s3+s16], $0x10, s28, s16, $0xb8;
	[tilespmem:$0x2C80] =	vst v63  }
0x67: {  	_ =	swait.ge [sflag:s24], $0x800  }
0x68: {  	[sflag:s24] =	ssyncset.done $0x0  }
0x69: {  	[sflag:s24] =	ssyncadd.s32 $0xFFFFF800  }
0x6a: {  	[hbm4b:s6+s2] =	stream.linear.scatter [tilespmem:s18], [sflag:$0x5], $0x800, $0x38;
	[tilespmem:$0x2C80] =	vst v63  }
0x6b: {  	_ =	swait.ge [sflag:s15], $0x800  }
0x6c: {  	[sflag:s15] =	ssyncset.done $0x0  }
0x6d: {  	[sflag:s15] =	ssyncadd.s32 $0xFFFFF800  }
0x6e: {  	_ =	swait.ge [sflag:s25], $0x800  }
0x6f: {  	[sflag:s25] =	ssyncset.done $0x0  }
0x70: {  	[sflag:s25] =	ssyncadd.s32 $0xFFFFF800  }
0x71: {  	[hbm4b:s7+s2] =	stream.linear.scatter [tilespmem:s20], [sflag:$0x5], $0x800, $0x38;
	[tilespmem:$0x2C80] =	vst v63  }
0x72: {  	_ =	swait.ge [sflag:s15], $0x800  }
0x73: {  	[sflag:s15] =	ssyncset.done $0x0  }
0x74: {  	[sflag:s15] =	ssyncadd.s32 $0xFFFFF800  }
0x75: {  	_ =	swait.ge [sflag:s26], $0x800  }
0x76: {  	[sflag:s26] =	ssyncset.done $0x0  }
0x77: {  	[sflag:s26] =	ssyncadd.s32 $0xFFFFF800  }
0x78: {  	[hbm4b:s8+s2] =	stream.linear.scatter [tilespmem:s22], [sflag:$0x5], $0x800, $0x38;
	[tilespmem:$0x2C80] =	vst v63  }
0x79: {  	_ =	swait.ge [sflag:s15], $0x800  }
0x7a: {  	[sflag:s15] =	ssyncset.done $0x0  }
0x7b: {  	[sflag:s15] =	ssyncadd.s32 $0xFFFFF800  }
0x7c: {  	s29 =	sadd.s32 $0x1, s29;
	_ =	swait.ge [sflag:s23], $0x800  }
0x7d: {  	p0 =	sne.s32 s29, s10;
	[sflag:s23] =	ssyncset.done $0x0  }
.Ltmp1:
0x7e: {  	[sflag:s23] =	ssyncadd.s32 $0xFFFFF800;
	(pc) =	sbr.rel @p0 .LBB2_1-.Ltmp1, $4  }
0x7f: {  	[hbm4b:s9+s2] =	stream.linear.scatter [tilespmem:s17], [sflag:$0x5], $0x800, $0x38;
	[tilespmem:$0x2C80] =	vst v63  }
0x80: {  	_ =	swait.ge [sflag:s15], $0x800  }
0x81: {  	[sflag:s15] =	ssyncset.done $0x0  }
0x82: {  	[sflag:s15] =	ssyncadd.s32 $0xFFFFF800  }
0x83: {  	_ =	sfence.sel $0x180000  }
0x84: {  	[bflag:$0x0] =	sbarrier.arrive $0xFFFF  }
0x85: {  	_ =	strace $0x90000053  }
0x86: {  	s0 =	stileid.u32;
	[bflag:$0x2] =	sbarrier.arrive $0xFFFF  }
0x87: {  	p0 =	sne.s32 s0, $0x0;
	s0 =	rddreg [dreg:$0x1]  }
0x88: {  	s0 =	sadd.s32 @!p0 $0x100000, s0  }
0x89: {  	[sflag:s0] =	ssyncadd.tile.s32 @!p0 $0x1;
	_ =	shalt  }
.Lfunc_end2:
_tile_overlayer_lowered:
.L_overlay_start_2:
0x8a: {  	(tag) =	ssettag $0x2  }
0x8b: {  	s0 =	rddreg [dreg:$0x0];
	s2 =	stileid.u32  }
0x8c: {  	s1 =	rddreg [dreg:$0x1];
	p0 =	sne.s32 s2, $0x0  }
0x8d: {  	s3 =	rddreg [dreg:$0x2];
	[bflag:$0x3] =	sbarrier.arrive $0xFFFF;
	s2 =	simm.s32 @!p0 $0x1C05  }
0x8e: {  	[timem:s3], [sflag:s2] =	dma.local @!p0 [hbm:s0], s1  }
0x8f: {  	s0 =	simm.s32 @!p0 $0x5  }
0x90: {  	_ =	swait.ge @!p0 [sflag:s0], s1  }
0x91: {  	s1 =	ssub.s32 @!p0 $0x0, s1;
	[sflag:s0] =	ssyncset.done @!p0 $0x0  }
0x92: {  	[sflag:s0] =	ssyncadd.s32 @!p0 s1  }
0x93: {  	[bflag:$0x3] =	sbarrier.arrive $0xFFFF  }
0x94: {  	_ =	shalt  }

// kernel: kernel.30.cloned.1.call-start
scs
__scs_entry_jumppad:
0x0: {  	(pc) =	sbr.rel $0x88, $3  }
0x1: {  	(tag) =	ssettag $0x0;
	lr =	simm.s32 $0x1  }
0x2: {  	[smem:$0x3F80] =	sst lr;
	_ =	strace $0xD0000000  }
0x3: {  	_ = 	snop  }
0x4: {  	_ = 	snop  }
0x5: {  	_ = 	snop  }
0x6: {  	_ = 	snop  }
0x7: {  	_ = 	snop  }
__scs_overlays_trampoline_lowered:
0x8: {  	[smem:$0x3F8F] =	sst s0  }
0x9: {  	[smem:$0x3F90] =	sst s1  }
0xa: {  	[smem:$0x3F91] =	sst s2  }
0xb: {  	[smem:$0x3F92] =	sst s3  }
0xc: {  	[smem:$0x3F93] =	sst s4  }
0xd: {  	[smem:$0x3F94] =	sst s5  }
0xe: {  	[smem:$0x3F95] =	sst s6  }
0xf: {  	[smem:$0x3F96] =	sst s7  }
0x10: {  	[smem:$0x3F97] =	sst s8  }
0x11: {  	[smem:$0x3F98] =	sst s9;
	s0 =	simm.s32 @!p0 $0x0  }
0x12: {  	s1 =	sld [smem:$0x3F7E];
	s0 =	simm.s32 @p0 $0x1  }
0x13: {  	[smem:$0x3F99] =	sst s0;
	s0 =	simm.s32 @!p1 $0x0  }
0x14: {  	s2 =	sld [smem:$0x3F7D];
	s0 =	simm.s32 @p1 $0x1  }
0x15: {  	[smem:$0x3F9A] =	sst s0;
	s0 =	simm.s32 @!p2 $0x0  }
0x16: {  	s3 =	sld [smem:$0x3FDB];
	s0 =	simm.s32 @p2 $0x1  }
0x17: {  	s4 =	simm.s32 $0x1BF5;
	[smem:$0x3F9C] =	sst s0  }
0x18: {  	s0 =	sld [smem:$0x3F7F];
	_ =	swait.ge [sflag:s4], $0x0  }
0x19: {  	s7 =	sld [smem:$0x3F80]  }
0x1a: {  	s8 =	sadd.s32 $0xFFFFE003, lr  }
0x1b: {  	s9 =	sadd.s32 $0xFFFFFEF7, lr;
	s5 =	simm.s32 $0xFFFFFFFF;
	p2 =	slt.u32 s8, $0xFFFFF086  }
0x1c: {  	p1 =	slt.u32 s9, $0xF7A;
	s5 =	simm.s32 @!p2 $0x0  }
0x1d: {  	s5 =	simm.s32 @p1 $0x1;
	p0 =	seq.s32 s7, s2  }
0x1e: {  	s7 =	smul.u32 @!p0 $0xF7A, s2;
	p2 =	seq.s32 @!p0 s5, $0x0  }
0x1f: {  	s9 =	smul.u32 $0xF7A, s1;
	s8 =	simm.s32 @!p0 $0x1BF5;
	p2 =	por !p2, p0  }
0x20: {  	[sflag:s8] =	ssyncset.s32 @!p0 $0xFFFFF086;
	s6 =	sadd.s32 @!p0 s3, s7;
	s7 =	simm.s32 @!p0 $0x108  }
0x21: {  	s3 =	sadd.s32 s3, s9;
	s6 =	sadd.s32 @!p0 $0x88, s6;
	s7 =	simm.s32 @p2 $0x1082  }
0x22: {  	[simem:s7], [sflag:s8] =	dma.local @!p0 [hbm:s6], $0xF7A  }
0x23: {  	s9 =	sor.u32 $0xD0000000, s2;
	s6 =	simm.s32 $0x108;
	_ =	swait.ge @!p0 [sflag:s8], $0x0  }
0x24: {  	s3 =	sadd.s32 $0x88, s3;
	s6 =	simm.s32 @!p1 $0x1082;
	[sflag:s4] =	ssyncset.s32 $0xFFFFF086  }
0x25: {  	[simem:s6], [sflag:s4] =	dma.local [hbm:s3], $0xF7A  }
0x26: {  	[smem:$0x3F80] =	sst s1;
	(tag) =	ssettag s2;
	_ =	strace s9  }
0x27: {  	s1 =	sld [smem:$0x3F90]  }
0x28: {  	s2 =	sld [smem:$0x3F91]  }
0x29: {  	s4 =	sld [smem:$0x3F93]  }
0x2a: {  	p0 =	seq.s32 s5, $0x0;
	s5 =	sld [smem:$0x3F94]  }
0x2b: {  	s6 =	sld [smem:$0x3F95]  }
0x2c: {  	s7 =	sld [smem:$0x3F96]  }
0x2d: {  	s3 =	simm.s32 $0x108;
	s8 =	sld [smem:$0x3F97]  }
0x2e: {  	s3 =	simm.s32 @!p0 $0x1082;
	s9 =	sld [smem:$0x3F98]  }
0x2f: {  	lr =	sadd.s32 s0, s3;
	s0 =	sld [smem:$0x3F8F]  }
0x30: {  	s3 =	sld [smem:$0x3F92]  }
0x31: {  	[smem:$0x3F9B] =	sst s10  }
0x32: {  	s10 =	sld [smem:$0x3F99];
	_ =	sdelay $0x3  }
0x33: {  	p0 =	seq.s32 s10, $0x1;
	s10 =	sld [smem:$0x3F9B];
	_ =	sdelay $0x3  }
0x34: {  	[smem:$0x3F9B] =	sst s10  }
0x35: {  	s10 =	sld [smem:$0x3F9A];
	_ =	sdelay $0x3  }
0x36: {  	p1 =	seq.s32 s10, $0x1;
	s10 =	sld [smem:$0x3F9B];
	_ =	sdelay $0x3  }
0x37: {  	[smem:$0x3F9B] =	sst s10  }
0x38: {  	s10 =	sld [smem:$0x3F9C]  }
0x39: {  	_ = 	snop;
	(pc) =	sbr.ind lr, $3  }
0x3a: {  	_ = 	snop  }
0x3b: {  	_ = 	snop  }
0x3c: {  	p2 =	seq.s32 s10, $0x1;
	s10 =	sld [smem:$0x3F9B]  }
0x3d: {  	_ =	shalt  }
0x3e: {  	_ =	shalt  }
0x3f: {  	_ =	shalt  }
0x40: {  	_ =	shalt  }
0x41: {  	_ =	shalt  }
0x42: {  	_ =	shalt  }
0x43: {  	_ =	shalt  }
0x44: {  	_ =	shalt  }
0x45: {  	_ =	shalt  }
0x46: {  	_ =	shalt  }
0x47: {  	_ =	shalt  }
0x48: {  	_ =	shalt  }
0x49: {  	_ =	shalt  }
0x4a: {  	_ =	shalt  }
0x4b: {  	_ =	shalt  }
0x4c: {  	_ =	shalt  }
0x4d: {  	_ =	shalt  }
0x4e: {  	_ =	shalt  }
0x4f: {  	_ =	shalt  }
0x50: {  	_ =	shalt  }
0x51: {  	_ =	shalt  }
0x52: {  	_ =	shalt  }
0x53: {  	_ =	shalt  }
0x54: {  	_ =	shalt  }
0x55: {  	_ =	shalt  }
0x56: {  	_ =	shalt  }
0x57: {  	_ =	shalt  }
0x58: {  	_ =	shalt  }
0x59: {  	_ =	shalt  }
0x5a: {  	_ =	shalt  }
0x5b: {  	_ =	shalt  }
0x5c: {  	_ =	shalt  }
0x5d: {  	_ =	shalt  }
0x5e: {  	_ =	shalt  }
0x5f: {  	_ =	shalt  }
0x60: {  	_ =	shalt  }
0x61: {  	_ =	shalt  }
0x62: {  	_ =	shalt  }
0x63: {  	_ =	shalt  }
0x64: {  	_ =	shalt  }
0x65: {  	_ =	shalt  }
0x66: {  	_ =	shalt  }
0x67: {  	_ =	shalt  }
0x68: {  	_ =	shalt  }
0x69: {  	_ =	shalt  }
0x6a: {  	_ =	shalt  }
0x6b: {  	_ =	shalt  }
0x6c: {  	_ =	shalt  }
0x6d: {  	_ =	shalt  }
0x6e: {  	_ =	shalt  }
0x6f: {  	_ =	shalt  }
0x70: {  	_ =	shalt  }
0x71: {  	_ =	shalt  }
0x72: {  	_ =	shalt  }
0x73: {  	_ =	shalt  }
0x74: {  	_ =	shalt  }
0x75: {  	_ =	shalt  }
0x76: {  	_ =	shalt  }
0x77: {  	_ =	shalt  }
0x78: {  	_ =	shalt  }
0x79: {  	_ =	shalt  }
0x7a: {  	_ =	shalt  }
0x7b: {  	_ =	shalt  }
0x7c: {  	_ =	shalt  }
0x7d: {  	_ =	shalt  }
0x7e: {  	_ =	shalt  }
0x7f: {  	_ =	shalt  }
0x80: {  	_ =	shalt  }
0x81: {  	_ =	shalt  }
0x82: {  	_ =	shalt  }
0x83: {  	_ =	shalt  }
0x84: {  	_ =	shalt  }
0x85: {  	_ =	shalt  }
0x86: {  	_ =	shalt  }
0x87: {  	_ =	shalt  }
.Lfunc_end0:
.L_simem_size_0:
called_computation.5_lowered:
.L_overlay_start_0:
0x88: {  	s2 =	sld [smem:$0x3FD9]  }
0x89: {  	s3 =	sld [smem:$0x3FFE];
	_ =	sdelay $0x1  }
0x8a: {  	s1 =	srdreg.scid  }
0x8b: {  	s0 =	sand.u32 $0x1, s1  }
0x8c: {  	s16 =	sshll.u32 s0, $0xA;
	s2 =	sadd.s32 s3, s2  }
0x8d: {  	s2 =	sadd.s32 s2, s16  }
0x8e: {  	[smem:$0x3FA7] =	sst s2  }
0x8f: {  	_ = 	snop  }
0x90: {  	(tm) =	ssettm $0x1  }
0x91: {  	s17 =	sld [smem:$0x3FFB];
	_ =	sdelay $0x3  }
0x92: {  	_ =	strace s17  }
0x93: {  	s2 =	sld [smem:$0x3FFC];
	_ =	sdelay $0x3  }
0x94: {  	_ =	strace s2  }
0x95: {  	s2 =	sld [smem:$0x3FFD];
	_ =	sdelay $0x3  }
0x96: {  	_ =	strace s2  }
0x97: {  	_ =	strace $0x8FFFFFFF  }
0x98: {  	s18 =	sld [smem:$0x3FDB];
	_ =	sdelay $0x1  }
0x99: {  	s19 =	simm.s32 $_scs_section_size  }
0x9a: {  	s4 =	simm.s32 $_size__tile_overlayer_lowered;
	s5 =	simm.s32 $_tile_overlayer_lowered  }
0x9b: {  	s22 =	simm.s32 $0x1BFF;
	s21 =	sshll.u32 s5, $0x1;
	s2 =	sadd.s32 s19, s18  }
0x9c: {  	s6 =	simm.s32 $0x0;
	s20 =	sshll.u32 s4, $0x1;
	s4 =	sadd.s32 s21, s2  }
0x9d: {  	[timem:s6], [sflag:s22] =	dma.local [hbm:s4], s20  }
0x9e: {  	_ =	swait.ge [sflag:s22], s20  }
0x9f: {  	s3 =	ssub.s32 $0x0, s20;
	[sflag:s22] =	ssyncset.done $0x0  }
0xa0: {  	[sflag:s22] =	ssyncadd.s32 s3;
	_ =	sdelay $0x1  }
0xa1: {  	s23 =	simm.s32 $0x1B8B  }
0xa2: {  	_ =	swait.ge [sflag:s23], $0x1  }
0xa3: {  	[sflag:s23] =	ssyncset.done $0x0  }
0xa4: {  	s25 =	simm.s32 $0x1B8E;
	s24 =	sld [smem:$0x3FFE];
	[sflag:s23] =	ssyncadd.s32 $0xFFFFFFFF  }
0xa5: {  	s26 =	simm.s32 $execute0_lowered;
	[smem:$0x3FD2] =	sst s25  }
0xa6: {  	s4 =	sshll.u32 s26, $0x1;
	_ =	strace $0x80000055;
	[dreg:$0x1] =	wrdreg $0xFFFFFFFF  }
0xa7: {  	s28 =	simm.s32 $_size_execute0_lowered;
	s2 =	sadd.s32 s2, s4;
	[dreg:$0x0] =	wrdreg $0x0  }
0xa8: {  	s4 =	sshll.u32 s28, $0x1;
	[dreg:$0x2] =	wrdreg s2  }
0xa9: {  	[dreg:$0x3] =	wrdreg s4  }
0xaa: {  	[dreg:$0x4] =	wrdreg $0xC0  }
0xab: {  	_ =	task [dreg:s6], $0x5FFFF  }
0xac: {  	[dreg:$0x1] =	wrdreg $0xFFFFFFFF  }
0xad: {  	[dreg:$0x0] =	wrdreg $0x60  }
0xae: {  	[dreg:$0x2] =	wrdreg s24  }
0xaf: {  	[dreg:$0x3] =	wrdreg $0x1C800  }
0xb0: {  	[dreg:$0x4] =	wrdreg $0x9  }
0xb1: {  	_ =	task.clear_ibuf [dreg:s6], $0x5FFFF;
	_ =	strace $0x90000055  }
0xb2: {  	s29 =	simm.s32 $0x9;
	_ =	strace $0x80000057  }
0xb3: {  	_ =	swait.ge [sflag:s29], $0x1  }
0xb4: {  	[sflag:s29] =	ssyncadd.s32 $0xFFFFFFFF  }
0xb5: {  	_ =	strace $0x90000057  }
0xb6: {  	_ =	sfence  }
0xb7: {  	s30 =	sld [smem:$0x0];
	_ =	sdelay $0x2  }
0xb8: {  	s31 =	sshll.u32 s1, $0xD;
	s1 =	sshrl.u32 s1, $0x2  }
0xb9: {  	s3 =	sand.u32 $0x4000, s31;
	s1 =	sadd.s32 s1, s30  }
0xba: {  	s0 =	sor.u32 s3, s0;
	s1 =	sshll.u32 s1, $0x11  }
0xbb: {  	s0 =	sor.u32 s1, s0  }
0xbc: {  	s0 =	sadd.s32 $0x8F2B, s0  }
0xbd: {  	[sflag:s0] =	ssyncadd.remote.s32 $0x1  }
0xbe: {  	_ =	sfence.sel $0xFFFF  }
0xbf: {  	[dreg:$0x0] =	wrdreg $0xFFFFFFFF;
	(pc) =	sbr.abs _section_cstart, $3  }
0xc0: {  	[dreg:$0x1] =	wrdreg $0xFFFFFFFF  }
0xc1: {  	_ =	task.clear_ibuf [dreg:s6], $0x2FFFF;
	_ =	strace $0x9FFFFFFF  }
0xc2: {  	(tm) =	ssettm $0x7FFFFFFF  }
0xc3: {  	_ =	shalt  }
tec
execute0_lowered:
.L_overlay_start_1:
0x0: {  	(tag) =	ssettag $0x1  }
0x1: {  	s1 =	srdreg.scid;
	s5 =	rddreg [dreg:$0x0]  }
0x2: {  	s0 =	stileid.u32;
	s2 =	rddreg [dreg:$0x1];
	s3 =	simm.s32 $0x0  }
0x3: {  	s15 =	simm.s32 $0x1480;
	s16 =	simm.s32 $0x1;
	s17 =	simm.s32 $0x80  }
0x4: {  	s18 =	simm.s32 $0x2;
	s19 =	simm.s32 $0xC00;
	s20 =	simm.s32 $0x0  }
0x5: {  	s4 =	sand.u32 $0x1, s1;
	s1 =	rddreg [dreg:$0x2];
	s8 =	smul.u32 $0x2720, s0  }
0x6: {  	s26 =	sshll.u32 s0, $0x1;
	[smem:$0x7FF] =	sst s3;
	s12 =	smul.u32 $0x1900, s0  }
0x7: {  	s10 =	sadd.s32 $0x6800, s5;
	s31 =	sshll.u32 s0, $0x6;
	s9 =	smul.u32 $0x27200, s4  }
0x8: {  	s6 =	sor.u32 s4, s26;
	s13 =	ssub.s32 $0x2, s4;
	s4 =	smul.u32 $0xC80, s4  }
0x9: {  	_ =	strace $0x80000056;
	s7 =	smul.u32 $0xC80, s6;
	s11 =	sshrl.u32 s8, $0x3  }
0xa: {  	s28 =	sshrl.u32 s13, $0x1;
	s6 =	smul.u32 $0x1900, s6;
	s14 =	sadd.s32 s8, s2  }
0xb: {  	s9 =	sadd.s32 s8, s9;
	s11 =	sadd.s32 s11, s5;
	s13 =	ssub.s32 s13, s28  }
0xc: {  	s29 =	sadd.s32 s4, s12;
	s12 =	sor.u32 $0x1C03, s31;
	s7 =	sshrl.u32 s7, $0x3  }
0xd: {  	s9 =	sshrl.u32 s9, $0x3;
	s30 =	sshll.u32 s29, $0x1;
	s6 =	sadd.s32 s10, s6  }
0xe: {  	s8 =	smax.u32 s13, $0x1;
	s13 =	sshrl.u32 s14, $0x3;
	s14 =	simm.s32 $0xC80  }
0xf: {  	s7 =	sadd.s32 s7, s5;
	s9 =	sadd.s32 s9, s5;
	s5 =	sadd.s32 $0x38800, s11  }
0x10: {  	s10 =	sadd.s32 s10, s30;
	s11 =	simm.s32 $0x3;
	s4 =	sadd.s32 $0x42800, s7  }
0x11: {  	s7 =	sadd.s32 $0x45A00, s9;
	s9 =	sadd.s32 $0x200, s10;
	s10 =	sadd.s32 $0x100, s10  }
.LBB2_1:
0x12: {  	[tilespmem:s3], [sflag:$0x3] =	stream.linear.gather [hbm4b:s4+s3], $0xC80, $0x38;
	[tilespmem:$0x43A0] =	vst v63  }
0x13: {  	_ =	swait.ge [sflag:s11], $0xC80  }
0x14: {  	[sflag:s11] =	ssyncset.done $0x0  }
0x15: {  	[sflag:s11] =	ssyncadd.s32 $0xFFFFF380  }
0x16: {  	[spmem:s13], [sflag:s12] =	dma.local [hbm:s5], $0x4E4  }
0x17: {  	_ =	swait.ge [sflag:s11], $0x4E4  }
0x18: {  	[sflag:s11] =	ssyncset.done $0x0  }
0x19: {  	[sflag:s11] =	ssyncadd.s32 $0xFFFFFB1C  }
0x1a: {  	[bflag:$0x0] =	sbarrier.arrive $0xFFFF  }
0x1b: {  	[tilespmem:s14], [sflag:$0x1] =	stream.linear.gather [hbm4b:s6+s3], $0x800, $0x38;
	[tilespmem:$0x43A0] =	vst v63  }
0x1c: {  	s21 =	sadd.s32 $0x0, s10  }
0x1d: {  	[tilespmem:s15], [sflag:$0x2] =	stream.linear.gather [hbm4b:s21+s3], $0x800, $0x38;
	[tilespmem:$0x43A0] =	vst v63  }
0x1e: {  	_ =	swait.ge [sflag:s16], $0x800  }
0x1f: {  	[sflag:s16] =	ssyncset.done $0x0  }
0x20: {  	[sflag:s16] =	ssyncadd.s32 $0xFFFFF800  }
0x21: {  	[spmem:s2] =	stream.indirect.scatter.add.f32 [tilespmem:s14], [sflag:$0x3], $0x10, s3, s17, $0xb8;
	[tilespmem:$0x43A0] =	vst v63  }
0x22: {  	_ =	swait.ge [sflag:s11], $0x800  }
0x23: {  	[sflag:s11] =	ssyncset.done $0x0  }
0x24: {  	s30 =	sadd.s32 $0x0, s9;
	[sflag:s11] =	ssyncadd.s32 $0xFFFFF800  }
0x25: {  	[tilespmem:s14], [sflag:$0x1] =	stream.linear.gather [hbm4b:s30+s3], $0x800, $0x38;
	[tilespmem:$0x43A0] =	vst v63  }
0x26: {  	_ =	swait.ge [sflag:s18], $0x800  }
0x27: {  	[sflag:s18] =	ssyncset.done $0x0  }
0x28: {  	s31 =	simm.s32 $0x80;
	[sflag:s18] =	ssyncadd.s32 $0xFFFFF800  }
0x29: {  	[spmem:s2] =	stream.indirect.scatter.add.f32 [tilespmem:s15], [sflag:$0x3], $0x10, s31, s17, $0xb8;
	[tilespmem:$0x43A0] =	vst v63  }
0x2a: {  	s22 =	simm.s32 $0x200;
	_ =	swait.ge [sflag:s11], $0x800  }
0x2b: {  	s23 =	simm.s32 $0x400;
	s21 =	simm.s32 $0x100;
	[sflag:s11] =	ssyncset.done $0x0  }
.LBB2_2:
0x2c: {  	s24 =	sadd.s32 s22, s10  }
0x2d: {  	[sflag:s11] =	ssyncadd.s32 $0xFFFFF800;
	s25 =	smov.u32 s23;
	s26 =	sadd.s32 $0x200, s23  }
0x2e: {  	[tilespmem:s15], [sflag:$0x2] =	stream.linear.gather [hbm4b:s24+s3], $0x800, $0x38;
	[tilespmem:$0x43A0] =	vst v63  }
0x2f: {  	p0 =	sne.s32 s23, $0x1600;
	_ =	swait.ge [sflag:s16], $0x800  }
0x30: {  	[sflag:s16] =	ssyncset.done $0x0  }
0x31: {  	[sflag:s16] =	ssyncadd.s32 $0xFFFFF800  }
0x32: {  	[spmem:s2] =	stream.indirect.scatter.add.f32 [tilespmem:s14], [sflag:$0x3], $0x10, s21, s17, $0xb8;
	[tilespmem:$0x43A0] =	vst v63  }
0x33: {  	_ =	swait.ge [sflag:s11], $0x800  }
0x34: {  	[sflag:s11] =	ssyncset.done $0x0  }
0x35: {  	s23 =	sadd.s32 s22, s9;
	s22 =	smov.u32 s25;
	[sflag:s11] =	ssyncadd.s32 $0xFFFFF800  }
0x36: {  	[tilespmem:s14], [sflag:$0x1] =	stream.linear.gather [hbm4b:s23+s3], $0x800, $0x38;
	[tilespmem:$0x43A0] =	vst v63  }
0x37: {  	_ =	swait.ge [sflag:s18], $0x800  }
.Ltmp0:
0x38: {  	[sflag:s18] =	ssyncset.done $0x0;
	(pc) =	sbr.rel @p0 .LBB2_2-.Ltmp0, $4  }
0x39: {  	s23 =	sadd.s32 $0x80, s21;
	[sflag:s18] =	ssyncadd.s32 $0xFFFFF800  }
0x3a: {  	[spmem:s2] =	stream.indirect.scatter.add.f32 [tilespmem:s15], [sflag:$0x3], $0x10, s23, s17, $0xb8;
	[tilespmem:$0x43A0] =	vst v63  }
0x3b: {  	_ =	swait.ge [sflag:s11], $0x800  }
0x3c: {  	s21 =	sadd.s32 $0x100, s21;
	s23 =	smov.u32 s26;
	[sflag:s11] =	ssyncset.done $0x0  }
0x3d: {  	s23 =	sadd.s32 s22, s10;
	[sflag:s11] =	ssyncadd.s32 $0xFFFFF800  }
0x3e: {  	[tilespmem:s15], [sflag:$0x2] =	stream.linear.gather [hbm4b:s23+s3], $0x800, $0x38;
	[tilespmem:$0x43A0] =	vst v63  }
0x3f: {  	_ =	swait.ge [sflag:s16], $0x800  }
0x40: {  	[sflag:s16] =	ssyncset.done $0x0  }
0x41: {  	[sflag:s16] =	ssyncadd.s32 $0xFFFFF800  }
0x42: {  	[spmem:s2] =	stream.indirect.scatter.add.f32 [tilespmem:s14], [sflag:$0x3], $0x10, s21, s17, $0xb8;
	[tilespmem:$0x43A0] =	vst v63  }
0x43: {  	_ =	swait.ge [sflag:s11], $0x800  }
0x44: {  	[sflag:s11] =	ssyncset.done $0x0  }
0x45: {  	s30 =	sadd.s32 s22, s9;
	[sflag:s11] =	ssyncadd.s32 $0xFFFFF800  }
0x46: {  	[tilespmem:s14], [sflag:$0x1] =	stream.linear.gather [hbm4b:s30+s3], $0x800, $0x38;
	[tilespmem:$0x43A0] =	vst v63  }
0x47: {  	_ =	swait.ge [sflag:s18], $0x800  }
0x48: {  	[sflag:s18] =	ssyncset.done $0x0  }
0x49: {  	s31 =	sadd.s32 $0x80, s21;
	[sflag:s18] =	ssyncadd.s32 $0xFFFFF800  }
0x4a: {  	[spmem:s2] =	stream.indirect.scatter.add.f32 [tilespmem:s15], [sflag:$0x3], $0x10, s31, s17, $0xb8;
	[tilespmem:$0x43A0] =	vst v63  }
0x4b: {  	_ =	swait.ge [sflag:s11], $0x800  }
0x4c: {  	[sflag:s11] =	ssyncset.done $0x0  }
0x4d: {  	[sflag:s11] =	ssyncadd.s32 $0xFFFFF800  }
0x4e: {  	_ =	swait.ge [sflag:s16], $0x800  }
0x4f: {  	[sflag:s16] =	ssyncset.done $0x0  }
0x50: {  	[sflag:s16] =	ssyncadd.s32 $0xFFFFF800  }
0x51: {  	[spmem:s2] =	stream.indirect.scatter.add.f32 [tilespmem:s14], [sflag:$0x3], $0x10, s19, s17, $0xb8;
	[tilespmem:$0x43A0] =	vst v63  }
0x52: {  	_ =	swait.ge [sflag:s11], $0x800  }
0x53: {  	s20 =	sadd.s32 $0x1, s20;
	[sflag:s11] =	ssyncset.done $0x0  }
0x54: {  	p0 =	sne.s32 s20, s8;
	[sflag:s11] =	ssyncadd.s32 $0xFFFFF800  }
.Ltmp1:
0x55: {  	[bflag:$0x0] =	sbarrier.arrive $0xFFFF;
	(pc) =	sbr.rel @p0 .LBB2_1-.Ltmp1, $4  }
0x56: {  	[hbm:s7], [sflag:s12] =	dma.local [spmem:s13], $0x4E4  }
0x57: {  	_ =	swait.ge [sflag:s11], $0x4E4  }
0x58: {  	[sflag:s11] =	ssyncset.done $0x0  }
0x59: {  	[sflag:s11] =	ssyncadd.s32 $0xFFFFFB1C  }
0x5a: {  	_ =	sfence.sel $0x180000  }
0x5b: {  	[bflag:$0x0] =	sbarrier.arrive $0xFFFF  }
0x5c: {  	p0 =	sne.s32 s0, $0x0;
	_ =	strace $0x90000056  }
0x5d: {  	s0 =	sadd.s32 @!p0 $0x100000, s1;
	[bflag:$0x2] =	sbarrier.arrive $0xFFFF  }
0x5e: {  	[sflag:s0] =	ssyncadd.tile.s32 @!p0 $0x1;
	_ =	shalt  }
.Lfunc_end2:
_tile_overlayer_lowered:
.L_overlay_start_2:
0x5f: {  	(tag) =	ssettag $0x2  }
0x60: {  	s0 =	rddreg [dreg:$0x0];
	s2 =	stileid.u32  }
0x61: {  	s1 =	rddreg [dreg:$0x1];
	p0 =	sne.s32 s2, $0x0  }
0x62: {  	s3 =	rddreg [dreg:$0x2];
	[bflag:$0x3] =	sbarrier.arrive $0xFFFF;
	s2 =	simm.s32 @!p0 $0x1C03  }
0x63: {  	[timem:s3], [sflag:s2] =	dma.local @!p0 [hbm:s0], s1  }
0x64: {  	s0 =	simm.s32 @!p0 $0x3  }
0x65: {  	_ =	swait.ge @!p0 [sflag:s0], s1  }
0x66: {  	s1 =	ssub.s32 @!p0 $0x0, s1;
	[sflag:s0] =	ssyncset.done @!p0 $0x0  }
0x67: {  	[sflag:s0] =	ssyncadd.s32 @!p0 s1  }
0x68: {  	[bflag:$0x3] =	sbarrier.arrive $0xFFFF  }
0x69: {  	_ =	shalt  }

</sc_bundles>
